<compile_context>
chip_gen: v7x
topology: tpu7x:2x2x1
jax: 0.10.2.dev20260603
libtpu: 0.0.44.dev20260713+nightly
codegen_flags: <defaults>
</compile_context>

<pallas_src>
import functools
import jax
import jax.numpy as jnp
from jax import lax
from jax.experimental import pallas as pl
from jax.experimental.pallas import tpu as pltpu
from jax.experimental.pallas import tpu_sc as plsc

DIM = 64
SCALE = 8.0
LANES = 16

NC = 2
NS = 16
NW = NC * NS

BBLK = 128
ROWPAD = 64
PITCH = 129
NBUF = 2


def _emb_body(seq, ids_hbm, table_hbm, out_hbm, idx_v, g0, g1, f0, f1,
              t0, t1, gs0, gs1, ss0, ss1):
    c = lax.axis_index("c")
    s_ax = lax.axis_index("s")
    wid = s_ax * NC + c

    gbufs, fbufs, tbufs = (g0, g1), (f0, f1), (t0, t1)
    gsems, ssems = (gs0, gs1), (ss0, ss1)

    pltpu.sync_copy(ids_hbm.at[:, pl.ds(wid * BBLK, BBLK)], idx_v)

    for b in range(NBUF):
        pltpu.async_copy(table_hbm.at[idx_v.at[b]], gbufs[b], gsems[b])

    qbase = lax.iota(jnp.int32, LANES)
    qpitch = qbase * PITCH
    ngroups = seq // NBUF

    def group_body(go, carry):
        for b in range(NBUF):
            s = go * NBUF + b
            gbuf, fbuf, tbuf = gbufs[b], fbufs[b], tbufs[b]

            pltpu.make_async_copy(table_hbm.at[idx_v.at[b]], gbuf,
                                  gsems[b]).wait()

            @pl.when(go > 0)
            def _():
                pltpu.make_async_copy(tbuf, out_hbm.at[0, :, 0],
                                      ssems[b]).wait()

            @plsc.parallel_loop(0, BBLK, unroll=4)
            def q_body(q):
                for k in range(DIM // LANES):
                    v = gbuf[q, pl.ds(k * LANES, LANES)]
                    plsc.store_scatter(
                        fbuf, [qpitch + (k * LANES * PITCH + q)], v * SCALE)

            @plsc.parallel_loop(0, DIM, unroll=2)
            def d_body(d):
                dbase = qbase + d * PITCH
                for m in range(BBLK // LANES):
                    v = plsc.load_gather(fbuf, [dbase + m * LANES])
                    tbuf[d // 8, d % 8, pl.ds(m * LANES, LANES)] = v

            pltpu.async_copy(tbuf, out_hbm.at[s, :, wid], ssems[b])

            @pl.when(go < ngroups - 1)
            def _():
                pltpu.async_copy(table_hbm.at[idx_v.at[s + NBUF]], gbuf,
                                 gsems[b])

        return carry

    lax.fori_loop(0, ngroups, group_body, 0)

    for b in range(NBUF):
        pltpu.make_async_copy(tbufs[b], out_hbm.at[0, :, 0], ssems[b]).wait()


def _tr_block(src, fbuf, dst, nq, qbase):

    @plsc.parallel_loop(0, DIM, unroll=4)
    def d_body(d):
        for m in range(nq // LANES):
            v = src[d, pl.ds(m * LANES, LANES)]
            plsc.store_scatter(
                fbuf, [(qbase + m * LANES) * PITCH + d], v)

    @plsc.parallel_loop(0, nq, unroll=4)
    def q_body(q):
        col = (q % 2) * DIM
        for m in range(DIM // LANES):
            v = plsc.load_gather(fbuf, [qbase + (q * PITCH + m * LANES)])
            dst[q // 2, pl.ds(col + m * LANES, LANES)] = v


def _tr_body(nfull, tableT_hbm, tail_hbm, t128_hbm, i0, i1, f0, f1, o0, o1,
             gs0, gs1, ss0, ss1):
    c = lax.axis_index("c")
    s_ax = lax.axis_index("s")
    wid = s_ax * NC + c

    ibufs, fbufs, obufs = (i0, i1), (f0, f1), (o0, o1)
    gsems, ssems = (gs0, gs1), (ss0, ss1)
    qbase = lax.iota(jnp.int32, LANES)
    nv = tableT_hbm.shape[1]

    def blk(g):
        return jnp.minimum(wid + g * NW, nfull - 1) * (BBLK // 2)

    for b in range(NBUF):
        pltpu.async_copy(tableT_hbm.at[:, pl.ds(blk(b) * 2, BBLK)], ibufs[b],
                         gsems[b])

    ngroups = (nfull + NW - 1) // NW
    npipe = ((ngroups + NBUF - 1) // NBUF) * NBUF

    def group_body(go, carry):
        for b in range(NBUF):
            g = go * NBUF + b
            ibuf, fbuf, obuf = ibufs[b], fbufs[b], obufs[b]
            pltpu.make_async_copy(tableT_hbm.at[:, pl.ds(0, BBLK)], ibuf,
                                  gsems[b]).wait()

            @pl.when(go > 0)
            def _():
                pltpu.make_async_copy(obuf, t128_hbm.at[pl.ds(0, BBLK // 2)],
                                      ssems[b]).wait()

            _tr_block(ibuf, fbuf, obuf, BBLK, qbase)

            pltpu.async_copy(obuf, t128_hbm.at[pl.ds(blk(g), BBLK // 2)],
                             ssems[b])

            @pl.when(g + NBUF < npipe)
            def _():
                pltpu.async_copy(
                    tableT_hbm.at[:, pl.ds(blk(g + NBUF) * 2, BBLK)],
                    ibuf, gsems[b])

        return carry

    lax.fori_loop(0, npipe // NBUF, group_body, 0)

    for b in range(NBUF):
        pltpu.make_async_copy(obufs[b], t128_hbm.at[pl.ds(0, BBLK // 2)],
                              ssems[b]).wait()

    @pl.when(wid == 0)
    def _():
        pltpu.sync_copy(tail_hbm, i0)
        _tr_block(i0, f0, o0, BBLK, qbase)
        pltpu.sync_copy(o0, t128_hbm.at[pl.ds((nv - BBLK) // 2, BBLK // 2)])


@functools.partial(jax.jit, static_argnames=("batch", "seq"))
def _embed(ids_t, table_t, batch, seq):
    vocab = table_t.shape[1]
    mesh = plsc.VectorSubcoreMesh(
        core_axis_name="c", subcore_axis_name="s", num_cores=NC,
        num_subcores=NS)
    nfull = vocab // BBLK
    t128 = pl.kernel(
        functools.partial(_tr_body, nfull),
        out_type=jax.ShapeDtypeStruct((vocab // 2, 2 * DIM), jnp.float32),
        mesh=mesh,
        scratch_types=[
            pltpu.VMEM((DIM, BBLK), jnp.float32),
            pltpu.VMEM((DIM, BBLK), jnp.float32),
            pltpu.VMEM((BBLK * PITCH + LANES,), jnp.float32),
            pltpu.VMEM((BBLK * PITCH + LANES,), jnp.float32),
            pltpu.VMEM((BBLK // 2, 2 * DIM), jnp.float32),
            pltpu.VMEM((BBLK // 2, 2 * DIM), jnp.float32),
            pltpu.SemaphoreType.DMA,
            pltpu.SemaphoreType.DMA,
            pltpu.SemaphoreType.DMA,
            pltpu.SemaphoreType.DMA,
        ],
        compiler_params=pltpu.CompilerParams(
            use_tc_tiling_on_sc=True, needs_layout_passes=False),
    )(table_t, table_t[:, vocab - BBLK:])
    table2 = t128.reshape(vocab, DIM)
    return _embed2(ids_t, table2, batch, seq)


def _embed2(ids_t, table, batch, seq):
    mesh = plsc.VectorSubcoreMesh(
        core_axis_name="c", subcore_axis_name="s", num_cores=NC,
        num_subcores=NS)
    out5 = pl.kernel(
        functools.partial(_emb_body, seq),
        out_type=jax.ShapeDtypeStruct(
            (seq, DIM // 8, batch // BBLK, 8, BBLK), jnp.float32),
        mesh=mesh,
        scratch_types=[
            pltpu.VMEM((seq, BBLK), jnp.int32),
            pltpu.VMEM((BBLK, ROWPAD), jnp.float32),
            pltpu.VMEM((BBLK, ROWPAD), jnp.float32),
            pltpu.VMEM((DIM * PITCH + LANES,), jnp.float32),
            pltpu.VMEM((DIM * PITCH + LANES,), jnp.float32),
            pltpu.VMEM((DIM // 8, 8, BBLK), jnp.float32),
            pltpu.VMEM((DIM // 8, 8, BBLK), jnp.float32),
            pltpu.SemaphoreType.DMA,
            pltpu.SemaphoreType.DMA,
            pltpu.SemaphoreType.DMA,
            pltpu.SemaphoreType.DMA,
        ],
        compiler_params=pltpu.CompilerParams(
            use_tc_tiling_on_sc=False, needs_layout_passes=False),
    )(ids_t, table)
    return out5.transpose(2, 4, 0, 1, 3).reshape(batch, seq, DIM)


def kernel(input_ids, table):
    batch, seq = input_ids.shape
    ids_t = input_ids.T.astype(jnp.int32)
    return _embed(ids_t, table.T, batch, seq)

# --- scband reference (transcript-rebuilt; emitter-appended) ---
"""Pipeline reference for scband-token-embedding-35742717837519 (READ-ONLY COPY).

The authoritative reference and input builder live on the scoring server;
editing this copy changes nothing except your own understanding.
"""

import jax, jax.numpy as jnp
import numpy as np
from math import sqrt

VOCAB = 1000000
DIM = 64
BATCH = 4096
SEQ = 200

def setup_inputs(seed: int = 0) -> dict:
    key = jax.random.key(seed)
    k1, k2 = jax.random.split(key)
    input_ids = jax.random.randint(k1, (BATCH, SEQ), 0, VOCAB, dtype=jnp.int64 if jax.config.jax_enable_x64 else jnp.int32)
    table = jax.random.normal(k2, (VOCAB, DIM), dtype=jnp.float32) * 0.02
    return {"input_ids": input_ids, "table": table}

def reference(input_ids, table):
    # TokenEmbedding.forward: embedding lookup scaled by sqrt(dim_model)
    emb = jnp.take(table, input_ids, axis=0)
    return emb * sqrt(DIM)

if __name__ == "__main__":
    import jax
    _d = setup_inputs()
    print(jax.jit(kernel)(*tuple(_d.values())))

</pallas_src>

<mosaic_0001>
#map = affine_map<(d0, d1) -> (0, 0)>
module attributes {stable_mosaic.version = 14 : i64} {
  func.func @_tr_body(%arg0: i32, %arg1: i32, %arg2: memref<64x1000000xf32, #tpu.memory_space<hbm>>, %arg3: memref<64x128xf32, #tpu.memory_space<hbm>>, %arg4: memref<500000x128xf32, #tpu.memory_space<hbm>>, %arg5: memref<64x128xf32, #tpu.memory_space<vmem>>, %arg6: memref<64x128xf32, #tpu.memory_space<vmem>>, %arg7: memref<16528xf32, #tpu.memory_space<vmem>>, %arg8: memref<16528xf32, #tpu.memory_space<vmem>>, %arg9: memref<64x128xf32, #tpu.memory_space<vmem>>, %arg10: memref<64x128xf32, #tpu.memory_space<vmem>>, %arg11: memref<!tpu.dma_semaphore, #tpu.memory_space<semaphore_mem>>, %arg12: memref<!tpu.dma_semaphore, #tpu.memory_space<semaphore_mem>>, %arg13: memref<!tpu.dma_semaphore, #tpu.memory_space<semaphore_mem>>, %arg14: memref<!tpu.dma_semaphore, #tpu.memory_space<semaphore_mem>>) attributes {dimension_semantics = [#tpu.dimension_semantics<core_parallel>, #tpu.dimension_semantics<subcore_parallel>], iteration_bounds = array<i64: 2, 16>, scalar_prefetch = 0 : i64, scratch_operands = 10 : i64, tpu.core_type = #tpu.core_type<sc_vector_subcore>, window_params = [{transform_indices = #map}, {transform_indices = #map}, {transform_indices = #map}]} {
    %mul3A = arith.constant 2 : i32
    %mul3A_0 = arith.muli %arg1, %mul3A : i32
    %add3A = arith.addi %mul3A_0, %arg0 : i32
    %iota3A = tpu.iota {dimensions = array<i32: 0>} : vector<16xi32>
    %add3A_1 = arith.constant 0 : i32
    %add3A_2 = arith.addi %add3A, %add3A_1 : i32
    %min3A = arith.constant 7811 : i32
    %min3A_3 = arith.minsi %add3A_2, %min3A : i32
    %mul3A_4 = arith.constant 64 : i32
    %mul3A_5 = arith.muli %min3A_3, %mul3A_4 : i32
    %mul3A_6 = arith.constant 2 : i32
    %mul3A_7 = arith.muli %mul3A_5, %mul3A_6 : i32
    %dma_start3A = arith.constant 0 : i32
    %dma_start3A_8 = tpu.memref_slice %arg2[%dma_start3A, %mul3A_7] : memref<64x1000000xf32, #tpu.memory_space<hbm>> -> memref<64x128xf32, #tpu.memory_space<hbm>>
    %dma_start3A_9 = arith.constant 0 : i32
    %dma_start3A_10 = tpu.memref_slice %arg2[%dma_start3A_9, %mul3A_7] : memref<64x1000000xf32, #tpu.memory_space<hbm>> -> memref<64x128xf32, #tpu.memory_space<hbm>>
    tpu.enqueue_dma source(%dma_start3A_10 : memref<64x128xf32, #tpu.memory_space<hbm>>) target(%arg5 : memref<64x128xf32, #tpu.memory_space<vmem>>) target_semaphore(%arg11 : memref<!tpu.dma_semaphore, #tpu.memory_space<semaphore_mem>>)
    %add3A_11 = arith.constant 32 : i32
    %add3A_12 = arith.addi %add3A, %add3A_11 : i32
    %min3A_13 = arith.constant 7811 : i32
    %min3A_14 = arith.minsi %add3A_12, %min3A_13 : i32
    %mul3A_15 = arith.constant 64 : i32
    %mul3A_16 = arith.muli %min3A_14, %mul3A_15 : i32
    %mul3A_17 = arith.constant 2 : i32
    %mul3A_18 = arith.muli %mul3A_16, %mul3A_17 : i32
    %dma_start3A_19 = arith.constant 0 : i32
    %dma_start3A_20 = tpu.memref_slice %arg2[%dma_start3A_19, %mul3A_18] : memref<64x1000000xf32, #tpu.memory_space<hbm>> -> memref<64x128xf32, #tpu.memory_space<hbm>>
    %dma_start3A_21 = arith.constant 0 : i32
    %dma_start3A_22 = tpu.memref_slice %arg2[%dma_start3A_21, %mul3A_18] : memref<64x1000000xf32, #tpu.memory_space<hbm>> -> memref<64x128xf32, #tpu.memory_space<hbm>>
    tpu.enqueue_dma source(%dma_start3A_22 : memref<64x128xf32, #tpu.memory_space<hbm>>) target(%arg6 : memref<64x128xf32, #tpu.memory_space<vmem>>) target_semaphore(%arg12 : memref<!tpu.dma_semaphore, #tpu.memory_space<semaphore_mem>>)
    %scan3A = arith.constant 0 : i32
    %scan3A_23 = arith.constant 0 : i32
    %scan3A_24 = arith.constant 123 : i32
    %scan3A_25 = arith.addi %scan3A_23, %scan3A_24 : i32
    %scan3A_26 = arith.constant 1 : i32
    scf.for %scan3A_41 = %scan3A_23 to %scan3A_25 step %scan3A_26  : i32 {
      %mul3A_42 = arith.constant 2 : i32
      %mul3A_43 = arith.muli %scan3A_41, %mul3A_42 : i32
      %add3A_44 = arith.constant 0 : i32
      %add3A_45 = arith.addi %mul3A_43, %add3A_44 : i32
      %dma_wait3A_46 = arith.constant 0 : i32
      %dma_wait3A_47 = arith.constant 0 : i32
      %dma_wait3A_48 = tpu.memref_slice %arg2[%dma_wait3A_46, %dma_wait3A_47] : memref<64x1000000xf32, #tpu.memory_space<hbm>> -> memref<64x128xf32, #tpu.memory_space<hbm>>
      %dma_wait3A_49 = arith.constant 0 : i32
      %dma_wait3A_50 = arith.constant 0 : i32
      %dma_wait3A_51 = tpu.memref_slice %arg2[%dma_wait3A_49, %dma_wait3A_50] : memref<64x1000000xf32, #tpu.memory_space<hbm>> -> memref<64x128xf32, #tpu.memory_space<hbm>>
      tpu.wait_dma2 semaphore(%arg11 : memref<!tpu.dma_semaphore, #tpu.memory_space<semaphore_mem>>) src(%dma_wait3A_51 : memref<64x128xf32, #tpu.memory_space<hbm>>) dst(%arg5 : memref<64x128xf32, #tpu.memory_space<vmem>>)
      %gt3A = arith.constant 0 : i32
      %gt3A_52 = arith.cmpi sgt, %scan3A_41, %gt3A : i32
      %convert_element_type3A_53 = arith.extui %gt3A_52 : i1 to i32
      %cond3A_54 = arith.constant 0 : i32
      %cond3A_55 = arith.cmpi ne, %convert_element_type3A_53, %cond3A_54 : i32
      scf.if %cond3A_55 {
        %dma_wait3A_117 = arith.constant 0 : i32
        %dma_wait3A_118 = arith.constant 0 : i32
        %dma_wait3A_119 = tpu.memref_slice %arg4[%dma_wait3A_117, %dma_wait3A_118] : memref<500000x128xf32, #tpu.memory_space<hbm>> -> memref<64x128xf32, #tpu.memory_space<hbm>>
        %dma_wait3A_120 = arith.constant 0 : i32
        %dma_wait3A_121 = arith.constant 0 : i32
        %dma_wait3A_122 = tpu.memref_slice %arg4[%dma_wait3A_120, %dma_wait3A_121] : memref<500000x128xf32, #tpu.memory_space<hbm>> -> memref<64x128xf32, #tpu.memory_space<hbm>>
        tpu.wait_dma2 semaphore(%arg13 : memref<!tpu.dma_semaphore, #tpu.memory_space<semaphore_mem>>) src(%arg9 : memref<64x128xf32, #tpu.memory_space<vmem>>) dst(%dma_wait3A_122 : memref<64x128xf32, #tpu.memory_space<hbm>>)
      } else {
      }
      %parallel_loop3A = arith.constant 0 : i32
      %parallel_loop3A_56 = arith.constant 64 : i32
      %parallel_loop3A_57 = arith.constant 1 : i32
      scf.for %parallel_loop3A_117 = %parallel_loop3A to %parallel_loop3A_56 step %parallel_loop3A_57  : i32 {
        %parallel_loop3A_118 = arith.index_cast %parallel_loop3A_117 : i32 to index
        %parallel_loop3A_119 = arith.constant 0 : index
        %parallel_loop3A_120 = tpu.vector_load %arg5[%parallel_loop3A_118, %parallel_loop3A_119] {strides = array<i32>} : memref<64x128xf32, #tpu.memory_space<vmem>>, vector<16xf32>,
        %parallel_loop3A_121 = arith.constant 0 : i32
        %parallel_loop3A_122 = vector.broadcast %parallel_loop3A_121 : i32 to vector<16xi32>
        %parallel_loop3A_123 = arith.addi %iota3A, %parallel_loop3A_122 : vector<16xi32>
        %parallel_loop3A_124 = arith.constant 129 : i32
        %parallel_loop3A_125 = vector.broadcast %parallel_loop3A_124 : i32 to vector<16xi32>
        %parallel_loop3A_126 = arith.muli %parallel_loop3A_123, %parallel_loop3A_125 : vector<16xi32>
        %parallel_loop3A_127 = vector.broadcast %parallel_loop3A_117 : i32 to vector<16xi32>
        %parallel_loop3A_128 = arith.addi %parallel_loop3A_126, %parallel_loop3A_127 : vector<16xi32>
        tpu.vector_store_idx %arg7[%parallel_loop3A_128], %parallel_loop3A_120 : memref<16528xf32, #tpu.memory_space<vmem>>[vector<16xi32>], vector<16xf32>,
        %parallel_loop3A_129 = arith.index_cast %parallel_loop3A_117 : i32 to index
        %parallel_loop3A_130 = arith.constant 16 : index
        %parallel_loop3A_131 = tpu.vector_load %arg5[%parallel_loop3A_129, %parallel_loop3A_130] {strides = array<i32>} : memref<64x128xf32, #tpu.memory_space<vmem>>, vector<16xf32>,
        %parallel_loop3A_132 = arith.constant 16 : i32
        %parallel_loop3A_133 = vector.broadcast %parallel_loop3A_132 : i32 to vector<16xi32>
        %parallel_loop3A_134 = arith.addi %iota3A, %parallel_loop3A_133 : vector<16xi32>
        %parallel_loop3A_135 = arith.constant 129 : i32
        %parallel_loop3A_136 = vector.broadcast %parallel_loop3A_135 : i32 to vector<16xi32>
        %parallel_loop3A_137 = arith.muli %parallel_loop3A_134, %parallel_loop3A_136 : vector<16xi32>
        %parallel_loop3A_138 = vector.broadcast %parallel_loop3A_117 : i32 to vector<16xi32>
        %parallel_loop3A_139 = arith.addi %parallel_loop3A_137, %parallel_loop3A_138 : vector<16xi32>
        tpu.vector_store_idx %arg7[%parallel_loop3A_139], %parallel_loop3A_131 : memref<16528xf32, #tpu.memory_space<vmem>>[vector<16xi32>], vector<16xf32>,
        %parallel_loop3A_140 = arith.index_cast %parallel_loop3A_117 : i32 to index
        %parallel_loop3A_141 = arith.constant 32 : index
        %parallel_loop3A_142 = tpu.vector_load %arg5[%parallel_loop3A_140, %parallel_loop3A_141] {strides = array<i32>} : memref<64x128xf32, #tpu.memory_space<vmem>>, vector<16xf32>,
        %parallel_loop3A_143 = arith.constant 32 : i32
        %parallel_loop3A_144 = vector.broadcast %parallel_loop3A_143 : i32 to vector<16xi32>
        %parallel_loop3A_145 = arith.addi %iota3A, %parallel_loop3A_144 : vector<16xi32>
        %parallel_loop3A_146 = arith.constant 129 : i32
        %parallel_loop3A_147 = vector.broadcast %parallel_loop3A_146 : i32 to vector<16xi32>
        %parallel_loop3A_148 = arith.muli %parallel_loop3A_145, %parallel_loop3A_147 : vector<16xi32>
        %parallel_loop3A_149 = vector.broadcast %parallel_loop3A_117 : i32 to vector<16xi32>
        %parallel_loop3A_150 = arith.addi %parallel_loop3A_148, %parallel_loop3A_149 : vector<16xi32>
        tpu.vector_store_idx %arg7[%parallel_loop3A_150], %parallel_loop3A_142 : memref<16528xf32, #tpu.memory_space<vmem>>[vector<16xi32>], vector<16xf32>,
        %parallel_loop3A_151 = arith.index_cast %parallel_loop3A_117 : i32 to index
        %parallel_loop3A_152 = arith.constant 48 : index
        %parallel_loop3A_153 = tpu.vector_load %arg5[%parallel_loop3A_151, %parallel_loop3A_152] {strides = array<i32>} : memref<64x128xf32, #tpu.memory_space<vmem>>, vector<16xf32>,
        %parallel_loop3A_154 = arith.constant 48 : i32
        %parallel_loop3A_155 = vector.broadcast %parallel_loop3A_154 : i32 to vector<16xi32>
        %parallel_loop3A_156 = arith.addi %iota3A, %parallel_loop3A_155 : vector<16xi32>
        %parallel_loop3A_157 = arith.constant 129 : i32
        %parallel_loop3A_158 = vector.broadcast %parallel_loop3A_157 : i32 to vector<16xi32>
        %parallel_loop3A_159 = arith.muli %parallel_loop3A_156, %parallel_loop3A_158 : vector<16xi32>
        %parallel_loop3A_160 = vector.broadcast %parallel_loop3A_117 : i32 to vector<16xi32>
        %parallel_loop3A_161 = arith.addi %parallel_loop3A_159, %parallel_loop3A_160 : vector<16xi32>
        tpu.vector_store_idx %arg7[%parallel_loop3A_161], %parallel_loop3A_153 : memref<16528xf32, #tpu.memory_space<vmem>>[vector<16xi32>], vector<16xf32>,
        %parallel_loop3A_162 = arith.index_cast %parallel_loop3A_117 : i32 to index
        %parallel_loop3A_163 = arith.constant 64 : index
        %parallel_loop3A_164 = tpu.vector_load %arg5[%parallel_loop3A_162, %parallel_loop3A_163] {strides = array<i32>} : memref<64x128xf32, #tpu.memory_space<vmem>>, vector<16xf32>,
        %parallel_loop3A_165 = arith.constant 64 : i32
        %parallel_loop3A_166 = vector.broadcast %parallel_loop3A_165 : i32 to vector<16xi32>
        %parallel_loop3A_167 = arith.addi %iota3A, %parallel_loop3A_166 : vector<16xi32>
        %parallel_loop3A_168 = arith.constant 129 : i32
        %parallel_loop3A_169 = vector.broadcast %parallel_loop3A_168 : i32 to vector<16xi32>
        %parallel_loop3A_170 = arith.muli %parallel_loop3A_167, %parallel_loop3A_169 : vector<16xi32>
        %parallel_loop3A_171 = vector.broadcast %parallel_loop3A_117 : i32 to vector<16xi32>
        %parallel_loop3A_172 = arith.addi %parallel_loop3A_170, %parallel_loop3A_171 : vector<16xi32>
        tpu.vector_store_idx %arg7[%parallel_loop3A_172], %parallel_loop3A_164 : memref<16528xf32, #tpu.memory_space<vmem>>[vector<16xi32>], vector<16xf32>,
        %parallel_loop3A_173 = arith.index_cast %parallel_loop3A_117 : i32 to index
        %parallel_loop3A_174 = arith.constant 80 : index
        %parallel_loop3A_175 = tpu.vector_load %arg5[%parallel_loop3A_173, %parallel_loop3A_174] {strides = array<i32>} : memref<64x128xf32, #tpu.memory_space<vmem>>, vector<16xf32>,
        %parallel_loop3A_176 = arith.constant 80 : i32
        %parallel_loop3A_177 = vector.broadcast %parallel_loop3A_176 : i32 to vector<16xi32>
        %parallel_loop3A_178 = arith.addi %iota3A, %parallel_loop3A_177 : vector<16xi32>
        %parallel_loop3A_179 = arith.constant 129 : i32
        %parallel_loop3A_180 = vector.broadcast %parallel_loop3A_179 : i32 to vector<16xi32>
        %parallel_loop3A_181 = arith.muli %parallel_loop3A_178, %parallel_loop3A_180 : vector<16xi32>
        %parallel_loop3A_182 = vector.broadcast %parallel_loop3A_117 : i32 to vector<16xi32>
        %parallel_loop3A_183 = arith.addi %parallel_loop3A_181, %parallel_loop3A_182 : vector<16xi32>
        tpu.vector_store_idx %arg7[%parallel_loop3A_183], %parallel_loop3A_175 : memref<16528xf32, #tpu.memory_space<vmem>>[vector<16xi32>], vector<16xf32>,
        %parallel_loop3A_184 = arith.index_cast %parallel_loop3A_117 : i32 to index
        %parallel_loop3A_185 = arith.constant 96 : index
        %parallel_loop3A_186 = tpu.vector_load %arg5[%parallel_loop3A_184, %parallel_loop3A_185] {strides = array<i32>} : memref<64x128xf32, #tpu.memory_space<vmem>>, vector<16xf32>,
        %parallel_loop3A_187 = arith.constant 96 : i32
        %parallel_loop3A_188 = vector.broadcast %parallel_loop3A_187 : i32 to vector<16xi32>
        %parallel_loop3A_189 = arith.addi %iota3A, %parallel_loop3A_188 : vector<16xi32>
        %parallel_loop3A_190 = arith.constant 129 : i32
        %parallel_loop3A_191 = vector.broadcast %parallel_loop3A_190 : i32 to vector<16xi32>
        %parallel_loop3A_192 = arith.muli %parallel_loop3A_189, %parallel_loop3A_191 : vector<16xi32>
        %parallel_loop3A_193 = vector.broadcast %parallel_loop3A_117 : i32 to vector<16xi32>
        %parallel_loop3A_194 = arith.addi %parallel_loop3A_192, %parallel_loop3A_193 : vector<16xi32>
        tpu.vector_store_idx %arg7[%parallel_loop3A_194], %parallel_loop3A_186 : memref<16528xf32, #tpu.memory_space<vmem>>[vector<16xi32>], vector<16xf32>,
        %parallel_loop3A_195 = arith.index_cast %parallel_loop3A_117 : i32 to index
        %parallel_loop3A_196 = arith.constant 112 : index
        %parallel_loop3A_197 = tpu.vector_load %arg5[%parallel_loop3A_195, %parallel_loop3A_196] {strides = array<i32>} : memref<64x128xf32, #tpu.memory_space<vmem>>, vector<16xf32>,
        %parallel_loop3A_198 = arith.constant 112 : i32
        %parallel_loop3A_199 = vector.broadcast %parallel_loop3A_198 : i32 to vector<16xi32>
        %parallel_loop3A_200 = arith.addi %iota3A, %parallel_loop3A_199 : vector<16xi32>
        %parallel_loop3A_201 = arith.constant 129 : i32
        %parallel_loop3A_202 = vector.broadcast %parallel_loop3A_201 : i32 to vector<16xi32>
        %parallel_loop3A_203 = arith.muli %parallel_loop3A_200, %parallel_loop3A_202 : vector<16xi32>
        %parallel_loop3A_204 = vector.broadcast %parallel_loop3A_117 : i32 to vector<16xi32>
        %parallel_loop3A_205 = arith.addi %parallel_loop3A_203, %parallel_loop3A_204 : vector<16xi32>
        tpu.vector_store_idx %arg7[%parallel_loop3A_205], %parallel_loop3A_197 : memref<16528xf32, #tpu.memory_space<vmem>>[vector<16xi32>], vector<16xf32>,
      } {sc.loop_unroll_factor = 4 : i64, sc.parallel_access}
      %parallel_loop3A_58 = arith.constant 0 : i32
      %parallel_loop3A_59 = arith.constant 128 : i32
      %parallel_loop3A_60 = arith.constant 1 : i32
      scf.for %parallel_loop3A_117 = %parallel_loop3A_58 to %parallel_loop3A_59 step %parallel_loop3A_60  : i32 {
        %parallel_loop3A_118 = arith.constant 2 : i32
        %parallel_loop3A_119 = arith.constant 0 : i32
        %parallel_loop3A_120 = arith.cmpi eq, %parallel_loop3A_118, %parallel_loop3A_119 : i32
        %parallel_loop3A_121 = arith.constant 1 : i32
        %parallel_loop3A_122 = arith.select %parallel_loop3A_120, %parallel_loop3A_121, %parallel_loop3A_118 : i32
        %parallel_loop3A_123 = arith.remsi %parallel_loop3A_117, %parallel_loop3A_122 : i32
        %parallel_loop3A_124 = arith.constant 0 : i32
        %parallel_loop3A_125 = arith.cmpi ne, %parallel_loop3A_123, %parallel_loop3A_124 : i32
        %parallel_loop3A_126 = arith.constant 0 : i32
        %parallel_loop3A_127 = arith.cmpi slt, %parallel_loop3A_123, %parallel_loop3A_126 : i32
        %parallel_loop3A_128 = arith.constant 0 : i32
        %parallel_loop3A_129 = arith.cmpi slt, %parallel_loop3A_122, %parallel_loop3A_128 : i32
        %parallel_loop3A_130 = arith.xori %parallel_loop3A_127, %parallel_loop3A_129 : i1
        %parallel_loop3A_131 = arith.andi %parallel_loop3A_130, %parallel_loop3A_125 : i1
        %parallel_loop3A_132 = arith.addi %parallel_loop3A_123, %parallel_loop3A_122 : i32
        %parallel_loop3A_133 = arith.select %parallel_loop3A_131, %parallel_loop3A_132, %parallel_loop3A_123 : i32
        %parallel_loop3A_134 = arith.constant 64 : i32
        %parallel_loop3A_135 = arith.muli %parallel_loop3A_133, %parallel_loop3A_134 : i32
        %parallel_loop3A_136 = arith.constant 129 : i32
        %parallel_loop3A_137 = arith.muli %parallel_loop3A_117, %parallel_loop3A_136 : i32
        %parallel_loop3A_138 = arith.constant 0 : i32
        %parallel_loop3A_139 = arith.addi %parallel_loop3A_137, %parallel_loop3A_138 : i32
        %parallel_loop3A_140 = vector.broadcast %parallel_loop3A_139 : i32 to vector<16xi32>
        %parallel_loop3A_141 = arith.addi %iota3A, %parallel_loop3A_140 : vector<16xi32>
        %parallel_loop3A_142 = tpu.vector_load_idx %arg7[%parallel_loop3A_141] : memref<16528xf32, #tpu.memory_space<vmem>>[vector<16xi32>], vector<16xf32>,
        %parallel_loop3A_143 = arith.constant 2 : i32
        %parallel_loop3A_144 = arith.divsi %parallel_loop3A_117, %parallel_loop3A_143 : i32
        %parallel_loop3A_145 = arith.constant 0 : i32
        %parallel_loop3A_146 = arith.cmpi sgt, %parallel_loop3A_117, %parallel_loop3A_145 : i32
        %parallel_loop3A_147 = arith.extui %parallel_loop3A_146 : i1 to i32
        %parallel_loop3A_148 = arith.constant 0 : i32
        %parallel_loop3A_149 = arith.cmpi slt, %parallel_loop3A_117, %parallel_loop3A_148 : i32
        %parallel_loop3A_150 = arith.extui %parallel_loop3A_149 : i1 to i32
        %parallel_loop3A_151 = arith.subi %parallel_loop3A_147, %parallel_loop3A_150 : i32
        %parallel_loop3A_152 = arith.constant 0 : i32
        %parallel_loop3A_153 = arith.cmpi sgt, %parallel_loop3A_143, %parallel_loop3A_152 : i32
        %parallel_loop3A_154 = arith.extui %parallel_loop3A_153 : i1 to i32
        %parallel_loop3A_155 = arith.constant 0 : i32
        %parallel_loop3A_156 = arith.cmpi slt, %parallel_loop3A_143, %parallel_loop3A_155 : i32
        %parallel_loop3A_157 = arith.extui %parallel_loop3A_156 : i1 to i32
        %parallel_loop3A_158 = arith.subi %parallel_loop3A_154, %parallel_loop3A_157 : i32
        %parallel_loop3A_159 = arith.cmpi ne, %parallel_loop3A_151, %parallel_loop3A_158 : i32
        %parallel_loop3A_160 = arith.remsi %parallel_loop3A_117, %parallel_loop3A_143 : i32
        %parallel_loop3A_161 = arith.constant 0 : i32
        %parallel_loop3A_162 = arith.cmpi ne, %parallel_loop3A_160, %parallel_loop3A_161 : i32
        %parallel_loop3A_163 = arith.andi %parallel_loop3A_159, %parallel_loop3A_162 : i1
        %parallel_loop3A_164 = arith.constant 1 : i32
        %parallel_loop3A_165 = arith.subi %parallel_loop3A_144, %parallel_loop3A_164 : i32
        %parallel_loop3A_166 = arith.select %parallel_loop3A_163, %parallel_loop3A_165, %parallel_loop3A_144 : i32
        %parallel_loop3A_167 = arith.constant 0 : i32
        %parallel_loop3A_168 = arith.addi %parallel_loop3A_135, %parallel_loop3A_167 : i32
        %parallel_loop3A_169 = arith.index_cast %parallel_loop3A_166 : i32 to index
        %parallel_loop3A_170 = arith.index_cast %parallel_loop3A_168 : i32 to index
        %parallel_loop3A_171 = tpu.vector_load %arg9[%parallel_loop3A_169, %parallel_loop3A_170] {strides = array<i32>} : memref<64x128xf32, #tpu.memory_space<vmem>>, vector<16xf32>,
        tpu.vector_store %arg9[%parallel_loop3A_169, %parallel_loop3A_170], %parallel_loop3A_142 {strides = array<i32>} : memref<64x128xf32, #tpu.memory_space<vmem>>, vector<16xf32>,
        %parallel_loop3A_172 = arith.constant 129 : i32
        %parallel_loop3A_173 = arith.muli %parallel_loop3A_117, %parallel_loop3A_172 : i32
        %parallel_loop3A_174 = arith.constant 16 : i32
        %parallel_loop3A_175 = arith.addi %parallel_loop3A_173, %parallel_loop3A_174 : i32
        %parallel_loop3A_176 = vector.broadcast %parallel_loop3A_175 : i32 to vector<16xi32>
        %parallel_loop3A_177 = arith.addi %iota3A, %parallel_loop3A_176 : vector<16xi32>
        %parallel_loop3A_178 = tpu.vector_load_idx %arg7[%parallel_loop3A_177] : memref<16528xf32, #tpu.memory_space<vmem>>[vector<16xi32>], vector<16xf32>,
        %parallel_loop3A_179 = arith.constant 2 : i32
        %parallel_loop3A_180 = arith.divsi %parallel_loop3A_117, %parallel_loop3A_179 : i32
        %parallel_loop3A_181 = arith.constant 0 : i32
        %parallel_loop3A_182 = arith.cmpi sgt, %parallel_loop3A_117, %parallel_loop3A_181 : i32
        %parallel_loop3A_183 = arith.extui %parallel_loop3A_182 : i1 to i32
        %parallel_loop3A_184 = arith.constant 0 : i32
        %parallel_loop3A_185 = arith.cmpi slt, %parallel_loop3A_117, %parallel_loop3A_184 : i32
        %parallel_loop3A_186 = arith.extui %parallel_loop3A_185 : i1 to i32
        %parallel_loop3A_187 = arith.subi %parallel_loop3A_183, %parallel_loop3A_186 : i32
        %parallel_loop3A_188 = arith.constant 0 : i32
        %parallel_loop3A_189 = arith.cmpi sgt, %parallel_loop3A_179, %parallel_loop3A_188 : i32
        %parallel_loop3A_190 = arith.extui %parallel_loop3A_189 : i1 to i32
        %parallel_loop3A_191 = arith.constant 0 : i32
        %parallel_loop3A_192 = arith.cmpi slt, %parallel_loop3A_179, %parallel_loop3A_191 : i32
        %parallel_loop3A_193 = arith.extui %parallel_loop3A_192 : i1 to i32
        %parallel_loop3A_194 = arith.subi %parallel_loop3A_190, %parallel_loop3A_193 : i32
        %parallel_loop3A_195 = arith.cmpi ne, %parallel_loop3A_187, %parallel_loop3A_194 : i32
        %parallel_loop3A_196 = arith.remsi %parallel_loop3A_117, %parallel_loop3A_179 : i32
        %parallel_loop3A_197 = arith.constant 0 : i32
        %parallel_loop3A_198 = arith.cmpi ne, %parallel_loop3A_196, %parallel_loop3A_197 : i32
        %parallel_loop3A_199 = arith.andi %parallel_loop3A_195, %parallel_loop3A_198 : i1
        %parallel_loop3A_200 = arith.constant 1 : i32
        %parallel_loop3A_201 = arith.subi %parallel_loop3A_180, %parallel_loop3A_200 : i32
        %parallel_loop3A_202 = arith.select %parallel_loop3A_199, %parallel_loop3A_201, %parallel_loop3A_180 : i32
        %parallel_loop3A_203 = arith.constant 16 : i32
        %parallel_loop3A_204 = arith.addi %parallel_loop3A_135, %parallel_loop3A_203 : i32
        %parallel_loop3A_205 = arith.index_cast %parallel_loop3A_202 : i32 to index
        %parallel_loop3A_206 = arith.index_cast %parallel_loop3A_204 : i32 to index
        %parallel_loop3A_207 = tpu.vector_load %arg9[%parallel_loop3A_205, %parallel_loop3A_206] {strides = array<i32>} : memref<64x128xf32, #tpu.memory_space<vmem>>, vector<16xf32>,
        tpu.vector_store %arg9[%parallel_loop3A_205, %parallel_loop3A_206], %parallel_loop3A_178 {strides = array<i32>} : memref<64x128xf32, #tpu.memory_space<vmem>>, vector<16xf32>,
        %parallel_loop3A_208 = arith.constant 129 : i32
        %parallel_loop3A_209 = arith.muli %parallel_loop3A_117, %parallel_loop3A_208 : i32
        %parallel_loop3A_210 = arith.constant 32 : i32
        %parallel_loop3A_211 = arith.addi %parallel_loop3A_209, %parallel_loop3A_210 : i32
        %parallel_loop3A_212 = vector.broadcast %parallel_loop3A_211 : i32 to vector<16xi32>
        %parallel_loop3A_213 = arith.addi %iota3A, %parallel_loop3A_212 : vector<16xi32>
        %parallel_loop3A_214 = tpu.vector_load_idx %arg7[%parallel_loop3A_213] : memref<16528xf32, #tpu.memory_space<vmem>>[vector<16xi32>], vector<16xf32>,
        %parallel_loop3A_215 = arith.constant 2 : i32
        %parallel_loop3A_216 = arith.divsi %parallel_loop3A_117, %parallel_loop3A_215 : i32
        %parallel_loop3A_217 = arith.constant 0 : i32
        %parallel_loop3A_218 = arith.cmpi sgt, %parallel_loop3A_117, %parallel_loop3A_217 : i32
        %parallel_loop3A_219 = arith.extui %parallel_loop3A_218 : i1 to i32
        %parallel_loop3A_220 = arith.constant 0 : i32
        %parallel_loop3A_221 = arith.cmpi slt, %parallel_loop3A_117, %parallel_loop3A_220 : i32
        %parallel_loop3A_222 = arith.extui %parallel_loop3A_221 : i1 to i32
        %parallel_loop3A_223 = arith.subi %parallel_loop3A_219, %parallel_loop3A_222 : i32
        %parallel_loop3A_224 = arith.constant 0 : i32
        %parallel_loop3A_225 = arith.cmpi sgt, %parallel_loop3A_215, %parallel_loop3A_224 : i32
        %parallel_loop3A_226 = arith.extui %parallel_loop3A_225 : i1 to i32
        %parallel_loop3A_227 = arith.constant 0 : i32
        %parallel_loop3A_228 = arith.cmpi slt, %parallel_loop3A_215, %parallel_loop3A_227 : i32
        %parallel_loop3A_229 = arith.extui %parallel_loop3A_228 : i1 to i32
        %parallel_loop3A_230 = arith.subi %parallel_loop3A_226, %parallel_loop3A_229 : i32
        %parallel_loop3A_231 = arith.cmpi ne, %parallel_loop3A_223, %parallel_loop3A_230 : i32
        %parallel_loop3A_232 = arith.remsi %parallel_loop3A_117, %parallel_loop3A_215 : i32
        %parallel_loop3A_233 = arith.constant 0 : i32
        %parallel_loop3A_234 = arith.cmpi ne, %parallel_loop3A_232, %parallel_loop3A_233 : i32
        %parallel_loop3A_235 = arith.andi %parallel_loop3A_231, %parallel_loop3A_234 : i1
        %parallel_loop3A_236 = arith.constant 1 : i32
        %parallel_loop3A_237 = arith.subi %parallel_loop3A_216, %parallel_loop3A_236 : i32
        %parallel_loop3A_238 = arith.select %parallel_loop3A_235, %parallel_loop3A_237, %parallel_loop3A_216 : i32
        %parallel_loop3A_239 = arith.constant 32 : i32
        %parallel_loop3A_240 = arith.addi %parallel_loop3A_135, %parallel_loop3A_239 : i32
        %parallel_loop3A_241 = arith.index_cast %parallel_loop3A_238 : i32 to index
        %parallel_loop3A_242 = arith.index_cast %parallel_loop3A_240 : i32 to index
        %parallel_loop3A_243 = tpu.vector_load %arg9[%parallel_loop3A_241, %parallel_loop3A_242] {strides = array<i32>} : memref<64x128xf32, #tpu.memory_space<vmem>>, vector<16xf32>,
        tpu.vector_store %arg9[%parallel_loop3A_241, %parallel_loop3A_242], %parallel_loop3A_214 {strides = array<i32>} : memref<64x128xf32, #tpu.memory_space<vmem>>, vector<16xf32>,
        %parallel_loop3A_244 = arith.constant 129 : i32
        %parallel_loop3A_245 = arith.muli %parallel_loop3A_117, %parallel_loop3A_244 : i32
        %parallel_loop3A_246 = arith.constant 48 : i32
        %parallel_loop3A_247 = arith.addi %parallel_loop3A_245, %parallel_loop3A_246 : i32
        %parallel_loop3A_248 = vector.broadcast %parallel_loop3A_247 : i32 to vector<16xi32>
        %parallel_loop3A_249 = arith.addi %iota3A, %parallel_loop3A_248 : vector<16xi32>
        %parallel_loop3A_250 = tpu.vector_load_idx %arg7[%parallel_loop3A_249] : memref<16528xf32, #tpu.memory_space<vmem>>[vector<16xi32>], vector<16xf32>,
        %parallel_loop3A_251 = arith.constant 2 : i32
        %parallel_loop3A_252 = arith.divsi %parallel_loop3A_117, %parallel_loop3A_251 : i32
        %parallel_loop3A_253 = arith.constant 0 : i32
        %parallel_loop3A_254 = arith.cmpi sgt, %parallel_loop3A_117, %parallel_loop3A_253 : i32
        %parallel_loop3A_255 = arith.extui %parallel_loop3A_254 : i1 to i32
        %parallel_loop3A_256 = arith.constant 0 : i32
        %parallel_loop3A_257 = arith.cmpi slt, %parallel_loop3A_117, %parallel_loop3A_256 : i32
        %parallel_loop3A_258 = arith.extui %parallel_loop3A_257 : i1 to i32
        %parallel_loop3A_259 = arith.subi %parallel_loop3A_255, %parallel_loop3A_258 : i32
        %parallel_loop3A_260 = arith.constant 0 : i32
        %parallel_loop3A_261 = arith.cmpi sgt, %parallel_loop3A_251, %parallel_loop3A_260 : i32
        %parallel_loop3A_262 = arith.extui %parallel_loop3A_261 : i1 to i32
        %parallel_loop3A_263 = arith.constant 0 : i32
        %parallel_loop3A_264 = arith.cmpi slt, %parallel_loop3A_251, %parallel_loop3A_263 : i32
        %parallel_loop3A_265 = arith.extui %parallel_loop3A_264 : i1 to i32
        %parallel_loop3A_266 = arith.subi %parallel_loop3A_262, %parallel_loop3A_265 : i32
        %parallel_loop3A_267 = arith.cmpi ne, %parallel_loop3A_259, %parallel_loop3A_266 : i32
        %parallel_loop3A_268 = arith.remsi %parallel_loop3A_117, %parallel_loop3A_251 : i32
        %parallel_loop3A_269 = arith.constant 0 : i32
        %parallel_loop3A_270 = arith.cmpi ne, %parallel_loop3A_268, %parallel_loop3A_269 : i32
        %parallel_loop3A_271 = arith.andi %parallel_loop3A_267, %parallel_loop3A_270 : i1
        %parallel_loop3A_272 = arith.constant 1 : i32
        %parallel_loop3A_273 = arith.subi %parallel_loop3A_252, %parallel_loop3A_272 : i32
        %parallel_loop3A_274 = arith.select %parallel_loop3A_271, %parallel_loop3A_273, %parallel_loop3A_252 : i32
        %parallel_loop3A_275 = arith.constant 48 : i32
        %parallel_loop3A_276 = arith.addi %parallel_loop3A_135, %parallel_loop3A_275 : i32
        %parallel_loop3A_277 = arith.index_cast %parallel_loop3A_274 : i32 to index
        %parallel_loop3A_278 = arith.index_cast %parallel_loop3A_276 : i32 to index
        %parallel_loop3A_279 = tpu.vector_load %arg9[%parallel_loop3A_277, %parallel_loop3A_278] {strides = array<i32>} : memref<64x128xf32, #tpu.memory_space<vmem>>, vector<16xf32>,
        tpu.vector_store %arg9[%parallel_loop3A_277, %parallel_loop3A_278], %parallel_loop3A_250 {strides = array<i32>} : memref<64x128xf32, #tpu.memory_space<vmem>>, vector<16xf32>,
      } {sc.loop_unroll_factor = 4 : i64, sc.parallel_access}
      %mul3A_61 = arith.constant 32 : i32
      %mul3A_62 = arith.muli %add3A_45, %mul3A_61 : i32
      %add3A_63 = arith.addi %add3A, %mul3A_62 : i32
      %min3A_64 = arith.constant 7811 : i32
      %min3A_65 = arith.minsi %add3A_63, %min3A_64 : i32
      %mul3A_66 = arith.constant 64 : i32
      %mul3A_67 = arith.muli %min3A_65, %mul3A_66 : i32
      %dma_start3A_68 = arith.constant 0 : i32
      %dma_start3A_69 = tpu.memref_slice %arg4[%mul3A_67, %dma_start3A_68] : memref<500000x128xf32, #tpu.memory_space<hbm>> -> memref<64x128xf32, #tpu.memory_space<hbm>>
      %dma_start3A_70 = arith.constant 0 : i32
      %dma_start3A_71 = tpu.memref_slice %arg4[%mul3A_67, %dma_start3A_70] : memref<500000x128xf32, #tpu.memory_space<hbm>> -> memref<64x128xf32, #tpu.memory_space<hbm>>
      tpu.enqueue_dma source(%arg9 : memref<64x128xf32, #tpu.memory_space<vmem>>) target(%dma_start3A_71 : memref<64x128xf32, #tpu.memory_space<hbm>>) target_semaphore(%arg13 : memref<!tpu.dma_semaphore, #tpu.memory_space<semaphore_mem>>)
      %add3A_72 = arith.constant 2 : i32
      %add3A_73 = arith.addi %add3A_45, %add3A_72 : i32
      %lt3A = arith.constant 246 : i32
      %lt3A_74 = arith.cmpi slt, %add3A_73, %lt3A : i32
      %convert_element_type3A_75 = arith.extui %lt3A_74 : i1 to i32
      %cond3A_76 = arith.constant 0 : i32
      %cond3A_77 = arith.cmpi ne, %convert_element_type3A_75, %cond3A_76 : i32
      scf.if %cond3A_77 {
        %add3A_117 = arith.constant 2 : i32
        %add3A_118 = arith.addi %add3A_45, %add3A_117 : i32
        %mul3A_119 = arith.constant 32 : i32
        %mul3A_120 = arith.muli %add3A_118, %mul3A_119 : i32
        %add3A_121 = arith.addi %add3A, %mul3A_120 : i32
        %min3A_122 = arith.constant 7811 : i32
        %min3A_123 = arith.minsi %add3A_121, %min3A_122 : i32
        %mul3A_124 = arith.constant 64 : i32
        %mul3A_125 = arith.muli %min3A_123, %mul3A_124 : i32
        %mul3A_126 = arith.constant 2 : i32
        %mul3A_127 = arith.muli %mul3A_125, %mul3A_126 : i32
        %dma_start3A_128 = arith.constant 0 : i32
        %dma_start3A_129 = tpu.memref_slice %arg2[%dma_start3A_128, %mul3A_127] : memref<64x1000000xf32, #tpu.memory_space<hbm>> -> memref<64x128xf32, #tpu.memory_space<hbm>>
        %dma_start3A_130 = arith.constant 0 : i32
        %dma_start3A_131 = tpu.memref_slice %arg2[%dma_start3A_130, %mul3A_127] : memref<64x1000000xf32, #tpu.memory_space<hbm>> -> memref<64x128xf32, #tpu.memory_space<hbm>>
        tpu.enqueue_dma source(%dma_start3A_131 : memref<64x128xf32, #tpu.memory_space<hbm>>) target(%arg5 : memref<64x128xf32, #tpu.memory_space<vmem>>) target_semaphore(%arg11 : memref<!tpu.dma_semaphore, #tpu.memory_space<semaphore_mem>>)
      } else {
      }
      %mul3A_78 = arith.constant 2 : i32
      %mul3A_79 = arith.muli %scan3A_41, %mul3A_78 : i32
      %add3A_80 = arith.constant 1 : i32
      %add3A_81 = arith.addi %mul3A_79, %add3A_80 : i32
      %dma_wait3A_82 = arith.constant 0 : i32
      %dma_wait3A_83 = arith.constant 0 : i32
      %dma_wait3A_84 = tpu.memref_slice %arg2[%dma_wait3A_82, %dma_wait3A_83] : memref<64x1000000xf32, #tpu.memory_space<hbm>> -> memref<64x128xf32, #tpu.memory_space<hbm>>
      %dma_wait3A_85 = arith.constant 0 : i32
      %dma_wait3A_86 = arith.constant 0 : i32
      %dma_wait3A_87 = tpu.memref_slice %arg2[%dma_wait3A_85, %dma_wait3A_86] : memref<64x1000000xf32, #tpu.memory_space<hbm>> -> memref<64x128xf32, #tpu.memory_space<hbm>>
      tpu.wait_dma2 semaphore(%arg12 : memref<!tpu.dma_semaphore, #tpu.memory_space<semaphore_mem>>) src(%dma_wait3A_87 : memref<64x128xf32, #tpu.memory_space<hbm>>) dst(%arg6 : memref<64x128xf32, #tpu.memory_space<vmem>>)
      %gt3A_88 = arith.constant 0 : i32
      %gt3A_89 = arith.cmpi sgt, %scan3A_41, %gt3A_88 : i32
      %convert_element_type3A_90 = arith.extui %gt3A_89 : i1 to i32
      %cond3A_91 = arith.constant 0 : i32
      %cond3A_92 = arith.cmpi ne, %convert_element_type3A_90, %cond3A_91 : i32
      scf.if %cond3A_92 {
        %dma_wait3A_117 = arith.constant 0 : i32
        %dma_wait3A_118 = arith.constant 0 : i32
        %dma_wait3A_119 = tpu.memref_slice %arg4[%dma_wait3A_117, %dma_wait3A_118] : memref<500000x128xf32, #tpu.memory_space<hbm>> -> memref<64x128xf32, #tpu.memory_space<hbm>>
        %dma_wait3A_120 = arith.constant 0 : i32
        %dma_wait3A_121 = arith.constant 0 : i32
        %dma_wait3A_122 = tpu.memref_slice %arg4[%dma_wait3A_120, %dma_wait3A_121] : memref<500000x128xf32, #tpu.memory_space<hbm>> -> memref<64x128xf32, #tpu.memory_space<hbm>>
        tpu.wait_dma2 semaphore(%arg14 : memref<!tpu.dma_semaphore, #tpu.memory_space<semaphore_mem>>) src(%arg10 : memref<64x128xf32, #tpu.memory_space<vmem>>) dst(%dma_wait3A_122 : memref<64x128xf32, #tpu.memory_space<hbm>>)
      } else {
      }
      %parallel_loop3A_93 = arith.constant 0 : i32
      %parallel_loop3A_94 = arith.constant 64 : i32
      %parallel_loop3A_95 = arith.constant 1 : i32
      scf.for %parallel_loop3A_117 = %parallel_loop3A_93 to %parallel_loop3A_94 step %parallel_loop3A_95  : i32 {
        %parallel_loop3A_118 = arith.index_cast %parallel_loop3A_117 : i32 to index
        %parallel_loop3A_119 = arith.constant 0 : index
        %parallel_loop3A_120 = tpu.vector_load %arg6[%parallel_loop3A_118, %parallel_loop3A_119] {strides = array<i32>} : memref<64x128xf32, #tpu.memory_space<vmem>>, vector<16xf32>,
        %parallel_loop3A_121 = arith.constant 0 : i32
        %parallel_loop3A_122 = vector.broadcast %parallel_loop3A_121 : i32 to vector<16xi32>
        %parallel_loop3A_123 = arith.addi %iota3A, %parallel_loop3A_122 : vector<16xi32>
        %parallel_loop3A_124 = arith.constant 129 : i32
        %parallel_loop3A_125 = vector.broadcast %parallel_loop3A_124 : i32 to vector<16xi32>
        %parallel_loop3A_126 = arith.muli %parallel_loop3A_123, %parallel_loop3A_125 : vector<16xi32>
        %parallel_loop3A_127 = vector.broadcast %parallel_loop3A_117 : i32 to vector<16xi32>
        %parallel_loop3A_128 = arith.addi %parallel_loop3A_126, %parallel_loop3A_127 : vector<16xi32>
        tpu.vector_store_idx %arg8[%parallel_loop3A_128], %parallel_loop3A_120 : memref<16528xf32, #tpu.memory_space<vmem>>[vector<16xi32>], vector<16xf32>,
        %parallel_loop3A_129 = arith.index_cast %parallel_loop3A_117 : i32 to index
        %parallel_loop3A_130 = arith.constant 16 : index
        %parallel_loop3A_131 = tpu.vector_load %arg6[%parallel_loop3A_129, %parallel_loop3A_130] {strides = array<i32>} : memref<64x128xf32, #tpu.memory_space<vmem>>, vector<16xf32>,
        %parallel_loop3A_132 = arith.constant 16 : i32
        %parallel_loop3A_133 = vector.broadcast %parallel_loop3A_132 : i32 to vector<16xi32>
        %parallel_loop3A_134 = arith.addi %iota3A, %parallel_loop3A_133 : vector<16xi32>
        %parallel_loop3A_135 = arith.constant 129 : i32
        %parallel_loop3A_136 = vector.broadcast %parallel_loop3A_135 : i32 to vector<16xi32>
        %parallel_loop3A_137 = arith.muli %parallel_loop3A_134, %parallel_loop3A_136 : vector<16xi32>
        %parallel_loop3A_138 = vector.broadcast %parallel_loop3A_117 : i32 to vector<16xi32>
        %parallel_loop3A_139 = arith.addi %parallel_loop3A_137, %parallel_loop3A_138 : vector<16xi32>
        tpu.vector_store_idx %arg8[%parallel_loop3A_139], %parallel_loop3A_131 : memref<16528xf32, #tpu.memory_space<vmem>>[vector<16xi32>], vector<16xf32>,
        %parallel_loop3A_140 = arith.index_cast %parallel_loop3A_117 : i32 to index
        %parallel_loop3A_141 = arith.constant 32 : index
        %parallel_loop3A_142 = tpu.vector_load %arg6[%parallel_loop3A_140, %parallel_loop3A_141] {strides = array<i32>} : memref<64x128xf32, #tpu.memory_space<vmem>>, vector<16xf32>,
        %parallel_loop3A_143 = arith.constant 32 : i32
        %parallel_loop3A_144 = vector.broadcast %parallel_loop3A_143 : i32 to vector<16xi32>
        %parallel_loop3A_145 = arith.addi %iota3A, %parallel_loop3A_144 : vector<16xi32>
        %parallel_loop3A_146 = arith.constant 129 : i32
        %parallel_loop3A_147 = vector.broadcast %parallel_loop3A_146 : i32 to vector<16xi32>
        %parallel_loop3A_148 = arith.muli %parallel_loop3A_145, %parallel_loop3A_147 : vector<16xi32>
        %parallel_loop3A_149 = vector.broadcast %parallel_loop3A_117 : i32 to vector<16xi32>
        %parallel_loop3A_150 = arith.addi %parallel_loop3A_148, %parallel_loop3A_149 : vector<16xi32>
        tpu.vector_store_idx %arg8[%parallel_loop3A_150], %parallel_loop3A_142 : memref<16528xf32, #tpu.memory_space<vmem>>[vector<16xi32>], vector<16xf32>,
        %parallel_loop3A_151 = arith.index_cast %parallel_loop3A_117 : i32 to index
        %parallel_loop3A_152 = arith.constant 48 : index
        %parallel_loop3A_153 = tpu.vector_load %arg6[%parallel_loop3A_151, %parallel_loop3A_152] {strides = array<i32>} : memref<64x128xf32, #tpu.memory_space<vmem>>, vector<16xf32>,
        %parallel_loop3A_154 = arith.constant 48 : i32
        %parallel_loop3A_155 = vector.broadcast %parallel_loop3A_154 : i32 to vector<16xi32>
        %parallel_loop3A_156 = arith.addi %iota3A, %parallel_loop3A_155 : vector<16xi32>
        %parallel_loop3A_157 = arith.constant 129 : i32
        %parallel_loop3A_158 = vector.broadcast %parallel_loop3A_157 : i32 to vector<16xi32>
        %parallel_loop3A_159 = arith.muli %parallel_loop3A_156, %parallel_loop3A_158 : vector<16xi32>
        %parallel_loop3A_160 = vector.broadcast %parallel_loop3A_117 : i32 to vector<16xi32>
        %parallel_loop3A_161 = arith.addi %parallel_loop3A_159, %parallel_loop3A_160 : vector<16xi32>
        tpu.vector_store_idx %arg8[%parallel_loop3A_161], %parallel_loop3A_153 : memref<16528xf32, #tpu.memory_space<vmem>>[vector<16xi32>], vector<16xf32>,
        %parallel_loop3A_162 = arith.index_cast %parallel_loop3A_117 : i32 to index
        %parallel_loop3A_163 = arith.constant 64 : index
        %parallel_loop3A_164 = tpu.vector_load %arg6[%parallel_loop3A_162, %parallel_loop3A_163] {strides = array<i32>} : memref<64x128xf32, #tpu.memory_space<vmem>>, vector<16xf32>,
        %parallel_loop3A_165 = arith.constant 64 : i32
        %parallel_loop3A_166 = vector.broadcast %parallel_loop3A_165 : i32 to vector<16xi32>
        %parallel_loop3A_167 = arith.addi %iota3A, %parallel_loop3A_166 : vector<16xi32>
        %parallel_loop3A_168 = arith.constant 129 : i32
        %parallel_loop3A_169 = vector.broadcast %parallel_loop3A_168 : i32 to vector<16xi32>
        %parallel_loop3A_170 = arith.muli %parallel_loop3A_167, %parallel_loop3A_169 : vector<16xi32>
        %parallel_loop3A_171 = vector.broadcast %parallel_loop3A_117 : i32 to vector<16xi32>
        %parallel_loop3A_172 = arith.addi %parallel_loop3A_170, %parallel_loop3A_171 : vector<16xi32>
        tpu.vector_store_idx %arg8[%parallel_loop3A_172], %parallel_loop3A_164 : memref<16528xf32, #tpu.memory_space<vmem>>[vector<16xi32>], vector<16xf32>,
        %parallel_loop3A_173 = arith.index_cast %parallel_loop3A_117 : i32 to index
        %parallel_loop3A_174 = arith.constant 80 : index
        %parallel_loop3A_175 = tpu.vector_load %arg6[%parallel_loop3A_173, %parallel_loop3A_174] {strides = array<i32>} : memref<64x128xf32, #tpu.memory_space<vmem>>, vector<16xf32>,
        %parallel_loop3A_176 = arith.constant 80 : i32
        %parallel_loop3A_177 = vector.broadcast %parallel_loop3A_176 : i32 to vector<16xi32>
        %parallel_loop3A_178 = arith.addi %iota3A, %parallel_loop3A_177 : vector<16xi32>
        %parallel_loop3A_179 = arith.constant 129 : i32
        %parallel_loop3A_180 = vector.broadcast %parallel_loop3A_179 : i32 to vector<16xi32>
        %parallel_loop3A_181 = arith.muli %parallel_loop3A_178, %parallel_loop3A_180 : vector<16xi32>
        %parallel_loop3A_182 = vector.broadcast %parallel_loop3A_117 : i32 to vector<16xi32>
        %parallel_loop3A_183 = arith.addi %parallel_loop3A_181, %parallel_loop3A_182 : vector<16xi32>
        tpu.vector_store_idx %arg8[%parallel_loop3A_183], %parallel_loop3A_175 : memref<16528xf32, #tpu.memory_space<vmem>>[vector<16xi32>], vector<16xf32>,
        %parallel_loop3A_184 = arith.index_cast %parallel_loop3A_117 : i32 to index
        %parallel_loop3A_185 = arith.constant 96 : index
        %parallel_loop3A_186 = tpu.vector_load %arg6[%parallel_loop3A_184, %parallel_loop3A_185] {strides = array<i32>} : memref<64x128xf32, #tpu.memory_space<vmem>>, vector<16xf32>,
        %parallel_loop3A_187 = arith.constant 96 : i32
        %parallel_loop3A_188 = vector.broadcast %parallel_loop3A_187 : i32 to vector<16xi32>
        %parallel_loop3A_189 = arith.addi %iota3A, %parallel_loop3A_188 : vector<16xi32>
        %parallel_loop3A_190 = arith.constant 129 : i32
        %parallel_loop3A_191 = vector.broadcast %parallel_loop3A_190 : i32 to vector<16xi32>
        %parallel_loop3A_192 = arith.muli %parallel_loop3A_189, %parallel_loop3A_191 : vector<16xi32>
        %parallel_loop3A_193 = vector.broadcast %parallel_loop3A_117 : i32 to vector<16xi32>
        %parallel_loop3A_194 = arith.addi %parallel_loop3A_192, %parallel_loop3A_193 : vector<16xi32>
        tpu.vector_store_idx %arg8[%parallel_loop3A_194], %parallel_loop3A_186 : memref<16528xf32, #tpu.memory_space<vmem>>[vector<16xi32>], vector<16xf32>,
        %parallel_loop3A_195 = arith.index_cast %parallel_loop3A_117 : i32 to index
        %parallel_loop3A_196 = arith.constant 112 : index
        %parallel_loop3A_197 = tpu.vector_load %arg6[%parallel_loop3A_195, %parallel_loop3A_196] {strides = array<i32>} : memref<64x128xf32, #tpu.memory_space<vmem>>, vector<16xf32>,
        %parallel_loop3A_198 = arith.constant 112 : i32
        %parallel_loop3A_199 = vector.broadcast %parallel_loop3A_198 : i32 to vector<16xi32>
        %parallel_loop3A_200 = arith.addi %iota3A, %parallel_loop3A_199 : vector<16xi32>
        %parallel_loop3A_201 = arith.constant 129 : i32
        %parallel_loop3A_202 = vector.broadcast %parallel_loop3A_201 : i32 to vector<16xi32>
        %parallel_loop3A_203 = arith.muli %parallel_loop3A_200, %parallel_loop3A_202 : vector<16xi32>
        %parallel_loop3A_204 = vector.broadcast %parallel_loop3A_117 : i32 to vector<16xi32>
        %parallel_loop3A_205 = arith.addi %parallel_loop3A_203, %parallel_loop3A_204 : vector<16xi32>
        tpu.vector_store_idx %arg8[%parallel_loop3A_205], %parallel_loop3A_197 : memref<16528xf32, #tpu.memory_space<vmem>>[vector<16xi32>], vector<16xf32>,
      } {sc.loop_unroll_factor = 4 : i64, sc.parallel_access}
      %parallel_loop3A_96 = arith.constant 0 : i32
      %parallel_loop3A_97 = arith.constant 128 : i32
      %parallel_loop3A_98 = arith.constant 1 : i32
      scf.for %parallel_loop3A_117 = %parallel_loop3A_96 to %parallel_loop3A_97 step %parallel_loop3A_98  : i32 {
        %parallel_loop3A_118 = arith.constant 2 : i32
        %parallel_loop3A_119 = arith.constant 0 : i32
        %parallel_loop3A_120 = arith.cmpi eq, %parallel_loop3A_118, %parallel_loop3A_119 : i32
        %parallel_loop3A_121 = arith.constant 1 : i32
        %parallel_loop3A_122 = arith.select %parallel_loop3A_120, %parallel_loop3A_121, %parallel_loop3A_118 : i32
        %parallel_loop3A_123 = arith.remsi %parallel_loop3A_117, %parallel_loop3A_122 : i32
        %parallel_loop3A_124 = arith.constant 0 : i32
        %parallel_loop3A_125 = arith.cmpi ne, %parallel_loop3A_123, %parallel_loop3A_124 : i32
        %parallel_loop3A_126 = arith.constant 0 : i32
        %parallel_loop3A_127 = arith.cmpi slt, %parallel_loop3A_123, %parallel_loop3A_126 : i32
        %parallel_loop3A_128 = arith.constant 0 : i32
        %parallel_loop3A_129 = arith.cmpi slt, %parallel_loop3A_122, %parallel_loop3A_128 : i32
        %parallel_loop3A_130 = arith.xori %parallel_loop3A_127, %parallel_loop3A_129 : i1
        %parallel_loop3A_131 = arith.andi %parallel_loop3A_130, %parallel_loop3A_125 : i1
        %parallel_loop3A_132 = arith.addi %parallel_loop3A_123, %parallel_loop3A_122 : i32
        %parallel_loop3A_133 = arith.select %parallel_loop3A_131, %parallel_loop3A_132, %parallel_loop3A_123 : i32
        %parallel_loop3A_134 = arith.constant 64 : i32
        %parallel_loop3A_135 = arith.muli %parallel_loop3A_133, %parallel_loop3A_134 : i32
        %parallel_loop3A_136 = arith.constant 129 : i32
        %parallel_loop3A_137 = arith.muli %parallel_loop3A_117, %parallel_loop3A_136 : i32
        %parallel_loop3A_138 = arith.constant 0 : i32
        %parallel_loop3A_139 = arith.addi %parallel_loop3A_137, %parallel_loop3A_138 : i32
        %parallel_loop3A_140 = vector.broadcast %parallel_loop3A_139 : i32 to vector<16xi32>
        %parallel_loop3A_141 = arith.addi %iota3A, %parallel_loop3A_140 : vector<16xi32>
        %parallel_loop3A_142 = tpu.vector_load_idx %arg8[%parallel_loop3A_141] : memref<16528xf32, #tpu.memory_space<vmem>>[vector<16xi32>], vector<16xf32>,
        %parallel_loop3A_143 = arith.constant 2 : i32
        %parallel_loop3A_144 = arith.divsi %parallel_loop3A_117, %parallel_loop3A_143 : i32
        %parallel_loop3A_145 = arith.constant 0 : i32
        %parallel_loop3A_146 = arith.cmpi sgt, %parallel_loop3A_117, %parallel_loop3A_145 : i32
        %parallel_loop3A_147 = arith.extui %parallel_loop3A_146 : i1 to i32
        %parallel_loop3A_148 = arith.constant 0 : i32
        %parallel_loop3A_149 = arith.cmpi slt, %parallel_loop3A_117, %parallel_loop3A_148 : i32
        %parallel_loop3A_150 = arith.extui %parallel_loop3A_149 : i1 to i32
        %parallel_loop3A_151 = arith.subi %parallel_loop3A_147, %parallel_loop3A_150 : i32
        %parallel_loop3A_152 = arith.constant 0 : i32
        %parallel_loop3A_153 = arith.cmpi sgt, %parallel_loop3A_143, %parallel_loop3A_152 : i32
        %parallel_loop3A_154 = arith.extui %parallel_loop3A_153 : i1 to i32
        %parallel_loop3A_155 = arith.constant 0 : i32
        %parallel_loop3A_156 = arith.cmpi slt, %parallel_loop3A_143, %parallel_loop3A_155 : i32
        %parallel_loop3A_157 = arith.extui %parallel_loop3A_156 : i1 to i32
        %parallel_loop3A_158 = arith.subi %parallel_loop3A_154, %parallel_loop3A_157 : i32
        %parallel_loop3A_159 = arith.cmpi ne, %parallel_loop3A_151, %parallel_loop3A_158 : i32
        %parallel_loop3A_160 = arith.remsi %parallel_loop3A_117, %parallel_loop3A_143 : i32
        %parallel_loop3A_161 = arith.constant 0 : i32
        %parallel_loop3A_162 = arith.cmpi ne, %parallel_loop3A_160, %parallel_loop3A_161 : i32
        %parallel_loop3A_163 = arith.andi %parallel_loop3A_159, %parallel_loop3A_162 : i1
        %parallel_loop3A_164 = arith.constant 1 : i32
        %parallel_loop3A_165 = arith.subi %parallel_loop3A_144, %parallel_loop3A_164 : i32
        %parallel_loop3A_166 = arith.select %parallel_loop3A_163, %parallel_loop3A_165, %parallel_loop3A_144 : i32
        %parallel_loop3A_167 = arith.constant 0 : i32
        %parallel_loop3A_168 = arith.addi %parallel_loop3A_135, %parallel_loop3A_167 : i32
        %parallel_loop3A_169 = arith.index_cast %parallel_loop3A_166 : i32 to index
        %parallel_loop3A_170 = arith.index_cast %parallel_loop3A_168 : i32 to index
        %parallel_loop3A_171 = tpu.vector_load %arg10[%parallel_loop3A_169, %parallel_loop3A_170] {strides = array<i32>} : memref<64x128xf32, #tpu.memory_space<vmem>>, vector<16xf32>,
        tpu.vector_store %arg10[%parallel_loop3A_169, %parallel_loop3A_170], %parallel_loop3A_142 {strides = array<i32>} : memref<64x128xf32, #tpu.memory_space<vmem>>, vector<16xf32>,
        %parallel_loop3A_172 = arith.constant 129 : i32
        %parallel_loop3A_173 = arith.muli %parallel_loop3A_117, %parallel_loop3A_172 : i32
        %parallel_loop3A_174 = arith.constant 16 : i32
        %parallel_loop3A_175 = arith.addi %parallel_loop3A_173, %parallel_loop3A_174 : i32
        %parallel_loop3A_176 = vector.broadcast %parallel_loop3A_175 : i32 to vector<16xi32>
        %parallel_loop3A_177 = arith.addi %iota3A, %parallel_loop3A_176 : vector<16xi32>
        %parallel_loop3A_178 = tpu.vector_load_idx %arg8[%parallel_loop3A_177] : memref<16528xf32, #tpu.memory_space<vmem>>[vector<16xi32>], vector<16xf32>,
        %parallel_loop3A_179 = arith.constant 2 : i32
        %parallel_loop3A_180 = arith.divsi %parallel_loop3A_117, %parallel_loop3A_179 : i32
        %parallel_loop3A_181 = arith.constant 0 : i32
        %parallel_loop3A_182 = arith.cmpi sgt, %parallel_loop3A_117, %parallel_loop3A_181 : i32
        %parallel_loop3A_183 = arith.extui %parallel_loop3A_182 : i1 to i32
        %parallel_loop3A_184 = arith.constant 0 : i32
        %parallel_loop3A_185 = arith.cmpi slt, %parallel_loop3A_117, %parallel_loop3A_184 : i32
        %parallel_loop3A_186 = arith.extui %parallel_loop3A_185 : i1 to i32
        %parallel_loop3A_187 = arith.subi %parallel_loop3A_183, %parallel_loop3A_186 : i32
        %parallel_loop3A_188 = arith.constant 0 : i32
        %parallel_loop3A_189 = arith.cmpi sgt, %parallel_loop3A_179, %parallel_loop3A_188 : i32
        %parallel_loop3A_190 = arith.extui %parallel_loop3A_189 : i1 to i32
        %parallel_loop3A_191 = arith.constant 0 : i32
        %parallel_loop3A_192 = arith.cmpi slt, %parallel_loop3A_179, %parallel_loop3A_191 : i32
        %parallel_loop3A_193 = arith.extui %parallel_loop3A_192 : i1 to i32
        %parallel_loop3A_194 = arith.subi %parallel_loop3A_190, %parallel_loop3A_193 : i32
        %parallel_loop3A_195 = arith.cmpi ne, %parallel_loop3A_187, %parallel_loop3A_194 : i32
        %parallel_loop3A_196 = arith.remsi %parallel_loop3A_117, %parallel_loop3A_179 : i32
        %parallel_loop3A_197 = arith.constant 0 : i32
        %parallel_loop3A_198 = arith.cmpi ne, %parallel_loop3A_196, %parallel_loop3A_197 : i32
        %parallel_loop3A_199 = arith.andi %parallel_loop3A_195, %parallel_loop3A_198 : i1
        %parallel_loop3A_200 = arith.constant 1 : i32
        %parallel_loop3A_201 = arith.subi %parallel_loop3A_180, %parallel_loop3A_200 : i32
        %parallel_loop3A_202 = arith.select %parallel_loop3A_199, %parallel_loop3A_201, %parallel_loop3A_180 : i32
        %parallel_loop3A_203 = arith.constant 16 : i32
        %parallel_loop3A_204 = arith.addi %parallel_loop3A_135, %parallel_loop3A_203 : i32
        %parallel_loop3A_205 = arith.index_cast %parallel_loop3A_202 : i32 to index
        %parallel_loop3A_206 = arith.index_cast %parallel_loop3A_204 : i32 to index
        %parallel_loop3A_207 = tpu.vector_load %arg10[%parallel_loop3A_205, %parallel_loop3A_206] {strides = array<i32>} : memref<64x128xf32, #tpu.memory_space<vmem>>, vector<16xf32>,
        tpu.vector_store %arg10[%parallel_loop3A_205, %parallel_loop3A_206], %parallel_loop3A_178 {strides = array<i32>} : memref<64x128xf32, #tpu.memory_space<vmem>>, vector<16xf32>,
        %parallel_loop3A_208 = arith.constant 129 : i32
        %parallel_loop3A_209 = arith.muli %parallel_loop3A_117, %parallel_loop3A_208 : i32
        %parallel_loop3A_210 = arith.constant 32 : i32
        %parallel_loop3A_211 = arith.addi %parallel_loop3A_209, %parallel_loop3A_210 : i32
        %parallel_loop3A_212 = vector.broadcast %parallel_loop3A_211 : i32 to vector<16xi32>
        %parallel_loop3A_213 = arith.addi %iota3A, %parallel_loop3A_212 : vector<16xi32>
        %parallel_loop3A_214 = tpu.vector_load_idx %arg8[%parallel_loop3A_213] : memref<16528xf32, #tpu.memory_space<vmem>>[vector<16xi32>], vector<16xf32>,
        %parallel_loop3A_215 = arith.constant 2 : i32
        %parallel_loop3A_216 = arith.divsi %parallel_loop3A_117, %parallel_loop3A_215 : i32
        %parallel_loop3A_217 = arith.constant 0 : i32
        %parallel_loop3A_218 = arith.cmpi sgt, %parallel_loop3A_117, %parallel_loop3A_217 : i32
        %parallel_loop3A_219 = arith.extui %parallel_loop3A_218 : i1 to i32
        %parallel_loop3A_220 = arith.constant 0 : i32
        %parallel_loop3A_221 = arith.cmpi slt, %parallel_loop3A_117, %parallel_loop3A_220 : i32
        %parallel_loop3A_222 = arith.extui %parallel_loop3A_221 : i1 to i32
        %parallel_loop3A_223 = arith.subi %parallel_loop3A_219, %parallel_loop3A_222 : i32
        %parallel_loop3A_224 = arith.constant 0 : i32
        %parallel_loop3A_225 = arith.cmpi sgt, %parallel_loop3A_215, %parallel_loop3A_224 : i32
        %parallel_loop3A_226 = arith.extui %parallel_loop3A_225 : i1 to i32
        %parallel_loop3A_227 = arith.constant 0 : i32
        %parallel_loop3A_228 = arith.cmpi slt, %parallel_loop3A_215, %parallel_loop3A_227 : i32
        %parallel_loop3A_229 = arith.extui %parallel_loop3A_228 : i1 to i32
        %parallel_loop3A_230 = arith.subi %parallel_loop3A_226, %parallel_loop3A_229 : i32
        %parallel_loop3A_231 = arith.cmpi ne, %parallel_loop3A_223, %parallel_loop3A_230 : i32
        %parallel_loop3A_232 = arith.remsi %parallel_loop3A_117, %parallel_loop3A_215 : i32
        %parallel_loop3A_233 = arith.constant 0 : i32
        %parallel_loop3A_234 = arith.cmpi ne, %parallel_loop3A_232, %parallel_loop3A_233 : i32
        %parallel_loop3A_235 = arith.andi %parallel_loop3A_231, %parallel_loop3A_234 : i1
        %parallel_loop3A_236 = arith.constant 1 : i32
        %parallel_loop3A_237 = arith.subi %parallel_loop3A_216, %parallel_loop3A_236 : i32
        %parallel_loop3A_238 = arith.select %parallel_loop3A_235, %parallel_loop3A_237, %parallel_loop3A_216 : i32
        %parallel_loop3A_239 = arith.constant 32 : i32
        %parallel_loop3A_240 = arith.addi %parallel_loop3A_135, %parallel_loop3A_239 : i32
        %parallel_loop3A_241 = arith.index_cast %parallel_loop3A_238 : i32 to index
        %parallel_loop3A_242 = arith.index_cast %parallel_loop3A_240 : i32 to index
        %parallel_loop3A_243 = tpu.vector_load %arg10[%parallel_loop3A_241, %parallel_loop3A_242] {strides = array<i32>} : memref<64x128xf32, #tpu.memory_space<vmem>>, vector<16xf32>,
        tpu.vector_store %arg10[%parallel_loop3A_241, %parallel_loop3A_242], %parallel_loop3A_214 {strides = array<i32>} : memref<64x128xf32, #tpu.memory_space<vmem>>, vector<16xf32>,
        %parallel_loop3A_244 = arith.constant 129 : i32
        %parallel_loop3A_245 = arith.muli %parallel_loop3A_117, %parallel_loop3A_244 : i32
        %parallel_loop3A_246 = arith.constant 48 : i32
        %parallel_loop3A_247 = arith.addi %parallel_loop3A_245, %parallel_loop3A_246 : i32
        %parallel_loop3A_248 = vector.broadcast %parallel_loop3A_247 : i32 to vector<16xi32>
        %parallel_loop3A_249 = arith.addi %iota3A, %parallel_loop3A_248 : vector<16xi32>
        %parallel_loop3A_250 = tpu.vector_load_idx %arg8[%parallel_loop3A_249] : memref<16528xf32, #tpu.memory_space<vmem>>[vector<16xi32>], vector<16xf32>,
        %parallel_loop3A_251 = arith.constant 2 : i32
        %parallel_loop3A_252 = arith.divsi %parallel_loop3A_117, %parallel_loop3A_251 : i32
        %parallel_loop3A_253 = arith.constant 0 : i32
        %parallel_loop3A_254 = arith.cmpi sgt, %parallel_loop3A_117, %parallel_loop3A_253 : i32
        %parallel_loop3A_255 = arith.extui %parallel_loop3A_254 : i1 to i32
        %parallel_loop3A_256 = arith.constant 0 : i32
        %parallel_loop3A_257 = arith.cmpi slt, %parallel_loop3A_117, %parallel_loop3A_256 : i32
        %parallel_loop3A_258 = arith.extui %parallel_loop3A_257 : i1 to i32
        %parallel_loop3A_259 = arith.subi %parallel_loop3A_255, %parallel_loop3A_258 : i32
        %parallel_loop3A_260 = arith.constant 0 : i32
        %parallel_loop3A_261 = arith.cmpi sgt, %parallel_loop3A_251, %parallel_loop3A_260 : i32
        %parallel_loop3A_262 = arith.extui %parallel_loop3A_261 : i1 to i32
        %parallel_loop3A_263 = arith.constant 0 : i32
        %parallel_loop3A_264 = arith.cmpi slt, %parallel_loop3A_251, %parallel_loop3A_263 : i32
        %parallel_loop3A_265 = arith.extui %parallel_loop3A_264 : i1 to i32
        %parallel_loop3A_266 = arith.subi %parallel_loop3A_262, %parallel_loop3A_265 : i32
        %parallel_loop3A_267 = arith.cmpi ne, %parallel_loop3A_259, %parallel_loop3A_266 : i32
        %parallel_loop3A_268 = arith.remsi %parallel_loop3A_117, %parallel_loop3A_251 : i32
        %parallel_loop3A_269 = arith.constant 0 : i32
        %parallel_loop3A_270 = arith.cmpi ne, %parallel_loop3A_268, %parallel_loop3A_269 : i32
        %parallel_loop3A_271 = arith.andi %parallel_loop3A_267, %parallel_loop3A_270 : i1
        %parallel_loop3A_272 = arith.constant 1 : i32
        %parallel_loop3A_273 = arith.subi %parallel_loop3A_252, %parallel_loop3A_272 : i32
        %parallel_loop3A_274 = arith.select %parallel_loop3A_271, %parallel_loop3A_273, %parallel_loop3A_252 : i32
        %parallel_loop3A_275 = arith.constant 48 : i32
        %parallel_loop3A_276 = arith.addi %parallel_loop3A_135, %parallel_loop3A_275 : i32
        %parallel_loop3A_277 = arith.index_cast %parallel_loop3A_274 : i32 to index
        %parallel_loop3A_278 = arith.index_cast %parallel_loop3A_276 : i32 to index
        %parallel_loop3A_279 = tpu.vector_load %arg10[%parallel_loop3A_277, %parallel_loop3A_278] {strides = array<i32>} : memref<64x128xf32, #tpu.memory_space<vmem>>, vector<16xf32>,
        tpu.vector_store %arg10[%parallel_loop3A_277, %parallel_loop3A_278], %parallel_loop3A_250 {strides = array<i32>} : memref<64x128xf32, #tpu.memory_space<vmem>>, vector<16xf32>,
      } {sc.loop_unroll_factor = 4 : i64, sc.parallel_access}
      %mul3A_99 = arith.constant 32 : i32
      %mul3A_100 = arith.muli %add3A_81, %mul3A_99 : i32
      %add3A_101 = arith.addi %add3A, %mul3A_100 : i32
      %min3A_102 = arith.constant 7811 : i32
      %min3A_103 = arith.minsi %add3A_101, %min3A_102 : i32
      %mul3A_104 = arith.constant 64 : i32
      %mul3A_105 = arith.muli %min3A_103, %mul3A_104 : i32
      %dma_start3A_106 = arith.constant 0 : i32
      %dma_start3A_107 = tpu.memref_slice %arg4[%mul3A_105, %dma_start3A_106] : memref<500000x128xf32, #tpu.memory_space<hbm>> -> memref<64x128xf32, #tpu.memory_space<hbm>>
      %dma_start3A_108 = arith.constant 0 : i32
      %dma_start3A_109 = tpu.memref_slice %arg4[%mul3A_105, %dma_start3A_108] : memref<500000x128xf32, #tpu.memory_space<hbm>> -> memref<64x128xf32, #tpu.memory_space<hbm>>
      tpu.enqueue_dma source(%arg10 : memref<64x128xf32, #tpu.memory_space<vmem>>) target(%dma_start3A_109 : memref<64x128xf32, #tpu.memory_space<hbm>>) target_semaphore(%arg14 : memref<!tpu.dma_semaphore, #tpu.memory_space<semaphore_mem>>)
      %add3A_110 = arith.constant 2 : i32
      %add3A_111 = arith.addi %add3A_81, %add3A_110 : i32
      %lt3A_112 = arith.constant 246 : i32
      %lt3A_113 = arith.cmpi slt, %add3A_111, %lt3A_112 : i32
      %convert_element_type3A_114 = arith.extui %lt3A_113 : i1 to i32
      %cond3A_115 = arith.constant 0 : i32
      %cond3A_116 = arith.cmpi ne, %convert_element_type3A_114, %cond3A_115 : i32
      scf.if %cond3A_116 {
        %add3A_117 = arith.constant 2 : i32
        %add3A_118 = arith.addi %add3A_81, %add3A_117 : i32
        %mul3A_119 = arith.constant 32 : i32
        %mul3A_120 = arith.muli %add3A_118, %mul3A_119 : i32
        %add3A_121 = arith.addi %add3A, %mul3A_120 : i32
        %min3A_122 = arith.constant 7811 : i32
        %min3A_123 = arith.minsi %add3A_121, %min3A_122 : i32
        %mul3A_124 = arith.constant 64 : i32
        %mul3A_125 = arith.muli %min3A_123, %mul3A_124 : i32
        %mul3A_126 = arith.constant 2 : i32
        %mul3A_127 = arith.muli %mul3A_125, %mul3A_126 : i32
        %dma_start3A_128 = arith.constant 0 : i32
        %dma_start3A_129 = tpu.memref_slice %arg2[%dma_start3A_128, %mul3A_127] : memref<64x1000000xf32, #tpu.memory_space<hbm>> -> memref<64x128xf32, #tpu.memory_space<hbm>>
        %dma_start3A_130 = arith.constant 0 : i32
        %dma_start3A_131 = tpu.memref_slice %arg2[%dma_start3A_130, %mul3A_127] : memref<64x1000000xf32, #tpu.memory_space<hbm>> -> memref<64x128xf32, #tpu.memory_space<hbm>>
        tpu.enqueue_dma source(%dma_start3A_131 : memref<64x128xf32, #tpu.memory_space<hbm>>) target(%arg6 : memref<64x128xf32, #tpu.memory_space<vmem>>) target_semaphore(%arg12 : memref<!tpu.dma_semaphore, #tpu.memory_space<semaphore_mem>>)
      } else {
      }
    }
    %scan3A_27 = arith.constant 123 : i32
    %dma_wait3A = arith.constant 0 : i32
    %dma_wait3A_28 = arith.constant 0 : i32
    %dma_wait3A_29 = tpu.memref_slice %arg4[%dma_wait3A, %dma_wait3A_28] : memref<500000x128xf32, #tpu.memory_space<hbm>> -> memref<64x128xf32, #tpu.memory_space<hbm>>
    %dma_wait3A_30 = arith.constant 0 : i32
    %dma_wait3A_31 = arith.constant 0 : i32
    %dma_wait3A_32 = tpu.memref_slice %arg4[%dma_wait3A_30, %dma_wait3A_31] : memref<500000x128xf32, #tpu.memory_space<hbm>> -> memref<64x128xf32, #tpu.memory_space<hbm>>
    tpu.wait_dma2 semaphore(%arg13 : memref<!tpu.dma_semaphore, #tpu.memory_space<semaphore_mem>>) src(%arg9 : memref<64x128xf32, #tpu.memory_space<vmem>>) dst(%dma_wait3A_32 : memref<64x128xf32, #tpu.memory_space<hbm>>)
    %dma_wait3A_33 = arith.constant 0 : i32
    %dma_wait3A_34 = arith.constant 0 : i32
    %dma_wait3A_35 = tpu.memref_slice %arg4[%dma_wait3A_33, %dma_wait3A_34] : memref<500000x128xf32, #tpu.memory_space<hbm>> -> memref<64x128xf32, #tpu.memory_space<hbm>>
    %dma_wait3A_36 = arith.constant 0 : i32
    %dma_wait3A_37 = arith.constant 0 : i32
    %dma_wait3A_38 = tpu.memref_slice %arg4[%dma_wait3A_36, %dma_wait3A_37] : memref<500000x128xf32, #tpu.memory_space<hbm>> -> memref<64x128xf32, #tpu.memory_space<hbm>>
    tpu.wait_dma2 semaphore(%arg14 : memref<!tpu.dma_semaphore, #tpu.memory_space<semaphore_mem>>) src(%arg10 : memref<64x128xf32, #tpu.memory_space<vmem>>) dst(%dma_wait3A_38 : memref<64x128xf32, #tpu.memory_space<hbm>>)
    %eq3A = arith.constant 0 : i32
    %eq3A_39 = arith.cmpi eq, %add3A, %eq3A : i32
    %convert_element_type3A = arith.extui %eq3A_39 : i1 to i32
    %cond3A = arith.constant 0 : i32
    %cond3A_40 = arith.cmpi ne, %convert_element_type3A, %cond3A : i32
    scf.if %cond3A_40 {
      "tpu.region"() ({
        %run_scoped3A = tpu.sem_alloc : memref<!tpu.dma_semaphore, #tpu.memory_space<semaphore_mem>>
        tpu.enqueue_dma source(%arg3 : memref<64x128xf32, #tpu.memory_space<hbm>>) target(%arg5 : memref<64x128xf32, #tpu.memory_space<vmem>>) target_semaphore(%run_scoped3A : memref<!tpu.dma_semaphore, #tpu.memory_space<semaphore_mem>>)
        tpu.wait_dma2 semaphore(%run_scoped3A : memref<!tpu.dma_semaphore, #tpu.memory_space<semaphore_mem>>) src(%arg3 : memref<64x128xf32, #tpu.memory_space<hbm>>) dst(%arg5 : memref<64x128xf32, #tpu.memory_space<vmem>>)
        tpu.yield
      }) : () -> ()
      %parallel_loop3A = arith.constant 0 : i32
      %parallel_loop3A_41 = arith.constant 64 : i32
      %parallel_loop3A_42 = arith.constant 1 : i32
      scf.for %parallel_loop3A_46 = %parallel_loop3A to %parallel_loop3A_41 step %parallel_loop3A_42  : i32 {
        %parallel_loop3A_47 = arith.index_cast %parallel_loop3A_46 : i32 to index
        %parallel_loop3A_48 = arith.constant 0 : index
        %parallel_loop3A_49 = tpu.vector_load %arg5[%parallel_loop3A_47, %parallel_loop3A_48] {strides = array<i32>} : memref<64x128xf32, #tpu.memory_space<vmem>>, vector<16xf32>,
        %parallel_loop3A_50 = arith.constant 0 : i32
        %parallel_loop3A_51 = vector.broadcast %parallel_loop3A_50 : i32 to vector<16xi32>
        %parallel_loop3A_52 = arith.addi %iota3A, %parallel_loop3A_51 : vector<16xi32>
        %parallel_loop3A_53 = arith.constant 129 : i32
        %parallel_loop3A_54 = vector.broadcast %parallel_loop3A_53 : i32 to vector<16xi32>
        %parallel_loop3A_55 = arith.muli %parallel_loop3A_52, %parallel_loop3A_54 : vector<16xi32>
        %parallel_loop3A_56 = vector.broadcast %parallel_loop3A_46 : i32 to vector<16xi32>
        %parallel_loop3A_57 = arith.addi %parallel_loop3A_55, %parallel_loop3A_56 : vector<16xi32>
        tpu.vector_store_idx %arg7[%parallel_loop3A_57], %parallel_loop3A_49 : memref<16528xf32, #tpu.memory_space<vmem>>[vector<16xi32>], vector<16xf32>,
        %parallel_loop3A_58 = arith.index_cast %parallel_loop3A_46 : i32 to index
        %parallel_loop3A_59 = arith.constant 16 : index
        %parallel_loop3A_60 = tpu.vector_load %arg5[%parallel_loop3A_58, %parallel_loop3A_59] {strides = array<i32>} : memref<64x128xf32, #tpu.memory_space<vmem>>, vector<16xf32>,
        %parallel_loop3A_61 = arith.constant 16 : i32
        %parallel_loop3A_62 = vector.broadcast %parallel_loop3A_61 : i32 to vector<16xi32>
        %parallel_loop3A_63 = arith.addi %iota3A, %parallel_loop3A_62 : vector<16xi32>
        %parallel_loop3A_64 = arith.constant 129 : i32
        %parallel_loop3A_65 = vector.broadcast %parallel_loop3A_64 : i32 to vector<16xi32>
        %parallel_loop3A_66 = arith.muli %parallel_loop3A_63, %parallel_loop3A_65 : vector<16xi32>
        %parallel_loop3A_67 = vector.broadcast %parallel_loop3A_46 : i32 to vector<16xi32>
        %parallel_loop3A_68 = arith.addi %parallel_loop3A_66, %parallel_loop3A_67 : vector<16xi32>
        tpu.vector_store_idx %arg7[%parallel_loop3A_68], %parallel_loop3A_60 : memref<16528xf32, #tpu.memory_space<vmem>>[vector<16xi32>], vector<16xf32>,
        %parallel_loop3A_69 = arith.index_cast %parallel_loop3A_46 : i32 to index
        %parallel_loop3A_70 = arith.constant 32 : index
        %parallel_loop3A_71 = tpu.vector_load %arg5[%parallel_loop3A_69, %parallel_loop3A_70] {strides = array<i32>} : memref<64x128xf32, #tpu.memory_space<vmem>>, vector<16xf32>,
        %parallel_loop3A_72 = arith.constant 32 : i32
        %parallel_loop3A_73 = vector.broadcast %parallel_loop3A_72 : i32 to vector<16xi32>
        %parallel_loop3A_74 = arith.addi %iota3A, %parallel_loop3A_73 : vector<16xi32>
        %parallel_loop3A_75 = arith.constant 129 : i32
        %parallel_loop3A_76 = vector.broadcast %parallel_loop3A_75 : i32 to vector<16xi32>
        %parallel_loop3A_77 = arith.muli %parallel_loop3A_74, %parallel_loop3A_76 : vector<16xi32>
        %parallel_loop3A_78 = vector.broadcast %parallel_loop3A_46 : i32 to vector<16xi32>
        %parallel_loop3A_79 = arith.addi %parallel_loop3A_77, %parallel_loop3A_78 : vector<16xi32>
        tpu.vector_store_idx %arg7[%parallel_loop3A_79], %parallel_loop3A_71 : memref<16528xf32, #tpu.memory_space<vmem>>[vector<16xi32>], vector<16xf32>,
        %parallel_loop3A_80 = arith.index_cast %parallel_loop3A_46 : i32 to index
        %parallel_loop3A_81 = arith.constant 48 : index
        %parallel_loop3A_82 = tpu.vector_load %arg5[%parallel_loop3A_80, %parallel_loop3A_81] {strides = array<i32>} : memref<64x128xf32, #tpu.memory_space<vmem>>, vector<16xf32>,
        %parallel_loop3A_83 = arith.constant 48 : i32
        %parallel_loop3A_84 = vector.broadcast %parallel_loop3A_83 : i32 to vector<16xi32>
        %parallel_loop3A_85 = arith.addi %iota3A, %parallel_loop3A_84 : vector<16xi32>
        %parallel_loop3A_86 = arith.constant 129 : i32
        %parallel_loop3A_87 = vector.broadcast %parallel_loop3A_86 : i32 to vector<16xi32>
        %parallel_loop3A_88 = arith.muli %parallel_loop3A_85, %parallel_loop3A_87 : vector<16xi32>
        %parallel_loop3A_89 = vector.broadcast %parallel_loop3A_46 : i32 to vector<16xi32>
        %parallel_loop3A_90 = arith.addi %parallel_loop3A_88, %parallel_loop3A_89 : vector<16xi32>
        tpu.vector_store_idx %arg7[%parallel_loop3A_90], %parallel_loop3A_82 : memref<16528xf32, #tpu.memory_space<vmem>>[vector<16xi32>], vector<16xf32>,
        %parallel_loop3A_91 = arith.index_cast %parallel_loop3A_46 : i32 to index
        %parallel_loop3A_92 = arith.constant 64 : index
        %parallel_loop3A_93 = tpu.vector_load %arg5[%parallel_loop3A_91, %parallel_loop3A_92] {strides = array<i32>} : memref<64x128xf32, #tpu.memory_space<vmem>>, vector<16xf32>,
        %parallel_loop3A_94 = arith.constant 64 : i32
        %parallel_loop3A_95 = vector.broadcast %parallel_loop3A_94 : i32 to vector<16xi32>
        %parallel_loop3A_96 = arith.addi %iota3A, %parallel_loop3A_95 : vector<16xi32>
        %parallel_loop3A_97 = arith.constant 129 : i32
        %parallel_loop3A_98 = vector.broadcast %parallel_loop3A_97 : i32 to vector<16xi32>
        %parallel_loop3A_99 = arith.muli %parallel_loop3A_96, %parallel_loop3A_98 : vector<16xi32>
        %parallel_loop3A_100 = vector.broadcast %parallel_loop3A_46 : i32 to vector<16xi32>
        %parallel_loop3A_101 = arith.addi %parallel_loop3A_99, %parallel_loop3A_100 : vector<16xi32>
        tpu.vector_store_idx %arg7[%parallel_loop3A_101], %parallel_loop3A_93 : memref<16528xf32, #tpu.memory_space<vmem>>[vector<16xi32>], vector<16xf32>,
        %parallel_loop3A_102 = arith.index_cast %parallel_loop3A_46 : i32 to index
        %parallel_loop3A_103 = arith.constant 80 : index
        %parallel_loop3A_104 = tpu.vector_load %arg5[%parallel_loop3A_102, %parallel_loop3A_103] {strides = array<i32>} : memref<64x128xf32, #tpu.memory_space<vmem>>, vector<16xf32>,
        %parallel_loop3A_105 = arith.constant 80 : i32
        %parallel_loop3A_106 = vector.broadcast %parallel_loop3A_105 : i32 to vector<16xi32>
        %parallel_loop3A_107 = arith.addi %iota3A, %parallel_loop3A_106 : vector<16xi32>
        %parallel_loop3A_108 = arith.constant 129 : i32
        %parallel_loop3A_109 = vector.broadcast %parallel_loop3A_108 : i32 to vector<16xi32>
        %parallel_loop3A_110 = arith.muli %parallel_loop3A_107, %parallel_loop3A_109 : vector<16xi32>
        %parallel_loop3A_111 = vector.broadcast %parallel_loop3A_46 : i32 to vector<16xi32>
        %parallel_loop3A_112 = arith.addi %parallel_loop3A_110, %parallel_loop3A_111 : vector<16xi32>
        tpu.vector_store_idx %arg7[%parallel_loop3A_112], %parallel_loop3A_104 : memref<16528xf32, #tpu.memory_space<vmem>>[vector<16xi32>], vector<16xf32>,
        %parallel_loop3A_113 = arith.index_cast %parallel_loop3A_46 : i32 to index
        %parallel_loop3A_114 = arith.constant 96 : index
        %parallel_loop3A_115 = tpu.vector_load %arg5[%parallel_loop3A_113, %parallel_loop3A_114] {strides = array<i32>} : memref<64x128xf32, #tpu.memory_space<vmem>>, vector<16xf32>,
        %parallel_loop3A_116 = arith.constant 96 : i32
        %parallel_loop3A_117 = vector.broadcast %parallel_loop3A_116 : i32 to vector<16xi32>
        %parallel_loop3A_118 = arith.addi %iota3A, %parallel_loop3A_117 : vector<16xi32>
        %parallel_loop3A_119 = arith.constant 129 : i32
        %parallel_loop3A_120 = vector.broadcast %parallel_loop3A_119 : i32 to vector<16xi32>
        %parallel_loop3A_121 = arith.muli %parallel_loop3A_118, %parallel_loop3A_120 : vector<16xi32>
        %parallel_loop3A_122 = vector.broadcast %parallel_loop3A_46 : i32 to vector<16xi32>
        %parallel_loop3A_123 = arith.addi %parallel_loop3A_121, %parallel_loop3A_122 : vector<16xi32>
        tpu.vector_store_idx %arg7[%parallel_loop3A_123], %parallel_loop3A_115 : memref<16528xf32, #tpu.memory_space<vmem>>[vector<16xi32>], vector<16xf32>,
        %parallel_loop3A_124 = arith.index_cast %parallel_loop3A_46 : i32 to index
        %parallel_loop3A_125 = arith.constant 112 : index
        %parallel_loop3A_126 = tpu.vector_load %arg5[%parallel_loop3A_124, %parallel_loop3A_125] {strides = array<i32>} : memref<64x128xf32, #tpu.memory_space<vmem>>, vector<16xf32>,
        %parallel_loop3A_127 = arith.constant 112 : i32
        %parallel_loop3A_128 = vector.broadcast %parallel_loop3A_127 : i32 to vector<16xi32>
        %parallel_loop3A_129 = arith.addi %iota3A, %parallel_loop3A_128 : vector<16xi32>
        %parallel_loop3A_130 = arith.constant 129 : i32
        %parallel_loop3A_131 = vector.broadcast %parallel_loop3A_130 : i32 to vector<16xi32>
        %parallel_loop3A_132 = arith.muli %parallel_loop3A_129, %parallel_loop3A_131 : vector<16xi32>
        %parallel_loop3A_133 = vector.broadcast %parallel_loop3A_46 : i32 to vector<16xi32>
        %parallel_loop3A_134 = arith.addi %parallel_loop3A_132, %parallel_loop3A_133 : vector<16xi32>
        tpu.vector_store_idx %arg7[%parallel_loop3A_134], %parallel_loop3A_126 : memref<16528xf32, #tpu.memory_space<vmem>>[vector<16xi32>], vector<16xf32>,
      } {sc.loop_unroll_factor = 4 : i64, sc.parallel_access}
      %parallel_loop3A_43 = arith.constant 0 : i32
      %parallel_loop3A_44 = arith.constant 128 : i32
      %parallel_loop3A_45 = arith.constant 1 : i32
      scf.for %parallel_loop3A_46 = %parallel_loop3A_43 to %parallel_loop3A_44 step %parallel_loop3A_45  : i32 {
        %parallel_loop3A_47 = arith.constant 2 : i32
        %parallel_loop3A_48 = arith.constant 0 : i32
        %parallel_loop3A_49 = arith.cmpi eq, %parallel_loop3A_47, %parallel_loop3A_48 : i32
        %parallel_loop3A_50 = arith.constant 1 : i32
        %parallel_loop3A_51 = arith.select %parallel_loop3A_49, %parallel_loop3A_50, %parallel_loop3A_47 : i32
        %parallel_loop3A_52 = arith.remsi %parallel_loop3A_46, %parallel_loop3A_51 : i32
        %parallel_loop3A_53 = arith.constant 0 : i32
        %parallel_loop3A_54 = arith.cmpi ne, %parallel_loop3A_52, %parallel_loop3A_53 : i32
        %parallel_loop3A_55 = arith.constant 0 : i32
        %parallel_loop3A_56 = arith.cmpi slt, %parallel_loop3A_52, %parallel_loop3A_55 : i32
        %parallel_loop3A_57 = arith.constant 0 : i32
        %parallel_loop3A_58 = arith.cmpi slt, %parallel_loop3A_51, %parallel_loop3A_57 : i32
        %parallel_loop3A_59 = arith.xori %parallel_loop3A_56, %parallel_loop3A_58 : i1
        %parallel_loop3A_60 = arith.andi %parallel_loop3A_59, %parallel_loop3A_54 : i1
        %parallel_loop3A_61 = arith.addi %parallel_loop3A_52, %parallel_loop3A_51 : i32
        %parallel_loop3A_62 = arith.select %parallel_loop3A_60, %parallel_loop3A_61, %parallel_loop3A_52 : i32
        %parallel_loop3A_63 = arith.constant 64 : i32
        %parallel_loop3A_64 = arith.muli %parallel_loop3A_62, %parallel_loop3A_63 : i32
        %parallel_loop3A_65 = arith.constant 129 : i32
        %parallel_loop3A_66 = arith.muli %parallel_loop3A_46, %parallel_loop3A_65 : i32
        %parallel_loop3A_67 = arith.constant 0 : i32
        %parallel_loop3A_68 = arith.addi %parallel_loop3A_66, %parallel_loop3A_67 : i32
        %parallel_loop3A_69 = vector.broadcast %parallel_loop3A_68 : i32 to vector<16xi32>
        %parallel_loop3A_70 = arith.addi %iota3A, %parallel_loop3A_69 : vector<16xi32>
        %parallel_loop3A_71 = tpu.vector_load_idx %arg7[%parallel_loop3A_70] : memref<16528xf32, #tpu.memory_space<vmem>>[vector<16xi32>], vector<16xf32>,
        %parallel_loop3A_72 = arith.constant 2 : i32
        %parallel_loop3A_73 = arith.divsi %parallel_loop3A_46, %parallel_loop3A_72 : i32
        %parallel_loop3A_74 = arith.constant 0 : i32
        %parallel_loop3A_75 = arith.cmpi sgt, %parallel_loop3A_46, %parallel_loop3A_74 : i32
        %parallel_loop3A_76 = arith.extui %parallel_loop3A_75 : i1 to i32
        %parallel_loop3A_77 = arith.constant 0 : i32
        %parallel_loop3A_78 = arith.cmpi slt, %parallel_loop3A_46, %parallel_loop3A_77 : i32
        %parallel_loop3A_79 = arith.extui %parallel_loop3A_78 : i1 to i32
        %parallel_loop3A_80 = arith.subi %parallel_loop3A_76, %parallel_loop3A_79 : i32
        %parallel_loop3A_81 = arith.constant 0 : i32
        %parallel_loop3A_82 = arith.cmpi sgt, %parallel_loop3A_72, %parallel_loop3A_81 : i32
        %parallel_loop3A_83 = arith.extui %parallel_loop3A_82 : i1 to i32
        %parallel_loop3A_84 = arith.constant 0 : i32
        %parallel_loop3A_85 = arith.cmpi slt, %parallel_loop3A_72, %parallel_loop3A_84 : i32
        %parallel_loop3A_86 = arith.extui %parallel_loop3A_85 : i1 to i32
        %parallel_loop3A_87 = arith.subi %parallel_loop3A_83, %parallel_loop3A_86 : i32
        %parallel_loop3A_88 = arith.cmpi ne, %parallel_loop3A_80, %parallel_loop3A_87 : i32
        %parallel_loop3A_89 = arith.remsi %parallel_loop3A_46, %parallel_loop3A_72 : i32
        %parallel_loop3A_90 = arith.constant 0 : i32
        %parallel_loop3A_91 = arith.cmpi ne, %parallel_loop3A_89, %parallel_loop3A_90 : i32
        %parallel_loop3A_92 = arith.andi %parallel_loop3A_88, %parallel_loop3A_91 : i1
        %parallel_loop3A_93 = arith.constant 1 : i32
        %parallel_loop3A_94 = arith.subi %parallel_loop3A_73, %parallel_loop3A_93 : i32
        %parallel_loop3A_95 = arith.select %parallel_loop3A_92, %parallel_loop3A_94, %parallel_loop3A_73 : i32
        %parallel_loop3A_96 = arith.constant 0 : i32
        %parallel_loop3A_97 = arith.addi %parallel_loop3A_64, %parallel_loop3A_96 : i32
        %parallel_loop3A_98 = arith.index_cast %parallel_loop3A_95 : i32 to index
        %parallel_loop3A_99 = arith.index_cast %parallel_loop3A_97 : i32 to index
        %parallel_loop3A_100 = tpu.vector_load %arg9[%parallel_loop3A_98, %parallel_loop3A_99] {strides = array<i32>} : memref<64x128xf32, #tpu.memory_space<vmem>>, vector<16xf32>,
        tpu.vector_store %arg9[%parallel_loop3A_98, %parallel_loop3A_99], %parallel_loop3A_71 {strides = array<i32>} : memref<64x128xf32, #tpu.memory_space<vmem>>, vector<16xf32>,
        %parallel_loop3A_101 = arith.constant 129 : i32
        %parallel_loop3A_102 = arith.muli %parallel_loop3A_46, %parallel_loop3A_101 : i32
        %parallel_loop3A_103 = arith.constant 16 : i32
        %parallel_loop3A_104 = arith.addi %parallel_loop3A_102, %parallel_loop3A_103 : i32
        %parallel_loop3A_105 = vector.broadcast %parallel_loop3A_104 : i32 to vector<16xi32>
        %parallel_loop3A_106 = arith.addi %iota3A, %parallel_loop3A_105 : vector<16xi32>
        %parallel_loop3A_107 = tpu.vector_load_idx %arg7[%parallel_loop3A_106] : memref<16528xf32, #tpu.memory_space<vmem>>[vector<16xi32>], vector<16xf32>,
        %parallel_loop3A_108 = arith.constant 2 : i32
        %parallel_loop3A_109 = arith.divsi %parallel_loop3A_46, %parallel_loop3A_108 : i32
        %parallel_loop3A_110 = arith.constant 0 : i32
        %parallel_loop3A_111 = arith.cmpi sgt, %parallel_loop3A_46, %parallel_loop3A_110 : i32
        %parallel_loop3A_112 = arith.extui %parallel_loop3A_111 : i1 to i32
        %parallel_loop3A_113 = arith.constant 0 : i32
        %parallel_loop3A_114 = arith.cmpi slt, %parallel_loop3A_46, %parallel_loop3A_113 : i32
        %parallel_loop3A_115 = arith.extui %parallel_loop3A_114 : i1 to i32
        %parallel_loop3A_116 = arith.subi %parallel_loop3A_112, %parallel_loop3A_115 : i32
        %parallel_loop3A_117 = arith.constant 0 : i32
        %parallel_loop3A_118 = arith.cmpi sgt, %parallel_loop3A_108, %parallel_loop3A_117 : i32
        %parallel_loop3A_119 = arith.extui %parallel_loop3A_118 : i1 to i32
        %parallel_loop3A_120 = arith.constant 0 : i32
        %parallel_loop3A_121 = arith.cmpi slt, %parallel_loop3A_108, %parallel_loop3A_120 : i32
        %parallel_loop3A_122 = arith.extui %parallel_loop3A_121 : i1 to i32
        %parallel_loop3A_123 = arith.subi %parallel_loop3A_119, %parallel_loop3A_122 : i32
        %parallel_loop3A_124 = arith.cmpi ne, %parallel_loop3A_116, %parallel_loop3A_123 : i32
        %parallel_loop3A_125 = arith.remsi %parallel_loop3A_46, %parallel_loop3A_108 : i32
        %parallel_loop3A_126 = arith.constant 0 : i32
        %parallel_loop3A_127 = arith.cmpi ne, %parallel_loop3A_125, %parallel_loop3A_126 : i32
        %parallel_loop3A_128 = arith.andi %parallel_loop3A_124, %parallel_loop3A_127 : i1
        %parallel_loop3A_129 = arith.constant 1 : i32
        %parallel_loop3A_130 = arith.subi %parallel_loop3A_109, %parallel_loop3A_129 : i32
        %parallel_loop3A_131 = arith.select %parallel_loop3A_128, %parallel_loop3A_130, %parallel_loop3A_109 : i32
        %parallel_loop3A_132 = arith.constant 16 : i32
        %parallel_loop3A_133 = arith.addi %parallel_loop3A_64, %parallel_loop3A_132 : i32
        %parallel_loop3A_134 = arith.index_cast %parallel_loop3A_131 : i32 to index
        %parallel_loop3A_135 = arith.index_cast %parallel_loop3A_133 : i32 to index
        %parallel_loop3A_136 = tpu.vector_load %arg9[%parallel_loop3A_134, %parallel_loop3A_135] {strides = array<i32>} : memref<64x128xf32, #tpu.memory_space<vmem>>, vector<16xf32>,
        tpu.vector_store %arg9[%parallel_loop3A_134, %parallel_loop3A_135], %parallel_loop3A_107 {strides = array<i32>} : memref<64x128xf32, #tpu.memory_space<vmem>>, vector<16xf32>,
        %parallel_loop3A_137 = arith.constant 129 : i32
        %parallel_loop3A_138 = arith.muli %parallel_loop3A_46, %parallel_loop3A_137 : i32
        %parallel_loop3A_139 = arith.constant 32 : i32
        %parallel_loop3A_140 = arith.addi %parallel_loop3A_138, %parallel_loop3A_139 : i32
        %parallel_loop3A_141 = vector.broadcast %parallel_loop3A_140 : i32 to vector<16xi32>
        %parallel_loop3A_142 = arith.addi %iota3A, %parallel_loop3A_141 : vector<16xi32>
        %parallel_loop3A_143 = tpu.vector_load_idx %arg7[%parallel_loop3A_142] : memref<16528xf32, #tpu.memory_space<vmem>>[vector<16xi32>], vector<16xf32>,
        %parallel_loop3A_144 = arith.constant 2 : i32
        %parallel_loop3A_145 = arith.divsi %parallel_loop3A_46, %parallel_loop3A_144 : i32
        %parallel_loop3A_146 = arith.constant 0 : i32
        %parallel_loop3A_147 = arith.cmpi sgt, %parallel_loop3A_46, %parallel_loop3A_146 : i32
        %parallel_loop3A_148 = arith.extui %parallel_loop3A_147 : i1 to i32
        %parallel_loop3A_149 = arith.constant 0 : i32
        %parallel_loop3A_150 = arith.cmpi slt, %parallel_loop3A_46, %parallel_loop3A_149 : i32
        %parallel_loop3A_151 = arith.extui %parallel_loop3A_150 : i1 to i32
        %parallel_loop3A_152 = arith.subi %parallel_loop3A_148, %parallel_loop3A_151 : i32
        %parallel_loop3A_153 = arith.constant 0 : i32
        %parallel_loop3A_154 = arith.cmpi sgt, %parallel_loop3A_144, %parallel_loop3A_153 : i32
        %parallel_loop3A_155 = arith.extui %parallel_loop3A_154 : i1 to i32
        %parallel_loop3A_156 = arith.constant 0 : i32
        %parallel_loop3A_157 = arith.cmpi slt, %parallel_loop3A_144, %parallel_loop3A_156 : i32
        %parallel_loop3A_158 = arith.extui %parallel_loop3A_157 : i1 to i32
        %parallel_loop3A_159 = arith.subi %parallel_loop3A_155, %parallel_loop3A_158 : i32
        %parallel_loop3A_160 = arith.cmpi ne, %parallel_loop3A_152, %parallel_loop3A_159 : i32
        %parallel_loop3A_161 = arith.remsi %parallel_loop3A_46, %parallel_loop3A_144 : i32
        %parallel_loop3A_162 = arith.constant 0 : i32
        %parallel_loop3A_163 = arith.cmpi ne, %parallel_loop3A_161, %parallel_loop3A_162 : i32
        %parallel_loop3A_164 = arith.andi %parallel_loop3A_160, %parallel_loop3A_163 : i1
        %parallel_loop3A_165 = arith.constant 1 : i32
        %parallel_loop3A_166 = arith.subi %parallel_loop3A_145, %parallel_loop3A_165 : i32
        %parallel_loop3A_167 = arith.select %parallel_loop3A_164, %parallel_loop3A_166, %parallel_loop3A_145 : i32
        %parallel_loop3A_168 = arith.constant 32 : i32
        %parallel_loop3A_169 = arith.addi %parallel_loop3A_64, %parallel_loop3A_168 : i32
        %parallel_loop3A_170 = arith.index_cast %parallel_loop3A_167 : i32 to index
        %parallel_loop3A_171 = arith.index_cast %parallel_loop3A_169 : i32 to index
        %parallel_loop3A_172 = tpu.vector_load %arg9[%parallel_loop3A_170, %parallel_loop3A_171] {strides = array<i32>} : memref<64x128xf32, #tpu.memory_space<vmem>>, vector<16xf32>,
        tpu.vector_store %arg9[%parallel_loop3A_170, %parallel_loop3A_171], %parallel_loop3A_143 {strides = array<i32>} : memref<64x128xf32, #tpu.memory_space<vmem>>, vector<16xf32>,
        %parallel_loop3A_173 = arith.constant 129 : i32
        %parallel_loop3A_174 = arith.muli %parallel_loop3A_46, %parallel_loop3A_173 : i32
        %parallel_loop3A_175 = arith.constant 48 : i32
        %parallel_loop3A_176 = arith.addi %parallel_loop3A_174, %parallel_loop3A_175 : i32
        %parallel_loop3A_177 = vector.broadcast %parallel_loop3A_176 : i32 to vector<16xi32>
        %parallel_loop3A_178 = arith.addi %iota3A, %parallel_loop3A_177 : vector<16xi32>
        %parallel_loop3A_179 = tpu.vector_load_idx %arg7[%parallel_loop3A_178] : memref<16528xf32, #tpu.memory_space<vmem>>[vector<16xi32>], vector<16xf32>,
        %parallel_loop3A_180 = arith.constant 2 : i32
        %parallel_loop3A_181 = arith.divsi %parallel_loop3A_46, %parallel_loop3A_180 : i32
        %parallel_loop3A_182 = arith.constant 0 : i32
        %parallel_loop3A_183 = arith.cmpi sgt, %parallel_loop3A_46, %parallel_loop3A_182 : i32
        %parallel_loop3A_184 = arith.extui %parallel_loop3A_183 : i1 to i32
        %parallel_loop3A_185 = arith.constant 0 : i32
        %parallel_loop3A_186 = arith.cmpi slt, %parallel_loop3A_46, %parallel_loop3A_185 : i32
        %parallel_loop3A_187 = arith.extui %parallel_loop3A_186 : i1 to i32
        %parallel_loop3A_188 = arith.subi %parallel_loop3A_184, %parallel_loop3A_187 : i32
        %parallel_loop3A_189 = arith.constant 0 : i32
        %parallel_loop3A_190 = arith.cmpi sgt, %parallel_loop3A_180, %parallel_loop3A_189 : i32
        %parallel_loop3A_191 = arith.extui %parallel_loop3A_190 : i1 to i32
        %parallel_loop3A_192 = arith.constant 0 : i32
        %parallel_loop3A_193 = arith.cmpi slt, %parallel_loop3A_180, %parallel_loop3A_192 : i32
        %parallel_loop3A_194 = arith.extui %parallel_loop3A_193 : i1 to i32
        %parallel_loop3A_195 = arith.subi %parallel_loop3A_191, %parallel_loop3A_194 : i32
        %parallel_loop3A_196 = arith.cmpi ne, %parallel_loop3A_188, %parallel_loop3A_195 : i32
        %parallel_loop3A_197 = arith.remsi %parallel_loop3A_46, %parallel_loop3A_180 : i32
        %parallel_loop3A_198 = arith.constant 0 : i32
        %parallel_loop3A_199 = arith.cmpi ne, %parallel_loop3A_197, %parallel_loop3A_198 : i32
        %parallel_loop3A_200 = arith.andi %parallel_loop3A_196, %parallel_loop3A_199 : i1
        %parallel_loop3A_201 = arith.constant 1 : i32
        %parallel_loop3A_202 = arith.subi %parallel_loop3A_181, %parallel_loop3A_201 : i32
        %parallel_loop3A_203 = arith.select %parallel_loop3A_200, %parallel_loop3A_202, %parallel_loop3A_181 : i32
        %parallel_loop3A_204 = arith.constant 48 : i32
        %parallel_loop3A_205 = arith.addi %parallel_loop3A_64, %parallel_loop3A_204 : i32
        %parallel_loop3A_206 = arith.index_cast %parallel_loop3A_203 : i32 to index
        %parallel_loop3A_207 = arith.index_cast %parallel_loop3A_205 : i32 to index
        %parallel_loop3A_208 = tpu.vector_load %arg9[%parallel_loop3A_206, %parallel_loop3A_207] {strides = array<i32>} : memref<64x128xf32, #tpu.memory_space<vmem>>, vector<16xf32>,
        tpu.vector_store %arg9[%parallel_loop3A_206, %parallel_loop3A_207], %parallel_loop3A_179 {strides = array<i32>} : memref<64x128xf32, #tpu.memory_space<vmem>>, vector<16xf32>,
      } {sc.loop_unroll_factor = 4 : i64, sc.parallel_access}
      "tpu.region"() ({
        %run_scoped3A = tpu.sem_alloc : memref<!tpu.dma_semaphore, #tpu.memory_space<semaphore_mem>>
        %dma_start3A_46 = arith.constant 499936 : i32
        %dma_start3A_47 = arith.constant 0 : i32
        %dma_start3A_48 = tpu.memref_slice %arg4[%dma_start3A_46, %dma_start3A_47] : memref<500000x128xf32, #tpu.memory_space<hbm>> -> memref<64x128xf32, #tpu.memory_space<hbm>>
        %dma_start3A_49 = arith.constant 499936 : i32
        %dma_start3A_50 = arith.constant 0 : i32
        %dma_start3A_51 = tpu.memref_slice %arg4[%dma_start3A_49, %dma_start3A_50] : memref<500000x128xf32, #tpu.memory_space<hbm>> -> memref<64x128xf32, #tpu.memory_space<hbm>>
        tpu.enqueue_dma source(%arg9 : memref<64x128xf32, #tpu.memory_space<vmem>>) target(%dma_start3A_51 : memref<64x128xf32, #tpu.memory_space<hbm>>) target_semaphore(%run_scoped3A : memref<!tpu.dma_semaphore, #tpu.memory_space<semaphore_mem>>)
        %dma_wait3A_52 = arith.constant 499936 : i32
        %dma_wait3A_53 = arith.constant 0 : i32
        %dma_wait3A_54 = tpu.memref_slice %arg4[%dma_wait3A_52, %dma_wait3A_53] : memref<500000x128xf32, #tpu.memory_space<hbm>> -> memref<64x128xf32, #tpu.memory_space<hbm>>
        %dma_wait3A_55 = arith.constant 499936 : i32
        %dma_wait3A_56 = arith.constant 0 : i32
        %dma_wait3A_57 = tpu.memref_slice %arg4[%dma_wait3A_55, %dma_wait3A_56] : memref<500000x128xf32, #tpu.memory_space<hbm>> -> memref<64x128xf32, #tpu.memory_space<hbm>>
        tpu.wait_dma2 semaphore(%run_scoped3A : memref<!tpu.dma_semaphore, #tpu.memory_space<semaphore_mem>>) src(%arg9 : memref<64x128xf32, #tpu.memory_space<vmem>>) dst(%dma_wait3A_57 : memref<64x128xf32, #tpu.memory_space<hbm>>)
        tpu.yield
      }) : () -> ()
    } else {
    }
    return
  }
}

#map = affine_map<(d0, d1) -> (0, 0)>
#map1 = affine_map<(d0, d1) -> (0, 0, 0, 0, 0)>
module attributes {stable_mosaic.version = 14 : i64} {
  func.func @_emb_body(%arg0: i32, %arg1: i32, %arg2: memref<200x4096xi32, #tpu.memory_space<hbm>>, %arg3: memref<1000000x64xf32, #tpu.memory_space<hbm>>, %arg4: memref<200x8x32x8x128xf32, #tpu.memory_space<hbm>>, %arg5: memref<200x128xi32, #tpu.memory_space<vmem>>, %arg6: memref<128x64xf32, #tpu.memory_space<vmem>>, %arg7: memref<128x64xf32, #tpu.memory_space<vmem>>, %arg8: memref<8272xf32, #tpu.memory_space<vmem>>, %arg9: memref<8272xf32, #tpu.memory_space<vmem>>, %arg10: memref<8x8x128xf32, #tpu.memory_space<vmem>>, %arg11: memref<8x8x128xf32, #tpu.memory_space<vmem>>, %arg12: memref<!tpu.dma_semaphore, #tpu.memory_space<semaphore_mem>>, %arg13: memref<!tpu.dma_semaphore, #tpu.memory_space<semaphore_mem>>, %arg14: memref<!tpu.dma_semaphore, #tpu.memory_space<semaphore_mem>>, %arg15: memref<!tpu.dma_semaphore, #tpu.memory_space<semaphore_mem>>) attributes {dimension_semantics = [#tpu.dimension_semantics<core_parallel>, #tpu.dimension_semantics<subcore_parallel>], iteration_bounds = array<i64: 2, 16>, scalar_prefetch = 0 : i64, scratch_operands = 11 : i64, tpu.core_type = #tpu.core_type<sc_vector_subcore>, window_params = [{transform_indices = #map}, {transform_indices = #map}, {transform_indices = #map1}]} {
    %mul3A = arith.constant 2 : i32
    %mul3A_0 = arith.muli %arg1, %mul3A : i32
    %add3A = arith.addi %mul3A_0, %arg0 : i32
    %mul3A_1 = arith.constant 128 : i32
    %mul3A_2 = arith.muli %add3A, %mul3A_1 : i32
    "tpu.region"() ({
      %run_scoped3A = tpu.sem_alloc : memref<!tpu.dma_semaphore, #tpu.memory_space<semaphore_mem>>
      %dma_start3A_47 = arith.constant 0 : i32
      %dma_start3A_48 = tpu.memref_slice %arg2[%dma_start3A_47, %mul3A_2] : memref<200x4096xi32, #tpu.memory_space<hbm>> -> memref<200x128xi32, #tpu.memory_space<hbm>>
      %dma_start3A_49 = arith.constant 0 : i32
      %dma_start3A_50 = tpu.memref_slice %arg2[%dma_start3A_49, %mul3A_2] : memref<200x4096xi32, #tpu.memory_space<hbm>> -> memref<200x128xi32, #tpu.memory_space<hbm>>
      tpu.enqueue_dma source(%dma_start3A_50 : memref<200x128xi32, #tpu.memory_space<hbm>>) target(%arg5 : memref<200x128xi32, #tpu.memory_space<vmem>>) target_semaphore(%run_scoped3A : memref<!tpu.dma_semaphore, #tpu.memory_space<semaphore_mem>>)
      %dma_wait3A_51 = arith.constant 0 : i32
      %dma_wait3A_52 = tpu.memref_slice %arg2[%dma_wait3A_51, %mul3A_2] : memref<200x4096xi32, #tpu.memory_space<hbm>> -> memref<200x128xi32, #tpu.memory_space<hbm>>
      %dma_wait3A_53 = arith.constant 0 : i32
      %dma_wait3A_54 = tpu.memref_slice %arg2[%dma_wait3A_53, %mul3A_2] : memref<200x4096xi32, #tpu.memory_space<hbm>> -> memref<200x128xi32, #tpu.memory_space<hbm>>
      tpu.wait_dma2 semaphore(%run_scoped3A : memref<!tpu.dma_semaphore, #tpu.memory_space<semaphore_mem>>) src(%dma_wait3A_54 : memref<200x128xi32, #tpu.memory_space<hbm>>) dst(%arg5 : memref<200x128xi32, #tpu.memory_space<vmem>>)
      tpu.yield
    }) : () -> ()
    %dma_start3A = arith.constant 0 : i32
    %dma_start3A_3 = arith.constant 0 : i32
    %dma_start3A_4 = tpu.memref_slice %arg5[%dma_start3A, %dma_start3A_3] : memref<200x128xi32, #tpu.memory_space<vmem>> -> memref<1x128xi32, #tpu.memory_space<vmem>>
    %dma_start3A_5 = tpu.memref_squeeze %dma_start3A_4 : memref<1x128xi32, #tpu.memory_space<vmem>> -> memref<128xi32, #tpu.memory_space<vmem>>
    %dma_start3A_6 = arith.constant 0 : i32
    %dma_start3A_7 = arith.constant 0 : i32
    %dma_start3A_8 = tpu.memref_slice %arg3[%dma_start3A_6, %dma_start3A_7] : memref<1000000x64xf32, #tpu.memory_space<hbm>> -> memref<1000000x64xf32, #tpu.memory_space<hbm>>
    tpu.enqueue_indirect_dma source(%dma_start3A_8 : memref<1000000x64xf32, #tpu.memory_space<hbm>>) target(%arg6 : memref<128x64xf32, #tpu.memory_space<vmem>>) offsets(%dma_start3A_5 : memref<128xi32, #tpu.memory_space<vmem>>) semaphore(%arg12 : memref<!tpu.dma_semaphore, #tpu.memory_space<semaphore_mem>>)
    %dma_start3A_9 = arith.constant 1 : i32
    %dma_start3A_10 = arith.constant 0 : i32
    %dma_start3A_11 = tpu.memref_slice %arg5[%dma_start3A_9, %dma_start3A_10] : memref<200x128xi32, #tpu.memory_space<vmem>> -> memref<1x128xi32, #tpu.memory_space<vmem>>
    %dma_start3A_12 = tpu.memref_squeeze %dma_start3A_11 : memref<1x128xi32, #tpu.memory_space<vmem>> -> memref<128xi32, #tpu.memory_space<vmem>>
    %dma_start3A_13 = arith.constant 0 : i32
    %dma_start3A_14 = arith.constant 0 : i32
    %dma_start3A_15 = tpu.memref_slice %arg3[%dma_start3A_13, %dma_start3A_14] : memref<1000000x64xf32, #tpu.memory_space<hbm>> -> memref<1000000x64xf32, #tpu.memory_space<hbm>>
    tpu.enqueue_indirect_dma source(%dma_start3A_15 : memref<1000000x64xf32, #tpu.memory_space<hbm>>) target(%arg7 : memref<128x64xf32, #tpu.memory_space<vmem>>) offsets(%dma_start3A_12 : memref<128xi32, #tpu.memory_space<vmem>>) semaphore(%arg13 : memref<!tpu.dma_semaphore, #tpu.memory_space<semaphore_mem>>)
    %iota3A = tpu.iota {dimensions = array<i32: 0>} : vector<16xi32>
    %mul3A_16 = arith.constant 129 : i32
    %mul3A_17 = vector.broadcast %mul3A_16 : i32 to vector<16xi32>
    %mul3A_18 = arith.muli %iota3A, %mul3A_17 : vector<16xi32>
    %scan3A = arith.constant 0 : i32
    %scan3A_19 = arith.constant 0 : i32
    %scan3A_20 = arith.constant 100 : i32
    %scan3A_21 = arith.addi %scan3A_19, %scan3A_20 : i32
    %scan3A_22 = arith.constant 1 : i32
    scf.for %scan3A_47 = %scan3A_19 to %scan3A_21 step %scan3A_22  : i32 {
      %mul3A_48 = arith.constant 2 : i32
      %mul3A_49 = arith.muli %scan3A_47, %mul3A_48 : i32
      %add3A_50 = arith.constant 0 : i32
      %add3A_51 = arith.addi %mul3A_49, %add3A_50 : i32
      %dma_wait3A_52 = arith.constant 0 : i32
      %dma_wait3A_53 = arith.constant 0 : i32
      %dma_wait3A_54 = tpu.memref_slice %arg5[%dma_wait3A_52, %dma_wait3A_53] : memref<200x128xi32, #tpu.memory_space<vmem>> -> memref<1x128xi32, #tpu.memory_space<vmem>>
      %dma_wait3A_55 = tpu.memref_squeeze %dma_wait3A_54 : memref<1x128xi32, #tpu.memory_space<vmem>> -> memref<128xi32, #tpu.memory_space<vmem>>
      %dma_wait3A_56 = arith.constant 0 : i32
      %dma_wait3A_57 = arith.constant 0 : i32
      %dma_wait3A_58 = tpu.memref_slice %arg3[%dma_wait3A_56, %dma_wait3A_57] : memref<1000000x64xf32, #tpu.memory_space<hbm>> -> memref<1000000x64xf32, #tpu.memory_space<hbm>>
      tpu.wait_indirect_dma semaphore(%arg12 : memref<!tpu.dma_semaphore, #tpu.memory_space<semaphore_mem>>) src(%dma_wait3A_58 : memref<1000000x64xf32, #tpu.memory_space<hbm>>) dst(%arg6 : memref<128x64xf32, #tpu.memory_space<vmem>>)
      %gt3A = arith.constant 0 : i32
      %gt3A_59 = arith.cmpi sgt, %scan3A_47, %gt3A : i32
      %convert_element_type3A = arith.extui %gt3A_59 : i1 to i32
      %cond3A = arith.constant 0 : i32
      %cond3A_60 = arith.cmpi ne, %convert_element_type3A, %cond3A : i32
      scf.if %cond3A_60 {
        %dma_wait3A_117 = arith.constant 0 : i32
        %dma_wait3A_118 = arith.constant 0 : i32
        %dma_wait3A_119 = arith.constant 0 : i32
        %dma_wait3A_120 = arith.constant 0 : i32
        %dma_wait3A_121 = arith.constant 0 : i32
        %dma_wait3A_122 = tpu.memref_slice %arg4[%dma_wait3A_117, %dma_wait3A_119, %dma_wait3A_118, %dma_wait3A_120, %dma_wait3A_121] : memref<200x8x32x8x128xf32, #tpu.memory_space<hbm>> -> memref<1x8x1x8x128xf32, #tpu.memory_space<hbm>>
        %dma_wait3A_123 = tpu.memref_squeeze %dma_wait3A_122 : memref<1x8x1x8x128xf32, #tpu.memory_space<hbm>> -> memref<8x8x128xf32, #tpu.memory_space<hbm>>
        %dma_wait3A_124 = arith.constant 0 : i32
        %dma_wait3A_125 = arith.constant 0 : i32
        %dma_wait3A_126 = arith.constant 0 : i32
        %dma_wait3A_127 = tpu.memref_slice %arg4[%dma_wait3A_117, %dma_wait3A_124, %dma_wait3A_118, %dma_wait3A_125, %dma_wait3A_126] : memref<200x8x32x8x128xf32, #tpu.memory_space<hbm>> -> memref<1x8x1x8x128xf32, #tpu.memory_space<hbm>>
        %dma_wait3A_128 = tpu.memref_squeeze %dma_wait3A_127 : memref<1x8x1x8x128xf32, #tpu.memory_space<hbm>> -> memref<8x8x128xf32, #tpu.memory_space<hbm>>
        tpu.wait_dma2 semaphore(%arg14 : memref<!tpu.dma_semaphore, #tpu.memory_space<semaphore_mem>>) src(%arg10 : memref<8x8x128xf32, #tpu.memory_space<vmem>>) dst(%dma_wait3A_128 : memref<8x8x128xf32, #tpu.memory_space<hbm>>)
      } else {
      }
      %parallel_loop3A = arith.constant 0 : i32
      %parallel_loop3A_61 = arith.constant 128 : i32
      %parallel_loop3A_62 = arith.constant 1 : i32
      scf.for %parallel_loop3A_117 = %parallel_loop3A to %parallel_loop3A_61 step %parallel_loop3A_62  : i32 {
        %parallel_loop3A_118 = arith.index_cast %parallel_loop3A_117 : i32 to index
        %parallel_loop3A_119 = arith.constant 0 : index
        %parallel_loop3A_120 = tpu.vector_load %arg6[%parallel_loop3A_118, %parallel_loop3A_119] {strides = array<i32>} : memref<128x64xf32, #tpu.memory_space<vmem>>, vector<16xf32>,
        %parallel_loop3A_121 = arith.constant 0 : i32
        %parallel_loop3A_122 = arith.addi %parallel_loop3A_121, %parallel_loop3A_117 : i32
        %parallel_loop3A_123 = vector.broadcast %parallel_loop3A_122 : i32 to vector<16xi32>
        %parallel_loop3A_124 = arith.addi %mul3A_18, %parallel_loop3A_123 : vector<16xi32>
        %parallel_loop3A_125 = arith.constant 8.000000e+00 : f32
        %parallel_loop3A_126 = vector.broadcast %parallel_loop3A_125 : f32 to vector<16xf32>
        %parallel_loop3A_127 = arith.mulf %parallel_loop3A_120, %parallel_loop3A_126 : vector<16xf32>
        tpu.vector_store_idx %arg8[%parallel_loop3A_124], %parallel_loop3A_127 : memref<8272xf32, #tpu.memory_space<vmem>>[vector<16xi32>], vector<16xf32>,
        %parallel_loop3A_128 = arith.index_cast %parallel_loop3A_117 : i32 to index
        %parallel_loop3A_129 = arith.constant 16 : index
        %parallel_loop3A_130 = tpu.vector_load %arg6[%parallel_loop3A_128, %parallel_loop3A_129] {strides = array<i32>} : memref<128x64xf32, #tpu.memory_space<vmem>>, vector<16xf32>,
        %parallel_loop3A_131 = arith.constant 2064 : i32
        %parallel_loop3A_132 = arith.addi %parallel_loop3A_131, %parallel_loop3A_117 : i32
        %parallel_loop3A_133 = vector.broadcast %parallel_loop3A_132 : i32 to vector<16xi32>
        %parallel_loop3A_134 = arith.addi %mul3A_18, %parallel_loop3A_133 : vector<16xi32>
        %parallel_loop3A_135 = arith.constant 8.000000e+00 : f32
        %parallel_loop3A_136 = vector.broadcast %parallel_loop3A_135 : f32 to vector<16xf32>
        %parallel_loop3A_137 = arith.mulf %parallel_loop3A_130, %parallel_loop3A_136 : vector<16xf32>
        tpu.vector_store_idx %arg8[%parallel_loop3A_134], %parallel_loop3A_137 : memref<8272xf32, #tpu.memory_space<vmem>>[vector<16xi32>], vector<16xf32>,
        %parallel_loop3A_138 = arith.index_cast %parallel_loop3A_117 : i32 to index
        %parallel_loop3A_139 = arith.constant 32 : index
        %parallel_loop3A_140 = tpu.vector_load %arg6[%parallel_loop3A_138, %parallel_loop3A_139] {strides = array<i32>} : memref<128x64xf32, #tpu.memory_space<vmem>>, vector<16xf32>,
        %parallel_loop3A_141 = arith.constant 4128 : i32
        %parallel_loop3A_142 = arith.addi %parallel_loop3A_141, %parallel_loop3A_117 : i32
        %parallel_loop3A_143 = vector.broadcast %parallel_loop3A_142 : i32 to vector<16xi32>
        %parallel_loop3A_144 = arith.addi %mul3A_18, %parallel_loop3A_143 : vector<16xi32>
        %parallel_loop3A_145 = arith.constant 8.000000e+00 : f32
        %parallel_loop3A_146 = vector.broadcast %parallel_loop3A_145 : f32 to vector<16xf32>
        %parallel_loop3A_147 = arith.mulf %parallel_loop3A_140, %parallel_loop3A_146 : vector<16xf32>
        tpu.vector_store_idx %arg8[%parallel_loop3A_144], %parallel_loop3A_147 : memref<8272xf32, #tpu.memory_space<vmem>>[vector<16xi32>], vector<16xf32>,
        %parallel_loop3A_148 = arith.index_cast %parallel_loop3A_117 : i32 to index
        %parallel_loop3A_149 = arith.constant 48 : index
        %parallel_loop3A_150 = tpu.vector_load %arg6[%parallel_loop3A_148, %parallel_loop3A_149] {strides = array<i32>} : memref<128x64xf32, #tpu.memory_space<vmem>>, vector<16xf32>,
        %parallel_loop3A_151 = arith.constant 6192 : i32
        %parallel_loop3A_152 = arith.addi %parallel_loop3A_151, %parallel_loop3A_117 : i32
        %parallel_loop3A_153 = vector.broadcast %parallel_loop3A_152 : i32 to vector<16xi32>
        %parallel_loop3A_154 = arith.addi %mul3A_18, %parallel_loop3A_153 : vector<16xi32>
        %parallel_loop3A_155 = arith.constant 8.000000e+00 : f32
        %parallel_loop3A_156 = vector.broadcast %parallel_loop3A_155 : f32 to vector<16xf32>
        %parallel_loop3A_157 = arith.mulf %parallel_loop3A_150, %parallel_loop3A_156 : vector<16xf32>
        tpu.vector_store_idx %arg8[%parallel_loop3A_154], %parallel_loop3A_157 : memref<8272xf32, #tpu.memory_space<vmem>>[vector<16xi32>], vector<16xf32>,
      } {sc.loop_unroll_factor = 4 : i64, sc.parallel_access}
      %parallel_loop3A_63 = arith.constant 0 : i32
      %parallel_loop3A_64 = arith.constant 64 : i32
      %parallel_loop3A_65 = arith.constant 1 : i32
      scf.for %parallel_loop3A_117 = %parallel_loop3A_63 to %parallel_loop3A_64 step %parallel_loop3A_65  : i32 {
        %parallel_loop3A_118 = arith.constant 129 : i32
        %parallel_loop3A_119 = arith.muli %parallel_loop3A_117, %parallel_loop3A_118 : i32
        %parallel_loop3A_120 = vector.broadcast %parallel_loop3A_119 : i32 to vector<16xi32>
        %parallel_loop3A_121 = arith.addi %iota3A, %parallel_loop3A_120 : vector<16xi32>
        %parallel_loop3A_122 = arith.constant 0 : i32
        %parallel_loop3A_123 = vector.broadcast %parallel_loop3A_122 : i32 to vector<16xi32>
        %parallel_loop3A_124 = arith.addi %parallel_loop3A_121, %parallel_loop3A_123 : vector<16xi32>
        %parallel_loop3A_125 = tpu.vector_load_idx %arg8[%parallel_loop3A_124] : memref<8272xf32, #tpu.memory_space<vmem>>[vector<16xi32>], vector<16xf32>,
        %parallel_loop3A_126 = arith.constant 8 : i32
        %parallel_loop3A_127 = arith.divsi %parallel_loop3A_117, %parallel_loop3A_126 : i32
        %parallel_loop3A_128 = arith.constant 0 : i32
        %parallel_loop3A_129 = arith.cmpi sgt, %parallel_loop3A_117, %parallel_loop3A_128 : i32
        %parallel_loop3A_130 = arith.extui %parallel_loop3A_129 : i1 to i32
        %parallel_loop3A_131 = arith.constant 0 : i32
        %parallel_loop3A_132 = arith.cmpi slt, %parallel_loop3A_117, %parallel_loop3A_131 : i32
        %parallel_loop3A_133 = arith.extui %parallel_loop3A_132 : i1 to i32
        %parallel_loop3A_134 = arith.subi %parallel_loop3A_130, %parallel_loop3A_133 : i32
        %parallel_loop3A_135 = arith.constant 0 : i32
        %parallel_loop3A_136 = arith.cmpi sgt, %parallel_loop3A_126, %parallel_loop3A_135 : i32
        %parallel_loop3A_137 = arith.extui %parallel_loop3A_136 : i1 to i32
        %parallel_loop3A_138 = arith.constant 0 : i32
        %parallel_loop3A_139 = arith.cmpi slt, %parallel_loop3A_126, %parallel_loop3A_138 : i32
        %parallel_loop3A_140 = arith.extui %parallel_loop3A_139 : i1 to i32
        %parallel_loop3A_141 = arith.subi %parallel_loop3A_137, %parallel_loop3A_140 : i32
        %parallel_loop3A_142 = arith.cmpi ne, %parallel_loop3A_134, %parallel_loop3A_141 : i32
        %parallel_loop3A_143 = arith.remsi %parallel_loop3A_117, %parallel_loop3A_126 : i32
        %parallel_loop3A_144 = arith.constant 0 : i32
        %parallel_loop3A_145 = arith.cmpi ne, %parallel_loop3A_143, %parallel_loop3A_144 : i32
        %parallel_loop3A_146 = arith.andi %parallel_loop3A_142, %parallel_loop3A_145 : i1
        %parallel_loop3A_147 = arith.constant 1 : i32
        %parallel_loop3A_148 = arith.subi %parallel_loop3A_127, %parallel_loop3A_147 : i32
        %parallel_loop3A_149 = arith.select %parallel_loop3A_146, %parallel_loop3A_148, %parallel_loop3A_127 : i32
        %parallel_loop3A_150 = arith.constant 8 : i32
        %parallel_loop3A_151 = arith.constant 0 : i32
        %parallel_loop3A_152 = arith.cmpi eq, %parallel_loop3A_150, %parallel_loop3A_151 : i32
        %parallel_loop3A_153 = arith.constant 1 : i32
        %parallel_loop3A_154 = arith.select %parallel_loop3A_152, %parallel_loop3A_153, %parallel_loop3A_150 : i32
        %parallel_loop3A_155 = arith.remsi %parallel_loop3A_117, %parallel_loop3A_154 : i32
        %parallel_loop3A_156 = arith.constant 0 : i32
        %parallel_loop3A_157 = arith.cmpi ne, %parallel_loop3A_155, %parallel_loop3A_156 : i32
        %parallel_loop3A_158 = arith.constant 0 : i32
        %parallel_loop3A_159 = arith.cmpi slt, %parallel_loop3A_155, %parallel_loop3A_158 : i32
        %parallel_loop3A_160 = arith.constant 0 : i32
        %parallel_loop3A_161 = arith.cmpi slt, %parallel_loop3A_154, %parallel_loop3A_160 : i32
        %parallel_loop3A_162 = arith.xori %parallel_loop3A_159, %parallel_loop3A_161 : i1
        %parallel_loop3A_163 = arith.andi %parallel_loop3A_162, %parallel_loop3A_157 : i1
        %parallel_loop3A_164 = arith.addi %parallel_loop3A_155, %parallel_loop3A_154 : i32
        %parallel_loop3A_165 = arith.select %parallel_loop3A_163, %parallel_loop3A_164, %parallel_loop3A_155 : i32
        %parallel_loop3A_166 = arith.index_cast %parallel_loop3A_149 : i32 to index
        %parallel_loop3A_167 = arith.index_cast %parallel_loop3A_165 : i32 to index
        %parallel_loop3A_168 = arith.constant 0 : index
        %parallel_loop3A_169 = tpu.vector_load %arg10[%parallel_loop3A_166, %parallel_loop3A_167, %parallel_loop3A_168] {strides = array<i32>} : memref<8x8x128xf32, #tpu.memory_space<vmem>>, vector<16xf32>,
        tpu.vector_store %arg10[%parallel_loop3A_166, %parallel_loop3A_167, %parallel_loop3A_168], %parallel_loop3A_125 {strides = array<i32>} : memref<8x8x128xf32, #tpu.memory_space<vmem>>, vector<16xf32>,
        %parallel_loop3A_170 = arith.constant 16 : i32
        %parallel_loop3A_171 = vector.broadcast %parallel_loop3A_170 : i32 to vector<16xi32>
        %parallel_loop3A_172 = arith.addi %parallel_loop3A_121, %parallel_loop3A_171 : vector<16xi32>
        %parallel_loop3A_173 = tpu.vector_load_idx %arg8[%parallel_loop3A_172] : memref<8272xf32, #tpu.memory_space<vmem>>[vector<16xi32>], vector<16xf32>,
        %parallel_loop3A_174 = arith.constant 8 : i32
        %parallel_loop3A_175 = arith.divsi %parallel_loop3A_117, %parallel_loop3A_174 : i32
        %parallel_loop3A_176 = arith.constant 0 : i32
        %parallel_loop3A_177 = arith.cmpi sgt, %parallel_loop3A_117, %parallel_loop3A_176 : i32
        %parallel_loop3A_178 = arith.extui %parallel_loop3A_177 : i1 to i32
        %parallel_loop3A_179 = arith.constant 0 : i32
        %parallel_loop3A_180 = arith.cmpi slt, %parallel_loop3A_117, %parallel_loop3A_179 : i32
        %parallel_loop3A_181 = arith.extui %parallel_loop3A_180 : i1 to i32
        %parallel_loop3A_182 = arith.subi %parallel_loop3A_178, %parallel_loop3A_181 : i32
        %parallel_loop3A_183 = arith.constant 0 : i32
        %parallel_loop3A_184 = arith.cmpi sgt, %parallel_loop3A_174, %parallel_loop3A_183 : i32
        %parallel_loop3A_185 = arith.extui %parallel_loop3A_184 : i1 to i32
        %parallel_loop3A_186 = arith.constant 0 : i32
        %parallel_loop3A_187 = arith.cmpi slt, %parallel_loop3A_174, %parallel_loop3A_186 : i32
        %parallel_loop3A_188 = arith.extui %parallel_loop3A_187 : i1 to i32
        %parallel_loop3A_189 = arith.subi %parallel_loop3A_185, %parallel_loop3A_188 : i32
        %parallel_loop3A_190 = arith.cmpi ne, %parallel_loop3A_182, %parallel_loop3A_189 : i32
        %parallel_loop3A_191 = arith.remsi %parallel_loop3A_117, %parallel_loop3A_174 : i32
        %parallel_loop3A_192 = arith.constant 0 : i32
        %parallel_loop3A_193 = arith.cmpi ne, %parallel_loop3A_191, %parallel_loop3A_192 : i32
        %parallel_loop3A_194 = arith.andi %parallel_loop3A_190, %parallel_loop3A_193 : i1
        %parallel_loop3A_195 = arith.constant 1 : i32
        %parallel_loop3A_196 = arith.subi %parallel_loop3A_175, %parallel_loop3A_195 : i32
        %parallel_loop3A_197 = arith.select %parallel_loop3A_194, %parallel_loop3A_196, %parallel_loop3A_175 : i32
        %parallel_loop3A_198 = arith.constant 8 : i32
        %parallel_loop3A_199 = arith.constant 0 : i32
        %parallel_loop3A_200 = arith.cmpi eq, %parallel_loop3A_198, %parallel_loop3A_199 : i32
        %parallel_loop3A_201 = arith.constant 1 : i32
        %parallel_loop3A_202 = arith.select %parallel_loop3A_200, %parallel_loop3A_201, %parallel_loop3A_198 : i32
        %parallel_loop3A_203 = arith.remsi %parallel_loop3A_117, %parallel_loop3A_202 : i32
        %parallel_loop3A_204 = arith.constant 0 : i32
        %parallel_loop3A_205 = arith.cmpi ne, %parallel_loop3A_203, %parallel_loop3A_204 : i32
        %parallel_loop3A_206 = arith.constant 0 : i32
        %parallel_loop3A_207 = arith.cmpi slt, %parallel_loop3A_203, %parallel_loop3A_206 : i32
        %parallel_loop3A_208 = arith.constant 0 : i32
        %parallel_loop3A_209 = arith.cmpi slt, %parallel_loop3A_202, %parallel_loop3A_208 : i32
        %parallel_loop3A_210 = arith.xori %parallel_loop3A_207, %parallel_loop3A_209 : i1
        %parallel_loop3A_211 = arith.andi %parallel_loop3A_210, %parallel_loop3A_205 : i1
        %parallel_loop3A_212 = arith.addi %parallel_loop3A_203, %parallel_loop3A_202 : i32
        %parallel_loop3A_213 = arith.select %parallel_loop3A_211, %parallel_loop3A_212, %parallel_loop3A_203 : i32
        %parallel_loop3A_214 = arith.index_cast %parallel_loop3A_197 : i32 to index
        %parallel_loop3A_215 = arith.index_cast %parallel_loop3A_213 : i32 to index
        %parallel_loop3A_216 = arith.constant 16 : index
        %parallel_loop3A_217 = tpu.vector_load %arg10[%parallel_loop3A_214, %parallel_loop3A_215, %parallel_loop3A_216] {strides = array<i32>} : memref<8x8x128xf32, #tpu.memory_space<vmem>>, vector<16xf32>,
        tpu.vector_store %arg10[%parallel_loop3A_214, %parallel_loop3A_215, %parallel_loop3A_216], %parallel_loop3A_173 {strides = array<i32>} : memref<8x8x128xf32, #tpu.memory_space<vmem>>, vector<16xf32>,
        %parallel_loop3A_218 = arith.constant 32 : i32
        %parallel_loop3A_219 = vector.broadcast %parallel_loop3A_218 : i32 to vector<16xi32>
        %parallel_loop3A_220 = arith.addi %parallel_loop3A_121, %parallel_loop3A_219 : vector<16xi32>
        %parallel_loop3A_221 = tpu.vector_load_idx %arg8[%parallel_loop3A_220] : memref<8272xf32, #tpu.memory_space<vmem>>[vector<16xi32>], vector<16xf32>,
        %parallel_loop3A_222 = arith.constant 8 : i32
        %parallel_loop3A_223 = arith.divsi %parallel_loop3A_117, %parallel_loop3A_222 : i32
        %parallel_loop3A_224 = arith.constant 0 : i32
        %parallel_loop3A_225 = arith.cmpi sgt, %parallel_loop3A_117, %parallel_loop3A_224 : i32
        %parallel_loop3A_226 = arith.extui %parallel_loop3A_225 : i1 to i32
        %parallel_loop3A_227 = arith.constant 0 : i32
        %parallel_loop3A_228 = arith.cmpi slt, %parallel_loop3A_117, %parallel_loop3A_227 : i32
        %parallel_loop3A_229 = arith.extui %parallel_loop3A_228 : i1 to i32
        %parallel_loop3A_230 = arith.subi %parallel_loop3A_226, %parallel_loop3A_229 : i32
        %parallel_loop3A_231 = arith.constant 0 : i32
        %parallel_loop3A_232 = arith.cmpi sgt, %parallel_loop3A_222, %parallel_loop3A_231 : i32
        %parallel_loop3A_233 = arith.extui %parallel_loop3A_232 : i1 to i32
        %parallel_loop3A_234 = arith.constant 0 : i32
        %parallel_loop3A_235 = arith.cmpi slt, %parallel_loop3A_222, %parallel_loop3A_234 : i32
        %parallel_loop3A_236 = arith.extui %parallel_loop3A_235 : i1 to i32
        %parallel_loop3A_237 = arith.subi %parallel_loop3A_233, %parallel_loop3A_236 : i32
        %parallel_loop3A_238 = arith.cmpi ne, %parallel_loop3A_230, %parallel_loop3A_237 : i32
        %parallel_loop3A_239 = arith.remsi %parallel_loop3A_117, %parallel_loop3A_222 : i32
        %parallel_loop3A_240 = arith.constant 0 : i32
        %parallel_loop3A_241 = arith.cmpi ne, %parallel_loop3A_239, %parallel_loop3A_240 : i32
        %parallel_loop3A_242 = arith.andi %parallel_loop3A_238, %parallel_loop3A_241 : i1
        %parallel_loop3A_243 = arith.constant 1 : i32
        %parallel_loop3A_244 = arith.subi %parallel_loop3A_223, %parallel_loop3A_243 : i32
        %parallel_loop3A_245 = arith.select %parallel_loop3A_242, %parallel_loop3A_244, %parallel_loop3A_223 : i32
        %parallel_loop3A_246 = arith.constant 8 : i32
        %parallel_loop3A_247 = arith.constant 0 : i32
        %parallel_loop3A_248 = arith.cmpi eq, %parallel_loop3A_246, %parallel_loop3A_247 : i32
        %parallel_loop3A_249 = arith.constant 1 : i32
        %parallel_loop3A_250 = arith.select %parallel_loop3A_248, %parallel_loop3A_249, %parallel_loop3A_246 : i32
        %parallel_loop3A_251 = arith.remsi %parallel_loop3A_117, %parallel_loop3A_250 : i32
        %parallel_loop3A_252 = arith.constant 0 : i32
        %parallel_loop3A_253 = arith.cmpi ne, %parallel_loop3A_251, %parallel_loop3A_252 : i32
        %parallel_loop3A_254 = arith.constant 0 : i32
        %parallel_loop3A_255 = arith.cmpi slt, %parallel_loop3A_251, %parallel_loop3A_254 : i32
        %parallel_loop3A_256 = arith.constant 0 : i32
        %parallel_loop3A_257 = arith.cmpi slt, %parallel_loop3A_250, %parallel_loop3A_256 : i32
        %parallel_loop3A_258 = arith.xori %parallel_loop3A_255, %parallel_loop3A_257 : i1
        %parallel_loop3A_259 = arith.andi %parallel_loop3A_258, %parallel_loop3A_253 : i1
        %parallel_loop3A_260 = arith.addi %parallel_loop3A_251, %parallel_loop3A_250 : i32
        %parallel_loop3A_261 = arith.select %parallel_loop3A_259, %parallel_loop3A_260, %parallel_loop3A_251 : i32
        %parallel_loop3A_262 = arith.index_cast %parallel_loop3A_245 : i32 to index
        %parallel_loop3A_263 = arith.index_cast %parallel_loop3A_261 : i32 to index
        %parallel_loop3A_264 = arith.constant 32 : index
        %parallel_loop3A_265 = tpu.vector_load %arg10[%parallel_loop3A_262, %parallel_loop3A_263, %parallel_loop3A_264] {strides = array<i32>} : memref<8x8x128xf32, #tpu.memory_space<vmem>>, vector<16xf32>,
        tpu.vector_store %arg10[%parallel_loop3A_262, %parallel_loop3A_263, %parallel_loop3A_264], %parallel_loop3A_221 {strides = array<i32>} : memref<8x8x128xf32, #tpu.memory_space<vmem>>, vector<16xf32>,
        %parallel_loop3A_266 = arith.constant 48 : i32
        %parallel_loop3A_267 = vector.broadcast %parallel_loop3A_266 : i32 to vector<16xi32>
        %parallel_loop3A_268 = arith.addi %parallel_loop3A_121, %parallel_loop3A_267 : vector<16xi32>
        %parallel_loop3A_269 = tpu.vector_load_idx %arg8[%parallel_loop3A_268] : memref<8272xf32, #tpu.memory_space<vmem>>[vector<16xi32>], vector<16xf32>,
        %parallel_loop3A_270 = arith.constant 8 : i32
        %parallel_loop3A_271 = arith.divsi %parallel_loop3A_117, %parallel_loop3A_270 : i32
        %parallel_loop3A_272 = arith.constant 0 : i32
        %parallel_loop3A_273 = arith.cmpi sgt, %parallel_loop3A_117, %parallel_loop3A_272 : i32
        %parallel_loop3A_274 = arith.extui %parallel_loop3A_273 : i1 to i32
        %parallel_loop3A_275 = arith.constant 0 : i32
        %parallel_loop3A_276 = arith.cmpi slt, %parallel_loop3A_117, %parallel_loop3A_275 : i32
        %parallel_loop3A_277 = arith.extui %parallel_loop3A_276 : i1 to i32
        %parallel_loop3A_278 = arith.subi %parallel_loop3A_274, %parallel_loop3A_277 : i32
        %parallel_loop3A_279 = arith.constant 0 : i32
        %parallel_loop3A_280 = arith.cmpi sgt, %parallel_loop3A_270, %parallel_loop3A_279 : i32
        %parallel_loop3A_281 = arith.extui %parallel_loop3A_280 : i1 to i32
        %parallel_loop3A_282 = arith.constant 0 : i32
        %parallel_loop3A_283 = arith.cmpi slt, %parallel_loop3A_270, %parallel_loop3A_282 : i32
        %parallel_loop3A_284 = arith.extui %parallel_loop3A_283 : i1 to i32
        %parallel_loop3A_285 = arith.subi %parallel_loop3A_281, %parallel_loop3A_284 : i32
        %parallel_loop3A_286 = arith.cmpi ne, %parallel_loop3A_278, %parallel_loop3A_285 : i32
        %parallel_loop3A_287 = arith.remsi %parallel_loop3A_117, %parallel_loop3A_270 : i32
        %parallel_loop3A_288 = arith.constant 0 : i32
        %parallel_loop3A_289 = arith.cmpi ne, %parallel_loop3A_287, %parallel_loop3A_288 : i32
        %parallel_loop3A_290 = arith.andi %parallel_loop3A_286, %parallel_loop3A_289 : i1
        %parallel_loop3A_291 = arith.constant 1 : i32
        %parallel_loop3A_292 = arith.subi %parallel_loop3A_271, %parallel_loop3A_291 : i32
        %parallel_loop3A_293 = arith.select %parallel_loop3A_290, %parallel_loop3A_292, %parallel_loop3A_271 : i32
        %parallel_loop3A_294 = arith.constant 8 : i32
        %parallel_loop3A_295 = arith.constant 0 : i32
        %parallel_loop3A_296 = arith.cmpi eq, %parallel_loop3A_294, %parallel_loop3A_295 : i32
        %parallel_loop3A_297 = arith.constant 1 : i32
        %parallel_loop3A_298 = arith.select %parallel_loop3A_296, %parallel_loop3A_297, %parallel_loop3A_294 : i32
        %parallel_loop3A_299 = arith.remsi %parallel_loop3A_117, %parallel_loop3A_298 : i32
        %parallel_loop3A_300 = arith.constant 0 : i32
        %parallel_loop3A_301 = arith.cmpi ne, %parallel_loop3A_299, %parallel_loop3A_300 : i32
        %parallel_loop3A_302 = arith.constant 0 : i32
        %parallel_loop3A_303 = arith.cmpi slt, %parallel_loop3A_299, %parallel_loop3A_302 : i32
        %parallel_loop3A_304 = arith.constant 0 : i32
        %parallel_loop3A_305 = arith.cmpi slt, %parallel_loop3A_298, %parallel_loop3A_304 : i32
        %parallel_loop3A_306 = arith.xori %parallel_loop3A_303, %parallel_loop3A_305 : i1
        %parallel_loop3A_307 = arith.andi %parallel_loop3A_306, %parallel_loop3A_301 : i1
        %parallel_loop3A_308 = arith.addi %parallel_loop3A_299, %parallel_loop3A_298 : i32
        %parallel_loop3A_309 = arith.select %parallel_loop3A_307, %parallel_loop3A_308, %parallel_loop3A_299 : i32
        %parallel_loop3A_310 = arith.index_cast %parallel_loop3A_293 : i32 to index
        %parallel_loop3A_311 = arith.index_cast %parallel_loop3A_309 : i32 to index
        %parallel_loop3A_312 = arith.constant 48 : index
        %parallel_loop3A_313 = tpu.vector_load %arg10[%parallel_loop3A_310, %parallel_loop3A_311, %parallel_loop3A_312] {strides = array<i32>} : memref<8x8x128xf32, #tpu.memory_space<vmem>>, vector<16xf32>,
        tpu.vector_store %arg10[%parallel_loop3A_310, %parallel_loop3A_311, %parallel_loop3A_312], %parallel_loop3A_269 {strides = array<i32>} : memref<8x8x128xf32, #tpu.memory_space<vmem>>, vector<16xf32>,
        %parallel_loop3A_314 = arith.constant 64 : i32
        %parallel_loop3A_315 = vector.broadcast %parallel_loop3A_314 : i32 to vector<16xi32>
        %parallel_loop3A_316 = arith.addi %parallel_loop3A_121, %parallel_loop3A_315 : vector<16xi32>
        %parallel_loop3A_317 = tpu.vector_load_idx %arg8[%parallel_loop3A_316] : memref<8272xf32, #tpu.memory_space<vmem>>[vector<16xi32>], vector<16xf32>,
        %parallel_loop3A_318 = arith.constant 8 : i32
        %parallel_loop3A_319 = arith.divsi %parallel_loop3A_117, %parallel_loop3A_318 : i32
        %parallel_loop3A_320 = arith.constant 0 : i32
        %parallel_loop3A_321 = arith.cmpi sgt, %parallel_loop3A_117, %parallel_loop3A_320 : i32
        %parallel_loop3A_322 = arith.extui %parallel_loop3A_321 : i1 to i32
        %parallel_loop3A_323 = arith.constant 0 : i32
        %parallel_loop3A_324 = arith.cmpi slt, %parallel_loop3A_117, %parallel_loop3A_323 : i32
        %parallel_loop3A_325 = arith.extui %parallel_loop3A_324 : i1 to i32
        %parallel_loop3A_326 = arith.subi %parallel_loop3A_322, %parallel_loop3A_325 : i32
        %parallel_loop3A_327 = arith.constant 0 : i32
        %parallel_loop3A_328 = arith.cmpi sgt, %parallel_loop3A_318, %parallel_loop3A_327 : i32
        %parallel_loop3A_329 = arith.extui %parallel_loop3A_328 : i1 to i32
        %parallel_loop3A_330 = arith.constant 0 : i32
        %parallel_loop3A_331 = arith.cmpi slt, %parallel_loop3A_318, %parallel_loop3A_330 : i32
        %parallel_loop3A_332 = arith.extui %parallel_loop3A_331 : i1 to i32
        %parallel_loop3A_333 = arith.subi %parallel_loop3A_329, %parallel_loop3A_332 : i32
        %parallel_loop3A_334 = arith.cmpi ne, %parallel_loop3A_326, %parallel_loop3A_333 : i32
        %parallel_loop3A_335 = arith.remsi %parallel_loop3A_117, %parallel_loop3A_318 : i32
        %parallel_loop3A_336 = arith.constant 0 : i32
        %parallel_loop3A_337 = arith.cmpi ne, %parallel_loop3A_335, %parallel_loop3A_336 : i32
        %parallel_loop3A_338 = arith.andi %parallel_loop3A_334, %parallel_loop3A_337 : i1
        %parallel_loop3A_339 = arith.constant 1 : i32
        %parallel_loop3A_340 = arith.subi %parallel_loop3A_319, %parallel_loop3A_339 : i32
        %parallel_loop3A_341 = arith.select %parallel_loop3A_338, %parallel_loop3A_340, %parallel_loop3A_319 : i32
        %parallel_loop3A_342 = arith.constant 8 : i32
        %parallel_loop3A_343 = arith.constant 0 : i32
        %parallel_loop3A_344 = arith.cmpi eq, %parallel_loop3A_342, %parallel_loop3A_343 : i32
        %parallel_loop3A_345 = arith.constant 1 : i32
        %parallel_loop3A_346 = arith.select %parallel_loop3A_344, %parallel_loop3A_345, %parallel_loop3A_342 : i32
        %parallel_loop3A_347 = arith.remsi %parallel_loop3A_117, %parallel_loop3A_346 : i32
        %parallel_loop3A_348 = arith.constant 0 : i32
        %parallel_loop3A_349 = arith.cmpi ne, %parallel_loop3A_347, %parallel_loop3A_348 : i32
        %parallel_loop3A_350 = arith.constant 0 : i32
        %parallel_loop3A_351 = arith.cmpi slt, %parallel_loop3A_347, %parallel_loop3A_350 : i32
        %parallel_loop3A_352 = arith.constant 0 : i32
        %parallel_loop3A_353 = arith.cmpi slt, %parallel_loop3A_346, %parallel_loop3A_352 : i32
        %parallel_loop3A_354 = arith.xori %parallel_loop3A_351, %parallel_loop3A_353 : i1
        %parallel_loop3A_355 = arith.andi %parallel_loop3A_354, %parallel_loop3A_349 : i1
        %parallel_loop3A_356 = arith.addi %parallel_loop3A_347, %parallel_loop3A_346 : i32
        %parallel_loop3A_357 = arith.select %parallel_loop3A_355, %parallel_loop3A_356, %parallel_loop3A_347 : i32
        %parallel_loop3A_358 = arith.index_cast %parallel_loop3A_341 : i32 to index
        %parallel_loop3A_359 = arith.index_cast %parallel_loop3A_357 : i32 to index
        %parallel_loop3A_360 = arith.constant 64 : index
        %parallel_loop3A_361 = tpu.vector_load %arg10[%parallel_loop3A_358, %parallel_loop3A_359, %parallel_loop3A_360] {strides = array<i32>} : memref<8x8x128xf32, #tpu.memory_space<vmem>>, vector<16xf32>,
        tpu.vector_store %arg10[%parallel_loop3A_358, %parallel_loop3A_359, %parallel_loop3A_360], %parallel_loop3A_317 {strides = array<i32>} : memref<8x8x128xf32, #tpu.memory_space<vmem>>, vector<16xf32>,
        %parallel_loop3A_362 = arith.constant 80 : i32
        %parallel_loop3A_363 = vector.broadcast %parallel_loop3A_362 : i32 to vector<16xi32>
        %parallel_loop3A_364 = arith.addi %parallel_loop3A_121, %parallel_loop3A_363 : vector<16xi32>
        %parallel_loop3A_365 = tpu.vector_load_idx %arg8[%parallel_loop3A_364] : memref<8272xf32, #tpu.memory_space<vmem>>[vector<16xi32>], vector<16xf32>,
        %parallel_loop3A_366 = arith.constant 8 : i32
        %parallel_loop3A_367 = arith.divsi %parallel_loop3A_117, %parallel_loop3A_366 : i32
        %parallel_loop3A_368 = arith.constant 0 : i32
        %parallel_loop3A_369 = arith.cmpi sgt, %parallel_loop3A_117, %parallel_loop3A_368 : i32
        %parallel_loop3A_370 = arith.extui %parallel_loop3A_369 : i1 to i32
        %parallel_loop3A_371 = arith.constant 0 : i32
        %parallel_loop3A_372 = arith.cmpi slt, %parallel_loop3A_117, %parallel_loop3A_371 : i32
        %parallel_loop3A_373 = arith.extui %parallel_loop3A_372 : i1 to i32
        %parallel_loop3A_374 = arith.subi %parallel_loop3A_370, %parallel_loop3A_373 : i32
        %parallel_loop3A_375 = arith.constant 0 : i32
        %parallel_loop3A_376 = arith.cmpi sgt, %parallel_loop3A_366, %parallel_loop3A_375 : i32
        %parallel_loop3A_377 = arith.extui %parallel_loop3A_376 : i1 to i32
        %parallel_loop3A_378 = arith.constant 0 : i32
        %parallel_loop3A_379 = arith.cmpi slt, %parallel_loop3A_366, %parallel_loop3A_378 : i32
        %parallel_loop3A_380 = arith.extui %parallel_loop3A_379 : i1 to i32
        %parallel_loop3A_381 = arith.subi %parallel_loop3A_377, %parallel_loop3A_380 : i32
        %parallel_loop3A_382 = arith.cmpi ne, %parallel_loop3A_374, %parallel_loop3A_381 : i32
        %parallel_loop3A_383 = arith.remsi %parallel_loop3A_117, %parallel_loop3A_366 : i32
        %parallel_loop3A_384 = arith.constant 0 : i32
        %parallel_loop3A_385 = arith.cmpi ne, %parallel_loop3A_383, %parallel_loop3A_384 : i32
        %parallel_loop3A_386 = arith.andi %parallel_loop3A_382, %parallel_loop3A_385 : i1
        %parallel_loop3A_387 = arith.constant 1 : i32
        %parallel_loop3A_388 = arith.subi %parallel_loop3A_367, %parallel_loop3A_387 : i32
        %parallel_loop3A_389 = arith.select %parallel_loop3A_386, %parallel_loop3A_388, %parallel_loop3A_367 : i32
        %parallel_loop3A_390 = arith.constant 8 : i32
        %parallel_loop3A_391 = arith.constant 0 : i32
        %parallel_loop3A_392 = arith.cmpi eq, %parallel_loop3A_390, %parallel_loop3A_391 : i32
        %parallel_loop3A_393 = arith.constant 1 : i32
        %parallel_loop3A_394 = arith.select %parallel_loop3A_392, %parallel_loop3A_393, %parallel_loop3A_390 : i32
        %parallel_loop3A_395 = arith.remsi %parallel_loop3A_117, %parallel_loop3A_394 : i32
        %parallel_loop3A_396 = arith.constant 0 : i32
        %parallel_loop3A_397 = arith.cmpi ne, %parallel_loop3A_395, %parallel_loop3A_396 : i32
        %parallel_loop3A_398 = arith.constant 0 : i32
        %parallel_loop3A_399 = arith.cmpi slt, %parallel_loop3A_395, %parallel_loop3A_398 : i32
        %parallel_loop3A_400 = arith.constant 0 : i32
        %parallel_loop3A_401 = arith.cmpi slt, %parallel_loop3A_394, %parallel_loop3A_400 : i32
        %parallel_loop3A_402 = arith.xori %parallel_loop3A_399, %parallel_loop3A_401 : i1
        %parallel_loop3A_403 = arith.andi %parallel_loop3A_402, %parallel_loop3A_397 : i1
        %parallel_loop3A_404 = arith.addi %parallel_loop3A_395, %parallel_loop3A_394 : i32
        %parallel_loop3A_405 = arith.select %parallel_loop3A_403, %parallel_loop3A_404, %parallel_loop3A_395 : i32
        %parallel_loop3A_406 = arith.index_cast %parallel_loop3A_389 : i32 to index
        %parallel_loop3A_407 = arith.index_cast %parallel_loop3A_405 : i32 to index
        %parallel_loop3A_408 = arith.constant 80 : index
        %parallel_loop3A_409 = tpu.vector_load %arg10[%parallel_loop3A_406, %parallel_loop3A_407, %parallel_loop3A_408] {strides = array<i32>} : memref<8x8x128xf32, #tpu.memory_space<vmem>>, vector<16xf32>,
        tpu.vector_store %arg10[%parallel_loop3A_406, %parallel_loop3A_407, %parallel_loop3A_408], %parallel_loop3A_365 {strides = array<i32>} : memref<8x8x128xf32, #tpu.memory_space<vmem>>, vector<16xf32>,
        %parallel_loop3A_410 = arith.constant 96 : i32
        %parallel_loop3A_411 = vector.broadcast %parallel_loop3A_410 : i32 to vector<16xi32>
        %parallel_loop3A_412 = arith.addi %parallel_loop3A_121, %parallel_loop3A_411 : vector<16xi32>
        %parallel_loop3A_413 = tpu.vector_load_idx %arg8[%parallel_loop3A_412] : memref<8272xf32, #tpu.memory_space<vmem>>[vector<16xi32>], vector<16xf32>,
        %parallel_loop3A_414 = arith.constant 8 : i32
        %parallel_loop3A_415 = arith.divsi %parallel_loop3A_117, %parallel_loop3A_414 : i32
        %parallel_loop3A_416 = arith.constant 0 : i32
        %parallel_loop3A_417 = arith.cmpi sgt, %parallel_loop3A_117, %parallel_loop3A_416 : i32
        %parallel_loop3A_418 = arith.extui %parallel_loop3A_417 : i1 to i32
        %parallel_loop3A_419 = arith.constant 0 : i32
        %parallel_loop3A_420 = arith.cmpi slt, %parallel_loop3A_117, %parallel_loop3A_419 : i32
        %parallel_loop3A_421 = arith.extui %parallel_loop3A_420 : i1 to i32
        %parallel_loop3A_422 = arith.subi %parallel_loop3A_418, %parallel_loop3A_421 : i32
        %parallel_loop3A_423 = arith.constant 0 : i32
        %parallel_loop3A_424 = arith.cmpi sgt, %parallel_loop3A_414, %parallel_loop3A_423 : i32
        %parallel_loop3A_425 = arith.extui %parallel_loop3A_424 : i1 to i32
        %parallel_loop3A_426 = arith.constant 0 : i32
        %parallel_loop3A_427 = arith.cmpi slt, %parallel_loop3A_414, %parallel_loop3A_426 : i32
        %parallel_loop3A_428 = arith.extui %parallel_loop3A_427 : i1 to i32
        %parallel_loop3A_429 = arith.subi %parallel_loop3A_425, %parallel_loop3A_428 : i32
        %parallel_loop3A_430 = arith.cmpi ne, %parallel_loop3A_422, %parallel_loop3A_429 : i32
        %parallel_loop3A_431 = arith.remsi %parallel_loop3A_117, %parallel_loop3A_414 : i32
        %parallel_loop3A_432 = arith.constant 0 : i32
        %parallel_loop3A_433 = arith.cmpi ne, %parallel_loop3A_431, %parallel_loop3A_432 : i32
        %parallel_loop3A_434 = arith.andi %parallel_loop3A_430, %parallel_loop3A_433 : i1
        %parallel_loop3A_435 = arith.constant 1 : i32
        %parallel_loop3A_436 = arith.subi %parallel_loop3A_415, %parallel_loop3A_435 : i32
        %parallel_loop3A_437 = arith.select %parallel_loop3A_434, %parallel_loop3A_436, %parallel_loop3A_415 : i32
        %parallel_loop3A_438 = arith.constant 8 : i32
        %parallel_loop3A_439 = arith.constant 0 : i32
        %parallel_loop3A_440 = arith.cmpi eq, %parallel_loop3A_438, %parallel_loop3A_439 : i32
        %parallel_loop3A_441 = arith.constant 1 : i32
        %parallel_loop3A_442 = arith.select %parallel_loop3A_440, %parallel_loop3A_441, %parallel_loop3A_438 : i32
        %parallel_loop3A_443 = arith.remsi %parallel_loop3A_117, %parallel_loop3A_442 : i32
        %parallel_loop3A_444 = arith.constant 0 : i32
        %parallel_loop3A_445 = arith.cmpi ne, %parallel_loop3A_443, %parallel_loop3A_444 : i32
        %parallel_loop3A_446 = arith.constant 0 : i32
        %parallel_loop3A_447 = arith.cmpi slt, %parallel_loop3A_443, %parallel_loop3A_446 : i32
        %parallel_loop3A_448 = arith.constant 0 : i32
        %parallel_loop3A_449 = arith.cmpi slt, %parallel_loop3A_442, %parallel_loop3A_448 : i32
        %parallel_loop3A_450 = arith.xori %parallel_loop3A_447, %parallel_loop3A_449 : i1
        %parallel_loop3A_451 = arith.andi %parallel_loop3A_450, %parallel_loop3A_445 : i1
        %parallel_loop3A_452 = arith.addi %parallel_loop3A_443, %parallel_loop3A_442 : i32
        %parallel_loop3A_453 = arith.select %parallel_loop3A_451, %parallel_loop3A_452, %parallel_loop3A_443 : i32
        %parallel_loop3A_454 = arith.index_cast %parallel_loop3A_437 : i32 to index
        %parallel_loop3A_455 = arith.index_cast %parallel_loop3A_453 : i32 to index
        %parallel_loop3A_456 = arith.constant 96 : index
        %parallel_loop3A_457 = tpu.vector_load %arg10[%parallel_loop3A_454, %parallel_loop3A_455, %parallel_loop3A_456] {strides = array<i32>} : memref<8x8x128xf32, #tpu.memory_space<vmem>>, vector<16xf32>,
        tpu.vector_store %arg10[%parallel_loop3A_454, %parallel_loop3A_455, %parallel_loop3A_456], %parallel_loop3A_413 {strides = array<i32>} : memref<8x8x128xf32, #tpu.memory_space<vmem>>, vector<16xf32>,
        %parallel_loop3A_458 = arith.constant 112 : i32
        %parallel_loop3A_459 = vector.broadcast %parallel_loop3A_458 : i32 to vector<16xi32>
        %parallel_loop3A_460 = arith.addi %parallel_loop3A_121, %parallel_loop3A_459 : vector<16xi32>
        %parallel_loop3A_461 = tpu.vector_load_idx %arg8[%parallel_loop3A_460] : memref<8272xf32, #tpu.memory_space<vmem>>[vector<16xi32>], vector<16xf32>,
        %parallel_loop3A_462 = arith.constant 8 : i32
        %parallel_loop3A_463 = arith.divsi %parallel_loop3A_117, %parallel_loop3A_462 : i32
        %parallel_loop3A_464 = arith.constant 0 : i32
        %parallel_loop3A_465 = arith.cmpi sgt, %parallel_loop3A_117, %parallel_loop3A_464 : i32
        %parallel_loop3A_466 = arith.extui %parallel_loop3A_465 : i1 to i32
        %parallel_loop3A_467 = arith.constant 0 : i32
        %parallel_loop3A_468 = arith.cmpi slt, %parallel_loop3A_117, %parallel_loop3A_467 : i32
        %parallel_loop3A_469 = arith.extui %parallel_loop3A_468 : i1 to i32
        %parallel_loop3A_470 = arith.subi %parallel_loop3A_466, %parallel_loop3A_469 : i32
        %parallel_loop3A_471 = arith.constant 0 : i32
        %parallel_loop3A_472 = arith.cmpi sgt, %parallel_loop3A_462, %parallel_loop3A_471 : i32
        %parallel_loop3A_473 = arith.extui %parallel_loop3A_472 : i1 to i32
        %parallel_loop3A_474 = arith.constant 0 : i32
        %parallel_loop3A_475 = arith.cmpi slt, %parallel_loop3A_462, %parallel_loop3A_474 : i32
        %parallel_loop3A_476 = arith.extui %parallel_loop3A_475 : i1 to i32
        %parallel_loop3A_477 = arith.subi %parallel_loop3A_473, %parallel_loop3A_476 : i32
        %parallel_loop3A_478 = arith.cmpi ne, %parallel_loop3A_470, %parallel_loop3A_477 : i32
        %parallel_loop3A_479 = arith.remsi %parallel_loop3A_117, %parallel_loop3A_462 : i32
        %parallel_loop3A_480 = arith.constant 0 : i32
        %parallel_loop3A_481 = arith.cmpi ne, %parallel_loop3A_479, %parallel_loop3A_480 : i32
        %parallel_loop3A_482 = arith.andi %parallel_loop3A_478, %parallel_loop3A_481 : i1
        %parallel_loop3A_483 = arith.constant 1 : i32
        %parallel_loop3A_484 = arith.subi %parallel_loop3A_463, %parallel_loop3A_483 : i32
        %parallel_loop3A_485 = arith.select %parallel_loop3A_482, %parallel_loop3A_484, %parallel_loop3A_463 : i32
        %parallel_loop3A_486 = arith.constant 8 : i32
        %parallel_loop3A_487 = arith.constant 0 : i32
        %parallel_loop3A_488 = arith.cmpi eq, %parallel_loop3A_486, %parallel_loop3A_487 : i32
        %parallel_loop3A_489 = arith.constant 1 : i32
        %parallel_loop3A_490 = arith.select %parallel_loop3A_488, %parallel_loop3A_489, %parallel_loop3A_486 : i32
        %parallel_loop3A_491 = arith.remsi %parallel_loop3A_117, %parallel_loop3A_490 : i32
        %parallel_loop3A_492 = arith.constant 0 : i32
        %parallel_loop3A_493 = arith.cmpi ne, %parallel_loop3A_491, %parallel_loop3A_492 : i32
        %parallel_loop3A_494 = arith.constant 0 : i32
        %parallel_loop3A_495 = arith.cmpi slt, %parallel_loop3A_491, %parallel_loop3A_494 : i32
        %parallel_loop3A_496 = arith.constant 0 : i32
        %parallel_loop3A_497 = arith.cmpi slt, %parallel_loop3A_490, %parallel_loop3A_496 : i32
        %parallel_loop3A_498 = arith.xori %parallel_loop3A_495, %parallel_loop3A_497 : i1
        %parallel_loop3A_499 = arith.andi %parallel_loop3A_498, %parallel_loop3A_493 : i1
        %parallel_loop3A_500 = arith.addi %parallel_loop3A_491, %parallel_loop3A_490 : i32
        %parallel_loop3A_501 = arith.select %parallel_loop3A_499, %parallel_loop3A_500, %parallel_loop3A_491 : i32
        %parallel_loop3A_502 = arith.index_cast %parallel_loop3A_485 : i32 to index
        %parallel_loop3A_503 = arith.index_cast %parallel_loop3A_501 : i32 to index
        %parallel_loop3A_504 = arith.constant 112 : index
        %parallel_loop3A_505 = tpu.vector_load %arg10[%parallel_loop3A_502, %parallel_loop3A_503, %parallel_loop3A_504] {strides = array<i32>} : memref<8x8x128xf32, #tpu.memory_space<vmem>>, vector<16xf32>,
        tpu.vector_store %arg10[%parallel_loop3A_502, %parallel_loop3A_503, %parallel_loop3A_504], %parallel_loop3A_461 {strides = array<i32>} : memref<8x8x128xf32, #tpu.memory_space<vmem>>, vector<16xf32>,
      } {sc.loop_unroll_factor = 2 : i64, sc.parallel_access}
      %dma_start3A_66 = arith.constant 0 : i32
      %dma_start3A_67 = arith.constant 0 : i32
      %dma_start3A_68 = arith.constant 0 : i32
      %dma_start3A_69 = tpu.memref_slice %arg4[%add3A_51, %dma_start3A_66, %add3A, %dma_start3A_67, %dma_start3A_68] : memref<200x8x32x8x128xf32, #tpu.memory_space<hbm>> -> memref<1x8x1x8x128xf32, #tpu.memory_space<hbm>>
      %dma_start3A_70 = tpu.memref_squeeze %dma_start3A_69 : memref<1x8x1x8x128xf32, #tpu.memory_space<hbm>> -> memref<8x8x128xf32, #tpu.memory_space<hbm>>
      %dma_start3A_71 = arith.constant 0 : i32
      %dma_start3A_72 = arith.constant 0 : i32
      %dma_start3A_73 = arith.constant 0 : i32
      %dma_start3A_74 = tpu.memref_slice %arg4[%add3A_51, %dma_start3A_71, %add3A, %dma_start3A_72, %dma_start3A_73] : memref<200x8x32x8x128xf32, #tpu.memory_space<hbm>> -> memref<1x8x1x8x128xf32, #tpu.memory_space<hbm>>
      %dma_start3A_75 = tpu.memref_squeeze %dma_start3A_74 : memref<1x8x1x8x128xf32, #tpu.memory_space<hbm>> -> memref<8x8x128xf32, #tpu.memory_space<hbm>>
      tpu.enqueue_dma source(%arg10 : memref<8x8x128xf32, #tpu.memory_space<vmem>>) target(%dma_start3A_75 : memref<8x8x128xf32, #tpu.memory_space<hbm>>) target_semaphore(%arg14 : memref<!tpu.dma_semaphore, #tpu.memory_space<semaphore_mem>>)
      %lt3A = arith.constant 99 : i32
      %lt3A_76 = arith.cmpi slt, %scan3A_47, %lt3A : i32
      %convert_element_type3A_77 = arith.extui %lt3A_76 : i1 to i32
      %cond3A_78 = arith.constant 0 : i32
      %cond3A_79 = arith.cmpi ne, %convert_element_type3A_77, %cond3A_78 : i32
      scf.if %cond3A_79 {
        %add3A_117 = arith.constant 2 : i32
        %add3A_118 = arith.addi %add3A_51, %add3A_117 : i32
        %dma_start3A_119 = arith.constant 0 : i32
        %dma_start3A_120 = tpu.memref_slice %arg5[%add3A_118, %dma_start3A_119] : memref<200x128xi32, #tpu.memory_space<vmem>> -> memref<1x128xi32, #tpu.memory_space<vmem>>
        %dma_start3A_121 = tpu.memref_squeeze %dma_start3A_120 : memref<1x128xi32, #tpu.memory_space<vmem>> -> memref<128xi32, #tpu.memory_space<vmem>>
        %dma_start3A_122 = arith.constant 0 : i32
        %dma_start3A_123 = arith.constant 0 : i32
        %dma_start3A_124 = tpu.memref_slice %arg3[%dma_start3A_122, %dma_start3A_123] : memref<1000000x64xf32, #tpu.memory_space<hbm>> -> memref<1000000x64xf32, #tpu.memory_space<hbm>>
        tpu.enqueue_indirect_dma source(%dma_start3A_124 : memref<1000000x64xf32, #tpu.memory_space<hbm>>) target(%arg6 : memref<128x64xf32, #tpu.memory_space<vmem>>) offsets(%dma_start3A_121 : memref<128xi32, #tpu.memory_space<vmem>>) semaphore(%arg12 : memref<!tpu.dma_semaphore, #tpu.memory_space<semaphore_mem>>)
      } else {
      }
      %mul3A_80 = arith.constant 2 : i32
      %mul3A_81 = arith.muli %scan3A_47, %mul3A_80 : i32
      %add3A_82 = arith.constant 1 : i32
      %add3A_83 = arith.addi %mul3A_81, %add3A_82 : i32
      %dma_wait3A_84 = arith.constant 1 : i32
      %dma_wait3A_85 = arith.constant 0 : i32
      %dma_wait3A_86 = tpu.memref_slice %arg5[%dma_wait3A_84, %dma_wait3A_85] : memref<200x128xi32, #tpu.memory_space<vmem>> -> memref<1x128xi32, #tpu.memory_space<vmem>>
      %dma_wait3A_87 = tpu.memref_squeeze %dma_wait3A_86 : memref<1x128xi32, #tpu.memory_space<vmem>> -> memref<128xi32, #tpu.memory_space<vmem>>
      %dma_wait3A_88 = arith.constant 0 : i32
      %dma_wait3A_89 = arith.constant 0 : i32
      %dma_wait3A_90 = tpu.memref_slice %arg3[%dma_wait3A_88, %dma_wait3A_89] : memref<1000000x64xf32, #tpu.memory_space<hbm>> -> memref<1000000x64xf32, #tpu.memory_space<hbm>>
      tpu.wait_indirect_dma semaphore(%arg13 : memref<!tpu.dma_semaphore, #tpu.memory_space<semaphore_mem>>) src(%dma_wait3A_90 : memref<1000000x64xf32, #tpu.memory_space<hbm>>) dst(%arg7 : memref<128x64xf32, #tpu.memory_space<vmem>>)
      %gt3A_91 = arith.constant 0 : i32
      %gt3A_92 = arith.cmpi sgt, %scan3A_47, %gt3A_91 : i32
      %convert_element_type3A_93 = arith.extui %gt3A_92 : i1 to i32
      %cond3A_94 = arith.constant 0 : i32
      %cond3A_95 = arith.cmpi ne, %convert_element_type3A_93, %cond3A_94 : i32
      scf.if %cond3A_95 {
        %dma_wait3A_117 = arith.constant 0 : i32
        %dma_wait3A_118 = arith.constant 0 : i32
        %dma_wait3A_119 = arith.constant 0 : i32
        %dma_wait3A_120 = arith.constant 0 : i32
        %dma_wait3A_121 = arith.constant 0 : i32
        %dma_wait3A_122 = tpu.memref_slice %arg4[%dma_wait3A_117, %dma_wait3A_119, %dma_wait3A_118, %dma_wait3A_120, %dma_wait3A_121] : memref<200x8x32x8x128xf32, #tpu.memory_space<hbm>> -> memref<1x8x1x8x128xf32, #tpu.memory_space<hbm>>
        %dma_wait3A_123 = tpu.memref_squeeze %dma_wait3A_122 : memref<1x8x1x8x128xf32, #tpu.memory_space<hbm>> -> memref<8x8x128xf32, #tpu.memory_space<hbm>>
        %dma_wait3A_124 = arith.constant 0 : i32
        %dma_wait3A_125 = arith.constant 0 : i32
        %dma_wait3A_126 = arith.constant 0 : i32
        %dma_wait3A_127 = tpu.memref_slice %arg4[%dma_wait3A_117, %dma_wait3A_124, %dma_wait3A_118, %dma_wait3A_125, %dma_wait3A_126] : memref<200x8x32x8x128xf32, #tpu.memory_space<hbm>> -> memref<1x8x1x8x128xf32, #tpu.memory_space<hbm>>
        %dma_wait3A_128 = tpu.memref_squeeze %dma_wait3A_127 : memref<1x8x1x8x128xf32, #tpu.memory_space<hbm>> -> memref<8x8x128xf32, #tpu.memory_space<hbm>>
        tpu.wait_dma2 semaphore(%arg15 : memref<!tpu.dma_semaphore, #tpu.memory_space<semaphore_mem>>) src(%arg11 : memref<8x8x128xf32, #tpu.memory_space<vmem>>) dst(%dma_wait3A_128 : memref<8x8x128xf32, #tpu.memory_space<hbm>>)
      } else {
      }
      %parallel_loop3A_96 = arith.constant 0 : i32
      %parallel_loop3A_97 = arith.constant 128 : i32
      %parallel_loop3A_98 = arith.constant 1 : i32
      scf.for %parallel_loop3A_117 = %parallel_loop3A_96 to %parallel_loop3A_97 step %parallel_loop3A_98  : i32 {
        %parallel_loop3A_118 = arith.index_cast %parallel_loop3A_117 : i32 to index
        %parallel_loop3A_119 = arith.constant 0 : index
        %parallel_loop3A_120 = tpu.vector_load %arg7[%parallel_loop3A_118, %parallel_loop3A_119] {strides = array<i32>} : memref<128x64xf32, #tpu.memory_space<vmem>>, vector<16xf32>,
        %parallel_loop3A_121 = arith.constant 0 : i32
        %parallel_loop3A_122 = arith.addi %parallel_loop3A_121, %parallel_loop3A_117 : i32
        %parallel_loop3A_123 = vector.broadcast %parallel_loop3A_122 : i32 to vector<16xi32>
        %parallel_loop3A_124 = arith.addi %mul3A_18, %parallel_loop3A_123 : vector<16xi32>
        %parallel_loop3A_125 = arith.constant 8.000000e+00 : f32
        %parallel_loop3A_126 = vector.broadcast %parallel_loop3A_125 : f32 to vector<16xf32>
        %parallel_loop3A_127 = arith.mulf %parallel_loop3A_120, %parallel_loop3A_126 : vector<16xf32>
        tpu.vector_store_idx %arg9[%parallel_loop3A_124], %parallel_loop3A_127 : memref<8272xf32, #tpu.memory_space<vmem>>[vector<16xi32>], vector<16xf32>,
        %parallel_loop3A_128 = arith.index_cast %parallel_loop3A_117 : i32 to index
        %parallel_loop3A_129 = arith.constant 16 : index
        %parallel_loop3A_130 = tpu.vector_load %arg7[%parallel_loop3A_128, %parallel_loop3A_129] {strides = array<i32>} : memref<128x64xf32, #tpu.memory_space<vmem>>, vector<16xf32>,
        %parallel_loop3A_131 = arith.constant 2064 : i32
        %parallel_loop3A_132 = arith.addi %parallel_loop3A_131, %parallel_loop3A_117 : i32
        %parallel_loop3A_133 = vector.broadcast %parallel_loop3A_132 : i32 to vector<16xi32>
        %parallel_loop3A_134 = arith.addi %mul3A_18, %parallel_loop3A_133 : vector<16xi32>
        %parallel_loop3A_135 = arith.constant 8.000000e+00 : f32
        %parallel_loop3A_136 = vector.broadcast %parallel_loop3A_135 : f32 to vector<16xf32>
        %parallel_loop3A_137 = arith.mulf %parallel_loop3A_130, %parallel_loop3A_136 : vector<16xf32>
        tpu.vector_store_idx %arg9[%parallel_loop3A_134], %parallel_loop3A_137 : memref<8272xf32, #tpu.memory_space<vmem>>[vector<16xi32>], vector<16xf32>,
        %parallel_loop3A_138 = arith.index_cast %parallel_loop3A_117 : i32 to index
        %parallel_loop3A_139 = arith.constant 32 : index
        %parallel_loop3A_140 = tpu.vector_load %arg7[%parallel_loop3A_138, %parallel_loop3A_139] {strides = array<i32>} : memref<128x64xf32, #tpu.memory_space<vmem>>, vector<16xf32>,
        %parallel_loop3A_141 = arith.constant 4128 : i32
        %parallel_loop3A_142 = arith.addi %parallel_loop3A_141, %parallel_loop3A_117 : i32
        %parallel_loop3A_143 = vector.broadcast %parallel_loop3A_142 : i32 to vector<16xi32>
        %parallel_loop3A_144 = arith.addi %mul3A_18, %parallel_loop3A_143 : vector<16xi32>
        %parallel_loop3A_145 = arith.constant 8.000000e+00 : f32
        %parallel_loop3A_146 = vector.broadcast %parallel_loop3A_145 : f32 to vector<16xf32>
        %parallel_loop3A_147 = arith.mulf %parallel_loop3A_140, %parallel_loop3A_146 : vector<16xf32>
        tpu.vector_store_idx %arg9[%parallel_loop3A_144], %parallel_loop3A_147 : memref<8272xf32, #tpu.memory_space<vmem>>[vector<16xi32>], vector<16xf32>,
        %parallel_loop3A_148 = arith.index_cast %parallel_loop3A_117 : i32 to index
        %parallel_loop3A_149 = arith.constant 48 : index
        %parallel_loop3A_150 = tpu.vector_load %arg7[%parallel_loop3A_148, %parallel_loop3A_149] {strides = array<i32>} : memref<128x64xf32, #tpu.memory_space<vmem>>, vector<16xf32>,
        %parallel_loop3A_151 = arith.constant 6192 : i32
        %parallel_loop3A_152 = arith.addi %parallel_loop3A_151, %parallel_loop3A_117 : i32
        %parallel_loop3A_153 = vector.broadcast %parallel_loop3A_152 : i32 to vector<16xi32>
        %parallel_loop3A_154 = arith.addi %mul3A_18, %parallel_loop3A_153 : vector<16xi32>
        %parallel_loop3A_155 = arith.constant 8.000000e+00 : f32
        %parallel_loop3A_156 = vector.broadcast %parallel_loop3A_155 : f32 to vector<16xf32>
        %parallel_loop3A_157 = arith.mulf %parallel_loop3A_150, %parallel_loop3A_156 : vector<16xf32>
        tpu.vector_store_idx %arg9[%parallel_loop3A_154], %parallel_loop3A_157 : memref<8272xf32, #tpu.memory_space<vmem>>[vector<16xi32>], vector<16xf32>,
      } {sc.loop_unroll_factor = 4 : i64, sc.parallel_access}
      %parallel_loop3A_99 = arith.constant 0 : i32
      %parallel_loop3A_100 = arith.constant 64 : i32
      %parallel_loop3A_101 = arith.constant 1 : i32
      scf.for %parallel_loop3A_117 = %parallel_loop3A_99 to %parallel_loop3A_100 step %parallel_loop3A_101  : i32 {
        %parallel_loop3A_118 = arith.constant 129 : i32
        %parallel_loop3A_119 = arith.muli %parallel_loop3A_117, %parallel_loop3A_118 : i32
        %parallel_loop3A_120 = vector.broadcast %parallel_loop3A_119 : i32 to vector<16xi32>
        %parallel_loop3A_121 = arith.addi %iota3A, %parallel_loop3A_120 : vector<16xi32>
        %parallel_loop3A_122 = arith.constant 0 : i32
        %parallel_loop3A_123 = vector.broadcast %parallel_loop3A_122 : i32 to vector<16xi32>
        %parallel_loop3A_124 = arith.addi %parallel_loop3A_121, %parallel_loop3A_123 : vector<16xi32>
        %parallel_loop3A_125 = tpu.vector_load_idx %arg9[%parallel_loop3A_124] : memref<8272xf32, #tpu.memory_space<vmem>>[vector<16xi32>], vector<16xf32>,
        %parallel_loop3A_126 = arith.constant 8 : i32
        %parallel_loop3A_127 = arith.divsi %parallel_loop3A_117, %parallel_loop3A_126 : i32
        %parallel_loop3A_128 = arith.constant 0 : i32
        %parallel_loop3A_129 = arith.cmpi sgt, %parallel_loop3A_117, %parallel_loop3A_128 : i32
        %parallel_loop3A_130 = arith.extui %parallel_loop3A_129 : i1 to i32
        %parallel_loop3A_131 = arith.constant 0 : i32
        %parallel_loop3A_132 = arith.cmpi slt, %parallel_loop3A_117, %parallel_loop3A_131 : i32
        %parallel_loop3A_133 = arith.extui %parallel_loop3A_132 : i1 to i32
        %parallel_loop3A_134 = arith.subi %parallel_loop3A_130, %parallel_loop3A_133 : i32
        %parallel_loop3A_135 = arith.constant 0 : i32
        %parallel_loop3A_136 = arith.cmpi sgt, %parallel_loop3A_126, %parallel_loop3A_135 : i32
        %parallel_loop3A_137 = arith.extui %parallel_loop3A_136 : i1 to i32
        %parallel_loop3A_138 = arith.constant 0 : i32
        %parallel_loop3A_139 = arith.cmpi slt, %parallel_loop3A_126, %parallel_loop3A_138 : i32
        %parallel_loop3A_140 = arith.extui %parallel_loop3A_139 : i1 to i32
        %parallel_loop3A_141 = arith.subi %parallel_loop3A_137, %parallel_loop3A_140 : i32
        %parallel_loop3A_142 = arith.cmpi ne, %parallel_loop3A_134, %parallel_loop3A_141 : i32
        %parallel_loop3A_143 = arith.remsi %parallel_loop3A_117, %parallel_loop3A_126 : i32
        %parallel_loop3A_144 = arith.constant 0 : i32
        %parallel_loop3A_145 = arith.cmpi ne, %parallel_loop3A_143, %parallel_loop3A_144 : i32
        %parallel_loop3A_146 = arith.andi %parallel_loop3A_142, %parallel_loop3A_145 : i1
        %parallel_loop3A_147 = arith.constant 1 : i32
        %parallel_loop3A_148 = arith.subi %parallel_loop3A_127, %parallel_loop3A_147 : i32
        %parallel_loop3A_149 = arith.select %parallel_loop3A_146, %parallel_loop3A_148, %parallel_loop3A_127 : i32
        %parallel_loop3A_150 = arith.constant 8 : i32
        %parallel_loop3A_151 = arith.constant 0 : i32
        %parallel_loop3A_152 = arith.cmpi eq, %parallel_loop3A_150, %parallel_loop3A_151 : i32
        %parallel_loop3A_153 = arith.constant 1 : i32
        %parallel_loop3A_154 = arith.select %parallel_loop3A_152, %parallel_loop3A_153, %parallel_loop3A_150 : i32
        %parallel_loop3A_155 = arith.remsi %parallel_loop3A_117, %parallel_loop3A_154 : i32
        %parallel_loop3A_156 = arith.constant 0 : i32
        %parallel_loop3A_157 = arith.cmpi ne, %parallel_loop3A_155, %parallel_loop3A_156 : i32
        %parallel_loop3A_158 = arith.constant 0 : i32
        %parallel_loop3A_159 = arith.cmpi slt, %parallel_loop3A_155, %parallel_loop3A_158 : i32
        %parallel_loop3A_160 = arith.constant 0 : i32
        %parallel_loop3A_161 = arith.cmpi slt, %parallel_loop3A_154, %parallel_loop3A_160 : i32
        %parallel_loop3A_162 = arith.xori %parallel_loop3A_159, %parallel_loop3A_161 : i1
        %parallel_loop3A_163 = arith.andi %parallel_loop3A_162, %parallel_loop3A_157 : i1
        %parallel_loop3A_164 = arith.addi %parallel_loop3A_155, %parallel_loop3A_154 : i32
        %parallel_loop3A_165 = arith.select %parallel_loop3A_163, %parallel_loop3A_164, %parallel_loop3A_155 : i32
        %parallel_loop3A_166 = arith.index_cast %parallel_loop3A_149 : i32 to index
        %parallel_loop3A_167 = arith.index_cast %parallel_loop3A_165 : i32 to index
        %parallel_loop3A_168 = arith.constant 0 : index
        %parallel_loop3A_169 = tpu.vector_load %arg11[%parallel_loop3A_166, %parallel_loop3A_167, %parallel_loop3A_168] {strides = array<i32>} : memref<8x8x128xf32, #tpu.memory_space<vmem>>, vector<16xf32>,
        tpu.vector_store %arg11[%parallel_loop3A_166, %parallel_loop3A_167, %parallel_loop3A_168], %parallel_loop3A_125 {strides = array<i32>} : memref<8x8x128xf32, #tpu.memory_space<vmem>>, vector<16xf32>,
        %parallel_loop3A_170 = arith.constant 16 : i32
        %parallel_loop3A_171 = vector.broadcast %parallel_loop3A_170 : i32 to vector<16xi32>
        %parallel_loop3A_172 = arith.addi %parallel_loop3A_121, %parallel_loop3A_171 : vector<16xi32>
        %parallel_loop3A_173 = tpu.vector_load_idx %arg9[%parallel_loop3A_172] : memref<8272xf32, #tpu.memory_space<vmem>>[vector<16xi32>], vector<16xf32>,
        %parallel_loop3A_174 = arith.constant 8 : i32
        %parallel_loop3A_175 = arith.divsi %parallel_loop3A_117, %parallel_loop3A_174 : i32
        %parallel_loop3A_176 = arith.constant 0 : i32
        %parallel_loop3A_177 = arith.cmpi sgt, %parallel_loop3A_117, %parallel_loop3A_176 : i32
        %parallel_loop3A_178 = arith.extui %parallel_loop3A_177 : i1 to i32
        %parallel_loop3A_179 = arith.constant 0 : i32
        %parallel_loop3A_180 = arith.cmpi slt, %parallel_loop3A_117, %parallel_loop3A_179 : i32
        %parallel_loop3A_181 = arith.extui %parallel_loop3A_180 : i1 to i32
        %parallel_loop3A_182 = arith.subi %parallel_loop3A_178, %parallel_loop3A_181 : i32
        %parallel_loop3A_183 = arith.constant 0 : i32
        %parallel_loop3A_184 = arith.cmpi sgt, %parallel_loop3A_174, %parallel_loop3A_183 : i32
        %parallel_loop3A_185 = arith.extui %parallel_loop3A_184 : i1 to i32
        %parallel_loop3A_186 = arith.constant 0 : i32
        %parallel_loop3A_187 = arith.cmpi slt, %parallel_loop3A_174, %parallel_loop3A_186 : i32
        %parallel_loop3A_188 = arith.extui %parallel_loop3A_187 : i1 to i32
        %parallel_loop3A_189 = arith.subi %parallel_loop3A_185, %parallel_loop3A_188 : i32
        %parallel_loop3A_190 = arith.cmpi ne, %parallel_loop3A_182, %parallel_loop3A_189 : i32
        %parallel_loop3A_191 = arith.remsi %parallel_loop3A_117, %parallel_loop3A_174 : i32
        %parallel_loop3A_192 = arith.constant 0 : i32
        %parallel_loop3A_193 = arith.cmpi ne, %parallel_loop3A_191, %parallel_loop3A_192 : i32
        %parallel_loop3A_194 = arith.andi %parallel_loop3A_190, %parallel_loop3A_193 : i1
        %parallel_loop3A_195 = arith.constant 1 : i32
        %parallel_loop3A_196 = arith.subi %parallel_loop3A_175, %parallel_loop3A_195 : i32
        %parallel_loop3A_197 = arith.select %parallel_loop3A_194, %parallel_loop3A_196, %parallel_loop3A_175 : i32
        %parallel_loop3A_198 = arith.constant 8 : i32
        %parallel_loop3A_199 = arith.constant 0 : i32
        %parallel_loop3A_200 = arith.cmpi eq, %parallel_loop3A_198, %parallel_loop3A_199 : i32
        %parallel_loop3A_201 = arith.constant 1 : i32
        %parallel_loop3A_202 = arith.select %parallel_loop3A_200, %parallel_loop3A_201, %parallel_loop3A_198 : i32
        %parallel_loop3A_203 = arith.remsi %parallel_loop3A_117, %parallel_loop3A_202 : i32
        %parallel_loop3A_204 = arith.constant 0 : i32
        %parallel_loop3A_205 = arith.cmpi ne, %parallel_loop3A_203, %parallel_loop3A_204 : i32
        %parallel_loop3A_206 = arith.constant 0 : i32
        %parallel_loop3A_207 = arith.cmpi slt, %parallel_loop3A_203, %parallel_loop3A_206 : i32
        %parallel_loop3A_208 = arith.constant 0 : i32
        %parallel_loop3A_209 = arith.cmpi slt, %parallel_loop3A_202, %parallel_loop3A_208 : i32
        %parallel_loop3A_210 = arith.xori %parallel_loop3A_207, %parallel_loop3A_209 : i1
        %parallel_loop3A_211 = arith.andi %parallel_loop3A_210, %parallel_loop3A_205 : i1
        %parallel_loop3A_212 = arith.addi %parallel_loop3A_203, %parallel_loop3A_202 : i32
        %parallel_loop3A_213 = arith.select %parallel_loop3A_211, %parallel_loop3A_212, %parallel_loop3A_203 : i32
        %parallel_loop3A_214 = arith.index_cast %parallel_loop3A_197 : i32 to index
        %parallel_loop3A_215 = arith.index_cast %parallel_loop3A_213 : i32 to index
        %parallel_loop3A_216 = arith.constant 16 : index
        %parallel_loop3A_217 = tpu.vector_load %arg11[%parallel_loop3A_214, %parallel_loop3A_215, %parallel_loop3A_216] {strides = array<i32>} : memref<8x8x128xf32, #tpu.memory_space<vmem>>, vector<16xf32>,
        tpu.vector_store %arg11[%parallel_loop3A_214, %parallel_loop3A_215, %parallel_loop3A_216], %parallel_loop3A_173 {strides = array<i32>} : memref<8x8x128xf32, #tpu.memory_space<vmem>>, vector<16xf32>,
        %parallel_loop3A_218 = arith.constant 32 : i32
        %parallel_loop3A_219 = vector.broadcast %parallel_loop3A_218 : i32 to vector<16xi32>
        %parallel_loop3A_220 = arith.addi %parallel_loop3A_121, %parallel_loop3A_219 : vector<16xi32>
        %parallel_loop3A_221 = tpu.vector_load_idx %arg9[%parallel_loop3A_220] : memref<8272xf32, #tpu.memory_space<vmem>>[vector<16xi32>], vector<16xf32>,
        %parallel_loop3A_222 = arith.constant 8 : i32
        %parallel_loop3A_223 = arith.divsi %parallel_loop3A_117, %parallel_loop3A_222 : i32
        %parallel_loop3A_224 = arith.constant 0 : i32
        %parallel_loop3A_225 = arith.cmpi sgt, %parallel_loop3A_117, %parallel_loop3A_224 : i32
        %parallel_loop3A_226 = arith.extui %parallel_loop3A_225 : i1 to i32
        %parallel_loop3A_227 = arith.constant 0 : i32
        %parallel_loop3A_228 = arith.cmpi slt, %parallel_loop3A_117, %parallel_loop3A_227 : i32
        %parallel_loop3A_229 = arith.extui %parallel_loop3A_228 : i1 to i32
        %parallel_loop3A_230 = arith.subi %parallel_loop3A_226, %parallel_loop3A_229 : i32
        %parallel_loop3A_231 = arith.constant 0 : i32
        %parallel_loop3A_232 = arith.cmpi sgt, %parallel_loop3A_222, %parallel_loop3A_231 : i32
        %parallel_loop3A_233 = arith.extui %parallel_loop3A_232 : i1 to i32
        %parallel_loop3A_234 = arith.constant 0 : i32
        %parallel_loop3A_235 = arith.cmpi slt, %parallel_loop3A_222, %parallel_loop3A_234 : i32
        %parallel_loop3A_236 = arith.extui %parallel_loop3A_235 : i1 to i32
        %parallel_loop3A_237 = arith.subi %parallel_loop3A_233, %parallel_loop3A_236 : i32
        %parallel_loop3A_238 = arith.cmpi ne, %parallel_loop3A_230, %parallel_loop3A_237 : i32
        %parallel_loop3A_239 = arith.remsi %parallel_loop3A_117, %parallel_loop3A_222 : i32
        %parallel_loop3A_240 = arith.constant 0 : i32
        %parallel_loop3A_241 = arith.cmpi ne, %parallel_loop3A_239, %parallel_loop3A_240 : i32
        %parallel_loop3A_242 = arith.andi %parallel_loop3A_238, %parallel_loop3A_241 : i1
        %parallel_loop3A_243 = arith.constant 1 : i32
        %parallel_loop3A_244 = arith.subi %parallel_loop3A_223, %parallel_loop3A_243 : i32
        %parallel_loop3A_245 = arith.select %parallel_loop3A_242, %parallel_loop3A_244, %parallel_loop3A_223 : i32
        %parallel_loop3A_246 = arith.constant 8 : i32
        %parallel_loop3A_247 = arith.constant 0 : i32
        %parallel_loop3A_248 = arith.cmpi eq, %parallel_loop3A_246, %parallel_loop3A_247 : i32
        %parallel_loop3A_249 = arith.constant 1 : i32
        %parallel_loop3A_250 = arith.select %parallel_loop3A_248, %parallel_loop3A_249, %parallel_loop3A_246 : i32
        %parallel_loop3A_251 = arith.remsi %parallel_loop3A_117, %parallel_loop3A_250 : i32
        %parallel_loop3A_252 = arith.constant 0 : i32
        %parallel_loop3A_253 = arith.cmpi ne, %parallel_loop3A_251, %parallel_loop3A_252 : i32
        %parallel_loop3A_254 = arith.constant 0 : i32
        %parallel_loop3A_255 = arith.cmpi slt, %parallel_loop3A_251, %parallel_loop3A_254 : i32
        %parallel_loop3A_256 = arith.constant 0 : i32
        %parallel_loop3A_257 = arith.cmpi slt, %parallel_loop3A_250, %parallel_loop3A_256 : i32
        %parallel_loop3A_258 = arith.xori %parallel_loop3A_255, %parallel_loop3A_257 : i1
        %parallel_loop3A_259 = arith.andi %parallel_loop3A_258, %parallel_loop3A_253 : i1
        %parallel_loop3A_260 = arith.addi %parallel_loop3A_251, %parallel_loop3A_250 : i32
        %parallel_loop3A_261 = arith.select %parallel_loop3A_259, %parallel_loop3A_260, %parallel_loop3A_251 : i32
        %parallel_loop3A_262 = arith.index_cast %parallel_loop3A_245 : i32 to index
        %parallel_loop3A_263 = arith.index_cast %parallel_loop3A_261 : i32 to index
        %parallel_loop3A_264 = arith.constant 32 : index
        %parallel_loop3A_265 = tpu.vector_load %arg11[%parallel_loop3A_262, %parallel_loop3A_263, %parallel_loop3A_264] {strides = array<i32>} : memref<8x8x128xf32, #tpu.memory_space<vmem>>, vector<16xf32>,
        tpu.vector_store %arg11[%parallel_loop3A_262, %parallel_loop3A_263, %parallel_loop3A_264], %parallel_loop3A_221 {strides = array<i32>} : memref<8x8x128xf32, #tpu.memory_space<vmem>>, vector<16xf32>,
        %parallel_loop3A_266 = arith.constant 48 : i32
        %parallel_loop3A_267 = vector.broadcast %parallel_loop3A_266 : i32 to vector<16xi32>
        %parallel_loop3A_268 = arith.addi %parallel_loop3A_121, %parallel_loop3A_267 : vector<16xi32>
        %parallel_loop3A_269 = tpu.vector_load_idx %arg9[%parallel_loop3A_268] : memref<8272xf32, #tpu.memory_space<vmem>>[vector<16xi32>], vector<16xf32>,
        %parallel_loop3A_270 = arith.constant 8 : i32
        %parallel_loop3A_271 = arith.divsi %parallel_loop3A_117, %parallel_loop3A_270 : i32
        %parallel_loop3A_272 = arith.constant 0 : i32
        %parallel_loop3A_273 = arith.cmpi sgt, %parallel_loop3A_117, %parallel_loop3A_272 : i32
        %parallel_loop3A_274 = arith.extui %parallel_loop3A_273 : i1 to i32
        %parallel_loop3A_275 = arith.constant 0 : i32
        %parallel_loop3A_276 = arith.cmpi slt, %parallel_loop3A_117, %parallel_loop3A_275 : i32
        %parallel_loop3A_277 = arith.extui %parallel_loop3A_276 : i1 to i32
        %parallel_loop3A_278 = arith.subi %parallel_loop3A_274, %parallel_loop3A_277 : i32
        %parallel_loop3A_279 = arith.constant 0 : i32
        %parallel_loop3A_280 = arith.cmpi sgt, %parallel_loop3A_270, %parallel_loop3A_279 : i32
        %parallel_loop3A_281 = arith.extui %parallel_loop3A_280 : i1 to i32
        %parallel_loop3A_282 = arith.constant 0 : i32
        %parallel_loop3A_283 = arith.cmpi slt, %parallel_loop3A_270, %parallel_loop3A_282 : i32
        %parallel_loop3A_284 = arith.extui %parallel_loop3A_283 : i1 to i32
        %parallel_loop3A_285 = arith.subi %parallel_loop3A_281, %parallel_loop3A_284 : i32
        %parallel_loop3A_286 = arith.cmpi ne, %parallel_loop3A_278, %parallel_loop3A_285 : i32
        %parallel_loop3A_287 = arith.remsi %parallel_loop3A_117, %parallel_loop3A_270 : i32
        %parallel_loop3A_288 = arith.constant 0 : i32
        %parallel_loop3A_289 = arith.cmpi ne, %parallel_loop3A_287, %parallel_loop3A_288 : i32
        %parallel_loop3A_290 = arith.andi %parallel_loop3A_286, %parallel_loop3A_289 : i1
        %parallel_loop3A_291 = arith.constant 1 : i32
        %parallel_loop3A_292 = arith.subi %parallel_loop3A_271, %parallel_loop3A_291 : i32
        %parallel_loop3A_293 = arith.select %parallel_loop3A_290, %parallel_loop3A_292, %parallel_loop3A_271 : i32
        %parallel_loop3A_294 = arith.constant 8 : i32
        %parallel_loop3A_295 = arith.constant 0 : i32
        %parallel_loop3A_296 = arith.cmpi eq, %parallel_loop3A_294, %parallel_loop3A_295 : i32
        %parallel_loop3A_297 = arith.constant 1 : i32
        %parallel_loop3A_298 = arith.select %parallel_loop3A_296, %parallel_loop3A_297, %parallel_loop3A_294 : i32
        %parallel_loop3A_299 = arith.remsi %parallel_loop3A_117, %parallel_loop3A_298 : i32
        %parallel_loop3A_300 = arith.constant 0 : i32
        %parallel_loop3A_301 = arith.cmpi ne, %parallel_loop3A_299, %parallel_loop3A_300 : i32
        %parallel_loop3A_302 = arith.constant 0 : i32
        %parallel_loop3A_303 = arith.cmpi slt, %parallel_loop3A_299, %parallel_loop3A_302 : i32
        %parallel_loop3A_304 = arith.constant 0 : i32
        %parallel_loop3A_305 = arith.cmpi slt, %parallel_loop3A_298, %parallel_loop3A_304 : i32
        %parallel_loop3A_306 = arith.xori %parallel_loop3A_303, %parallel_loop3A_305 : i1
        %parallel_loop3A_307 = arith.andi %parallel_loop3A_306, %parallel_loop3A_301 : i1
        %parallel_loop3A_308 = arith.addi %parallel_loop3A_299, %parallel_loop3A_298 : i32
        %parallel_loop3A_309 = arith.select %parallel_loop3A_307, %parallel_loop3A_308, %parallel_loop3A_299 : i32
        %parallel_loop3A_310 = arith.index_cast %parallel_loop3A_293 : i32 to index
        %parallel_loop3A_311 = arith.index_cast %parallel_loop3A_309 : i32 to index
        %parallel_loop3A_312 = arith.constant 48 : index
        %parallel_loop3A_313 = tpu.vector_load %arg11[%parallel_loop3A_310, %parallel_loop3A_311, %parallel_loop3A_312] {strides = array<i32>} : memref<8x8x128xf32, #tpu.memory_space<vmem>>, vector<16xf32>,
        tpu.vector_store %arg11[%parallel_loop3A_310, %parallel_loop3A_311, %parallel_loop3A_312], %parallel_loop3A_269 {strides = array<i32>} : memref<8x8x128xf32, #tpu.memory_space<vmem>>, vector<16xf32>,
        %parallel_loop3A_314 = arith.constant 64 : i32
        %parallel_loop3A_315 = vector.broadcast %parallel_loop3A_314 : i32 to vector<16xi32>
        %parallel_loop3A_316 = arith.addi %parallel_loop3A_121, %parallel_loop3A_315 : vector<16xi32>
        %parallel_loop3A_317 = tpu.vector_load_idx %arg9[%parallel_loop3A_316] : memref<8272xf32, #tpu.memory_space<vmem>>[vector<16xi32>], vector<16xf32>,
        %parallel_loop3A_318 = arith.constant 8 : i32
        %parallel_loop3A_319 = arith.divsi %parallel_loop3A_117, %parallel_loop3A_318 : i32
        %parallel_loop3A_320 = arith.constant 0 : i32
        %parallel_loop3A_321 = arith.cmpi sgt, %parallel_loop3A_117, %parallel_loop3A_320 : i32
        %parallel_loop3A_322 = arith.extui %parallel_loop3A_321 : i1 to i32
        %parallel_loop3A_323 = arith.constant 0 : i32
        %parallel_loop3A_324 = arith.cmpi slt, %parallel_loop3A_117, %parallel_loop3A_323 : i32
        %parallel_loop3A_325 = arith.extui %parallel_loop3A_324 : i1 to i32
        %parallel_loop3A_326 = arith.subi %parallel_loop3A_322, %parallel_loop3A_325 : i32
        %parallel_loop3A_327 = arith.constant 0 : i32
        %parallel_loop3A_328 = arith.cmpi sgt, %parallel_loop3A_318, %parallel_loop3A_327 : i32
        %parallel_loop3A_329 = arith.extui %parallel_loop3A_328 : i1 to i32
        %parallel_loop3A_330 = arith.constant 0 : i32
        %parallel_loop3A_331 = arith.cmpi slt, %parallel_loop3A_318, %parallel_loop3A_330 : i32
        %parallel_loop3A_332 = arith.extui %parallel_loop3A_331 : i1 to i32
        %parallel_loop3A_333 = arith.subi %parallel_loop3A_329, %parallel_loop3A_332 : i32
        %parallel_loop3A_334 = arith.cmpi ne, %parallel_loop3A_326, %parallel_loop3A_333 : i32
        %parallel_loop3A_335 = arith.remsi %parallel_loop3A_117, %parallel_loop3A_318 : i32
        %parallel_loop3A_336 = arith.constant 0 : i32
        %parallel_loop3A_337 = arith.cmpi ne, %parallel_loop3A_335, %parallel_loop3A_336 : i32
        %parallel_loop3A_338 = arith.andi %parallel_loop3A_334, %parallel_loop3A_337 : i1
        %parallel_loop3A_339 = arith.constant 1 : i32
        %parallel_loop3A_340 = arith.subi %parallel_loop3A_319, %parallel_loop3A_339 : i32
        %parallel_loop3A_341 = arith.select %parallel_loop3A_338, %parallel_loop3A_340, %parallel_loop3A_319 : i32
        %parallel_loop3A_342 = arith.constant 8 : i32
        %parallel_loop3A_343 = arith.constant 0 : i32
        %parallel_loop3A_344 = arith.cmpi eq, %parallel_loop3A_342, %parallel_loop3A_343 : i32
        %parallel_loop3A_345 = arith.constant 1 : i32
        %parallel_loop3A_346 = arith.select %parallel_loop3A_344, %parallel_loop3A_345, %parallel_loop3A_342 : i32
        %parallel_loop3A_347 = arith.remsi %parallel_loop3A_117, %parallel_loop3A_346 : i32
        %parallel_loop3A_348 = arith.constant 0 : i32
        %parallel_loop3A_349 = arith.cmpi ne, %parallel_loop3A_347, %parallel_loop3A_348 : i32
        %parallel_loop3A_350 = arith.constant 0 : i32
        %parallel_loop3A_351 = arith.cmpi slt, %parallel_loop3A_347, %parallel_loop3A_350 : i32
        %parallel_loop3A_352 = arith.constant 0 : i32
        %parallel_loop3A_353 = arith.cmpi slt, %parallel_loop3A_346, %parallel_loop3A_352 : i32
        %parallel_loop3A_354 = arith.xori %parallel_loop3A_351, %parallel_loop3A_353 : i1
        %parallel_loop3A_355 = arith.andi %parallel_loop3A_354, %parallel_loop3A_349 : i1
        %parallel_loop3A_356 = arith.addi %parallel_loop3A_347, %parallel_loop3A_346 : i32
        %parallel_loop3A_357 = arith.select %parallel_loop3A_355, %parallel_loop3A_356, %parallel_loop3A_347 : i32
        %parallel_loop3A_358 = arith.index_cast %parallel_loop3A_341 : i32 to index
        %parallel_loop3A_359 = arith.index_cast %parallel_loop3A_357 : i32 to index
        %parallel_loop3A_360 = arith.constant 64 : index
        %parallel_loop3A_361 = tpu.vector_load %arg11[%parallel_loop3A_358, %parallel_loop3A_359, %parallel_loop3A_360] {strides = array<i32>} : memref<8x8x128xf32, #tpu.memory_space<vmem>>, vector<16xf32>,
        tpu.vector_store %arg11[%parallel_loop3A_358, %parallel_loop3A_359, %parallel_loop3A_360], %parallel_loop3A_317 {strides = array<i32>} : memref<8x8x128xf32, #tpu.memory_space<vmem>>, vector<16xf32>,
        %parallel_loop3A_362 = arith.constant 80 : i32
        %parallel_loop3A_363 = vector.broadcast %parallel_loop3A_362 : i32 to vector<16xi32>
        %parallel_loop3A_364 = arith.addi %parallel_loop3A_121, %parallel_loop3A_363 : vector<16xi32>
        %parallel_loop3A_365 = tpu.vector_load_idx %arg9[%parallel_loop3A_364] : memref<8272xf32, #tpu.memory_space<vmem>>[vector<16xi32>], vector<16xf32>,
        %parallel_loop3A_366 = arith.constant 8 : i32
        %parallel_loop3A_367 = arith.divsi %parallel_loop3A_117, %parallel_loop3A_366 : i32
        %parallel_loop3A_368 = arith.constant 0 : i32
        %parallel_loop3A_369 = arith.cmpi sgt, %parallel_loop3A_117, %parallel_loop3A_368 : i32
        %parallel_loop3A_370 = arith.extui %parallel_loop3A_369 : i1 to i32
        %parallel_loop3A_371 = arith.constant 0 : i32
        %parallel_loop3A_372 = arith.cmpi slt, %parallel_loop3A_117, %parallel_loop3A_371 : i32
        %parallel_loop3A_373 = arith.extui %parallel_loop3A_372 : i1 to i32
        %parallel_loop3A_374 = arith.subi %parallel_loop3A_370, %parallel_loop3A_373 : i32
        %parallel_loop3A_375 = arith.constant 0 : i32
        %parallel_loop3A_376 = arith.cmpi sgt, %parallel_loop3A_366, %parallel_loop3A_375 : i32
        %parallel_loop3A_377 = arith.extui %parallel_loop3A_376 : i1 to i32
        %parallel_loop3A_378 = arith.constant 0 : i32
        %parallel_loop3A_379 = arith.cmpi slt, %parallel_loop3A_366, %parallel_loop3A_378 : i32
        %parallel_loop3A_380 = arith.extui %parallel_loop3A_379 : i1 to i32
        %parallel_loop3A_381 = arith.subi %parallel_loop3A_377, %parallel_loop3A_380 : i32
        %parallel_loop3A_382 = arith.cmpi ne, %parallel_loop3A_374, %parallel_loop3A_381 : i32
        %parallel_loop3A_383 = arith.remsi %parallel_loop3A_117, %parallel_loop3A_366 : i32
        %parallel_loop3A_384 = arith.constant 0 : i32
        %parallel_loop3A_385 = arith.cmpi ne, %parallel_loop3A_383, %parallel_loop3A_384 : i32
        %parallel_loop3A_386 = arith.andi %parallel_loop3A_382, %parallel_loop3A_385 : i1
        %parallel_loop3A_387 = arith.constant 1 : i32
        %parallel_loop3A_388 = arith.subi %parallel_loop3A_367, %parallel_loop3A_387 : i32
        %parallel_loop3A_389 = arith.select %parallel_loop3A_386, %parallel_loop3A_388, %parallel_loop3A_367 : i32
        %parallel_loop3A_390 = arith.constant 8 : i32
        %parallel_loop3A_391 = arith.constant 0 : i32
        %parallel_loop3A_392 = arith.cmpi eq, %parallel_loop3A_390, %parallel_loop3A_391 : i32
        %parallel_loop3A_393 = arith.constant 1 : i32
        %parallel_loop3A_394 = arith.select %parallel_loop3A_392, %parallel_loop3A_393, %parallel_loop3A_390 : i32
        %parallel_loop3A_395 = arith.remsi %parallel_loop3A_117, %parallel_loop3A_394 : i32
        %parallel_loop3A_396 = arith.constant 0 : i32
        %parallel_loop3A_397 = arith.cmpi ne, %parallel_loop3A_395, %parallel_loop3A_396 : i32
        %parallel_loop3A_398 = arith.constant 0 : i32
        %parallel_loop3A_399 = arith.cmpi slt, %parallel_loop3A_395, %parallel_loop3A_398 : i32
        %parallel_loop3A_400 = arith.constant 0 : i32
        %parallel_loop3A_401 = arith.cmpi slt, %parallel_loop3A_394, %parallel_loop3A_400 : i32
        %parallel_loop3A_402 = arith.xori %parallel_loop3A_399, %parallel_loop3A_401 : i1
        %parallel_loop3A_403 = arith.andi %parallel_loop3A_402, %parallel_loop3A_397 : i1
        %parallel_loop3A_404 = arith.addi %parallel_loop3A_395, %parallel_loop3A_394 : i32
        %parallel_loop3A_405 = arith.select %parallel_loop3A_403, %parallel_loop3A_404, %parallel_loop3A_395 : i32
        %parallel_loop3A_406 = arith.index_cast %parallel_loop3A_389 : i32 to index
        %parallel_loop3A_407 = arith.index_cast %parallel_loop3A_405 : i32 to index
        %parallel_loop3A_408 = arith.constant 80 : index
        %parallel_loop3A_409 = tpu.vector_load %arg11[%parallel_loop3A_406, %parallel_loop3A_407, %parallel_loop3A_408] {strides = array<i32>} : memref<8x8x128xf32, #tpu.memory_space<vmem>>, vector<16xf32>,
        tpu.vector_store %arg11[%parallel_loop3A_406, %parallel_loop3A_407, %parallel_loop3A_408], %parallel_loop3A_365 {strides = array<i32>} : memref<8x8x128xf32, #tpu.memory_space<vmem>>, vector<16xf32>,
        %parallel_loop3A_410 = arith.constant 96 : i32
        %parallel_loop3A_411 = vector.broadcast %parallel_loop3A_410 : i32 to vector<16xi32>
        %parallel_loop3A_412 = arith.addi %parallel_loop3A_121, %parallel_loop3A_411 : vector<16xi32>
        %parallel_loop3A_413 = tpu.vector_load_idx %arg9[%parallel_loop3A_412] : memref<8272xf32, #tpu.memory_space<vmem>>[vector<16xi32>], vector<16xf32>,
        %parallel_loop3A_414 = arith.constant 8 : i32
        %parallel_loop3A_415 = arith.divsi %parallel_loop3A_117, %parallel_loop3A_414 : i32
        %parallel_loop3A_416 = arith.constant 0 : i32
        %parallel_loop3A_417 = arith.cmpi sgt, %parallel_loop3A_117, %parallel_loop3A_416 : i32
        %parallel_loop3A_418 = arith.extui %parallel_loop3A_417 : i1 to i32
        %parallel_loop3A_419 = arith.constant 0 : i32
        %parallel_loop3A_420 = arith.cmpi slt, %parallel_loop3A_117, %parallel_loop3A_419 : i32
        %parallel_loop3A_421 = arith.extui %parallel_loop3A_420 : i1 to i32
        %parallel_loop3A_422 = arith.subi %parallel_loop3A_418, %parallel_loop3A_421 : i32
        %parallel_loop3A_423 = arith.constant 0 : i32
        %parallel_loop3A_424 = arith.cmpi sgt, %parallel_loop3A_414, %parallel_loop3A_423 : i32
        %parallel_loop3A_425 = arith.extui %parallel_loop3A_424 : i1 to i32
        %parallel_loop3A_426 = arith.constant 0 : i32
        %parallel_loop3A_427 = arith.cmpi slt, %parallel_loop3A_414, %parallel_loop3A_426 : i32
        %parallel_loop3A_428 = arith.extui %parallel_loop3A_427 : i1 to i32
        %parallel_loop3A_429 = arith.subi %parallel_loop3A_425, %parallel_loop3A_428 : i32
        %parallel_loop3A_430 = arith.cmpi ne, %parallel_loop3A_422, %parallel_loop3A_429 : i32
        %parallel_loop3A_431 = arith.remsi %parallel_loop3A_117, %parallel_loop3A_414 : i32
        %parallel_loop3A_432 = arith.constant 0 : i32
        %parallel_loop3A_433 = arith.cmpi ne, %parallel_loop3A_431, %parallel_loop3A_432 : i32
        %parallel_loop3A_434 = arith.andi %parallel_loop3A_430, %parallel_loop3A_433 : i1
        %parallel_loop3A_435 = arith.constant 1 : i32
        %parallel_loop3A_436 = arith.subi %parallel_loop3A_415, %parallel_loop3A_435 : i32
        %parallel_loop3A_437 = arith.select %parallel_loop3A_434, %parallel_loop3A_436, %parallel_loop3A_415 : i32
        %parallel_loop3A_438 = arith.constant 8 : i32
        %parallel_loop3A_439 = arith.constant 0 : i32
        %parallel_loop3A_440 = arith.cmpi eq, %parallel_loop3A_438, %parallel_loop3A_439 : i32
        %parallel_loop3A_441 = arith.constant 1 : i32
        %parallel_loop3A_442 = arith.select %parallel_loop3A_440, %parallel_loop3A_441, %parallel_loop3A_438 : i32
        %parallel_loop3A_443 = arith.remsi %parallel_loop3A_117, %parallel_loop3A_442 : i32
        %parallel_loop3A_444 = arith.constant 0 : i32
        %parallel_loop3A_445 = arith.cmpi ne, %parallel_loop3A_443, %parallel_loop3A_444 : i32
        %parallel_loop3A_446 = arith.constant 0 : i32
        %parallel_loop3A_447 = arith.cmpi slt, %parallel_loop3A_443, %parallel_loop3A_446 : i32
        %parallel_loop3A_448 = arith.constant 0 : i32
        %parallel_loop3A_449 = arith.cmpi slt, %parallel_loop3A_442, %parallel_loop3A_448 : i32
        %parallel_loop3A_450 = arith.xori %parallel_loop3A_447, %parallel_loop3A_449 : i1
        %parallel_loop3A_451 = arith.andi %parallel_loop3A_450, %parallel_loop3A_445 : i1
        %parallel_loop3A_452 = arith.addi %parallel_loop3A_443, %parallel_loop3A_442 : i32
        %parallel_loop3A_453 = arith.select %parallel_loop3A_451, %parallel_loop3A_452, %parallel_loop3A_443 : i32
        %parallel_loop3A_454 = arith.index_cast %parallel_loop3A_437 : i32 to index
        %parallel_loop3A_455 = arith.index_cast %parallel_loop3A_453 : i32 to index
        %parallel_loop3A_456 = arith.constant 96 : index
        %parallel_loop3A_457 = tpu.vector_load %arg11[%parallel_loop3A_454, %parallel_loop3A_455, %parallel_loop3A_456] {strides = array<i32>} : memref<8x8x128xf32, #tpu.memory_space<vmem>>, vector<16xf32>,
        tpu.vector_store %arg11[%parallel_loop3A_454, %parallel_loop3A_455, %parallel_loop3A_456], %parallel_loop3A_413 {strides = array<i32>} : memref<8x8x128xf32, #tpu.memory_space<vmem>>, vector<16xf32>,
        %parallel_loop3A_458 = arith.constant 112 : i32
        %parallel_loop3A_459 = vector.broadcast %parallel_loop3A_458 : i32 to vector<16xi32>
        %parallel_loop3A_460 = arith.addi %parallel_loop3A_121, %parallel_loop3A_459 : vector<16xi32>
        %parallel_loop3A_461 = tpu.vector_load_idx %arg9[%parallel_loop3A_460] : memref<8272xf32, #tpu.memory_space<vmem>>[vector<16xi32>], vector<16xf32>,
        %parallel_loop3A_462 = arith.constant 8 : i32
        %parallel_loop3A_463 = arith.divsi %parallel_loop3A_117, %parallel_loop3A_462 : i32
        %parallel_loop3A_464 = arith.constant 0 : i32
        %parallel_loop3A_465 = arith.cmpi sgt, %parallel_loop3A_117, %parallel_loop3A_464 : i32
        %parallel_loop3A_466 = arith.extui %parallel_loop3A_465 : i1 to i32
        %parallel_loop3A_467 = arith.constant 0 : i32
        %parallel_loop3A_468 = arith.cmpi slt, %parallel_loop3A_117, %parallel_loop3A_467 : i32
        %parallel_loop3A_469 = arith.extui %parallel_loop3A_468 : i1 to i32
        %parallel_loop3A_470 = arith.subi %parallel_loop3A_466, %parallel_loop3A_469 : i32
        %parallel_loop3A_471 = arith.constant 0 : i32
        %parallel_loop3A_472 = arith.cmpi sgt, %parallel_loop3A_462, %parallel_loop3A_471 : i32
        %parallel_loop3A_473 = arith.extui %parallel_loop3A_472 : i1 to i32
        %parallel_loop3A_474 = arith.constant 0 : i32
        %parallel_loop3A_475 = arith.cmpi slt, %parallel_loop3A_462, %parallel_loop3A_474 : i32
        %parallel_loop3A_476 = arith.extui %parallel_loop3A_475 : i1 to i32
        %parallel_loop3A_477 = arith.subi %parallel_loop3A_473, %parallel_loop3A_476 : i32
        %parallel_loop3A_478 = arith.cmpi ne, %parallel_loop3A_470, %parallel_loop3A_477 : i32
        %parallel_loop3A_479 = arith.remsi %parallel_loop3A_117, %parallel_loop3A_462 : i32
        %parallel_loop3A_480 = arith.constant 0 : i32
        %parallel_loop3A_481 = arith.cmpi ne, %parallel_loop3A_479, %parallel_loop3A_480 : i32
        %parallel_loop3A_482 = arith.andi %parallel_loop3A_478, %parallel_loop3A_481 : i1
        %parallel_loop3A_483 = arith.constant 1 : i32
        %parallel_loop3A_484 = arith.subi %parallel_loop3A_463, %parallel_loop3A_483 : i32
        %parallel_loop3A_485 = arith.select %parallel_loop3A_482, %parallel_loop3A_484, %parallel_loop3A_463 : i32
        %parallel_loop3A_486 = arith.constant 8 : i32
        %parallel_loop3A_487 = arith.constant 0 : i32
        %parallel_loop3A_488 = arith.cmpi eq, %parallel_loop3A_486, %parallel_loop3A_487 : i32
        %parallel_loop3A_489 = arith.constant 1 : i32
        %parallel_loop3A_490 = arith.select %parallel_loop3A_488, %parallel_loop3A_489, %parallel_loop3A_486 : i32
        %parallel_loop3A_491 = arith.remsi %parallel_loop3A_117, %parallel_loop3A_490 : i32
        %parallel_loop3A_492 = arith.constant 0 : i32
        %parallel_loop3A_493 = arith.cmpi ne, %parallel_loop3A_491, %parallel_loop3A_492 : i32
        %parallel_loop3A_494 = arith.constant 0 : i32
        %parallel_loop3A_495 = arith.cmpi slt, %parallel_loop3A_491, %parallel_loop3A_494 : i32
        %parallel_loop3A_496 = arith.constant 0 : i32
        %parallel_loop3A_497 = arith.cmpi slt, %parallel_loop3A_490, %parallel_loop3A_496 : i32
        %parallel_loop3A_498 = arith.xori %parallel_loop3A_495, %parallel_loop3A_497 : i1
        %parallel_loop3A_499 = arith.andi %parallel_loop3A_498, %parallel_loop3A_493 : i1
        %parallel_loop3A_500 = arith.addi %parallel_loop3A_491, %parallel_loop3A_490 : i32
        %parallel_loop3A_501 = arith.select %parallel_loop3A_499, %parallel_loop3A_500, %parallel_loop3A_491 : i32
        %parallel_loop3A_502 = arith.index_cast %parallel_loop3A_485 : i32 to index
        %parallel_loop3A_503 = arith.index_cast %parallel_loop3A_501 : i32 to index
        %parallel_loop3A_504 = arith.constant 112 : index
        %parallel_loop3A_505 = tpu.vector_load %arg11[%parallel_loop3A_502, %parallel_loop3A_503, %parallel_loop3A_504] {strides = array<i32>} : memref<8x8x128xf32, #tpu.memory_space<vmem>>, vector<16xf32>,
        tpu.vector_store %arg11[%parallel_loop3A_502, %parallel_loop3A_503, %parallel_loop3A_504], %parallel_loop3A_461 {strides = array<i32>} : memref<8x8x128xf32, #tpu.memory_space<vmem>>, vector<16xf32>,
      } {sc.loop_unroll_factor = 2 : i64, sc.parallel_access}
      %dma_start3A_102 = arith.constant 0 : i32
      %dma_start3A_103 = arith.constant 0 : i32
      %dma_start3A_104 = arith.constant 0 : i32
      %dma_start3A_105 = tpu.memref_slice %arg4[%add3A_83, %dma_start3A_102, %add3A, %dma_start3A_103, %dma_start3A_104] : memref<200x8x32x8x128xf32, #tpu.memory_space<hbm>> -> memref<1x8x1x8x128xf32, #tpu.memory_space<hbm>>
      %dma_start3A_106 = tpu.memref_squeeze %dma_start3A_105 : memref<1x8x1x8x128xf32, #tpu.memory_space<hbm>> -> memref<8x8x128xf32, #tpu.memory_space<hbm>>
      %dma_start3A_107 = arith.constant 0 : i32
      %dma_start3A_108 = arith.constant 0 : i32
      %dma_start3A_109 = arith.constant 0 : i32
      %dma_start3A_110 = tpu.memref_slice %arg4[%add3A_83, %dma_start3A_107, %add3A, %dma_start3A_108, %dma_start3A_109] : memref<200x8x32x8x128xf32, #tpu.memory_space<hbm>> -> memref<1x8x1x8x128xf32, #tpu.memory_space<hbm>>
      %dma_start3A_111 = tpu.memref_squeeze %dma_start3A_110 : memref<1x8x1x8x128xf32, #tpu.memory_space<hbm>> -> memref<8x8x128xf32, #tpu.memory_space<hbm>>
      tpu.enqueue_dma source(%arg11 : memref<8x8x128xf32, #tpu.memory_space<vmem>>) target(%dma_start3A_111 : memref<8x8x128xf32, #tpu.memory_space<hbm>>) target_semaphore(%arg15 : memref<!tpu.dma_semaphore, #tpu.memory_space<semaphore_mem>>)
      %lt3A_112 = arith.constant 99 : i32
      %lt3A_113 = arith.cmpi slt, %scan3A_47, %lt3A_112 : i32
      %convert_element_type3A_114 = arith.extui %lt3A_113 : i1 to i32
      %cond3A_115 = arith.constant 0 : i32
      %cond3A_116 = arith.cmpi ne, %convert_element_type3A_114, %cond3A_115 : i32
      scf.if %cond3A_116 {
        %add3A_117 = arith.constant 2 : i32
        %add3A_118 = arith.addi %add3A_83, %add3A_117 : i32
        %dma_start3A_119 = arith.constant 0 : i32
        %dma_start3A_120 = tpu.memref_slice %arg5[%add3A_118, %dma_start3A_119] : memref<200x128xi32, #tpu.memory_space<vmem>> -> memref<1x128xi32, #tpu.memory_space<vmem>>
        %dma_start3A_121 = tpu.memref_squeeze %dma_start3A_120 : memref<1x128xi32, #tpu.memory_space<vmem>> -> memref<128xi32, #tpu.memory_space<vmem>>
        %dma_start3A_122 = arith.constant 0 : i32
        %dma_start3A_123 = arith.constant 0 : i32
        %dma_start3A_124 = tpu.memref_slice %arg3[%dma_start3A_122, %dma_start3A_123] : memref<1000000x64xf32, #tpu.memory_space<hbm>> -> memref<1000000x64xf32, #tpu.memory_space<hbm>>
        tpu.enqueue_indirect_dma source(%dma_start3A_124 : memref<1000000x64xf32, #tpu.memory_space<hbm>>) target(%arg7 : memref<128x64xf32, #tpu.memory_space<vmem>>) offsets(%dma_start3A_121 : memref<128xi32, #tpu.memory_space<vmem>>) semaphore(%arg13 : memref<!tpu.dma_semaphore, #tpu.memory_space<semaphore_mem>>)
      } else {
      }
    }
    %scan3A_23 = arith.constant 100 : i32
    %dma_wait3A = arith.constant 0 : i32
    %dma_wait3A_24 = arith.constant 0 : i32
    %dma_wait3A_25 = arith.constant 0 : i32
    %dma_wait3A_26 = arith.constant 0 : i32
    %dma_wait3A_27 = arith.constant 0 : i32
    %dma_wait3A_28 = tpu.memref_slice %arg4[%dma_wait3A, %dma_wait3A_25, %dma_wait3A_24, %dma_wait3A_26, %dma_wait3A_27] : memref<200x8x32x8x128xf32, #tpu.memory_space<hbm>> -> memref<1x8x1x8x128xf32, #tpu.memory_space<hbm>>
    %dma_wait3A_29 = tpu.memref_squeeze %dma_wait3A_28 : memref<1x8x1x8x128xf32, #tpu.memory_space<hbm>> -> memref<8x8x128xf32, #tpu.memory_space<hbm>>
    %dma_wait3A_30 = arith.constant 0 : i32
    %dma_wait3A_31 = arith.constant 0 : i32
    %dma_wait3A_32 = arith.constant 0 : i32
    %dma_wait3A_33 = tpu.memref_slice %arg4[%dma_wait3A, %dma_wait3A_30, %dma_wait3A_24, %dma_wait3A_31, %dma_wait3A_32] : memref<200x8x32x8x128xf32, #tpu.memory_space<hbm>> -> memref<1x8x1x8x128xf32, #tpu.memory_space<hbm>>
    %dma_wait3A_34 = tpu.memref_squeeze %dma_wait3A_33 : memref<1x8x1x8x128xf32, #tpu.memory_space<hbm>> -> memref<8x8x128xf32, #tpu.memory_space<hbm>>
    tpu.wait_dma2 semaphore(%arg14 : memref<!tpu.dma_semaphore, #tpu.memory_space<semaphore_mem>>) src(%arg10 : memref<8x8x128xf32, #tpu.memory_space<vmem>>) dst(%dma_wait3A_34 : memref<8x8x128xf32, #tpu.memory_space<hbm>>)
    %dma_wait3A_35 = arith.constant 0 : i32
    %dma_wait3A_36 = arith.constant 0 : i32
    %dma_wait3A_37 = arith.constant 0 : i32
    %dma_wait3A_38 = arith.constant 0 : i32
    %dma_wait3A_39 = arith.constant 0 : i32
    %dma_wait3A_40 = tpu.memref_slice %arg4[%dma_wait3A_35, %dma_wait3A_37, %dma_wait3A_36, %dma_wait3A_38, %dma_wait3A_39] : memref<200x8x32x8x128xf32, #tpu.memory_space<hbm>> -> memref<1x8x1x8x128xf32, #tpu.memory_space<hbm>>
    %dma_wait3A_41 = tpu.memref_squeeze %dma_wait3A_40 : memref<1x8x1x8x128xf32, #tpu.memory_space<hbm>> -> memref<8x8x128xf32, #tpu.memory_space<hbm>>
    %dma_wait3A_42 = arith.constant 0 : i32
    %dma_wait3A_43 = arith.constant 0 : i32
    %dma_wait3A_44 = arith.constant 0 : i32
    %dma_wait3A_45 = tpu.memref_slice %arg4[%dma_wait3A_35, %dma_wait3A_42, %dma_wait3A_36, %dma_wait3A_43, %dma_wait3A_44] : memref<200x8x32x8x128xf32, #tpu.memory_space<hbm>> -> memref<1x8x1x8x128xf32, #tpu.memory_space<hbm>>
    %dma_wait3A_46 = tpu.memref_squeeze %dma_wait3A_45 : memref<1x8x1x8x128xf32, #tpu.memory_space<hbm>> -> memref<8x8x128xf32, #tpu.memory_space<hbm>>
    tpu.wait_dma2 semaphore(%arg15 : memref<!tpu.dma_semaphore, #tpu.memory_space<semaphore_mem>>) src(%arg11 : memref<8x8x128xf32, #tpu.memory_space<vmem>>) dst(%dma_wait3A_46 : memref<8x8x128xf32, #tpu.memory_space<hbm>>)
    return
  }
}

</mosaic_0001>

<sc_bundles>
// kernel: _embed.4.cloned.1.call-start
scs
__scs_entry_jumppad:
0x0: {  	(pc) =	sbr.rel $0x88, $3  }
0x1: {  	(tag) =	ssettag $0x0;
	lr =	simm.s32 $0x1  }
0x2: {  	[smem:$0x3F9F] =	sst lr;
	_ =	strace $0xD0000000  }
0x3: {  	_ = 	snop  }
0x4: {  	_ = 	snop  }
0x5: {  	_ = 	snop  }
0x6: {  	_ = 	snop  }
0x7: {  	_ = 	snop  }
__scs_overlays_trampoline_lowered:
0x8: {  	[smem:$0x3FAE] =	sst s0  }
0x9: {  	[smem:$0x3FAF] =	sst s1  }
0xa: {  	[smem:$0x3FB0] =	sst s2  }
0xb: {  	[smem:$0x3FB1] =	sst s3  }
0xc: {  	[smem:$0x3FB2] =	sst s4  }
0xd: {  	[smem:$0x3FB3] =	sst s5  }
0xe: {  	[smem:$0x3FB4] =	sst s6  }
0xf: {  	[smem:$0x3FB5] =	sst s7  }
0x10: {  	[smem:$0x3FB6] =	sst s8  }
0x11: {  	[smem:$0x3FB7] =	sst s9;
	s0 =	simm.s32 @!p0 $0x0  }
0x12: {  	s1 =	sld [smem:$0x3F9D];
	s0 =	simm.s32 @p0 $0x1  }
0x13: {  	[smem:$0x3FB8] =	sst s0;
	s0 =	simm.s32 @!p1 $0x0  }
0x14: {  	s2 =	sld [smem:$0x3F9C];
	s0 =	simm.s32 @p1 $0x1  }
0x15: {  	[smem:$0x3FB9] =	sst s0;
	s0 =	simm.s32 @!p2 $0x0  }
0x16: {  	s3 =	sld [smem:$0x3FDB];
	s0 =	simm.s32 @p2 $0x1  }
0x17: {  	s4 =	simm.s32 $0x1BF5;
	[smem:$0x3FBB] =	sst s0  }
0x18: {  	s0 =	sld [smem:$0x3F9E];
	_ =	swait.ge [sflag:s4], $0x0  }
0x19: {  	s7 =	sld [smem:$0x3F9F]  }
0x1a: {  	s8 =	sadd.s32 $0xFFFFE003, lr  }
0x1b: {  	s9 =	sadd.s32 $0xFFFFFEF7, lr;
	s5 =	simm.s32 $0xFFFFFFFF;
	p2 =	slt.u32 s8, $0xFFFFF086  }
0x1c: {  	p1 =	slt.u32 s9, $0xF7A;
	s5 =	simm.s32 @!p2 $0x0  }
0x1d: {  	s5 =	simm.s32 @p1 $0x1;
	p0 =	seq.s32 s7, s2  }
0x1e: {  	s7 =	smul.u32 @!p0 $0xF7A, s2;
	p2 =	seq.s32 @!p0 s5, $0x0  }
0x1f: {  	s9 =	smul.u32 $0xF7A, s1;
	s8 =	simm.s32 @!p0 $0x1BF5;
	p2 =	por !p2, p0  }
0x20: {  	[sflag:s8] =	ssyncset.s32 @!p0 $0xFFFFF086;
	s6 =	sadd.s32 @!p0 s3, s7;
	s7 =	simm.s32 @!p0 $0x108  }
0x21: {  	s3 =	sadd.s32 s3, s9;
	s6 =	sadd.s32 @!p0 $0x88, s6;
	s7 =	simm.s32 @p2 $0x1082  }
0x22: {  	[simem:s7], [sflag:s8] =	dma.local @!p0 [hbm:s6], $0xF7A  }
0x23: {  	s9 =	sor.u32 $0xD0000000, s2;
	s6 =	simm.s32 $0x108;
	_ =	swait.ge @!p0 [sflag:s8], $0x0  }
0x24: {  	s3 =	sadd.s32 $0x88, s3;
	s6 =	simm.s32 @!p1 $0x1082;
	[sflag:s4] =	ssyncset.s32 $0xFFFFF086  }
0x25: {  	[simem:s6], [sflag:s4] =	dma.local [hbm:s3], $0xF7A  }
0x26: {  	[smem:$0x3F9F] =	sst s1;
	(tag) =	ssettag s2;
	_ =	strace s9  }
0x27: {  	s1 =	sld [smem:$0x3FAF]  }
0x28: {  	s2 =	sld [smem:$0x3FB0]  }
0x29: {  	s4 =	sld [smem:$0x3FB2]  }
0x2a: {  	p0 =	seq.s32 s5, $0x0;
	s5 =	sld [smem:$0x3FB3]  }
0x2b: {  	s6 =	sld [smem:$0x3FB4]  }
0x2c: {  	s7 =	sld [smem:$0x3FB5]  }
0x2d: {  	s3 =	simm.s32 $0x108;
	s8 =	sld [smem:$0x3FB6]  }
0x2e: {  	s3 =	simm.s32 @!p0 $0x1082;
	s9 =	sld [smem:$0x3FB7]  }
0x2f: {  	lr =	sadd.s32 s0, s3;
	s0 =	sld [smem:$0x3FAE]  }
0x30: {  	s3 =	sld [smem:$0x3FB1]  }
0x31: {  	[smem:$0x3FBA] =	sst s10  }
0x32: {  	s10 =	sld [smem:$0x3FB8];
	_ =	sdelay $0x3  }
0x33: {  	p0 =	seq.s32 s10, $0x1;
	s10 =	sld [smem:$0x3FBA];
	_ =	sdelay $0x3  }
0x34: {  	[smem:$0x3FBA] =	sst s10  }
0x35: {  	s10 =	sld [smem:$0x3FB9];
	_ =	sdelay $0x3  }
0x36: {  	p1 =	seq.s32 s10, $0x1;
	s10 =	sld [smem:$0x3FBA];
	_ =	sdelay $0x3  }
0x37: {  	[smem:$0x3FBA] =	sst s10  }
0x38: {  	s10 =	sld [smem:$0x3FBB]  }
0x39: {  	_ = 	snop;
	(pc) =	sbr.ind lr, $3  }
0x3a: {  	_ = 	snop  }
0x3b: {  	_ = 	snop  }
0x3c: {  	p2 =	seq.s32 s10, $0x1;
	s10 =	sld [smem:$0x3FBA]  }
0x3d: {  	_ =	shalt  }
0x3e: {  	_ =	shalt  }
0x3f: {  	_ =	shalt  }
0x40: {  	_ =	shalt  }
0x41: {  	_ =	shalt  }
0x42: {  	_ =	shalt  }
0x43: {  	_ =	shalt  }
0x44: {  	_ =	shalt  }
0x45: {  	_ =	shalt  }
0x46: {  	_ =	shalt  }
0x47: {  	_ =	shalt  }
0x48: {  	_ =	shalt  }
0x49: {  	_ =	shalt  }
0x4a: {  	_ =	shalt  }
0x4b: {  	_ =	shalt  }
0x4c: {  	_ =	shalt  }
0x4d: {  	_ =	shalt  }
0x4e: {  	_ =	shalt  }
0x4f: {  	_ =	shalt  }
0x50: {  	_ =	shalt  }
0x51: {  	_ =	shalt  }
0x52: {  	_ =	shalt  }
0x53: {  	_ =	shalt  }
0x54: {  	_ =	shalt  }
0x55: {  	_ =	shalt  }
0x56: {  	_ =	shalt  }
0x57: {  	_ =	shalt  }
0x58: {  	_ =	shalt  }
0x59: {  	_ =	shalt  }
0x5a: {  	_ =	shalt  }
0x5b: {  	_ =	shalt  }
0x5c: {  	_ =	shalt  }
0x5d: {  	_ =	shalt  }
0x5e: {  	_ =	shalt  }
0x5f: {  	_ =	shalt  }
0x60: {  	_ =	shalt  }
0x61: {  	_ =	shalt  }
0x62: {  	_ =	shalt  }
0x63: {  	_ =	shalt  }
0x64: {  	_ =	shalt  }
0x65: {  	_ =	shalt  }
0x66: {  	_ =	shalt  }
0x67: {  	_ =	shalt  }
0x68: {  	_ =	shalt  }
0x69: {  	_ =	shalt  }
0x6a: {  	_ =	shalt  }
0x6b: {  	_ =	shalt  }
0x6c: {  	_ =	shalt  }
0x6d: {  	_ =	shalt  }
0x6e: {  	_ =	shalt  }
0x6f: {  	_ =	shalt  }
0x70: {  	_ =	shalt  }
0x71: {  	_ =	shalt  }
0x72: {  	_ =	shalt  }
0x73: {  	_ =	shalt  }
0x74: {  	_ =	shalt  }
0x75: {  	_ =	shalt  }
0x76: {  	_ =	shalt  }
0x77: {  	_ =	shalt  }
0x78: {  	_ =	shalt  }
0x79: {  	_ =	shalt  }
0x7a: {  	_ =	shalt  }
0x7b: {  	_ =	shalt  }
0x7c: {  	_ =	shalt  }
0x7d: {  	_ =	shalt  }
0x7e: {  	_ =	shalt  }
0x7f: {  	_ =	shalt  }
0x80: {  	_ =	shalt  }
0x81: {  	_ =	shalt  }
0x82: {  	_ =	shalt  }
0x83: {  	_ =	shalt  }
0x84: {  	_ =	shalt  }
0x85: {  	_ =	shalt  }
0x86: {  	_ =	shalt  }
0x87: {  	_ =	shalt  }
.Lfunc_end0:
.L_simem_size_0:
called_computation_lowered:
.L_overlay_start_0:
0x88: {  	s2 =	sld [smem:$0x3FD9]  }
0x89: {  	s3 =	sld [smem:$0x3FFE];
	_ =	sdelay $0x1  }
0x8a: {  	s1 =	srdreg.scid  }
0x8b: {  	s0 =	sand.u32 $0x1, s1  }
0x8c: {  	s17 =	sshll.u32 s0, $0xA;
	s2 =	sadd.s32 s3, s2  }
0x8d: {  	s2 =	sadd.s32 s2, s17  }
0x8e: {  	[smem:$0x3FC6] =	sst s2  }
0x8f: {  	_ = 	snop  }
0x90: {  	s2 =	sld [smem:$0x3FC8]  }
0x91: {  	s18 =	sld [smem:$0x3FD0];
	(tm) =	ssettm $0x1  }
0x92: {  	s4 =	sld [smem:$0x3FFB];
	_ =	sdelay $0x3  }
0x93: {  	_ =	strace s4  }
0x94: {  	s4 =	sld [smem:$0x3FFC];
	_ =	sdelay $0x3  }
0x95: {  	_ =	strace s4  }
0x96: {  	s4 =	sld [smem:$0x3FFD];
	_ =	sdelay $0x3  }
0x97: {  	_ =	strace s4  }
0x98: {  	_ =	strace $0x8FFFFFFF  }
0x99: {  	s19 =	sld [smem:$0x3FDB];
	_ =	sdelay $0x1  }
0x9a: {  	s5 =	simm.s32 $_scs_section_size  }
0x9b: {  	s6 =	simm.s32 $_size__tile_overlayer_lowered;
	s7 =	simm.s32 $_tile_overlayer_lowered  }
0x9c: {  	s22 =	simm.s32 $0x1BFF;
	s21 =	sshll.u32 s7, $0x1;
	s4 =	sadd.s32 s5, s19  }
0x9d: {  	s8 =	simm.s32 $0x0;
	s20 =	sshll.u32 s6, $0x1;
	s6 =	sadd.s32 s21, s4  }
0x9e: {  	[timem:s8], [sflag:s22] =	dma.local [hbm:s6], s20  }
0x9f: {  	_ =	swait.ge [sflag:s22], s20  }
0xa0: {  	s5 =	ssub.s32 $0x0, s20;
	[sflag:s22] =	ssyncset.done $0x0  }
0xa1: {  	[sflag:s22] =	ssyncadd.s32 s5;
	_ =	sdelay $0x1  }
0xa2: {  	s23 =	simm.s32 $0x1B8B  }
0xa3: {  	_ =	swait.ge [sflag:s23], $0x1  }
0xa4: {  	[sflag:s23] =	ssyncset.done $0x0  }
0xa5: {  	s25 =	simm.s32 $0x1B8E;
	s24 =	sld [smem:$0x3FFE];
	[sflag:s23] =	ssyncadd.s32 $0xFFFFFFFF  }
0xa6: {  	s26 =	simm.s32 $execute0_lowered;
	[smem:$0x3FD2] =	sst s25  }
0xa7: {  	s6 =	sshll.u32 s26, $0x1;
	_ =	strace $0x80000046;
	[dreg:$0x1] =	wrdreg $0xFFFFFFFF  }
0xa8: {  	s28 =	simm.s32 $_size_execute0_lowered;
	s4 =	sadd.s32 s4, s6;
	[dreg:$0x0] =	wrdreg $0x0  }
0xa9: {  	s6 =	sshll.u32 s28, $0x1;
	[dreg:$0x2] =	wrdreg s4  }
0xaa: {  	[dreg:$0x3] =	wrdreg s6  }
0xab: {  	[dreg:$0x4] =	wrdreg $0xC0  }
0xac: {  	_ =	task [dreg:s8], $0x5FFFF  }
0xad: {  	[dreg:$0x1] =	wrdreg $0xFFFFFFFF  }
0xae: {  	[dreg:$0x0] =	wrdreg $0x60  }
0xaf: {  	[dreg:$0x2] =	wrdreg s2  }
0xb0: {  	[dreg:$0x3] =	wrdreg s18  }
0xb1: {  	[dreg:$0x4] =	wrdreg s24  }
0xb2: {  	[dreg:$0x5] =	wrdreg $0x9  }
0xb3: {  	_ =	task.clear_ibuf [dreg:s8], $0x6FFFF;
	_ =	strace $0x90000046  }
0xb4: {  	s29 =	simm.s32 $0x9;
	_ =	strace $0x80000048  }
0xb5: {  	_ =	swait.ge [sflag:s29], $0x1  }
0xb6: {  	[sflag:s29] =	ssyncadd.s32 $0xFFFFFFFF  }
0xb7: {  	_ =	strace $0x90000048  }
0xb8: {  	_ =	sfence  }
0xb9: {  	s30 =	sld [smem:$0x0];
	_ =	sdelay $0x2  }
0xba: {  	s31 =	sshll.u32 s1, $0xD;
	s1 =	sshrl.u32 s1, $0x2  }
0xbb: {  	s3 =	sand.u32 $0x4000, s31;
	s1 =	sadd.s32 s1, s30  }
0xbc: {  	s0 =	sor.u32 s3, s0;
	s1 =	sshll.u32 s1, $0x11  }
0xbd: {  	s0 =	sor.u32 s1, s0  }
0xbe: {  	s0 =	sadd.s32 $0x8F2B, s0  }
0xbf: {  	[sflag:s0] =	ssyncadd.remote.s32 $0x1  }
0xc0: {  	_ =	sfence.sel $0xFFFF  }
0xc1: {  	[dreg:$0x0] =	wrdreg $0xFFFFFFFF;
	(pc) =	sbr.abs _section_cstart, $3  }
0xc2: {  	[dreg:$0x1] =	wrdreg $0xFFFFFFFF  }
0xc3: {  	_ =	task.clear_ibuf [dreg:s8], $0x2FFFF;
	_ =	strace $0x9FFFFFFF  }
0xc4: {  	(tm) =	ssettm $0x7FFFFFFF  }
0xc5: {  	_ =	shalt  }
tec
execute0_lowered:
.L_overlay_start_1:
0x0: {  	(tag) =	ssettag $0x1  }
0x1: {  	s1 =	rddreg [dreg:$0x0];
	s0 =	srdreg.scid  }
0x2: {  	s3 =	stileid.u32;
	s2 =	rddreg [dreg:$0x2];
	s4 =	simm.s32 $0x0  }
0x3: {  	s13 =	simm.s32 $0x400;
	s14 =	simm.s32 $0x7A1400;
	s15 =	simm.s32 $0x2000  }
0x4: {  	s16 =	simm.s32 $0x1;
	s17 =	simm.s32 $0x4000;
	s18 =	simm.s32 $0xC200  }
0x5: {  	s19 =	simm.s32 $0x2;
	s20 =	simm.s32 $0x4;
	s21 =	simm.s32 $0x8100  }
0x6: {  	s22 =	simm.s32 $0xE200;
	s25 =	simm.s32 $0x0;
	s0 =	sand.u32 $0x1, s0  }
0x7: {  	s3 =	sshll.u32 s3, $0x1;
	[smem:$0x7FF] =	sst s4;
	s7 =	sadd.s32 $0xA00, s2  }
0x8: {  	v0 =	vlaneseq.u32;
	s2 =	sadd.s32 $0x7A1800, s2;
	s5 =	sor.u32 s0, s3;
	s0 =	ssub.s32 $0x2, s0  }
.Ltmp0:
0x9: {  	v1 =	vmul.u32 $0x81, v0;
	_ =	strace $0x80000047;
	s3 =	sshll.u32 s5, $0x7;
	(pc) =	sbr.rel .LBB2_1-.Ltmp0, $4  }
0xa: {  	[dreg:$0x6] =	wrdreg s2;
	s6 =	sshrl.u32 s0, $0x1;
	s3 =	sadd.s32 s1, s3  }
0xb: {  	v2 =	vadd.s32 $0x810, v1;
	s0 =	ssub.s32 s0, s6;
	[dreg:$0x4] =	wrdreg s3;
	s3 =	sadd.s32 $0x1000, s3  }
0xc: {  	s9 =	sor.u32 $0x40, s5;
	v3 =	vadd.s32 $0x1020, v1;
	v4 =	vadd.s32 $0x1830, v1;
	v5 =	vadd.s32 $0x2040, v1;
	s0 =	smax.u32 s0, $0x1;
	[dreg:$0x5] =	wrdreg s3  }
0xd: {  	s10 =	sor.u32 $0x60, s5;
	p0 =	sne.s32 s5, $0x0;
	v6 =	vadd.s32 $0x2850, v1;
	v7 =	vadd.s32 $0x3060, v1;
	v8 =	vadd.s32 $0x3870, v1;
	[dreg:$0x7] =	wrdreg s0  }
.LBB2_28:
0xe: {  	s0 =	simm.s32 $0x3  }
0xf: {  	_ =	swait.ge [sflag:s0], $0x2000  }
.Ltmp1:
0x10: {  	[sflag:s0] =	ssyncset.done $0x0;
	(pc) =	sbr.rel @!p0 .LBB2_29-.Ltmp1, $4  }
0x11: {  	[sflag:s0] =	ssyncadd.s32 $0xFFFFE000  }
0x12: {  	_ =	swait.ge [sflag:s20], $0x2000  }
0x13: {  	[sflag:s20] =	ssyncset.done $0x0  }
0x14: {  	[sflag:s20] =	ssyncadd.s32 $0xFFFFE000  }
.LBB2_40:
0x15: {  	s25 =	sadd.s32 $0x1, s25;
	s0 =	rddreg [dreg:$0x7]  }
0x16: {  	p1 =	sne.s32 s25, s0  }
.Ltmp2:
0x17: {  	_ = 	snop;
	(pc) =	sbr.rel @!p1 .LBB2_41-.Ltmp2, $1  }
0x18: {  	_ =	sdelay $0x3  }
.LBB2_1:
0x19: {  	s0 =	rddreg [dreg:$0x4]  }
0x1a: {  	[tilespmem:s4], [sflag:$0x1] =	stream.strided.gather [hbm4b:s0+s13], $0x2000, s14, s13, $0x38;
	[tilespmem:$0x10200] =	vst v63  }
0x1b: {  	s31 =	rddreg [dreg:$0x5];
	s26 =	simm.s32 $0x0  }
0x1c: {  	[tilespmem:s15], [sflag:$0x2] =	stream.strided.gather [hbm4b:s31+s13], $0x2000, s14, s13, $0x38;
	[tilespmem:$0x10200] =	vst v63  }
.LBB2_2:
0x1d: {  	_ =	swait.ge [sflag:s16], $0x2000  }
0x1e: {  	p1 =	seq.s32 s26, $0x0;
	[sflag:s16] =	ssyncset.done $0x0  }
0x1f: {  	s0 =	simm.s32 @!p1 $0x3;
	[sflag:s16] =	ssyncadd.s32 $0xFFFFE000  }
0x20: {  	_ =	swait.ge @!p1 [sflag:s0], $0x2000  }
0x21: {  	[sflag:s0] =	ssyncset.done @!p1 $0x0  }
0x22: {  	s3 =	simm.s32 $0x100;
	s12 =	simm.s32 $0x3;
	[sflag:s0] =	ssyncadd.s32 @!p1 $0xFFFFE000  }
0x23: {  	s11 =	simm.s32 $0x2;
	v10 =	vadd.s32 s12, v1;
	v9 =	vld [tilespmem:s3+$0x80]  }
0x24: {  	s6 =	simm.s32 $0x1;
	v14 =	vadd.s32 s11, v1;
	v13 =	vld [tilespmem:s3+$0x0]  }
0x25: {  	v12 =	vadd.s32 s6, v1;
	v11 =	vld [tilespmem:s3+$0xFFFFFF80];
	_ =	sdelay $0x1  }
0x26: {  	s8 =	simm.s32 $0x0  }
0x27: {  	v16 =	vadd.s32 s8, v1;
	v15 =	vld [tilespmem:s3+$0xFFFFFF00];
	[tilespmem:v10+s17+$0x0] =	vst.idx.msk $0xffff, v9  }
0x28: {  	v10 =	vadd.s32 s12, v2;
	[tilespmem:v14+s17+$0x0] =	vst.idx.msk $0xffff, v13;
	v9 =	vld [tilespmem:s3+$0x90]  }
0x29: {  	[tilespmem:v12+s17+$0x0] =	vst.idx.msk $0xffff, v11;
	v14 =	vadd.s32 s11, v2;
	v13 =	vld [tilespmem:s3+$0x10]  }
0x2a: {  	v12 =	vadd.s32 s6, v2;
	v11 =	vld [tilespmem:s3+$0xFFFFFF90];
	_ =	sdelay $0x1  }
0x2b: {  	[tilespmem:v16+s17+$0x0] =	vst.idx.msk $0xffff, v15  }
0x2c: {  	v16 =	vadd.s32 s8, v2;
	v15 =	vld [tilespmem:s3+$0xFFFFFF10];
	[tilespmem:v10+s17+$0x0] =	vst.idx.msk $0xffff, v9  }
0x2d: {  	v10 =	vadd.s32 s12, v3;
	[tilespmem:v14+s17+$0x0] =	vst.idx.msk $0xffff, v13;
	v9 =	vld [tilespmem:s3+$0xA0]  }
0x2e: {  	[tilespmem:v12+s17+$0x0] =	vst.idx.msk $0xffff, v11;
	v14 =	vadd.s32 s11, v3;
	v13 =	vld [tilespmem:s3+$0x20]  }
0x2f: {  	v12 =	vadd.s32 s6, v3;
	v11 =	vld [tilespmem:s3+$0xFFFFFFA0];
	_ =	sdelay $0x1  }
0x30: {  	[tilespmem:v16+s17+$0x0] =	vst.idx.msk $0xffff, v15  }
0x31: {  	v16 =	vadd.s32 s8, v3;
	v15 =	vld [tilespmem:s3+$0xFFFFFF20];
	[tilespmem:v10+s17+$0x0] =	vst.idx.msk $0xffff, v9  }
0x32: {  	v10 =	vadd.s32 s12, v4;
	[tilespmem:v14+s17+$0x0] =	vst.idx.msk $0xffff, v13;
	v9 =	vld [tilespmem:s3+$0xB0]  }
0x33: {  	[tilespmem:v12+s17+$0x0] =	vst.idx.msk $0xffff, v11;
	v14 =	vadd.s32 s11, v4;
	v13 =	vld [tilespmem:s3+$0x30]  }
0x34: {  	v12 =	vadd.s32 s6, v4;
	v11 =	vld [tilespmem:s3+$0xFFFFFFB0];
	_ =	sdelay $0x1  }
0x35: {  	[tilespmem:v16+s17+$0x0] =	vst.idx.msk $0xffff, v15  }
0x36: {  	v16 =	vadd.s32 s8, v4;
	v15 =	vld [tilespmem:s3+$0xFFFFFF30];
	[tilespmem:v10+s17+$0x0] =	vst.idx.msk $0xffff, v9  }
0x37: {  	v10 =	vadd.s32 s12, v5;
	[tilespmem:v14+s17+$0x0] =	vst.idx.msk $0xffff, v13;
	v9 =	vld [tilespmem:s3+$0xC0]  }
0x38: {  	[tilespmem:v12+s17+$0x0] =	vst.idx.msk $0xffff, v11;
	v14 =	vadd.s32 s11, v5;
	v13 =	vld [tilespmem:s3+$0x40]  }
0x39: {  	v12 =	vadd.s32 s6, v5;
	v11 =	vld [tilespmem:s3+$0xFFFFFFC0]  }
0x3a: {  	s29 =	simm.s32 $0x300;
	s0 =	simm.s32 $0x7  }
0x3b: {  	v17 =	vld [tilespmem:s29+$0x80];
	v18 =	vadd.s32 s0, v1;
	[tilespmem:v16+s17+$0x0] =	vst.idx.msk $0xffff, v15  }
0x3c: {  	s2 =	simm.s32 $0x5;
	v16 =	vadd.s32 s8, v5;
	v15 =	vld [tilespmem:s3+$0xFFFFFF40];
	[tilespmem:v10+s17+$0x0] =	vst.idx.msk $0xffff, v9  }
0x3d: {  	[tilespmem:v14+s17+$0x0] =	vst.idx.msk $0xffff, v13;
	v13 =	vld [tilespmem:s29+$0xFFFFFF80];
	v14 =	vadd.s32 s2, v1  }
0x3e: {  	[tilespmem:v12+s17+$0x0] =	vst.idx.msk $0xffff, v11;
	v10 =	vadd.s32 s12, v6;
	v9 =	vld [tilespmem:s3+$0xD0]  }
0x3f: {  	v12 =	vadd.s32 s6, v6;
	v11 =	vld [tilespmem:s3+$0xFFFFFFD0]  }
0x40: {  	s31 =	simm.s32 $0x6;
	[tilespmem:v18+s17+$0x0] =	vst.idx.msk $0xffff, v17  }
0x41: {  	s30 =	simm.s32 $0x4;
	[tilespmem:v16+s17+$0x0] =	vst.idx.msk $0xffff, v15;
	v15 =	vld [tilespmem:s29+$0x0];
	v16 =	vadd.s32 s31, v1  }
0x42: {  	v20 =	vadd.s32 s30, v1;
	v19 =	vld [tilespmem:s29+$0xFFFFFF00];
	[tilespmem:v14+s17+$0x0] =	vst.idx.msk $0xffff, v13  }
0x43: {  	v13 =	vld [tilespmem:s29+$0x90];
	v14 =	vadd.s32 s0, v2;
	[tilespmem:v10+s17+$0x0] =	vst.idx.msk $0xffff, v9  }
0x44: {  	[tilespmem:v12+s17+$0x0] =	vst.idx.msk $0xffff, v11;
	v11 =	vld [tilespmem:s3+$0x50];
	v12 =	vadd.s32 s11, v6  }
0x45: {  	v10 =	vadd.s32 s12, v7;
	v9 =	vld [tilespmem:s3+$0xE0]  }
0x46: {  	v18 =	vadd.s32 s2, v2;
	[tilespmem:v16+s17+$0x0] =	vst.idx.msk $0xffff, v15;
	v17 =	vld [tilespmem:s29+$0xFFFFFF90]  }
0x47: {  	[tilespmem:v20+s17+$0x0] =	vst.idx.msk $0xffff, v19;
	v16 =	vadd.s32 s31, v2;
	v15 =	vld [tilespmem:s29+$0x10]  }
0x48: {  	v20 =	vadd.s32 s30, v2;
	v19 =	vld [tilespmem:s29+$0xFFFFFF10];
	[tilespmem:v14+s17+$0x0] =	vst.idx.msk $0xffff, v13  }
0x49: {  	v14 =	vadd.s32 s0, v3;
	[tilespmem:v12+s17+$0x0] =	vst.idx.msk $0xffff, v11;
	v13 =	vld [tilespmem:s29+$0xA0]  }
0x4a: {  	v11 =	vld [tilespmem:s3+$0xFFFFFF50];
	v12 =	vadd.s32 s8, v6;
	[tilespmem:v10+s17+$0x0] =	vst.idx.msk $0xffff, v9  }
0x4b: {  	[tilespmem:v18+s17+$0x0] =	vst.idx.msk $0xffff, v17;
	v10 =	vadd.s32 s12, v8;
	v9 =	vld [tilespmem:s3+$0xF0]  }
0x4c: {  	v18 =	vadd.s32 s2, v3;
	[tilespmem:v16+s17+$0x0] =	vst.idx.msk $0xffff, v15;
	v17 =	vld [tilespmem:s29+$0xFFFFFFA0]  }
0x4d: {  	[tilespmem:v20+s17+$0x0] =	vst.idx.msk $0xffff, v19;
	v16 =	vadd.s32 s31, v3;
	v15 =	vld [tilespmem:s29+$0x20]  }
0x4e: {  	v20 =	vadd.s32 s30, v3;
	v19 =	vld [tilespmem:s29+$0xFFFFFF20];
	[tilespmem:v14+s17+$0x0] =	vst.idx.msk $0xffff, v13  }
0x4f: {  	[tilespmem:v12+s17+$0x0] =	vst.idx.msk $0xffff, v11;
	v14 =	vadd.s32 s0, v4;
	v13 =	vld [tilespmem:s29+$0xB0]  }
0x50: {  	[tilespmem:v10+s17+$0x0] =	vst.idx.msk $0xffff, v9;
	v9 =	vld [tilespmem:s3+$0xFFFFFFE0];
	v10 =	vadd.s32 s6, v7  }
0x51: {  	v11 =	vld [tilespmem:s3+$0x60];
	v12 =	vadd.s32 s11, v7;
	[tilespmem:v18+s17+$0x0] =	vst.idx.msk $0xffff, v17  }
0x52: {  	v18 =	vadd.s32 s2, v4;
	[tilespmem:v16+s17+$0x0] =	vst.idx.msk $0xffff, v15;
	v17 =	vld [tilespmem:s29+$0xFFFFFFB0]  }
0x53: {  	[tilespmem:v20+s17+$0x0] =	vst.idx.msk $0xffff, v19;
	v16 =	vadd.s32 s31, v4;
	v15 =	vld [tilespmem:s29+$0x30]  }
0x54: {  	v20 =	vadd.s32 s30, v4;
	v19 =	vld [tilespmem:s29+$0xFFFFFF30];
	[tilespmem:v14+s17+$0x0] =	vst.idx.msk $0xffff, v13  }
0x55: {  	[tilespmem:v10+s17+$0x0] =	vst.idx.msk $0xffff, v9;
	v9 =	vld [tilespmem:s3+$0xFFFFFF60];
	v10 =	vadd.s32 s8, v7  }
0x56: {  	[tilespmem:v12+s17+$0x0] =	vst.idx.msk $0xffff, v11;
	v14 =	vadd.s32 s0, v5;
	v13 =	vld [tilespmem:s29+$0xC0]  }
0x57: {  	v12 =	vadd.s32 s6, v8;
	[tilespmem:v18+s17+$0x0] =	vst.idx.msk $0xffff, v17;
	v11 =	vld [tilespmem:s3+$0xFFFFFFF0]  }
0x58: {  	v22 =	vadd.s32 s2, v5;
	[tilespmem:v16+s17+$0x0] =	vst.idx.msk $0xffff, v15;
	v21 =	vld [tilespmem:s29+$0xFFFFFFC0]  }
0x59: {  	[tilespmem:v20+s17+$0x0] =	vst.idx.msk $0xffff, v19;
	v20 =	vadd.s32 s31, v5;
	v19 =	vld [tilespmem:s29+$0x40]  }
0x5a: {  	v17 =	vld [tilespmem:s29+$0xFFFFFF40];
	v18 =	vadd.s32 s30, v5;
	[tilespmem:v10+s17+$0x0] =	vst.idx.msk $0xffff, v9  }
0x5b: {  	v16 =	vadd.s32 s11, v8;
	v10 =	vld [tilespmem:s3+$0x70];
	[tilespmem:v14+s17+$0x0] =	vst.idx.msk $0xffff, v13  }
0x5c: {  	v15 =	vadd.s32 s8, v8;
	[tilespmem:v12+s17+$0x0] =	vst.idx.msk $0xffff, v11;
	v11 =	vld [tilespmem:s3+$0xFFFFFF70]  }
0x5d: {  	s28 =	sshll.u32 s26, $0x6;
	s6 =	simm.s32 $0xC;
	[tilespmem:v22+s17+$0x0] =	vst.idx.msk $0xffff, v21;
	v9 =	vld [tilespmem:s29+$0xD0];
	v12 =	vadd.s32 s0, v6  }
0x5e: {  	s8 =	simm.s32 $0xB;
	s11 =	simm.s32 $0x500;
	v14 =	vadd.s32 s2, v6;
	s3 =	simm.s32 $0x8;
	[tilespmem:v20+s17+$0x0] =	vst.idx.msk $0xffff, v19;
	v13 =	vld [tilespmem:s29+$0xFFFFFFD0]  }
.LBB2_3:
0x5f: {  	p2 =	slt.u32 s6, $0x3C;
	s24 =	sadd.s32 $0x1, s3;
	v19 =	vld [tilespmem:s11+$0x80];
	v20 =	vadd.s32 s8, v1;
	[tilespmem:v18+s17+$0x0] =	vst.idx.msk $0xffff, v17  }
0x60: {  	s12 =	sadd.s32 $0x2, s3;
	v17 =	vld [tilespmem:s11+$0xFFFFFF80];
	v18 =	vadd.s32 s24, v1;
	[tilespmem:v16+s17+$0x0] =	vst.idx.msk $0xffff, v10  }
0x61: {  	v16 =	vadd.s32 s12, v1;
	v10 =	vld [tilespmem:s11+$0x0];
	[tilespmem:v15+s17+$0x0] =	vst.idx.msk $0xffff, v11  }
0x62: {  	v15 =	vadd.s32 s3, v1;
	v11 =	vld [tilespmem:s11+$0xFFFFFF00];
	[tilespmem:v12+s17+$0x0] =	vst.idx.msk $0xffff, v9  }
0x63: {  	v12 =	vadd.s32 s0, v7;
	[tilespmem:v14+s17+$0x0] =	vst.idx.msk $0xffff, v13;
	v9 =	vld [tilespmem:s29+$0xE0]  }
0x64: {  	v14 =	vadd.s32 s31, v6;
	[tilespmem:v20+s17+$0x0] =	vst.idx.msk $0xffff, v19;
	v13 =	vld [tilespmem:s29+$0x50]  }
0x65: {  	[tilespmem:v18+s17+$0x0] =	vst.idx.msk $0xffff, v17;
	v17 =	vld [tilespmem:s11+$0x90];
	v18 =	vadd.s32 s8, v2  }
0x66: {  	v20 =	vadd.s32 s24, v2;
	v19 =	vld [tilespmem:s11+$0xFFFFFF90];
	[tilespmem:v16+s17+$0x0] =	vst.idx.msk $0xffff, v10  }
0x67: {  	[tilespmem:v15+s17+$0x0] =	vst.idx.msk $0xffff, v11;
	v10 =	vld [tilespmem:s11+$0x10];
	v11 =	vadd.s32 s12, v2  }
0x68: {  	v16 =	vadd.s32 s3, v2;
	v15 =	vld [tilespmem:s11+$0xFFFFFF10];
	[tilespmem:v12+s17+$0x0] =	vst.idx.msk $0xffff, v9  }
0x69: {  	v12 =	vadd.s32 s0, v8;
	s0 =	smov.u32 s8;
	[tilespmem:v14+s17+$0x0] =	vst.idx.msk $0xffff, v13;
	v9 =	vld [tilespmem:s29+$0xF0]  }
0x6a: {  	v14 =	vadd.s32 s30, v6;
	[tilespmem:v18+s17+$0x0] =	vst.idx.msk $0xffff, v17;
	v13 =	vld [tilespmem:s29+$0xFFFFFF50]  }
0x6b: {  	v18 =	vadd.s32 s0, v3;
	[tilespmem:v20+s17+$0x0] =	vst.idx.msk $0xffff, v19;
	v17 =	vld [tilespmem:s11+$0xA0]  }
0x6c: {  	v20 =	vadd.s32 s24, v3;
	v19 =	vld [tilespmem:s11+$0xFFFFFFA0];
	[tilespmem:v11+s17+$0x0] =	vst.idx.msk $0xffff, v10  }
0x6d: {  	v11 =	vadd.s32 s12, v3;
	[tilespmem:v16+s17+$0x0] =	vst.idx.msk $0xffff, v15;
	v10 =	vld [tilespmem:s11+$0x20]  }
0x6e: {  	v16 =	vadd.s32 s3, v3;
	v15 =	vld [tilespmem:s11+$0xFFFFFF20];
	[tilespmem:v12+s17+$0x0] =	vst.idx.msk $0xffff, v9  }
0x6f: {  	v12 =	vadd.s32 s2, v7;
	[tilespmem:v14+s17+$0x0] =	vst.idx.msk $0xffff, v13;
	v9 =	vld [tilespmem:s29+$0xFFFFFFE0]  }
0x70: {  	v14 =	vadd.s32 s31, v7;
	[tilespmem:v18+s17+$0x0] =	vst.idx.msk $0xffff, v17;
	v13 =	vld [tilespmem:s29+$0x60]  }
0x71: {  	v18 =	vadd.s32 s0, v4;
	[tilespmem:v20+s17+$0x0] =	vst.idx.msk $0xffff, v19;
	v17 =	vld [tilespmem:s11+$0xB0]  }
0x72: {  	v20 =	vadd.s32 s24, v4;
	v19 =	vld [tilespmem:s11+$0xFFFFFFB0];
	[tilespmem:v11+s17+$0x0] =	vst.idx.msk $0xffff, v10  }
0x73: {  	v11 =	vadd.s32 s12, v4;
	[tilespmem:v16+s17+$0x0] =	vst.idx.msk $0xffff, v15;
	v10 =	vld [tilespmem:s11+$0x30]  }
0x74: {  	v16 =	vadd.s32 s3, v4;
	v15 =	vld [tilespmem:s11+$0xFFFFFF30];
	[tilespmem:v12+s17+$0x0] =	vst.idx.msk $0xffff, v9  }
0x75: {  	v12 =	vadd.s32 s30, v7;
	v9 =	vld [tilespmem:s29+$0xFFFFFF60];
	[tilespmem:v14+s17+$0x0] =	vst.idx.msk $0xffff, v13  }
0x76: {  	v14 =	vadd.s32 s2, v8;
	s2 =	smov.u32 s24;
	[tilespmem:v18+s17+$0x0] =	vst.idx.msk $0xffff, v17;
	v13 =	vld [tilespmem:s29+$0xFFFFFFF0]  }
0x77: {  	[tilespmem:v20+s17+$0x0] =	vst.idx.msk $0xffff, v19;
	v19 =	vld [tilespmem:s11+$0xC0];
	v20 =	vadd.s32 s0, v5  }
0x78: {  	v22 =	vadd.s32 s2, v5;
	v21 =	vld [tilespmem:s11+$0xFFFFFFC0];
	[tilespmem:v11+s17+$0x0] =	vst.idx.msk $0xffff, v10  }
0x79: {  	v24 =	vadd.s32 s12, v5;
	[tilespmem:v16+s17+$0x0] =	vst.idx.msk $0xffff, v15;
	v23 =	vld [tilespmem:s11+$0x40]  }
.Ltmp3:
0x7a: {  	v18 =	vadd.s32 s3, v5;
	v17 =	vld [tilespmem:s11+$0xFFFFFF40];
	[tilespmem:v12+s17+$0x0] =	vst.idx.msk $0xffff, v9;
	(pc) =	sbr.rel @p2 .LBB2_3-.Ltmp3, $4  }
0x7b: {  	v16 =	vadd.s32 s31, v8;
	s31 =	smov.u32 s12;
	[tilespmem:v14+s17+$0x0] =	vst.idx.msk $0xffff, v13;
	v10 =	vld [tilespmem:s29+$0x70]  }
0x7c: {  	v15 =	vadd.s32 s30, v8;
	s30 =	smov.u32 s3;
	s3 =	smov.u32 s6;
	[tilespmem:v20+s17+$0x0] =	vst.idx.msk $0xffff, v19;
	v11 =	vld [tilespmem:s29+$0xFFFFFF70];
	s29 =	smov.u32 s11  }
0x7d: {  	v12 =	vadd.s32 s0, v6;
	[tilespmem:v22+s17+$0x0] =	vst.idx.msk $0xffff, v21;
	v9 =	vld [tilespmem:s11+$0xD0]  }
0x7e: {  	s6 =	sadd.s32 $0x4, s6;
	s8 =	sadd.s32 $0x3, s3;
	v14 =	vadd.s32 s2, v6;
	s11 =	sadd.s32 $0x200, s11;
	v13 =	vld [tilespmem:s29+$0xFFFFFFD0];
	[tilespmem:v24+s17+$0x0] =	vst.idx.msk $0xffff, v23  }
0x7f: {  	_ =	sdelay $0x1  }
0x80: {  	v19 =	vld [tilespmem:s11+$0x80];
	v20 =	vadd.s32 s8, v1  }
0x81: {  	s6 =	sadd.s32 $0x1, s3;
	v25 =	vld [tilespmem:s11+$0xFFFFFF00];
	v26 =	vadd.s32 s3, v1  }
0x82: {  	v21 =	vld [tilespmem:s11+$0xFFFFFF80];
	s12 =	sadd.s32 $0x2, s3;
	[tilespmem:v18+s17+$0x0] =	vst.idx.msk $0xffff, v17;
	v22 =	vadd.s32 s6, v1  }
0x83: {  	v23 =	vld [tilespmem:s11+$0x0];
	v24 =	vadd.s32 s12, v1;
	[tilespmem:v16+s17+$0x0] =	vst.idx.msk $0xffff, v10  }
0x84: {  	[tilespmem:v15+s17+$0x0] =	vst.idx.msk $0xffff, v11  }
0x85: {  	[tilespmem:v20+s17+$0x0] =	vst.idx.msk $0xffff, v19  }
0x86: {  	v44 =	vadd.s32 s8, v2;
	[tilespmem:v26+s17+$0x0] =	vst.idx.msk $0xffff, v25;
	v17 =	vld [tilespmem:s11+$0x90]  }
0x87: {  	v16 =	vadd.s32 s3, v2;
	[tilespmem:v22+s17+$0x0] =	vst.idx.msk $0xffff, v21;
	v10 =	vld [tilespmem:s11+$0xFFFFFF10]  }
0x88: {  	v46 =	vadd.s32 s6, v2;
	[tilespmem:v24+s17+$0x0] =	vst.idx.msk $0xffff, v23;
	v45 =	vld [tilespmem:s11+$0xFFFFFF90]  }
0x89: {  	v48 =	vadd.s32 s12, v2;
	[tilespmem:v12+s17+$0x0] =	vst.idx.msk $0xffff, v9;
	v47 =	vld [tilespmem:s11+$0x10]  }
0x8a: {  	[tilespmem:v14+s17+$0x0] =	vst.idx.msk $0xffff, v13  }
0x8b: {  	v13 =	vld [tilespmem:s29+$0xE0];
	v14 =	vadd.s32 s0, v7;
	[tilespmem:v44+s17+$0x0] =	vst.idx.msk $0xffff, v17  }
0x8c: {  	v15 =	vadd.s32 s8, v3;
	[tilespmem:v16+s17+$0x0] =	vst.idx.msk $0xffff, v10;
	v11 =	vld [tilespmem:s11+$0xA0]  }
0x8d: {  	v12 =	vadd.s32 s3, v3;
	[tilespmem:v46+s17+$0x0] =	vst.idx.msk $0xffff, v45;
	v9 =	vld [tilespmem:s11+$0xFFFFFF20]  }
0x8e: {  	v49 =	vadd.s32 s6, v3;
	[tilespmem:v48+s17+$0x0] =	vst.idx.msk $0xffff, v47;
	v17 =	vld [tilespmem:s11+$0xFFFFFFA0]  }
0x8f: {  	v16 =	vadd.s32 s12, v3;
	v10 =	vld [tilespmem:s11+$0x20]  }
0x90: {  	[tilespmem:v14+s17+$0x0] =	vst.idx.msk $0xffff, v13  }
0x91: {  	[tilespmem:v15+s17+$0x0] =	vst.idx.msk $0xffff, v11  }
0x92: {  	v15 =	vadd.s32 s8, v4;
	[tilespmem:v12+s17+$0x0] =	vst.idx.msk $0xffff, v9;
	v11 =	vld [tilespmem:s11+$0xB0]  }
0x93: {  	v13 =	vadd.s32 s3, v4;
	[tilespmem:v49+s17+$0x0] =	vst.idx.msk $0xffff, v17;
	v12 =	vld [tilespmem:s11+$0xFFFFFF30]  }
0x94: {  	v52 =	vadd.s32 s6, v4;
	[tilespmem:v16+s17+$0x0] =	vst.idx.msk $0xffff, v10;
	v17 =	vld [tilespmem:s11+$0xFFFFFFB0]  }
0x95: {  	v10 =	vadd.s32 s12, v4;
	v9 =	vld [tilespmem:s11+$0x30]  }
0x96: {  	v50 =	vld [tilespmem:s29+$0x50];
	v51 =	vadd.s32 s31, v6  }
0x97: {  	v14 =	vld [tilespmem:s29+$0xF0];
	v16 =	vadd.s32 s0, v8;
	[tilespmem:v15+s17+$0x0] =	vst.idx.msk $0xffff, v11  }
0x98: {  	v15 =	vadd.s32 s8, v5;
	[tilespmem:v13+s17+$0x0] =	vst.idx.msk $0xffff, v12;
	v11 =	vld [tilespmem:s11+$0xC0]  }
0x99: {  	v13 =	vadd.s32 s3, v5;
	[tilespmem:v52+s17+$0x0] =	vst.idx.msk $0xffff, v17;
	v12 =	vld [tilespmem:s11+$0xFFFFFF40]  }
0x9a: {  	v55 =	vadd.s32 s6, v5;
	[tilespmem:v10+s17+$0x0] =	vst.idx.msk $0xffff, v9;
	v17 =	vld [tilespmem:s11+$0xFFFFFFC0]  }
0x9b: {  	[tilespmem:v51+s17+$0x0] =	vst.idx.msk $0xffff, v50;
	v10 =	vadd.s32 s12, v5;
	v9 =	vld [tilespmem:s11+$0x40]  }
0x9c: {  	v54 =	vadd.s32 s30, v6;
	v53 =	vld [tilespmem:s29+$0xFFFFFF50];
	[tilespmem:v16+s17+$0x0] =	vst.idx.msk $0xffff, v14  }
0x9d: {  	v14 =	vld [tilespmem:s29+$0xFFFFFFE0];
	v16 =	vadd.s32 s2, v7;
	[tilespmem:v15+s17+$0x0] =	vst.idx.msk $0xffff, v11  }
0x9e: {  	v15 =	vadd.s32 s8, v6;
	[tilespmem:v13+s17+$0x0] =	vst.idx.msk $0xffff, v12;
	v11 =	vld [tilespmem:s11+$0xD0]  }
0x9f: {  	v13 =	vadd.s32 s3, v6;
	[tilespmem:v55+s17+$0x0] =	vst.idx.msk $0xffff, v17;
	v12 =	vld [tilespmem:s11+$0xFFFFFF50]  }
0xa0: {  	v58 =	vadd.s32 s6, v6;
	[tilespmem:v10+s17+$0x0] =	vst.idx.msk $0xffff, v9;
	v17 =	vld [tilespmem:s11+$0xFFFFFFD0]  }
0xa1: {  	[tilespmem:v54+s17+$0x0] =	vst.idx.msk $0xffff, v53;
	v10 =	vadd.s32 s12, v6;
	v9 =	vld [tilespmem:s11+$0x50]  }
0xa2: {  	[tilespmem:v16+s17+$0x0] =	vst.idx.msk $0xffff, v14;
	v14 =	vld [tilespmem:s29+$0xFFFFFF60];
	v16 =	vadd.s32 s30, v7  }
0xa3: {  	v57 =	vadd.s32 s31, v7;
	v56 =	vld [tilespmem:s29+$0x60];
	[tilespmem:v15+s17+$0x0] =	vst.idx.msk $0xffff, v11  }
0xa4: {  	v60 =	vadd.s32 s2, v8;
	v59 =	vld [tilespmem:s29+$0xFFFFFFF0];
	[tilespmem:v13+s17+$0x0] =	vst.idx.msk $0xffff, v12  }
0xa5: {  	v15 =	vadd.s32 s8, v7;
	[tilespmem:v58+s17+$0x0] =	vst.idx.msk $0xffff, v17;
	v11 =	vld [tilespmem:s11+$0xE0]  }
0xa6: {  	[tilespmem:v10+s17+$0x0] =	vst.idx.msk $0xffff, v9;
	v10 =	vadd.s32 s6, v7;
	v9 =	vld [tilespmem:s11+$0xFFFFFFE0]  }
0xa7: {  	[tilespmem:v16+s17+$0x0] =	vst.idx.msk $0xffff, v14;
	v16 =	vadd.s32 s3, v7;
	v14 =	vld [tilespmem:s11+$0xFFFFFF60]  }
0xa8: {  	[tilespmem:v57+s17+$0x0] =	vst.idx.msk $0xffff, v56;
	v13 =	vadd.s32 s12, v7;
	v12 =	vld [tilespmem:s11+$0x60]  }
0xa9: {  	v63 =	vadd.s32 s30, v8;
	[tilespmem:v60+s17+$0x0] =	vst.idx.msk $0xffff, v59;
	v62 =	vld [tilespmem:s29+$0xFFFFFF70]  }
0xaa: {  	v61 =	vadd.s32 s31, v8;
	v17 =	vld [tilespmem:s29+$0x70];
	[tilespmem:v15+s17+$0x0] =	vst.idx.msk $0xffff, v11  }
0xab: {  	v15 =	vadd.s32 s8, v8;
	v11 =	vld [tilespmem:s11+$0xF0];
	[tilespmem:v10+s17+$0x0] =	vst.idx.msk $0xffff, v9  }
0xac: {  	[tilespmem:v16+s17+$0x0] =	vst.idx.msk $0xffff, v14;
	v10 =	vadd.s32 s6, v8;
	v9 =	vld [tilespmem:s11+$0xFFFFFFF0]  }
0xad: {  	v16 =	vadd.s32 s3, v8;
	[tilespmem:v13+s17+$0x0] =	vst.idx.msk $0xffff, v12;
	v14 =	vld [tilespmem:s11+$0xFFFFFF70]  }
0xae: {  	[tilespmem:v63+s17+$0x0] =	vst.idx.msk $0xffff, v62;
	v13 =	vadd.s32 s12, v8;
	s6 =	simm.s32 $0x0;
	v12 =	vld [tilespmem:s11+$0x70]  }
0xaf: {  	[tilespmem:v61+s17+$0x0] =	vst.idx.msk $0xffff, v17;
	s8 =	simm.s32 $0x81;
	v17 =	vadd.s32 s6, v0  }
0xb0: {  	s11 =	simm.s32 $0x102;
	[tilespmem:v15+s17+$0x0] =	vst.idx.msk $0xffff, v11;
	v11 =	vadd.s32 s8, v0  }
0xb1: {  	s12 =	simm.s32 $0x183;
	[tilespmem:v10+s17+$0x0] =	vst.idx.msk $0xffff, v9;
	v9 =	vadd.s32 s11, v0  }
0xb2: {  	[tilespmem:v16+s17+$0x0] =	vst.idx.msk $0xffff, v14;
	v10 =	vadd.s32 s12, v0  }
0xb3: {  	[tilespmem:v13+s17+$0x0] =	vst.idx.msk $0xffff, v12  }
0xb4: {  	s23 =	simm.s32 $0x10;
	v12 =	vld.idx.msk [tilespmem:v17+s17+$0x0], $0xffff  }
0xb5: {  	s24 =	simm.s32 $0x91;
	v13 =	vadd.s32 s23, v0;
	v11 =	vld.idx.msk [tilespmem:v11+s17+$0x0], $0xffff  }
0xb6: {  	s29 =	simm.s32 $0x112;
	v15 =	vadd.s32 s24, v0;
	v14 =	vld.idx.msk [tilespmem:v9+s17+$0x0], $0xffff  }
0xb7: {  	p4 =	por $0x1, $0x1;
	v17 =	vadd.s32 s29, v0;
	v16 =	vld.idx.msk [tilespmem:v10+s17+$0x0], $0xffff  }
.Ltmp4:
0xb8: {  	s0 =	simm.s32 $0xC280;
	(pc) =	sbr.rel @!p4 .LBB2_5-.Ltmp4, $4  }
0xb9: {  	[tilespmem:s0+$0xFFFFFF80] =	vst v12  }
0xba: {  	s31 =	simm.s32 $0x20;
	v9 =	vld.idx.msk [tilespmem:v13+s17+$0x0], $0xffff;
	[tilespmem:s0+$0xFFFFFFC0] =	vst v11  }
0xbb: {  	p2 =	por $0x0, $0x0;
	p3 =	por $0x0, $0x0;
	s30 =	simm.s32 $0x193;
	v10 =	vld.idx.msk [tilespmem:v15+s17+$0x0], $0xffff;
	[tilespmem:s0+$0x0] =	vst v14  }
0xbc: {  	s2 =	simm.s32 $0x3B7;
	s6 =	simm.s32 $0x1B3;
	s23 =	simm.s32 $0xA1;
	v12 =	vadd.s32 s31, v0;
	v15 =	vadd.s32 s30, v0;
	[tilespmem:s0+$0x40] =	vst v16;
	v11 =	vld.idx.msk [tilespmem:v17+s17+$0x0], $0xffff  }
0xbd: {  	_ = 	snop  }
0xbe: {  	s3 =	simm.s32 $0x204;
	v13 =	vadd.s32 s23, v0  }
0xbf: {  	s24 =	simm.s32 $0x285;
	v14 =	vadd.s32 s3, v0  }
0xc0: {  	s29 =	simm.s32 $0x306;
	v16 =	vadd.s32 s24, v0  }
0xc1: {  	v15 =	vld.idx.msk [tilespmem:v15+s17+$0x0], $0xffff;
	s30 =	simm.s32 $0x387;
	v17 =	vadd.s32 s29, v0;
	[tilespmem:s0+$0xFFFFFF90] =	vst v9  }
0xc2: {  	s31 =	simm.s32 $0x122;
	v9 =	vadd.s32 s30, v0;
	v12 =	vld.idx.msk [tilespmem:v12+s17+$0x0], $0xffff;
	[tilespmem:s0+$0xFFFFFFD0] =	vst v10  }
0xc3: {  	s8 =	simm.s32 $0x30;
	v10 =	vld.idx.msk [tilespmem:v13+s17+$0x0], $0xffff;
	v13 =	vadd.s32 s31, v0  }
0xc4: {  	s11 =	simm.s32 $0x214;
	v18 =	vadd.s32 s8, v0;
	v14 =	vld.idx.msk [tilespmem:v14+s17+$0x0], $0xffff  }
0xc5: {  	s12 =	simm.s32 $0x295;
	[tilespmem:s0+$0x10] =	vst v11;
	v11 =	vld.idx.msk [tilespmem:v16+s17+$0x0], $0xffff;
	v16 =	vadd.s32 s11, v0  }
0xc6: {  	s23 =	simm.s32 $0x316;
	v20 =	vadd.s32 s12, v0;
	[tilespmem:s0+$0x50] =	vst v15;
	v19 =	vld.idx.msk [tilespmem:v17+s17+$0x0], $0xffff  }
0xc7: {  	p4 =	por $0x1, $0x1;
	v22 =	vadd.s32 s23, v0;
	v21 =	vld.idx.msk [tilespmem:v9+s17+$0x0], $0xffff;
	[tilespmem:s0+$0xFFFFFFA0] =	vst v12  }
.Ltmp5:
0xc8: {  	s8 =	simm.s32 $0xC380;
	[tilespmem:s0+$0xFFFFFFE0] =	vst v10;
	v13 =	vld.idx.msk [tilespmem:v13+s17+$0x0], $0xffff;
	(pc) =	sbr.rel @!p4 .LBB2_7-.Ltmp5, $4  }
0xc9: {  	s24 =	simm.s32 $0x397;
	[tilespmem:s8+$0xFFFFFF80] =	vst v14;
	v14 =	vld.idx.msk [tilespmem:v18+s17+$0x0], $0xffff  }
0xca: {  	s29 =	simm.s32 $0xB1;
	v15 =	vadd.s32 s24, v0;
	s31 =	simm.s32 $0x224;
	[tilespmem:s8+$0xFFFFFFC0] =	vst v11;
	v9 =	vld.idx.msk [tilespmem:v16+s17+$0x0], $0xffff  }
0xcb: {  	s30 =	simm.s32 $0x1A3;
	s11 =	simm.s32 $0x132;
	v17 =	vadd.s32 s29, v0;
	v12 =	vadd.s32 s31, v0;
	[tilespmem:s8+$0x0] =	vst v19;
	v10 =	vld.idx.msk [tilespmem:v20+s17+$0x0], $0xffff  }
0xcc: {  	p2 =	por $0x1, $0x1;
	s23 =	simm.s32 $0x2A5;
	s3 =	simm.s32 $0x5BB;
	v18 =	vadd.s32 s30, v0;
	v16 =	vadd.s32 s11, v0;
	v11 =	vld.idx.msk [tilespmem:v22+s17+$0x0], $0xffff;
	[tilespmem:s8+$0x40] =	vst v21  }
0xcd: {  	_ =	sdelay $0x3  }
0xce: {  	s11 =	simm.s32 $0x408;
	v19 =	vadd.s32 s23, v0;
	v15 =	vld.idx.msk [tilespmem:v15+s17+$0x0], $0xffff  }
0xcf: {  	s12 =	simm.s32 $0x489;
	v17 =	vld.idx.msk [tilespmem:v17+s17+$0x0], $0xffff;
	[tilespmem:s0+$0x20] =	vst v13;
	v20 =	vadd.s32 s11, v0  }
0xd0: {  	s23 =	simm.s32 $0x50A;
	v13 =	vadd.s32 s12, v0;
	[tilespmem:s0+$0xFFFFFFB0] =	vst v14;
	v14 =	vld.idx.msk [tilespmem:v16+s17+$0x0], $0xffff  }
0xd1: {  	s29 =	simm.s32 $0x326;
	v16 =	vadd.s32 s23, v0;
	[tilespmem:s8+$0xFFFFFF90] =	vst v9;
	v9 =	vld.idx.msk [tilespmem:v18+s17+$0x0], $0xffff  }
0xd2: {  	s24 =	simm.s32 $0x58B;
	v21 =	vadd.s32 s29, v0;
	v12 =	vld.idx.msk [tilespmem:v12+s17+$0x0], $0xffff;
	[tilespmem:s8+$0xFFFFFFD0] =	vst v10  }
0xd3: {  	v18 =	vadd.s32 s24, v0;
	v10 =	vld.idx.msk [tilespmem:v19+s17+$0x0], $0xffff  }
0xd4: {  	s30 =	simm.s32 $0x234;
	[tilespmem:s8+$0x10] =	vst v11;
	v11 =	vadd.s32 s6, v0;
	v20 =	vld.idx.msk [tilespmem:v20+s17+$0x0], $0xffff  }
0xd5: {  	s31 =	simm.s32 $0x418;
	[tilespmem:s8+$0x50] =	vst v15;
	v15 =	vadd.s32 s30, v0;
	v22 =	vld.idx.msk [tilespmem:v13+s17+$0x0], $0xffff  }
0xd6: {  	[tilespmem:s0+$0xFFFFFFF0] =	vst v17;
	v17 =	vadd.s32 s31, v0;
	v23 =	vld.idx.msk [tilespmem:v16+s17+$0x0], $0xffff  }
0xd7: {  	s12 =	simm.s32 $0x499;
	[tilespmem:s0+$0x30] =	vst v14;
	v13 =	vld.idx.msk [tilespmem:v21+s17+$0x0], $0xffff  }
0xd8: {  	s23 =	simm.s32 $0x51A;
	v24 =	vadd.s32 s12, v0;
	v25 =	vld.idx.msk [tilespmem:v18+s17+$0x0], $0xffff;
	[tilespmem:s0+$0x60] =	vst v9  }
0xd9: {  	p4 =	por $0x1, $0x1;
	v26 =	vadd.s32 s23, v0;
	s12 =	simm.s32 $0x59B;
	s6 =	simm.s32 $0xC480;
	[tilespmem:s8+$0xFFFFFFA0] =	vst v12;
	v19 =	vld.idx.msk [tilespmem:v11+s17+$0x0], $0xffff  }
.Ltmp6:
0xda: {  	s24 =	simm.s32 $0x2B5;
	v14 =	vld.idx.msk [tilespmem:v15+s17+$0x0], $0xffff;
	v15 =	vadd.s32 s12, v0;
	[tilespmem:s6+$0xFFFFFF80] =	vst v20;
	(pc) =	sbr.rel @!p4 .LBB2_9-.Ltmp6, $4  }
0xdb: {  	s29 =	simm.s32 $0x336;
	[tilespmem:s8+$0xFFFFFFE0] =	vst v10;
	v9 =	vld.idx.msk [tilespmem:v17+s17+$0x0], $0xffff;
	v17 =	vadd.s32 s24, v0  }
0xdc: {  	s30 =	simm.s32 $0x3A7;
	v16 =	vadd.s32 s29, v0;
	[tilespmem:s6+$0xFFFFFFC0] =	vst v22  }
0xdd: {  	p3 =	por $0x1, $0x1;
	s31 =	simm.s32 $0x428;
	v18 =	vadd.s32 s30, v0;
	[tilespmem:s6+$0x0] =	vst v23;
	v10 =	vld.idx.msk [tilespmem:v24+s17+$0x0], $0xffff  }
0xde: {  	s11 =	simm.s32 $0x8;
	s23 =	simm.s32 $0x4A9;
	v12 =	vadd.s32 s31, v0;
	s12 =	simm.s32 $0x7BF;
	v11 =	vld.idx.msk [tilespmem:v26+s17+$0x0], $0xffff;
	[tilespmem:s6+$0x40] =	vst v25  }
.LBB2_10:
0xdf: {  	s24 =	sadd.s32 $0xFFFFFE4D, s12;
	s11 =	sadd.s32 $0x4, s11;
	v20 =	vadd.s32 s23, v0;
	v15 =	vld.idx.msk [tilespmem:v15+s17+$0x0], $0xffff;
	[tilespmem:s0+$0x70] =	vst v19;
	s0 =	smov.u32 s8  }
0xe0: {  	s23 =	sadd.s32 $0xFFFFFECE, s12;
	s8 =	smov.u32 s6;
	v19 =	vadd.s32 s24, v0;
	p4 =	slt.u32 s11, $0x7C;
	v17 =	vld.idx.msk [tilespmem:v17+s17+$0x0], $0xffff;
	[tilespmem:s0+$0x20] =	vst v13  }
0xe1: {  	v13 =	vadd.s32 s23, v0;
	s23 =	sadd.s32 $0xFFFFFF4F, s12;
	[tilespmem:s0+$0xFFFFFFB0] =	vst v14;
	v14 =	vld.idx.msk [tilespmem:v16+s17+$0x0], $0xffff  }
0xe2: {  	v16 =	vadd.s32 s23, v0;
	s23 =	sadd.s32 $0xFFFFFFD0, s12;
	[tilespmem:s6+$0xFFFFFF90] =	vst v9;
	v9 =	vld.idx.msk [tilespmem:v18+s17+$0x0], $0xffff  }
0xe3: {  	v18 =	vadd.s32 s23, v0;
	v12 =	vld.idx.msk [tilespmem:v12+s17+$0x0], $0xffff;
	[tilespmem:s6+$0xFFFFFFD0] =	vst v10  }
0xe4: {  	s23 =	sadd.s32 $0xFFFFFF6F, s3;
	v10 =	vld.idx.msk [tilespmem:v20+s17+$0x0], $0xffff;
	[tilespmem:s6+$0x10] =	vst v11;
	v11 =	vadd.s32 s2, v0;
	s2 =	smov.u32 s3;
	s3 =	smov.u32 s12  }
0xe5: {  	v21 =	vadd.s32 s23, v0;
	v20 =	vld.idx.msk [tilespmem:v19+s17+$0x0], $0xffff;
	s24 =	sadd.s32 $0xFFFFFE7D, s2;
	[tilespmem:s6+$0x50] =	vst v15  }
0xe6: {  	s23 =	sadd.s32 $0xFFFFFE5D, s12;
	v22 =	vld.idx.msk [tilespmem:v13+s17+$0x0], $0xffff;
	v23 =	vadd.s32 s24, v0;
	[tilespmem:s0+$0xFFFFFFF0] =	vst v17  }
0xe7: {  	v24 =	vadd.s32 s23, v0;
	s23 =	sadd.s32 $0xFFFFFEDE, s12;
	v25 =	vld.idx.msk [tilespmem:v16+s17+$0x0], $0xffff;
	[tilespmem:s0+$0x30] =	vst v14  }
0xe8: {  	v26 =	vadd.s32 s23, v0;
	s23 =	sadd.s32 $0xFFFFFF5F, s12;
	v27 =	vld.idx.msk [tilespmem:v18+s17+$0x0], $0xffff;
	[tilespmem:s0+$0x60] =	vst v9  }
0xe9: {  	v28 =	vadd.s32 s23, v0;
	s23 =	sadd.s32 $0xFFFFFFE0, s12;
	[tilespmem:s6+$0xFFFFFFA0] =	vst v12;
	v19 =	vld.idx.msk [tilespmem:v11+s17+$0x0], $0xffff  }
.Ltmp7:
0xea: {  	v15 =	vadd.s32 s23, v0;
	s23 =	sadd.s32 $0xFFFFFEFE, s2;
	s6 =	sadd.s32 $0x100, s6;
	[tilespmem:s8+$0xFFFFFFE0] =	vst v10;
	v13 =	vld.idx.msk [tilespmem:v21+s17+$0x0], $0xffff;
	(pc) =	sbr.rel @p4 .LBB2_10-.Ltmp7, $4  }
0xeb: {  	v17 =	vadd.s32 s23, v0;
	s23 =	sadd.s32 $0xFFFFFF7F, s2;
	[tilespmem:s6+$0xFFFFFF80] =	vst v20;
	v14 =	vld.idx.msk [tilespmem:v23+s17+$0x0], $0xffff  }
0xec: {  	v16 =	vadd.s32 s23, v0;
	s23 =	sadd.s32 $0xFFFFFFF0, s2;
	v9 =	vld.idx.msk [tilespmem:v24+s17+$0x0], $0xffff;
	[tilespmem:s6+$0xFFFFFFC0] =	vst v22  }
0xed: {  	s24 =	sadd.s32 $0xFFFFFE6D, s12;
	v18 =	vadd.s32 s23, v0;
	v10 =	vld.idx.msk [tilespmem:v26+s17+$0x0], $0xffff;
	[tilespmem:s6+$0x0] =	vst v25  }
0xee: {  	s12 =	sadd.s32 $0x204, s12;
	v12 =	vadd.s32 s24, v0;
	s23 =	sadd.s32 $0xFFFFFEEE, s3;
	v11 =	vld.idx.msk [tilespmem:v28+s17+$0x0], $0xffff;
	[tilespmem:s6+$0x40] =	vst v27  }
0xef: {  	s11 =	smov.u32 s0;
	s0 =	smov.u32 s6;
	s6 =	smov.u32 s2  }
.LBB2_12:
0xf0: {  	_ =	sdelay $0x3  }
0xf1: {  	v20 =	vadd.s32 s23, v0;
	v15 =	vld.idx.msk [tilespmem:v15+s17+$0x0], $0xffff;
	[tilespmem:s11+$0x70] =	vst @p3 v19;
	s2 =	smov.u32 @p2 s8;
	s31 =	sadd.s32 $0xFFFFFF6F, s3  }
0xf2: {  	v17 =	vld.idx.msk @p2 [tilespmem:v17+s17+$0x0], $0xffff;
	s11 =	sadd.s32 $0xFFFFFFF0, s3;
	[tilespmem:s2+$0x20] =	vst @p2 v13;
	v57 =	vadd.s32 s31, v0  }
0xf3: {  	[tilespmem:s2+$0xFFFFFFB0] =	vst @p2 v14;
	v14 =	vld.idx.msk @p2 [tilespmem:v18+s17+$0x0], $0xffff;
	v58 =	vadd.s32 s11, v0  }
0xf4: {  	[tilespmem:s0+$0xFFFFFF90] =	vst v9;
	v9 =	vadd.s32 @p2 s6, v0;
	v16 =	vld.idx.msk @p2 [tilespmem:v16+s17+$0x0], $0xffff  }
0xf5: {  	s12 =	sadd.s32 $0xFFFFFE7D, s3;
	v12 =	vld.idx.msk [tilespmem:v12+s17+$0x0], $0xffff;
	[tilespmem:s0+$0xFFFFFFD0] =	vst v10  }
0xf6: {  	s23 =	sadd.s32 $0xFFFFFEFE, s3;
	[tilespmem:s0+$0x10] =	vst v11;
	v11 =	vadd.s32 s12, v0;
	v10 =	vld.idx.msk [tilespmem:v20+s17+$0x0], $0xffff  }
0xf7: {  	s24 =	sadd.s32 $0xFFFFFF7F, s3;
	v59 =	vadd.s32 s23, v0;
	[tilespmem:s0+$0x50] =	vst v15;
	v13 =	vld.idx.msk [tilespmem:v57+s17+$0x0], $0xffff  }
0xf8: {  	v60 =	vadd.s32 s24, v0;
	[tilespmem:s2+$0x60] =	vst @p2 v14;
	v18 =	vld.idx.msk [tilespmem:v58+s17+$0x0], $0xffff  }
0xf9: {  	v61 =	vadd.s32 s3, v0;
	[tilespmem:s2+$0xFFFFFFF0] =	vst @p2 v17;
	v9 =	vld.idx.msk @p2 [tilespmem:v9+s17+$0x0], $0xffff  }
0xfa: {  	[tilespmem:s0+$0xFFFFFFA0] =	vst v12  }
0xfb: {  	[tilespmem:s0+$0xFFFFFFE0] =	vst v10;
	v10 =	vld.idx.msk [tilespmem:v11+s17+$0x0], $0xffff  }
0xfc: {  	v11 =	vld.idx.msk [tilespmem:v59+s17+$0x0], $0xffff;
	[tilespmem:s0+$0x20] =	vst v13  }
0xfd: {  	[tilespmem:s0+$0x60] =	vst v18;
	v62 =	vld.idx.msk [tilespmem:v60+s17+$0x0], $0xffff  }
0xfe: {  	[tilespmem:s2+$0x30] =	vst @p2 v16;
	s2 =	smov.u32 @p2 s2;
	v9 =	vpsel p2, v9, v0;
	v63 =	vld.idx.msk [tilespmem:v61+s17+$0x0], $0xffff  }
0xff: {  	[tilespmem:s2+$0x70] =	vst @p2 v9;
	p2 =	sne.s32 s26, $0x7A  }
.Ltmp8:
0x100: {  	s29 =	sor.u32 s5, s28;
	[tilespmem:s0+$0xFFFFFFB0] =	vst v10;
	(pc) =	sbr.rel @p2 .LBB2_14-.Ltmp8, $4  }
0x101: {  	s30 =	smin.u32 s29, $0x1E83;
	[tilespmem:s0+$0xFFFFFFF0] =	vst v11  }
0x102: {  	s2 =	sshll.u32 s30, $0xA;
	[tilespmem:s0+$0x30] =	vst v62  }
0x103: {  	s31 =	sadd.s32 s7, s2;
	[tilespmem:s0+$0x70] =	vst v63  }
0x104: {  	[hbm4b:s31+s4] =	stream.linear.scatter [tilespmem:s18], [sflag:$0x3], $0x2000, $0x38;
	[tilespmem:$0x10200] =	vst v63  }
.Ltmp9:
0x105: {  	(pc) =	sbr.rel .LBB2_15-.Ltmp9, $4  }
0x106: {  	_ = 	snop  }
0x107: {  	_ =	swait.ge [sflag:s19], $0x2000  }
0x108: {  	[sflag:s19] =	ssyncset.done $0x0  }
0x109: {  	[sflag:s19] =	ssyncadd.s32 $0xFFFFE000  }
.LBB2_14:
0x10a: {  	s0 =	sadd.s32 s9, s28  }
0x10b: {  	s0 =	smin.u32 s0, $0x1E83  }
0x10c: {  	s0 =	sshll.u32 s0, $0x7  }
.Ltmp10:
0x10d: {  	s0 =	sadd.s32 s1, s0;
	(pc) =	sbr.rel @p1 .LBB2_16-.Ltmp10, $4  }
0x10e: {  	[tilespmem:s4], [sflag:$0x1] =	stream.strided.gather [hbm4b:s0+s13], $0x2000, s14, s13, $0x38;
	[tilespmem:$0x10200] =	vst v63  }
0x10f: {  	_ =	swait.ge [sflag:s19], $0x2000  }
0x110: {  	[sflag:s19] =	ssyncset.done $0x0  }
0x111: {  	[sflag:s19] =	ssyncadd.s32 $0xFFFFE000  }
.LBB2_15:
0x112: {  	_ =	swait.ge [sflag:s20], $0x2000  }
0x113: {  	[sflag:s20] =	ssyncset.done $0x0  }
0x114: {  	[sflag:s20] =	ssyncadd.s32 $0xFFFFE000  }
.LBB2_16:
0x115: {  	s8 =	simm.s32 $0x2100;
	s24 =	simm.s32 $0x3  }
0x116: {  	s6 =	simm.s32 $0x2;
	v9 =	vld [tilespmem:s8+$0x80];
	v10 =	vadd.s32 s24, v1  }
0x117: {  	s11 =	simm.s32 $0x1;
	v13 =	vld [tilespmem:s8+$0x0];
	v14 =	vadd.s32 s6, v1  }
0x118: {  	v11 =	vld [tilespmem:s8+$0xFFFFFF80];
	v12 =	vadd.s32 s11, v1;
	_ =	sdelay $0x1  }
0x119: {  	s12 =	simm.s32 $0x0  }
0x11a: {  	v15 =	vld [tilespmem:s8+$0xFFFFFF00];
	v16 =	vadd.s32 s12, v1;
	[tilespmem:v10+s21+$0x0] =	vst.idx.msk $0xffff, v9  }
0x11b: {  	v10 =	vadd.s32 s24, v2;
	[tilespmem:v14+s21+$0x0] =	vst.idx.msk $0xffff, v13;
	v9 =	vld [tilespmem:s8+$0x90]  }
0x11c: {  	[tilespmem:v12+s21+$0x0] =	vst.idx.msk $0xffff, v11;
	v14 =	vadd.s32 s6, v2;
	v13 =	vld [tilespmem:s8+$0x10]  }
0x11d: {  	v12 =	vadd.s32 s11, v2;
	v11 =	vld [tilespmem:s8+$0xFFFFFF90];
	_ =	sdelay $0x1  }
0x11e: {  	[tilespmem:v16+s21+$0x0] =	vst.idx.msk $0xffff, v15  }
0x11f: {  	v16 =	vadd.s32 s12, v2;
	v15 =	vld [tilespmem:s8+$0xFFFFFF10];
	[tilespmem:v10+s21+$0x0] =	vst.idx.msk $0xffff, v9  }
0x120: {  	v10 =	vadd.s32 s24, v3;
	[tilespmem:v14+s21+$0x0] =	vst.idx.msk $0xffff, v13;
	v9 =	vld [tilespmem:s8+$0xA0]  }
0x121: {  	[tilespmem:v12+s21+$0x0] =	vst.idx.msk $0xffff, v11;
	v14 =	vadd.s32 s6, v3;
	v13 =	vld [tilespmem:s8+$0x20]  }
0x122: {  	v12 =	vadd.s32 s11, v3;
	v11 =	vld [tilespmem:s8+$0xFFFFFFA0];
	_ =	sdelay $0x1  }
0x123: {  	[tilespmem:v16+s21+$0x0] =	vst.idx.msk $0xffff, v15  }
0x124: {  	v16 =	vadd.s32 s12, v3;
	v15 =	vld [tilespmem:s8+$0xFFFFFF20];
	[tilespmem:v10+s21+$0x0] =	vst.idx.msk $0xffff, v9  }
0x125: {  	v10 =	vadd.s32 s24, v4;
	[tilespmem:v14+s21+$0x0] =	vst.idx.msk $0xffff, v13;
	v9 =	vld [tilespmem:s8+$0xB0]  }
0x126: {  	[tilespmem:v12+s21+$0x0] =	vst.idx.msk $0xffff, v11;
	v14 =	vadd.s32 s6, v4;
	v13 =	vld [tilespmem:s8+$0x30]  }
0x127: {  	v12 =	vadd.s32 s11, v4;
	v11 =	vld [tilespmem:s8+$0xFFFFFFB0];
	_ =	sdelay $0x1  }
0x128: {  	[tilespmem:v16+s21+$0x0] =	vst.idx.msk $0xffff, v15  }
0x129: {  	v16 =	vadd.s32 s12, v4;
	v15 =	vld [tilespmem:s8+$0xFFFFFF30];
	[tilespmem:v10+s21+$0x0] =	vst.idx.msk $0xffff, v9  }
0x12a: {  	v10 =	vadd.s32 s24, v5;
	[tilespmem:v14+s21+$0x0] =	vst.idx.msk $0xffff, v13;
	v9 =	vld [tilespmem:s8+$0xC0]  }
0x12b: {  	[tilespmem:v12+s21+$0x0] =	vst.idx.msk $0xffff, v11;
	v14 =	vadd.s32 s6, v5;
	v13 =	vld [tilespmem:s8+$0x40]  }
0x12c: {  	v12 =	vadd.s32 s11, v5;
	v11 =	vld [tilespmem:s8+$0xFFFFFFC0]  }
0x12d: {  	s3 =	simm.s32 $0x7;
	s30 =	simm.s32 $0x2300  }
0x12e: {  	v17 =	vld [tilespmem:s30+$0x80];
	v18 =	vadd.s32 s3, v1;
	[tilespmem:v16+s21+$0x0] =	vst.idx.msk $0xffff, v15  }
0x12f: {  	s0 =	simm.s32 $0x5;
	v16 =	vadd.s32 s12, v5;
	v15 =	vld [tilespmem:s8+$0xFFFFFF40];
	[tilespmem:v10+s21+$0x0] =	vst.idx.msk $0xffff, v9  }
0x130: {  	[tilespmem:v14+s21+$0x0] =	vst.idx.msk $0xffff, v13;
	v13 =	vld [tilespmem:s30+$0xFFFFFF80];
	v14 =	vadd.s32 s0, v1  }
0x131: {  	[tilespmem:v12+s21+$0x0] =	vst.idx.msk $0xffff, v11;
	v10 =	vadd.s32 s24, v6;
	v9 =	vld [tilespmem:s8+$0xD0]  }
0x132: {  	v12 =	vadd.s32 s11, v6;
	v11 =	vld [tilespmem:s8+$0xFFFFFFD0]  }
0x133: {  	s2 =	simm.s32 $0x6;
	[tilespmem:v18+s21+$0x0] =	vst.idx.msk $0xffff, v17  }
0x134: {  	s31 =	simm.s32 $0x4;
	[tilespmem:v16+s21+$0x0] =	vst.idx.msk $0xffff, v15;
	v15 =	vld [tilespmem:s30+$0x0];
	v16 =	vadd.s32 s2, v1  }
0x135: {  	v19 =	vld [tilespmem:s30+$0xFFFFFF00];
	v20 =	vadd.s32 s31, v1;
	[tilespmem:v14+s21+$0x0] =	vst.idx.msk $0xffff, v13  }
0x136: {  	v13 =	vld [tilespmem:s30+$0x90];
	v14 =	vadd.s32 s3, v2;
	[tilespmem:v10+s21+$0x0] =	vst.idx.msk $0xffff, v9  }
0x137: {  	[tilespmem:v12+s21+$0x0] =	vst.idx.msk $0xffff, v11;
	v11 =	vld [tilespmem:s8+$0x50];
	v12 =	vadd.s32 s6, v6  }
0x138: {  	v10 =	vadd.s32 s24, v7;
	v9 =	vld [tilespmem:s8+$0xE0]  }
0x139: {  	v18 =	vadd.s32 s0, v2;
	[tilespmem:v16+s21+$0x0] =	vst.idx.msk $0xffff, v15;
	v17 =	vld [tilespmem:s30+$0xFFFFFF90]  }
0x13a: {  	[tilespmem:v20+s21+$0x0] =	vst.idx.msk $0xffff, v19;
	v16 =	vadd.s32 s2, v2;
	v15 =	vld [tilespmem:s30+$0x10]  }
0x13b: {  	v20 =	vadd.s32 s31, v2;
	v19 =	vld [tilespmem:s30+$0xFFFFFF10];
	[tilespmem:v14+s21+$0x0] =	vst.idx.msk $0xffff, v13  }
0x13c: {  	v14 =	vadd.s32 s3, v3;
	[tilespmem:v12+s21+$0x0] =	vst.idx.msk $0xffff, v11;
	v13 =	vld [tilespmem:s30+$0xA0]  }
0x13d: {  	v11 =	vld [tilespmem:s8+$0xFFFFFF50];
	v12 =	vadd.s32 s12, v6;
	[tilespmem:v10+s21+$0x0] =	vst.idx.msk $0xffff, v9  }
0x13e: {  	[tilespmem:v18+s21+$0x0] =	vst.idx.msk $0xffff, v17;
	v10 =	vadd.s32 s24, v8;
	v9 =	vld [tilespmem:s8+$0xF0]  }
0x13f: {  	v18 =	vadd.s32 s0, v3;
	[tilespmem:v16+s21+$0x0] =	vst.idx.msk $0xffff, v15;
	v17 =	vld [tilespmem:s30+$0xFFFFFFA0]  }
0x140: {  	[tilespmem:v20+s21+$0x0] =	vst.idx.msk $0xffff, v19;
	v16 =	vadd.s32 s2, v3;
	v15 =	vld [tilespmem:s30+$0x20]  }
0x141: {  	v20 =	vadd.s32 s31, v3;
	v19 =	vld [tilespmem:s30+$0xFFFFFF20];
	[tilespmem:v14+s21+$0x0] =	vst.idx.msk $0xffff, v13  }
0x142: {  	[tilespmem:v12+s21+$0x0] =	vst.idx.msk $0xffff, v11;
	v14 =	vadd.s32 s3, v4;
	v13 =	vld [tilespmem:s30+$0xB0]  }
0x143: {  	[tilespmem:v10+s21+$0x0] =	vst.idx.msk $0xffff, v9;
	v9 =	vld [tilespmem:s8+$0xFFFFFFE0];
	v10 =	vadd.s32 s11, v7  }
0x144: {  	v11 =	vld [tilespmem:s8+$0x60];
	v12 =	vadd.s32 s6, v7;
	[tilespmem:v18+s21+$0x0] =	vst.idx.msk $0xffff, v17  }
0x145: {  	v18 =	vadd.s32 s0, v4;
	[tilespmem:v16+s21+$0x0] =	vst.idx.msk $0xffff, v15;
	v17 =	vld [tilespmem:s30+$0xFFFFFFB0]  }
0x146: {  	[tilespmem:v20+s21+$0x0] =	vst.idx.msk $0xffff, v19;
	v16 =	vadd.s32 s2, v4;
	v15 =	vld [tilespmem:s30+$0x30]  }
0x147: {  	v20 =	vadd.s32 s31, v4;
	v19 =	vld [tilespmem:s30+$0xFFFFFF30];
	[tilespmem:v14+s21+$0x0] =	vst.idx.msk $0xffff, v13  }
0x148: {  	[tilespmem:v10+s21+$0x0] =	vst.idx.msk $0xffff, v9;
	v9 =	vld [tilespmem:s8+$0xFFFFFF60];
	v10 =	vadd.s32 s12, v7  }
0x149: {  	[tilespmem:v12+s21+$0x0] =	vst.idx.msk $0xffff, v11;
	v14 =	vadd.s32 s3, v5;
	v13 =	vld [tilespmem:s30+$0xC0]  }
0x14a: {  	v12 =	vadd.s32 s11, v8;
	[tilespmem:v18+s21+$0x0] =	vst.idx.msk $0xffff, v17;
	v11 =	vld [tilespmem:s8+$0xFFFFFFF0]  }
0x14b: {  	v22 =	vadd.s32 s0, v5;
	[tilespmem:v16+s21+$0x0] =	vst.idx.msk $0xffff, v15;
	v21 =	vld [tilespmem:s30+$0xFFFFFFC0]  }
0x14c: {  	[tilespmem:v20+s21+$0x0] =	vst.idx.msk $0xffff, v19;
	v20 =	vadd.s32 s2, v5;
	v19 =	vld [tilespmem:s30+$0x40]  }
0x14d: {  	v17 =	vld [tilespmem:s30+$0xFFFFFF40];
	v18 =	vadd.s32 s31, v5;
	[tilespmem:v10+s21+$0x0] =	vst.idx.msk $0xffff, v9  }
0x14e: {  	v16 =	vadd.s32 s6, v8;
	v10 =	vld [tilespmem:s8+$0x70];
	[tilespmem:v14+s21+$0x0] =	vst.idx.msk $0xffff, v13  }
0x14f: {  	v15 =	vadd.s32 s12, v8;
	[tilespmem:v12+s21+$0x0] =	vst.idx.msk $0xffff, v11;
	v12 =	vld [tilespmem:s8+$0xFFFFFF70]  }
0x150: {  	s11 =	simm.s32 $0x8;
	[tilespmem:v22+s21+$0x0] =	vst.idx.msk $0xffff, v21;
	v9 =	vld [tilespmem:s30+$0xD0];
	v11 =	vadd.s32 s3, v6  }
0x151: {  	s12 =	simm.s32 $0xB;
	s6 =	simm.s32 $0xC;
	v14 =	vadd.s32 s0, v6;
	[tilespmem:v20+s21+$0x0] =	vst.idx.msk $0xffff, v19;
	s8 =	simm.s32 $0x2500;
	v13 =	vld [tilespmem:s30+$0xFFFFFFD0]  }
.LBB2_17:
0x152: {  	p1 =	slt.u32 s6, $0x3C;
	s23 =	sadd.s32 $0x1, s11;
	v19 =	vld [tilespmem:s8+$0x80];
	v20 =	vadd.s32 s12, v1;
	[tilespmem:v18+s21+$0x0] =	vst.idx.msk $0xffff, v17  }
0x153: {  	s24 =	sadd.s32 $0x2, s11;
	v17 =	vld [tilespmem:s8+$0xFFFFFF80];
	v18 =	vadd.s32 s23, v1;
	[tilespmem:v16+s21+$0x0] =	vst.idx.msk $0xffff, v10  }
0x154: {  	v16 =	vadd.s32 s24, v1;
	v10 =	vld [tilespmem:s8+$0x0];
	[tilespmem:v15+s21+$0x0] =	vst.idx.msk $0xffff, v12  }
0x155: {  	v15 =	vadd.s32 s11, v1;
	v12 =	vld [tilespmem:s8+$0xFFFFFF00];
	[tilespmem:v11+s21+$0x0] =	vst.idx.msk $0xffff, v9  }
0x156: {  	v11 =	vadd.s32 s3, v7;
	[tilespmem:v14+s21+$0x0] =	vst.idx.msk $0xffff, v13;
	v9 =	vld [tilespmem:s30+$0xE0]  }
0x157: {  	v14 =	vadd.s32 s2, v6;
	[tilespmem:v20+s21+$0x0] =	vst.idx.msk $0xffff, v19;
	v13 =	vld [tilespmem:s30+$0x50]  }
0x158: {  	[tilespmem:v18+s21+$0x0] =	vst.idx.msk $0xffff, v17;
	v17 =	vld [tilespmem:s8+$0x90];
	v18 =	vadd.s32 s12, v2  }
0x159: {  	v20 =	vadd.s32 s23, v2;
	v19 =	vld [tilespmem:s8+$0xFFFFFF90];
	[tilespmem:v16+s21+$0x0] =	vst.idx.msk $0xffff, v10  }
0x15a: {  	[tilespmem:v15+s21+$0x0] =	vst.idx.msk $0xffff, v12;
	v10 =	vld [tilespmem:s8+$0x10];
	v12 =	vadd.s32 s24, v2  }
0x15b: {  	v16 =	vadd.s32 s11, v2;
	v15 =	vld [tilespmem:s8+$0xFFFFFF10];
	[tilespmem:v11+s21+$0x0] =	vst.idx.msk $0xffff, v9  }
0x15c: {  	v11 =	vadd.s32 s3, v8;
	s3 =	smov.u32 s12;
	[tilespmem:v14+s21+$0x0] =	vst.idx.msk $0xffff, v13;
	v9 =	vld [tilespmem:s30+$0xF0]  }
0x15d: {  	v14 =	vadd.s32 s31, v6;
	[tilespmem:v18+s21+$0x0] =	vst.idx.msk $0xffff, v17;
	v13 =	vld [tilespmem:s30+$0xFFFFFF50]  }
0x15e: {  	v18 =	vadd.s32 s3, v3;
	[tilespmem:v20+s21+$0x0] =	vst.idx.msk $0xffff, v19;
	v17 =	vld [tilespmem:s8+$0xA0]  }
0x15f: {  	v20 =	vadd.s32 s23, v3;
	v19 =	vld [tilespmem:s8+$0xFFFFFFA0];
	[tilespmem:v12+s21+$0x0] =	vst.idx.msk $0xffff, v10  }
0x160: {  	v12 =	vadd.s32 s24, v3;
	[tilespmem:v16+s21+$0x0] =	vst.idx.msk $0xffff, v15;
	v10 =	vld [tilespmem:s8+$0x20]  }
0x161: {  	v16 =	vadd.s32 s11, v3;
	v15 =	vld [tilespmem:s8+$0xFFFFFF20];
	[tilespmem:v11+s21+$0x0] =	vst.idx.msk $0xffff, v9  }
0x162: {  	v11 =	vadd.s32 s0, v7;
	[tilespmem:v14+s21+$0x0] =	vst.idx.msk $0xffff, v13;
	v9 =	vld [tilespmem:s30+$0xFFFFFFE0]  }
0x163: {  	v14 =	vadd.s32 s2, v7;
	[tilespmem:v18+s21+$0x0] =	vst.idx.msk $0xffff, v17;
	v13 =	vld [tilespmem:s30+$0x60]  }
0x164: {  	v18 =	vadd.s32 s3, v4;
	[tilespmem:v20+s21+$0x0] =	vst.idx.msk $0xffff, v19;
	v17 =	vld [tilespmem:s8+$0xB0]  }
0x165: {  	v20 =	vadd.s32 s23, v4;
	v19 =	vld [tilespmem:s8+$0xFFFFFFB0];
	[tilespmem:v12+s21+$0x0] =	vst.idx.msk $0xffff, v10  }
0x166: {  	v12 =	vadd.s32 s24, v4;
	[tilespmem:v16+s21+$0x0] =	vst.idx.msk $0xffff, v15;
	v10 =	vld [tilespmem:s8+$0x30]  }
0x167: {  	v16 =	vadd.s32 s11, v4;
	v15 =	vld [tilespmem:s8+$0xFFFFFF30];
	[tilespmem:v11+s21+$0x0] =	vst.idx.msk $0xffff, v9  }
0x168: {  	v11 =	vadd.s32 s31, v7;
	v9 =	vld [tilespmem:s30+$0xFFFFFF60];
	[tilespmem:v14+s21+$0x0] =	vst.idx.msk $0xffff, v13  }
0x169: {  	v14 =	vadd.s32 s0, v8;
	s0 =	smov.u32 s23;
	[tilespmem:v18+s21+$0x0] =	vst.idx.msk $0xffff, v17;
	v13 =	vld [tilespmem:s30+$0xFFFFFFF0]  }
0x16a: {  	[tilespmem:v20+s21+$0x0] =	vst.idx.msk $0xffff, v19;
	v19 =	vld [tilespmem:s8+$0xC0];
	v20 =	vadd.s32 s3, v5  }
0x16b: {  	v22 =	vadd.s32 s0, v5;
	v21 =	vld [tilespmem:s8+$0xFFFFFFC0];
	[tilespmem:v12+s21+$0x0] =	vst.idx.msk $0xffff, v10  }
0x16c: {  	v24 =	vadd.s32 s24, v5;
	[tilespmem:v16+s21+$0x0] =	vst.idx.msk $0xffff, v15;
	v23 =	vld [tilespmem:s8+$0x40]  }
.Ltmp11:
0x16d: {  	v18 =	vadd.s32 s11, v5;
	v17 =	vld [tilespmem:s8+$0xFFFFFF40];
	[tilespmem:v11+s21+$0x0] =	vst.idx.msk $0xffff, v9;
	(pc) =	sbr.rel @p1 .LBB2_17-.Ltmp11, $4  }
0x16e: {  	v16 =	vadd.s32 s2, v8;
	s2 =	smov.u32 s24;
	[tilespmem:v14+s21+$0x0] =	vst.idx.msk $0xffff, v13;
	v10 =	vld [tilespmem:s30+$0x70]  }
0x16f: {  	v15 =	vadd.s32 s31, v8;
	s31 =	smov.u32 s11;
	s11 =	smov.u32 s6;
	[tilespmem:v20+s21+$0x0] =	vst.idx.msk $0xffff, v19;
	v12 =	vld [tilespmem:s30+$0xFFFFFF70];
	s30 =	smov.u32 s8  }
0x170: {  	v11 =	vadd.s32 s3, v6;
	[tilespmem:v22+s21+$0x0] =	vst.idx.msk $0xffff, v21;
	v9 =	vld [tilespmem:s8+$0xD0]  }
0x171: {  	s6 =	sadd.s32 $0x4, s6;
	s12 =	sadd.s32 $0x3, s11;
	v14 =	vadd.s32 s0, v6;
	s8 =	sadd.s32 $0x200, s8;
	v13 =	vld [tilespmem:s30+$0xFFFFFFD0];
	[tilespmem:v24+s21+$0x0] =	vst.idx.msk $0xffff, v23  }
0x172: {  	_ =	sdelay $0x1  }
0x173: {  	v19 =	vld [tilespmem:s8+$0x80];
	v20 =	vadd.s32 s12, v1  }
0x174: {  	s6 =	sadd.s32 $0x1, s11;
	v25 =	vld [tilespmem:s8+$0xFFFFFF00];
	v26 =	vadd.s32 s11, v1  }
0x175: {  	v21 =	vld [tilespmem:s8+$0xFFFFFF80];
	s24 =	sadd.s32 $0x2, s11;
	[tilespmem:v18+s21+$0x0] =	vst.idx.msk $0xffff, v17;
	v22 =	vadd.s32 s6, v1  }
0x176: {  	v23 =	vld [tilespmem:s8+$0x0];
	v24 =	vadd.s32 s24, v1;
	[tilespmem:v16+s21+$0x0] =	vst.idx.msk $0xffff, v10  }
0x177: {  	[tilespmem:v15+s21+$0x0] =	vst.idx.msk $0xffff, v12  }
0x178: {  	[tilespmem:v20+s21+$0x0] =	vst.idx.msk $0xffff, v19  }
0x179: {  	v44 =	vadd.s32 s12, v2;
	[tilespmem:v26+s21+$0x0] =	vst.idx.msk $0xffff, v25;
	v17 =	vld [tilespmem:s8+$0x90]  }
0x17a: {  	v16 =	vadd.s32 s11, v2;
	[tilespmem:v22+s21+$0x0] =	vst.idx.msk $0xffff, v21;
	v10 =	vld [tilespmem:s8+$0xFFFFFF10]  }
0x17b: {  	v46 =	vadd.s32 s6, v2;
	[tilespmem:v24+s21+$0x0] =	vst.idx.msk $0xffff, v23;
	v45 =	vld [tilespmem:s8+$0xFFFFFF90]  }
0x17c: {  	v48 =	vadd.s32 s24, v2;
	[tilespmem:v11+s21+$0x0] =	vst.idx.msk $0xffff, v9;
	v47 =	vld [tilespmem:s8+$0x10]  }
0x17d: {  	[tilespmem:v14+s21+$0x0] =	vst.idx.msk $0xffff, v13  }
0x17e: {  	v13 =	vld [tilespmem:s30+$0xE0];
	v14 =	vadd.s32 s3, v7;
	[tilespmem:v44+s21+$0x0] =	vst.idx.msk $0xffff, v17  }
0x17f: {  	v15 =	vadd.s32 s12, v3;
	[tilespmem:v16+s21+$0x0] =	vst.idx.msk $0xffff, v10;
	v12 =	vld [tilespmem:s8+$0xA0]  }
0x180: {  	v11 =	vadd.s32 s11, v3;
	[tilespmem:v46+s21+$0x0] =	vst.idx.msk $0xffff, v45;
	v9 =	vld [tilespmem:s8+$0xFFFFFF20]  }
0x181: {  	v49 =	vadd.s32 s6, v3;
	[tilespmem:v48+s21+$0x0] =	vst.idx.msk $0xffff, v47;
	v17 =	vld [tilespmem:s8+$0xFFFFFFA0]  }
0x182: {  	v16 =	vadd.s32 s24, v3;
	v10 =	vld [tilespmem:s8+$0x20]  }
0x183: {  	[tilespmem:v14+s21+$0x0] =	vst.idx.msk $0xffff, v13  }
0x184: {  	[tilespmem:v15+s21+$0x0] =	vst.idx.msk $0xffff, v12  }
0x185: {  	v15 =	vadd.s32 s12, v4;
	[tilespmem:v11+s21+$0x0] =	vst.idx.msk $0xffff, v9;
	v12 =	vld [tilespmem:s8+$0xB0]  }
0x186: {  	v13 =	vadd.s32 s11, v4;
	[tilespmem:v49+s21+$0x0] =	vst.idx.msk $0xffff, v17;
	v11 =	vld [tilespmem:s8+$0xFFFFFF30]  }
0x187: {  	v52 =	vadd.s32 s6, v4;
	[tilespmem:v16+s21+$0x0] =	vst.idx.msk $0xffff, v10;
	v17 =	vld [tilespmem:s8+$0xFFFFFFB0]  }
0x188: {  	v10 =	vadd.s32 s24, v4;
	v9 =	vld [tilespmem:s8+$0x30]  }
0x189: {  	v50 =	vld [tilespmem:s30+$0x50];
	v51 =	vadd.s32 s2, v6  }
0x18a: {  	v14 =	vld [tilespmem:s30+$0xF0];
	v16 =	vadd.s32 s3, v8;
	[tilespmem:v15+s21+$0x0] =	vst.idx.msk $0xffff, v12  }
0x18b: {  	v15 =	vadd.s32 s12, v5;
	[tilespmem:v13+s21+$0x0] =	vst.idx.msk $0xffff, v11;
	v12 =	vld [tilespmem:s8+$0xC0]  }
0x18c: {  	v13 =	vadd.s32 s11, v5;
	[tilespmem:v52+s21+$0x0] =	vst.idx.msk $0xffff, v17;
	v11 =	vld [tilespmem:s8+$0xFFFFFF40]  }
0x18d: {  	v55 =	vadd.s32 s6, v5;
	[tilespmem:v10+s21+$0x0] =	vst.idx.msk $0xffff, v9;
	v17 =	vld [tilespmem:s8+$0xFFFFFFC0]  }
0x18e: {  	[tilespmem:v51+s21+$0x0] =	vst.idx.msk $0xffff, v50;
	v10 =	vadd.s32 s24, v5;
	v9 =	vld [tilespmem:s8+$0x40]  }
0x18f: {  	v54 =	vadd.s32 s31, v6;
	v53 =	vld [tilespmem:s30+$0xFFFFFF50];
	[tilespmem:v16+s21+$0x0] =	vst.idx.msk $0xffff, v14  }
0x190: {  	v14 =	vld [tilespmem:s30+$0xFFFFFFE0];
	v16 =	vadd.s32 s0, v7;
	[tilespmem:v15+s21+$0x0] =	vst.idx.msk $0xffff, v12  }
0x191: {  	v15 =	vadd.s32 s12, v6;
	[tilespmem:v13+s21+$0x0] =	vst.idx.msk $0xffff, v11;
	v12 =	vld [tilespmem:s8+$0xD0]  }
0x192: {  	v13 =	vadd.s32 s11, v6;
	[tilespmem:v55+s21+$0x0] =	vst.idx.msk $0xffff, v17;
	v11 =	vld [tilespmem:s8+$0xFFFFFF50]  }
0x193: {  	v58 =	vadd.s32 s6, v6;
	[tilespmem:v10+s21+$0x0] =	vst.idx.msk $0xffff, v9;
	v17 =	vld [tilespmem:s8+$0xFFFFFFD0]  }
0x194: {  	[tilespmem:v54+s21+$0x0] =	vst.idx.msk $0xffff, v53;
	v10 =	vadd.s32 s24, v6;
	v9 =	vld [tilespmem:s8+$0x50]  }
0x195: {  	[tilespmem:v16+s21+$0x0] =	vst.idx.msk $0xffff, v14;
	v14 =	vld [tilespmem:s30+$0xFFFFFF60];
	v16 =	vadd.s32 s31, v7  }
0x196: {  	v57 =	vadd.s32 s2, v7;
	v56 =	vld [tilespmem:s30+$0x60];
	[tilespmem:v15+s21+$0x0] =	vst.idx.msk $0xffff, v12  }
0x197: {  	v60 =	vadd.s32 s0, v8;
	v59 =	vld [tilespmem:s30+$0xFFFFFFF0];
	[tilespmem:v13+s21+$0x0] =	vst.idx.msk $0xffff, v11  }
0x198: {  	v15 =	vadd.s32 s12, v7;
	[tilespmem:v58+s21+$0x0] =	vst.idx.msk $0xffff, v17;
	v12 =	vld [tilespmem:s8+$0xE0]  }
0x199: {  	[tilespmem:v10+s21+$0x0] =	vst.idx.msk $0xffff, v9;
	v10 =	vadd.s32 s6, v7;
	v9 =	vld [tilespmem:s8+$0xFFFFFFE0]  }
0x19a: {  	[tilespmem:v16+s21+$0x0] =	vst.idx.msk $0xffff, v14;
	v16 =	vadd.s32 s11, v7;
	v14 =	vld [tilespmem:s8+$0xFFFFFF60]  }
0x19b: {  	[tilespmem:v57+s21+$0x0] =	vst.idx.msk $0xffff, v56;
	v13 =	vadd.s32 s24, v7;
	v11 =	vld [tilespmem:s8+$0x60]  }
0x19c: {  	v63 =	vadd.s32 s31, v8;
	[tilespmem:v60+s21+$0x0] =	vst.idx.msk $0xffff, v59;
	v62 =	vld [tilespmem:s30+$0xFFFFFF70]  }
0x19d: {  	v61 =	vadd.s32 s2, v8;
	v17 =	vld [tilespmem:s30+$0x70];
	[tilespmem:v15+s21+$0x0] =	vst.idx.msk $0xffff, v12  }
0x19e: {  	v15 =	vadd.s32 s12, v8;
	v12 =	vld [tilespmem:s8+$0xF0];
	[tilespmem:v10+s21+$0x0] =	vst.idx.msk $0xffff, v9  }
0x19f: {  	[tilespmem:v16+s21+$0x0] =	vst.idx.msk $0xffff, v14;
	v10 =	vadd.s32 s6, v8;
	v9 =	vld [tilespmem:s8+$0xFFFFFFF0]  }
0x1a0: {  	v16 =	vadd.s32 s11, v8;
	[tilespmem:v13+s21+$0x0] =	vst.idx.msk $0xffff, v11;
	v14 =	vld [tilespmem:s8+$0xFFFFFF70]  }
0x1a1: {  	s3 =	simm.s32 $0x0;
	[tilespmem:v63+s21+$0x0] =	vst.idx.msk $0xffff, v62;
	v13 =	vadd.s32 s24, v8;
	v11 =	vld [tilespmem:s8+$0x70]  }
0x1a2: {  	[tilespmem:v61+s21+$0x0] =	vst.idx.msk $0xffff, v17;
	v17 =	vadd.s32 s3, v0;
	s6 =	simm.s32 $0x81  }
0x1a3: {  	s8 =	simm.s32 $0x102;
	[tilespmem:v15+s21+$0x0] =	vst.idx.msk $0xffff, v12;
	v12 =	vadd.s32 s6, v0  }
0x1a4: {  	s11 =	simm.s32 $0x183;
	[tilespmem:v10+s21+$0x0] =	vst.idx.msk $0xffff, v9;
	v9 =	vadd.s32 s8, v0  }
0x1a5: {  	[tilespmem:v16+s21+$0x0] =	vst.idx.msk $0xffff, v14;
	v10 =	vadd.s32 s11, v0  }
0x1a6: {  	[tilespmem:v13+s21+$0x0] =	vst.idx.msk $0xffff, v11  }
0x1a7: {  	s12 =	simm.s32 $0x10;
	v11 =	vld.idx.msk [tilespmem:v17+s21+$0x0], $0xffff  }
0x1a8: {  	s23 =	simm.s32 $0x91;
	v13 =	vadd.s32 s12, v0;
	v12 =	vld.idx.msk [tilespmem:v12+s21+$0x0], $0xffff  }
0x1a9: {  	s24 =	simm.s32 $0x112;
	v15 =	vadd.s32 s23, v0;
	v14 =	vld.idx.msk [tilespmem:v9+s21+$0x0], $0xffff  }
0x1aa: {  	p3 =	por $0x1, $0x1;
	v17 =	vadd.s32 s24, v0;
	v16 =	vld.idx.msk [tilespmem:v10+s21+$0x0], $0xffff  }
.Ltmp12:
0x1ab: {  	s0 =	simm.s32 $0xE280;
	(pc) =	sbr.rel @!p3 .LBB2_19-.Ltmp12, $4  }
0x1ac: {  	[tilespmem:s0+$0xFFFFFF80] =	vst v11  }
0x1ad: {  	s2 =	simm.s32 $0x3B7;
	v9 =	vld.idx.msk [tilespmem:v13+s21+$0x0], $0xffff;
	[tilespmem:s0+$0xFFFFFFC0] =	vst v12  }
0x1ae: {  	p1 =	por $0x0, $0x0;
	s31 =	simm.s32 $0x20;
	s30 =	simm.s32 $0x193;
	v10 =	vld.idx.msk [tilespmem:v15+s21+$0x0], $0xffff;
	[tilespmem:s0+$0x0] =	vst v14  }
0x1af: {  	p2 =	por $0x0, $0x0;
	s6 =	simm.s32 $0x1B3;
	s23 =	simm.s32 $0xA1;
	v12 =	vadd.s32 s31, v0;
	v15 =	vadd.s32 s30, v0;
	[tilespmem:s0+$0x40] =	vst v16;
	v11 =	vld.idx.msk [tilespmem:v17+s21+$0x0], $0xffff  }
0x1b0: {  	_ = 	snop  }
0x1b1: {  	s3 =	simm.s32 $0x204;
	v13 =	vadd.s32 s23, v0  }
0x1b2: {  	s12 =	simm.s32 $0x285;
	v14 =	vadd.s32 s3, v0  }
0x1b3: {  	s23 =	simm.s32 $0x306;
	v16 =	vadd.s32 s12, v0  }
0x1b4: {  	v15 =	vld.idx.msk [tilespmem:v15+s21+$0x0], $0xffff;
	s24 =	simm.s32 $0x387;
	v17 =	vadd.s32 s23, v0;
	[tilespmem:s0+$0xFFFFFF90] =	vst v9  }
0x1b5: {  	s30 =	simm.s32 $0x122;
	v9 =	vadd.s32 s24, v0;
	v12 =	vld.idx.msk [tilespmem:v12+s21+$0x0], $0xffff;
	[tilespmem:s0+$0xFFFFFFD0] =	vst v10  }
0x1b6: {  	s8 =	simm.s32 $0x30;
	v10 =	vld.idx.msk [tilespmem:v13+s21+$0x0], $0xffff;
	v13 =	vadd.s32 s30, v0  }
0x1b7: {  	s31 =	simm.s32 $0x214;
	v18 =	vadd.s32 s8, v0;
	v14 =	vld.idx.msk [tilespmem:v14+s21+$0x0], $0xffff  }
0x1b8: {  	s11 =	simm.s32 $0x295;
	[tilespmem:s0+$0x10] =	vst v11;
	v11 =	vld.idx.msk [tilespmem:v16+s21+$0x0], $0xffff;
	v16 =	vadd.s32 s31, v0  }
0x1b9: {  	v20 =	vadd.s32 s11, v0;
	s12 =	simm.s32 $0x316;
	[tilespmem:s0+$0x50] =	vst v15;
	v19 =	vld.idx.msk [tilespmem:v17+s21+$0x0], $0xffff  }
0x1ba: {  	p3 =	por $0x1, $0x1;
	v22 =	vadd.s32 s12, v0;
	v21 =	vld.idx.msk [tilespmem:v9+s21+$0x0], $0xffff;
	[tilespmem:s0+$0xFFFFFFA0] =	vst v12  }
.Ltmp13:
0x1bb: {  	s8 =	simm.s32 $0xE380;
	[tilespmem:s0+$0xFFFFFFE0] =	vst v10;
	v13 =	vld.idx.msk [tilespmem:v13+s21+$0x0], $0xffff;
	(pc) =	sbr.rel @!p3 .LBB2_21-.Ltmp13, $4  }
0x1bc: {  	s23 =	simm.s32 $0x397;
	[tilespmem:s8+$0xFFFFFF80] =	vst v14;
	v14 =	vld.idx.msk [tilespmem:v18+s21+$0x0], $0xffff  }
0x1bd: {  	s24 =	simm.s32 $0xB1;
	v15 =	vadd.s32 s23, v0;
	s31 =	simm.s32 $0x224;
	[tilespmem:s8+$0xFFFFFFC0] =	vst v11;
	v9 =	vld.idx.msk [tilespmem:v16+s21+$0x0], $0xffff  }
0x1be: {  	s11 =	simm.s32 $0x132;
	s30 =	simm.s32 $0x1A3;
	v17 =	vadd.s32 s24, v0;
	v12 =	vadd.s32 s31, v0;
	[tilespmem:s8+$0x0] =	vst v19;
	v10 =	vld.idx.msk [tilespmem:v20+s21+$0x0], $0xffff  }
0x1bf: {  	p1 =	por $0x1, $0x1;
	s3 =	simm.s32 $0x5BB;
	s23 =	simm.s32 $0x2A5;
	v18 =	vadd.s32 s30, v0;
	v16 =	vadd.s32 s11, v0;
	v11 =	vld.idx.msk [tilespmem:v22+s21+$0x0], $0xffff;
	[tilespmem:s8+$0x40] =	vst v21  }
0x1c0: {  	_ =	sdelay $0x3  }
0x1c1: {  	s11 =	simm.s32 $0x408;
	v19 =	vadd.s32 s23, v0;
	v15 =	vld.idx.msk [tilespmem:v15+s21+$0x0], $0xffff  }
0x1c2: {  	s31 =	simm.s32 $0x489;
	v17 =	vld.idx.msk [tilespmem:v17+s21+$0x0], $0xffff;
	[tilespmem:s0+$0x20] =	vst v13;
	v20 =	vadd.s32 s11, v0  }
0x1c3: {  	s12 =	simm.s32 $0x50A;
	v13 =	vadd.s32 s31, v0;
	[tilespmem:s0+$0xFFFFFFB0] =	vst v14;
	v14 =	vld.idx.msk [tilespmem:v16+s21+$0x0], $0xffff  }
0x1c4: {  	s24 =	simm.s32 $0x326;
	v16 =	vadd.s32 s12, v0;
	[tilespmem:s8+$0xFFFFFF90] =	vst v9;
	v9 =	vld.idx.msk [tilespmem:v18+s21+$0x0], $0xffff  }
0x1c5: {  	s23 =	simm.s32 $0x58B;
	v21 =	vadd.s32 s24, v0;
	v12 =	vld.idx.msk [tilespmem:v12+s21+$0x0], $0xffff;
	[tilespmem:s8+$0xFFFFFFD0] =	vst v10  }
0x1c6: {  	v18 =	vadd.s32 s23, v0;
	v10 =	vld.idx.msk [tilespmem:v19+s21+$0x0], $0xffff  }
0x1c7: {  	s30 =	simm.s32 $0x234;
	[tilespmem:s8+$0x10] =	vst v11;
	v11 =	vadd.s32 s6, v0;
	v20 =	vld.idx.msk [tilespmem:v20+s21+$0x0], $0xffff  }
0x1c8: {  	s31 =	simm.s32 $0x418;
	[tilespmem:s8+$0x50] =	vst v15;
	v15 =	vadd.s32 s30, v0;
	v22 =	vld.idx.msk [tilespmem:v13+s21+$0x0], $0xffff  }
0x1c9: {  	[tilespmem:s0+$0xFFFFFFF0] =	vst v17;
	v17 =	vadd.s32 s31, v0;
	v23 =	vld.idx.msk [tilespmem:v16+s21+$0x0], $0xffff  }
0x1ca: {  	s11 =	simm.s32 $0x499;
	[tilespmem:s0+$0x30] =	vst v14;
	v13 =	vld.idx.msk [tilespmem:v21+s21+$0x0], $0xffff  }
0x1cb: {  	s12 =	simm.s32 $0x51A;
	v24 =	vadd.s32 s11, v0;
	v25 =	vld.idx.msk [tilespmem:v18+s21+$0x0], $0xffff;
	[tilespmem:s0+$0x60] =	vst v9  }
0x1cc: {  	p3 =	por $0x1, $0x1;
	v26 =	vadd.s32 s12, v0;
	s12 =	simm.s32 $0x59B;
	s6 =	simm.s32 $0xE480;
	[tilespmem:s8+$0xFFFFFFA0] =	vst v12;
	v19 =	vld.idx.msk [tilespmem:v11+s21+$0x0], $0xffff  }
.Ltmp14:
0x1cd: {  	s23 =	simm.s32 $0x2B5;
	v14 =	vld.idx.msk [tilespmem:v15+s21+$0x0], $0xffff;
	v15 =	vadd.s32 s12, v0;
	[tilespmem:s6+$0xFFFFFF80] =	vst v20;
	(pc) =	sbr.rel @!p3 .LBB2_23-.Ltmp14, $4  }
0x1ce: {  	s24 =	simm.s32 $0x336;
	[tilespmem:s8+$0xFFFFFFE0] =	vst v10;
	v9 =	vld.idx.msk [tilespmem:v17+s21+$0x0], $0xffff;
	v17 =	vadd.s32 s23, v0  }
0x1cf: {  	s30 =	simm.s32 $0x3A7;
	v16 =	vadd.s32 s24, v0;
	[tilespmem:s6+$0xFFFFFFC0] =	vst v22  }
0x1d0: {  	p2 =	por $0x1, $0x1;
	s31 =	simm.s32 $0x428;
	v18 =	vadd.s32 s30, v0;
	[tilespmem:s6+$0x0] =	vst v23;
	v10 =	vld.idx.msk [tilespmem:v24+s21+$0x0], $0xffff  }
0x1d1: {  	s11 =	simm.s32 $0x8;
	v12 =	vadd.s32 s31, v0;
	s12 =	simm.s32 $0x7BF;
	s23 =	simm.s32 $0x4A9;
	v11 =	vld.idx.msk [tilespmem:v26+s21+$0x0], $0xffff;
	[tilespmem:s6+$0x40] =	vst v25  }
.LBB2_24:
0x1d2: {  	s24 =	sadd.s32 $0xFFFFFE4D, s12;
	s11 =	sadd.s32 $0x4, s11;
	v20 =	vadd.s32 s23, v0;
	v15 =	vld.idx.msk [tilespmem:v15+s21+$0x0], $0xffff;
	[tilespmem:s0+$0x70] =	vst v19;
	s0 =	smov.u32 s8  }
0x1d3: {  	s23 =	sadd.s32 $0xFFFFFECE, s12;
	s8 =	smov.u32 s6;
	v19 =	vadd.s32 s24, v0;
	p3 =	slt.u32 s11, $0x7C;
	v17 =	vld.idx.msk [tilespmem:v17+s21+$0x0], $0xffff;
	[tilespmem:s0+$0x20] =	vst v13  }
0x1d4: {  	v13 =	vadd.s32 s23, v0;
	s23 =	sadd.s32 $0xFFFFFF4F, s12;
	[tilespmem:s0+$0xFFFFFFB0] =	vst v14;
	v14 =	vld.idx.msk [tilespmem:v16+s21+$0x0], $0xffff  }
0x1d5: {  	v16 =	vadd.s32 s23, v0;
	s23 =	sadd.s32 $0xFFFFFFD0, s12;
	[tilespmem:s6+$0xFFFFFF90] =	vst v9;
	v9 =	vld.idx.msk [tilespmem:v18+s21+$0x0], $0xffff  }
0x1d6: {  	v18 =	vadd.s32 s23, v0;
	v12 =	vld.idx.msk [tilespmem:v12+s21+$0x0], $0xffff;
	[tilespmem:s6+$0xFFFFFFD0] =	vst v10  }
0x1d7: {  	s23 =	sadd.s32 $0xFFFFFF6F, s3;
	v10 =	vld.idx.msk [tilespmem:v20+s21+$0x0], $0xffff;
	[tilespmem:s6+$0x10] =	vst v11;
	v11 =	vadd.s32 s2, v0;
	s2 =	smov.u32 s3;
	s3 =	smov.u32 s12  }
0x1d8: {  	v21 =	vadd.s32 s23, v0;
	v20 =	vld.idx.msk [tilespmem:v19+s21+$0x0], $0xffff;
	s24 =	sadd.s32 $0xFFFFFE7D, s2;
	[tilespmem:s6+$0x50] =	vst v15  }
0x1d9: {  	s23 =	sadd.s32 $0xFFFFFE5D, s12;
	v22 =	vld.idx.msk [tilespmem:v13+s21+$0x0], $0xffff;
	v23 =	vadd.s32 s24, v0;
	[tilespmem:s0+$0xFFFFFFF0] =	vst v17  }
0x1da: {  	v24 =	vadd.s32 s23, v0;
	s23 =	sadd.s32 $0xFFFFFEDE, s12;
	v25 =	vld.idx.msk [tilespmem:v16+s21+$0x0], $0xffff;
	[tilespmem:s0+$0x30] =	vst v14  }
0x1db: {  	v26 =	vadd.s32 s23, v0;
	s23 =	sadd.s32 $0xFFFFFF5F, s12;
	v27 =	vld.idx.msk [tilespmem:v18+s21+$0x0], $0xffff;
	[tilespmem:s0+$0x60] =	vst v9  }
0x1dc: {  	v28 =	vadd.s32 s23, v0;
	s23 =	sadd.s32 $0xFFFFFFE0, s12;
	[tilespmem:s6+$0xFFFFFFA0] =	vst v12;
	v19 =	vld.idx.msk [tilespmem:v11+s21+$0x0], $0xffff  }
.Ltmp15:
0x1dd: {  	v15 =	vadd.s32 s23, v0;
	s23 =	sadd.s32 $0xFFFFFEFE, s2;
	s6 =	sadd.s32 $0x100, s6;
	[tilespmem:s8+$0xFFFFFFE0] =	vst v10;
	v13 =	vld.idx.msk [tilespmem:v21+s21+$0x0], $0xffff;
	(pc) =	sbr.rel @p3 .LBB2_24-.Ltmp15, $4  }
0x1de: {  	v17 =	vadd.s32 s23, v0;
	s23 =	sadd.s32 $0xFFFFFF7F, s2;
	[tilespmem:s6+$0xFFFFFF80] =	vst v20;
	v14 =	vld.idx.msk [tilespmem:v23+s21+$0x0], $0xffff  }
0x1df: {  	v16 =	vadd.s32 s23, v0;
	s23 =	sadd.s32 $0xFFFFFFF0, s2;
	v9 =	vld.idx.msk [tilespmem:v24+s21+$0x0], $0xffff;
	[tilespmem:s6+$0xFFFFFFC0] =	vst v22  }
0x1e0: {  	s24 =	sadd.s32 $0xFFFFFE6D, s12;
	v18 =	vadd.s32 s23, v0;
	v10 =	vld.idx.msk [tilespmem:v26+s21+$0x0], $0xffff;
	[tilespmem:s6+$0x0] =	vst v25  }
0x1e1: {  	s12 =	sadd.s32 $0x204, s12;
	v12 =	vadd.s32 s24, v0;
	s23 =	sadd.s32 $0xFFFFFEEE, s3;
	v11 =	vld.idx.msk [tilespmem:v28+s21+$0x0], $0xffff;
	[tilespmem:s6+$0x40] =	vst v27  }
0x1e2: {  	s11 =	smov.u32 s0;
	s0 =	smov.u32 s6;
	s6 =	smov.u32 s2  }
.LBB2_26:
0x1e3: {  	_ =	sdelay $0x3  }
0x1e4: {  	v20 =	vadd.s32 s23, v0;
	v15 =	vld.idx.msk [tilespmem:v15+s21+$0x0], $0xffff;
	[tilespmem:s11+$0x70] =	vst @p2 v19;
	s2 =	smov.u32 @p1 s8;
	s31 =	sadd.s32 $0xFFFFFF6F, s3  }
0x1e5: {  	v17 =	vld.idx.msk @p1 [tilespmem:v17+s21+$0x0], $0xffff;
	s11 =	sadd.s32 $0xFFFFFFF0, s3;
	[tilespmem:s2+$0x20] =	vst @p1 v13;
	v57 =	vadd.s32 s31, v0  }
0x1e6: {  	[tilespmem:s2+$0xFFFFFFB0] =	vst @p1 v14;
	v14 =	vld.idx.msk @p1 [tilespmem:v18+s21+$0x0], $0xffff;
	v58 =	vadd.s32 s11, v0  }
0x1e7: {  	[tilespmem:s0+$0xFFFFFF90] =	vst v9;
	v9 =	vadd.s32 @p1 s6, v0;
	v16 =	vld.idx.msk @p1 [tilespmem:v16+s21+$0x0], $0xffff  }
0x1e8: {  	s12 =	sadd.s32 $0xFFFFFE7D, s3;
	v12 =	vld.idx.msk [tilespmem:v12+s21+$0x0], $0xffff;
	[tilespmem:s0+$0xFFFFFFD0] =	vst v10  }
0x1e9: {  	s23 =	sadd.s32 $0xFFFFFEFE, s3;
	[tilespmem:s0+$0x10] =	vst v11;
	v11 =	vadd.s32 s12, v0;
	v10 =	vld.idx.msk [tilespmem:v20+s21+$0x0], $0xffff  }
0x1ea: {  	s24 =	sadd.s32 $0xFFFFFF7F, s3;
	v59 =	vadd.s32 s23, v0;
	[tilespmem:s0+$0x50] =	vst v15;
	v13 =	vld.idx.msk [tilespmem:v57+s21+$0x0], $0xffff  }
0x1eb: {  	v60 =	vadd.s32 s24, v0;
	[tilespmem:s2+$0x60] =	vst @p1 v14;
	v18 =	vld.idx.msk [tilespmem:v58+s21+$0x0], $0xffff  }
0x1ec: {  	v61 =	vadd.s32 s3, v0;
	[tilespmem:s2+$0xFFFFFFF0] =	vst @p1 v17;
	v9 =	vld.idx.msk @p1 [tilespmem:v9+s21+$0x0], $0xffff  }
0x1ed: {  	[tilespmem:s0+$0xFFFFFFA0] =	vst v12  }
0x1ee: {  	[tilespmem:s0+$0xFFFFFFE0] =	vst v10;
	v10 =	vld.idx.msk [tilespmem:v11+s21+$0x0], $0xffff  }
0x1ef: {  	v11 =	vld.idx.msk [tilespmem:v59+s21+$0x0], $0xffff;
	[tilespmem:s0+$0x20] =	vst v13  }
0x1f0: {  	[tilespmem:s0+$0x60] =	vst v18;
	v62 =	vld.idx.msk [tilespmem:v60+s21+$0x0], $0xffff  }
0x1f1: {  	[tilespmem:s2+$0x30] =	vst @p1 v16;
	s2 =	smov.u32 @p1 s2;
	v9 =	vpsel p1, v9, v0;
	v63 =	vld.idx.msk [tilespmem:v61+s21+$0x0], $0xffff  }
0x1f2: {  	[tilespmem:s2+$0x70] =	vst @p1 v9;
	p1 =	seq.s32 s26, $0x7A  }
.Ltmp16:
0x1f3: {  	s30 =	sor.u32 $0x20, s29;
	[tilespmem:s0+$0xFFFFFFB0] =	vst v10;
	(pc) =	sbr.rel @p1 .LBB2_28-.Ltmp16, $4  }
0x1f4: {  	s2 =	smin.u32 s30, $0x1E83;
	[tilespmem:s0+$0xFFFFFFF0] =	vst v11  }
0x1f5: {  	s2 =	sshll.u32 s2, $0xA;
	[tilespmem:s0+$0x30] =	vst v62  }
0x1f6: {  	s31 =	sadd.s32 s7, s2;
	[tilespmem:s0+$0x70] =	vst v63  }
0x1f7: {  	[hbm4b:s31+s4] =	stream.linear.scatter [tilespmem:s22], [sflag:$0x4], $0x2000, $0x38;
	[tilespmem:$0x10200] =	vst v63  }
.Ltmp17:
0x1f8: {  	s0 =	sadd.s32 s10, s28;
	(pc) =	sbr.rel .LBB2_2-.Ltmp17, $4  }
0x1f9: {  	s0 =	smin.u32 s0, $0x1E83  }
0x1fa: {  	s0 =	sshll.u32 s0, $0x7  }
0x1fb: {  	s26 =	sadd.s32 $0x1, s26;
	s0 =	sadd.s32 s1, s0  }
0x1fc: {  	[tilespmem:s15], [sflag:$0x2] =	stream.strided.gather [hbm4b:s0+s13], $0x2000, s14, s13, $0x38;
	[tilespmem:$0x10200] =	vst v63  }
.LBB2_5:
.Ltmp18:
0x1fd: {  	(pc) =	sbr.rel .LBB2_12-.Ltmp18, $2  }
0x1fe: {  	_ =	sdelay $0x2  }
0x1ff: {  	s3 =	simm.s32 $0x1B3  }
.LBB2_19:
.Ltmp19:
0x200: {  	(pc) =	sbr.rel .LBB2_26-.Ltmp19, $2  }
0x201: {  	_ =	sdelay $0x2  }
0x202: {  	s3 =	simm.s32 $0x1B3  }
.LBB2_7:
.Ltmp20:
0x203: {  	(pc) =	sbr.rel .LBB2_12-.Ltmp20, $2  }
0x204: {  	_ =	sdelay $0x2  }
0x205: {  	s8 =	simm.s32 $0xC280;
	s0 =	simm.s32 $0xC380;
	s3 =	simm.s32 $0x3B7  }
.LBB2_21:
.Ltmp21:
0x206: {  	(pc) =	sbr.rel .LBB2_26-.Ltmp21, $2  }
0x207: {  	_ =	sdelay $0x2  }
0x208: {  	s8 =	simm.s32 $0xE280;
	s0 =	simm.s32 $0xE380;
	s3 =	simm.s32 $0x3B7  }
.LBB2_9:
.Ltmp22:
0x209: {  	(pc) =	sbr.rel .LBB2_12-.Ltmp22, $2  }
0x20a: {  	_ =	sdelay $0x2  }
0x20b: {  	s11 =	simm.s32 $0xC280;
	s0 =	simm.s32 $0xC480;
	s6 =	simm.s32 $0x3B7  }
.LBB2_23:
.Ltmp23:
0x20c: {  	(pc) =	sbr.rel .LBB2_26-.Ltmp23, $2  }
0x20d: {  	_ =	sdelay $0x2  }
0x20e: {  	s11 =	simm.s32 $0xE280;
	s0 =	simm.s32 $0xE480;
	s6 =	simm.s32 $0x3B7  }
.LBB2_29:
0x20f: {  	s8 =	simm.s32 $0x0;
	s0 =	rddreg [dreg:$0x1];
	s31 =	simm.s32 $0x5  }
0x210: {  	[tilespmem:s8], [sflag:$0x5] =	stream.linear.gather [hbm4b:s0+s8], $0x2000, $0x38;
	[tilespmem:$0x10200] =	vst v63  }
0x211: {  	_ =	swait.ge [sflag:s31], $0x2000  }
0x212: {  	[sflag:s31] =	ssyncset.done $0x0  }
0x213: {  	s11 =	simm.s32 $0x100;
	s24 =	simm.s32 $0x3;
	[sflag:s31] =	ssyncadd.s32 $0xFFFFE000  }
0x214: {  	s6 =	simm.s32 $0x2;
	v10 =	vadd.s32 s24, v1;
	v9 =	vld [tilespmem:s11+$0x80]  }
0x215: {  	s12 =	simm.s32 $0x1;
	v14 =	vadd.s32 s6, v1;
	v13 =	vld [tilespmem:s11+$0x0]  }
0x216: {  	v12 =	vadd.s32 s12, v1;
	v11 =	vld [tilespmem:s11+$0xFFFFFF80];
	_ =	sdelay $0x2  }
0x217: {  	v16 =	vadd.s32 s8, v1;
	v15 =	vld [tilespmem:s11+$0xFFFFFF00];
	[tilespmem:v10+s17+$0x0] =	vst.idx.msk $0xffff, v9  }
0x218: {  	v10 =	vadd.s32 s24, v2;
	[tilespmem:v14+s17+$0x0] =	vst.idx.msk $0xffff, v13;
	v9 =	vld [tilespmem:s11+$0x90]  }
0x219: {  	[tilespmem:v12+s17+$0x0] =	vst.idx.msk $0xffff, v11;
	v14 =	vadd.s32 s6, v2;
	v13 =	vld [tilespmem:s11+$0x10]  }
0x21a: {  	v12 =	vadd.s32 s12, v2;
	v11 =	vld [tilespmem:s11+$0xFFFFFF90];
	_ =	sdelay $0x1  }
0x21b: {  	[tilespmem:v16+s17+$0x0] =	vst.idx.msk $0xffff, v15  }
0x21c: {  	v16 =	vadd.s32 s8, v2;
	v15 =	vld [tilespmem:s11+$0xFFFFFF10];
	[tilespmem:v10+s17+$0x0] =	vst.idx.msk $0xffff, v9  }
0x21d: {  	v10 =	vadd.s32 s24, v3;
	[tilespmem:v14+s17+$0x0] =	vst.idx.msk $0xffff, v13;
	v9 =	vld [tilespmem:s11+$0xA0]  }
0x21e: {  	[tilespmem:v12+s17+$0x0] =	vst.idx.msk $0xffff, v11;
	v14 =	vadd.s32 s6, v3;
	v13 =	vld [tilespmem:s11+$0x20]  }
0x21f: {  	v12 =	vadd.s32 s12, v3;
	v11 =	vld [tilespmem:s11+$0xFFFFFFA0];
	_ =	sdelay $0x1  }
0x220: {  	[tilespmem:v16+s17+$0x0] =	vst.idx.msk $0xffff, v15  }
0x221: {  	v16 =	vadd.s32 s8, v3;
	v15 =	vld [tilespmem:s11+$0xFFFFFF20];
	[tilespmem:v10+s17+$0x0] =	vst.idx.msk $0xffff, v9  }
0x222: {  	v10 =	vadd.s32 s24, v4;
	[tilespmem:v14+s17+$0x0] =	vst.idx.msk $0xffff, v13;
	v9 =	vld [tilespmem:s11+$0xB0]  }
0x223: {  	[tilespmem:v12+s17+$0x0] =	vst.idx.msk $0xffff, v11;
	v14 =	vadd.s32 s6, v4;
	v13 =	vld [tilespmem:s11+$0x30]  }
0x224: {  	v12 =	vadd.s32 s12, v4;
	v11 =	vld [tilespmem:s11+$0xFFFFFFB0];
	_ =	sdelay $0x1  }
0x225: {  	[tilespmem:v16+s17+$0x0] =	vst.idx.msk $0xffff, v15  }
0x226: {  	v16 =	vadd.s32 s8, v4;
	v15 =	vld [tilespmem:s11+$0xFFFFFF30];
	[tilespmem:v10+s17+$0x0] =	vst.idx.msk $0xffff, v9  }
0x227: {  	v10 =	vadd.s32 s24, v5;
	[tilespmem:v14+s17+$0x0] =	vst.idx.msk $0xffff, v13;
	v9 =	vld [tilespmem:s11+$0xC0]  }
0x228: {  	[tilespmem:v12+s17+$0x0] =	vst.idx.msk $0xffff, v11;
	v14 =	vadd.s32 s6, v5;
	v13 =	vld [tilespmem:s11+$0x40]  }
0x229: {  	v12 =	vadd.s32 s12, v5;
	v11 =	vld [tilespmem:s11+$0xFFFFFFC0]  }
0x22a: {  	s3 =	simm.s32 $0x7;
	s26 =	simm.s32 $0x300  }
0x22b: {  	v18 =	vadd.s32 s3, v1;
	v17 =	vld [tilespmem:s26+$0x80];
	[tilespmem:v16+s17+$0x0] =	vst.idx.msk $0xffff, v15  }
0x22c: {  	s0 =	simm.s32 $0x5;
	v16 =	vadd.s32 s8, v5;
	v15 =	vld [tilespmem:s11+$0xFFFFFF40];
	[tilespmem:v10+s17+$0x0] =	vst.idx.msk $0xffff, v9  }
0x22d: {  	[tilespmem:v14+s17+$0x0] =	vst.idx.msk $0xffff, v13;
	v13 =	vld [tilespmem:s26+$0xFFFFFF80];
	v14 =	vadd.s32 s0, v1  }
0x22e: {  	[tilespmem:v12+s17+$0x0] =	vst.idx.msk $0xffff, v11;
	v10 =	vadd.s32 s24, v6;
	v9 =	vld [tilespmem:s11+$0xD0]  }
0x22f: {  	v12 =	vadd.s32 s12, v6;
	v11 =	vld [tilespmem:s11+$0xFFFFFFD0]  }
0x230: {  	s2 =	simm.s32 $0x6;
	[tilespmem:v18+s17+$0x0] =	vst.idx.msk $0xffff, v17  }
0x231: {  	s28 =	simm.s32 $0x4;
	[tilespmem:v16+s17+$0x0] =	vst.idx.msk $0xffff, v15;
	v15 =	vld [tilespmem:s26+$0x0];
	v16 =	vadd.s32 s2, v1  }
0x232: {  	v20 =	vadd.s32 s28, v1;
	v19 =	vld [tilespmem:s26+$0xFFFFFF00];
	[tilespmem:v14+s17+$0x0] =	vst.idx.msk $0xffff, v13  }
0x233: {  	v13 =	vld [tilespmem:s26+$0x90];
	v14 =	vadd.s32 s3, v2;
	[tilespmem:v10+s17+$0x0] =	vst.idx.msk $0xffff, v9  }
0x234: {  	[tilespmem:v12+s17+$0x0] =	vst.idx.msk $0xffff, v11;
	v11 =	vld [tilespmem:s11+$0x50];
	v12 =	vadd.s32 s6, v6  }
0x235: {  	v10 =	vadd.s32 s24, v7;
	v9 =	vld [tilespmem:s11+$0xE0]  }
0x236: {  	v18 =	vadd.s32 s0, v2;
	[tilespmem:v16+s17+$0x0] =	vst.idx.msk $0xffff, v15;
	v17 =	vld [tilespmem:s26+$0xFFFFFF90]  }
0x237: {  	[tilespmem:v20+s17+$0x0] =	vst.idx.msk $0xffff, v19;
	v16 =	vadd.s32 s2, v2;
	v15 =	vld [tilespmem:s26+$0x10]  }
0x238: {  	v20 =	vadd.s32 s28, v2;
	v19 =	vld [tilespmem:s26+$0xFFFFFF10];
	[tilespmem:v14+s17+$0x0] =	vst.idx.msk $0xffff, v13  }
0x239: {  	v14 =	vadd.s32 s3, v3;
	[tilespmem:v12+s17+$0x0] =	vst.idx.msk $0xffff, v11;
	v13 =	vld [tilespmem:s26+$0xA0]  }
0x23a: {  	v11 =	vld [tilespmem:s11+$0xFFFFFF50];
	v12 =	vadd.s32 s8, v6;
	[tilespmem:v10+s17+$0x0] =	vst.idx.msk $0xffff, v9  }
0x23b: {  	[tilespmem:v18+s17+$0x0] =	vst.idx.msk $0xffff, v17;
	v10 =	vadd.s32 s24, v8;
	v9 =	vld [tilespmem:s11+$0xF0]  }
0x23c: {  	v18 =	vadd.s32 s0, v3;
	[tilespmem:v16+s17+$0x0] =	vst.idx.msk $0xffff, v15;
	v17 =	vld [tilespmem:s26+$0xFFFFFFA0]  }
0x23d: {  	[tilespmem:v20+s17+$0x0] =	vst.idx.msk $0xffff, v19;
	v16 =	vadd.s32 s2, v3;
	v15 =	vld [tilespmem:s26+$0x20]  }
0x23e: {  	v20 =	vadd.s32 s28, v3;
	v19 =	vld [tilespmem:s26+$0xFFFFFF20];
	[tilespmem:v14+s17+$0x0] =	vst.idx.msk $0xffff, v13  }
0x23f: {  	[tilespmem:v12+s17+$0x0] =	vst.idx.msk $0xffff, v11;
	v14 =	vadd.s32 s3, v4;
	v13 =	vld [tilespmem:s26+$0xB0]  }
0x240: {  	[tilespmem:v10+s17+$0x0] =	vst.idx.msk $0xffff, v9;
	v9 =	vld [tilespmem:s11+$0xFFFFFFE0];
	v10 =	vadd.s32 s12, v7  }
0x241: {  	v11 =	vld [tilespmem:s11+$0x60];
	v12 =	vadd.s32 s6, v7;
	[tilespmem:v18+s17+$0x0] =	vst.idx.msk $0xffff, v17  }
0x242: {  	v18 =	vadd.s32 s0, v4;
	[tilespmem:v16+s17+$0x0] =	vst.idx.msk $0xffff, v15;
	v17 =	vld [tilespmem:s26+$0xFFFFFFB0]  }
0x243: {  	[tilespmem:v20+s17+$0x0] =	vst.idx.msk $0xffff, v19;
	v16 =	vadd.s32 s2, v4;
	v15 =	vld [tilespmem:s26+$0x30]  }
0x244: {  	v20 =	vadd.s32 s28, v4;
	v19 =	vld [tilespmem:s26+$0xFFFFFF30];
	[tilespmem:v14+s17+$0x0] =	vst.idx.msk $0xffff, v13  }
0x245: {  	[tilespmem:v10+s17+$0x0] =	vst.idx.msk $0xffff, v9;
	v9 =	vld [tilespmem:s11+$0xFFFFFF60];
	v10 =	vadd.s32 s8, v7  }
0x246: {  	[tilespmem:v12+s17+$0x0] =	vst.idx.msk $0xffff, v11;
	v14 =	vadd.s32 s3, v5;
	v13 =	vld [tilespmem:s26+$0xC0]  }
0x247: {  	v12 =	vadd.s32 s12, v8;
	[tilespmem:v18+s17+$0x0] =	vst.idx.msk $0xffff, v17;
	v11 =	vld [tilespmem:s11+$0xFFFFFFF0]  }
0x248: {  	v22 =	vadd.s32 s0, v5;
	[tilespmem:v16+s17+$0x0] =	vst.idx.msk $0xffff, v15;
	v21 =	vld [tilespmem:s26+$0xFFFFFFC0]  }
0x249: {  	[tilespmem:v20+s17+$0x0] =	vst.idx.msk $0xffff, v19;
	v20 =	vadd.s32 s2, v5;
	v19 =	vld [tilespmem:s26+$0x40]  }
0x24a: {  	v17 =	vld [tilespmem:s26+$0xFFFFFF40];
	v18 =	vadd.s32 s28, v5;
	[tilespmem:v10+s17+$0x0] =	vst.idx.msk $0xffff, v9  }
0x24b: {  	v16 =	vadd.s32 s6, v8;
	v10 =	vld [tilespmem:s11+$0x70];
	[tilespmem:v14+s17+$0x0] =	vst.idx.msk $0xffff, v13  }
0x24c: {  	v15 =	vadd.s32 s8, v8;
	[tilespmem:v12+s17+$0x0] =	vst.idx.msk $0xffff, v11;
	v12 =	vld [tilespmem:s11+$0xFFFFFF70]  }
0x24d: {  	s12 =	simm.s32 $0xB;
	[tilespmem:v22+s17+$0x0] =	vst.idx.msk $0xffff, v21;
	v9 =	vld [tilespmem:s26+$0xD0];
	v11 =	vadd.s32 s3, v6  }
0x24e: {  	s6 =	simm.s32 $0xC;
	s8 =	simm.s32 $0x500;
	v14 =	vadd.s32 s0, v6;
	s11 =	simm.s32 $0x8;
	[tilespmem:v20+s17+$0x0] =	vst.idx.msk $0xffff, v19;
	v13 =	vld [tilespmem:s26+$0xFFFFFFD0]  }
.LBB2_30:
0x24f: {  	p1 =	slt.u32 s6, $0x3C;
	s23 =	sadd.s32 $0x1, s11;
	v19 =	vld [tilespmem:s8+$0x80];
	v20 =	vadd.s32 s12, v1;
	[tilespmem:v18+s17+$0x0] =	vst.idx.msk $0xffff, v17  }
0x250: {  	s24 =	sadd.s32 $0x2, s11;
	v17 =	vld [tilespmem:s8+$0xFFFFFF80];
	v18 =	vadd.s32 s23, v1;
	[tilespmem:v16+s17+$0x0] =	vst.idx.msk $0xffff, v10  }
0x251: {  	v16 =	vadd.s32 s24, v1;
	v10 =	vld [tilespmem:s8+$0x0];
	[tilespmem:v15+s17+$0x0] =	vst.idx.msk $0xffff, v12  }
0x252: {  	v15 =	vadd.s32 s11, v1;
	v12 =	vld [tilespmem:s8+$0xFFFFFF00];
	[tilespmem:v11+s17+$0x0] =	vst.idx.msk $0xffff, v9  }
0x253: {  	v11 =	vadd.s32 s3, v7;
	[tilespmem:v14+s17+$0x0] =	vst.idx.msk $0xffff, v13;
	v9 =	vld [tilespmem:s26+$0xE0]  }
0x254: {  	v14 =	vadd.s32 s2, v6;
	[tilespmem:v20+s17+$0x0] =	vst.idx.msk $0xffff, v19;
	v13 =	vld [tilespmem:s26+$0x50]  }
0x255: {  	[tilespmem:v18+s17+$0x0] =	vst.idx.msk $0xffff, v17;
	v17 =	vld [tilespmem:s8+$0x90];
	v18 =	vadd.s32 s12, v2  }
0x256: {  	v20 =	vadd.s32 s23, v2;
	v19 =	vld [tilespmem:s8+$0xFFFFFF90];
	[tilespmem:v16+s17+$0x0] =	vst.idx.msk $0xffff, v10  }
0x257: {  	[tilespmem:v15+s17+$0x0] =	vst.idx.msk $0xffff, v12;
	v10 =	vld [tilespmem:s8+$0x10];
	v12 =	vadd.s32 s24, v2  }
0x258: {  	v16 =	vadd.s32 s11, v2;
	v15 =	vld [tilespmem:s8+$0xFFFFFF10];
	[tilespmem:v11+s17+$0x0] =	vst.idx.msk $0xffff, v9  }
0x259: {  	v11 =	vadd.s32 s3, v8;
	s3 =	smov.u32 s12;
	[tilespmem:v14+s17+$0x0] =	vst.idx.msk $0xffff, v13;
	v9 =	vld [tilespmem:s26+$0xF0]  }
0x25a: {  	v14 =	vadd.s32 s28, v6;
	[tilespmem:v18+s17+$0x0] =	vst.idx.msk $0xffff, v17;
	v13 =	vld [tilespmem:s26+$0xFFFFFF50]  }
0x25b: {  	v18 =	vadd.s32 s3, v3;
	[tilespmem:v20+s17+$0x0] =	vst.idx.msk $0xffff, v19;
	v17 =	vld [tilespmem:s8+$0xA0]  }
0x25c: {  	v20 =	vadd.s32 s23, v3;
	v19 =	vld [tilespmem:s8+$0xFFFFFFA0];
	[tilespmem:v12+s17+$0x0] =	vst.idx.msk $0xffff, v10  }
0x25d: {  	v12 =	vadd.s32 s24, v3;
	[tilespmem:v16+s17+$0x0] =	vst.idx.msk $0xffff, v15;
	v10 =	vld [tilespmem:s8+$0x20]  }
0x25e: {  	v16 =	vadd.s32 s11, v3;
	v15 =	vld [tilespmem:s8+$0xFFFFFF20];
	[tilespmem:v11+s17+$0x0] =	vst.idx.msk $0xffff, v9  }
0x25f: {  	v11 =	vadd.s32 s0, v7;
	[tilespmem:v14+s17+$0x0] =	vst.idx.msk $0xffff, v13;
	v9 =	vld [tilespmem:s26+$0xFFFFFFE0]  }
0x260: {  	v14 =	vadd.s32 s2, v7;
	[tilespmem:v18+s17+$0x0] =	vst.idx.msk $0xffff, v17;
	v13 =	vld [tilespmem:s26+$0x60]  }
0x261: {  	v18 =	vadd.s32 s3, v4;
	[tilespmem:v20+s17+$0x0] =	vst.idx.msk $0xffff, v19;
	v17 =	vld [tilespmem:s8+$0xB0]  }
0x262: {  	v20 =	vadd.s32 s23, v4;
	v19 =	vld [tilespmem:s8+$0xFFFFFFB0];
	[tilespmem:v12+s17+$0x0] =	vst.idx.msk $0xffff, v10  }
0x263: {  	v12 =	vadd.s32 s24, v4;
	[tilespmem:v16+s17+$0x0] =	vst.idx.msk $0xffff, v15;
	v10 =	vld [tilespmem:s8+$0x30]  }
0x264: {  	v16 =	vadd.s32 s11, v4;
	v15 =	vld [tilespmem:s8+$0xFFFFFF30];
	[tilespmem:v11+s17+$0x0] =	vst.idx.msk $0xffff, v9  }
0x265: {  	v11 =	vadd.s32 s28, v7;
	v9 =	vld [tilespmem:s26+$0xFFFFFF60];
	[tilespmem:v14+s17+$0x0] =	vst.idx.msk $0xffff, v13  }
0x266: {  	v14 =	vadd.s32 s0, v8;
	s0 =	smov.u32 s23;
	[tilespmem:v18+s17+$0x0] =	vst.idx.msk $0xffff, v17;
	v13 =	vld [tilespmem:s26+$0xFFFFFFF0]  }
0x267: {  	[tilespmem:v20+s17+$0x0] =	vst.idx.msk $0xffff, v19;
	v19 =	vld [tilespmem:s8+$0xC0];
	v20 =	vadd.s32 s3, v5  }
0x268: {  	v22 =	vadd.s32 s0, v5;
	v21 =	vld [tilespmem:s8+$0xFFFFFFC0];
	[tilespmem:v12+s17+$0x0] =	vst.idx.msk $0xffff, v10  }
0x269: {  	v24 =	vadd.s32 s24, v5;
	[tilespmem:v16+s17+$0x0] =	vst.idx.msk $0xffff, v15;
	v23 =	vld [tilespmem:s8+$0x40]  }
.Ltmp24:
0x26a: {  	v18 =	vadd.s32 s11, v5;
	v17 =	vld [tilespmem:s8+$0xFFFFFF40];
	[tilespmem:v11+s17+$0x0] =	vst.idx.msk $0xffff, v9;
	(pc) =	sbr.rel @p1 .LBB2_30-.Ltmp24, $4  }
0x26b: {  	v16 =	vadd.s32 s2, v8;
	s2 =	smov.u32 s24;
	[tilespmem:v14+s17+$0x0] =	vst.idx.msk $0xffff, v13;
	v10 =	vld [tilespmem:s26+$0x70]  }
0x26c: {  	v15 =	vadd.s32 s28, v8;
	s28 =	smov.u32 s11;
	s11 =	smov.u32 s6;
	[tilespmem:v20+s17+$0x0] =	vst.idx.msk $0xffff, v19;
	v12 =	vld [tilespmem:s26+$0xFFFFFF70];
	s26 =	smov.u32 s8  }
0x26d: {  	v11 =	vadd.s32 s3, v6;
	[tilespmem:v22+s17+$0x0] =	vst.idx.msk $0xffff, v21;
	v9 =	vld [tilespmem:s8+$0xD0]  }
0x26e: {  	s6 =	sadd.s32 $0x4, s6;
	s12 =	sadd.s32 $0x3, s11;
	v14 =	vadd.s32 s0, v6;
	s8 =	sadd.s32 $0x200, s8;
	v13 =	vld [tilespmem:s26+$0xFFFFFFD0];
	[tilespmem:v24+s17+$0x0] =	vst.idx.msk $0xffff, v23  }
0x26f: {  	_ =	sdelay $0x1  }
0x270: {  	v19 =	vld [tilespmem:s8+$0x80];
	v20 =	vadd.s32 s12, v1  }
0x271: {  	s6 =	sadd.s32 $0x1, s11;
	v25 =	vld [tilespmem:s8+$0xFFFFFF00];
	v26 =	vadd.s32 s11, v1  }
0x272: {  	v21 =	vld [tilespmem:s8+$0xFFFFFF80];
	s24 =	sadd.s32 $0x2, s11;
	[tilespmem:v18+s17+$0x0] =	vst.idx.msk $0xffff, v17;
	v22 =	vadd.s32 s6, v1  }
0x273: {  	v23 =	vld [tilespmem:s8+$0x0];
	v24 =	vadd.s32 s24, v1;
	[tilespmem:v16+s17+$0x0] =	vst.idx.msk $0xffff, v10  }
0x274: {  	[tilespmem:v15+s17+$0x0] =	vst.idx.msk $0xffff, v12  }
0x275: {  	[tilespmem:v20+s17+$0x0] =	vst.idx.msk $0xffff, v19  }
0x276: {  	v44 =	vadd.s32 s12, v2;
	[tilespmem:v26+s17+$0x0] =	vst.idx.msk $0xffff, v25;
	v17 =	vld [tilespmem:s8+$0x90]  }
0x277: {  	v16 =	vadd.s32 s11, v2;
	[tilespmem:v22+s17+$0x0] =	vst.idx.msk $0xffff, v21;
	v10 =	vld [tilespmem:s8+$0xFFFFFF10]  }
0x278: {  	v46 =	vadd.s32 s6, v2;
	[tilespmem:v24+s17+$0x0] =	vst.idx.msk $0xffff, v23;
	v45 =	vld [tilespmem:s8+$0xFFFFFF90]  }
0x279: {  	v48 =	vadd.s32 s24, v2;
	[tilespmem:v11+s17+$0x0] =	vst.idx.msk $0xffff, v9;
	v47 =	vld [tilespmem:s8+$0x10]  }
0x27a: {  	[tilespmem:v14+s17+$0x0] =	vst.idx.msk $0xffff, v13  }
0x27b: {  	v13 =	vld [tilespmem:s26+$0xE0];
	v14 =	vadd.s32 s3, v7;
	[tilespmem:v44+s17+$0x0] =	vst.idx.msk $0xffff, v17  }
0x27c: {  	v15 =	vadd.s32 s12, v3;
	[tilespmem:v16+s17+$0x0] =	vst.idx.msk $0xffff, v10;
	v12 =	vld [tilespmem:s8+$0xA0]  }
0x27d: {  	v11 =	vadd.s32 s11, v3;
	[tilespmem:v46+s17+$0x0] =	vst.idx.msk $0xffff, v45;
	v9 =	vld [tilespmem:s8+$0xFFFFFF20]  }
0x27e: {  	v49 =	vadd.s32 s6, v3;
	[tilespmem:v48+s17+$0x0] =	vst.idx.msk $0xffff, v47;
	v17 =	vld [tilespmem:s8+$0xFFFFFFA0]  }
0x27f: {  	v16 =	vadd.s32 s24, v3;
	v10 =	vld [tilespmem:s8+$0x20]  }
0x280: {  	[tilespmem:v14+s17+$0x0] =	vst.idx.msk $0xffff, v13  }
0x281: {  	[tilespmem:v15+s17+$0x0] =	vst.idx.msk $0xffff, v12  }
0x282: {  	v15 =	vadd.s32 s12, v4;
	[tilespmem:v11+s17+$0x0] =	vst.idx.msk $0xffff, v9;
	v12 =	vld [tilespmem:s8+$0xB0]  }
0x283: {  	v13 =	vadd.s32 s11, v4;
	[tilespmem:v49+s17+$0x0] =	vst.idx.msk $0xffff, v17;
	v11 =	vld [tilespmem:s8+$0xFFFFFF30]  }
0x284: {  	v52 =	vadd.s32 s6, v4;
	[tilespmem:v16+s17+$0x0] =	vst.idx.msk $0xffff, v10;
	v17 =	vld [tilespmem:s8+$0xFFFFFFB0]  }
0x285: {  	v10 =	vadd.s32 s24, v4;
	v9 =	vld [tilespmem:s8+$0x30]  }
0x286: {  	v50 =	vld [tilespmem:s26+$0x50];
	v51 =	vadd.s32 s2, v6  }
0x287: {  	v14 =	vld [tilespmem:s26+$0xF0];
	v16 =	vadd.s32 s3, v8;
	[tilespmem:v15+s17+$0x0] =	vst.idx.msk $0xffff, v12  }
0x288: {  	v15 =	vadd.s32 s12, v5;
	[tilespmem:v13+s17+$0x0] =	vst.idx.msk $0xffff, v11;
	v12 =	vld [tilespmem:s8+$0xC0]  }
0x289: {  	v13 =	vadd.s32 s11, v5;
	[tilespmem:v52+s17+$0x0] =	vst.idx.msk $0xffff, v17;
	v11 =	vld [tilespmem:s8+$0xFFFFFF40]  }
0x28a: {  	v55 =	vadd.s32 s6, v5;
	[tilespmem:v10+s17+$0x0] =	vst.idx.msk $0xffff, v9;
	v17 =	vld [tilespmem:s8+$0xFFFFFFC0]  }
0x28b: {  	[tilespmem:v51+s17+$0x0] =	vst.idx.msk $0xffff, v50;
	v10 =	vadd.s32 s24, v5;
	v9 =	vld [tilespmem:s8+$0x40]  }
0x28c: {  	v54 =	vadd.s32 s28, v6;
	v53 =	vld [tilespmem:s26+$0xFFFFFF50];
	[tilespmem:v16+s17+$0x0] =	vst.idx.msk $0xffff, v14  }
0x28d: {  	v14 =	vld [tilespmem:s26+$0xFFFFFFE0];
	v16 =	vadd.s32 s0, v7;
	[tilespmem:v15+s17+$0x0] =	vst.idx.msk $0xffff, v12  }
0x28e: {  	v15 =	vadd.s32 s12, v6;
	[tilespmem:v13+s17+$0x0] =	vst.idx.msk $0xffff, v11;
	v12 =	vld [tilespmem:s8+$0xD0]  }
0x28f: {  	v13 =	vadd.s32 s11, v6;
	[tilespmem:v55+s17+$0x0] =	vst.idx.msk $0xffff, v17;
	v11 =	vld [tilespmem:s8+$0xFFFFFF50]  }
0x290: {  	v58 =	vadd.s32 s6, v6;
	[tilespmem:v10+s17+$0x0] =	vst.idx.msk $0xffff, v9;
	v17 =	vld [tilespmem:s8+$0xFFFFFFD0]  }
0x291: {  	[tilespmem:v54+s17+$0x0] =	vst.idx.msk $0xffff, v53;
	v10 =	vadd.s32 s24, v6;
	v9 =	vld [tilespmem:s8+$0x50]  }
0x292: {  	[tilespmem:v16+s17+$0x0] =	vst.idx.msk $0xffff, v14;
	v14 =	vld [tilespmem:s26+$0xFFFFFF60];
	v16 =	vadd.s32 s28, v7  }
0x293: {  	v57 =	vadd.s32 s2, v7;
	v56 =	vld [tilespmem:s26+$0x60];
	[tilespmem:v15+s17+$0x0] =	vst.idx.msk $0xffff, v12  }
0x294: {  	v60 =	vadd.s32 s0, v8;
	v59 =	vld [tilespmem:s26+$0xFFFFFFF0];
	[tilespmem:v13+s17+$0x0] =	vst.idx.msk $0xffff, v11  }
0x295: {  	v15 =	vadd.s32 s12, v7;
	[tilespmem:v58+s17+$0x0] =	vst.idx.msk $0xffff, v17;
	v12 =	vld [tilespmem:s8+$0xE0]  }
0x296: {  	[tilespmem:v10+s17+$0x0] =	vst.idx.msk $0xffff, v9;
	v10 =	vadd.s32 s6, v7;
	v9 =	vld [tilespmem:s8+$0xFFFFFFE0]  }
0x297: {  	[tilespmem:v16+s17+$0x0] =	vst.idx.msk $0xffff, v14;
	v16 =	vadd.s32 s11, v7;
	v14 =	vld [tilespmem:s8+$0xFFFFFF60]  }
0x298: {  	[tilespmem:v57+s17+$0x0] =	vst.idx.msk $0xffff, v56;
	v13 =	vadd.s32 s24, v7;
	v11 =	vld [tilespmem:s8+$0x60]  }
0x299: {  	v63 =	vadd.s32 s28, v8;
	[tilespmem:v60+s17+$0x0] =	vst.idx.msk $0xffff, v59;
	v62 =	vld [tilespmem:s26+$0xFFFFFF70]  }
0x29a: {  	v61 =	vadd.s32 s2, v8;
	v17 =	vld [tilespmem:s26+$0x70];
	[tilespmem:v15+s17+$0x0] =	vst.idx.msk $0xffff, v12  }
0x29b: {  	v15 =	vadd.s32 s12, v8;
	v12 =	vld [tilespmem:s8+$0xF0];
	[tilespmem:v10+s17+$0x0] =	vst.idx.msk $0xffff, v9  }
0x29c: {  	[tilespmem:v16+s17+$0x0] =	vst.idx.msk $0xffff, v14;
	v10 =	vadd.s32 s6, v8;
	v9 =	vld [tilespmem:s8+$0xFFFFFFF0]  }
0x29d: {  	v16 =	vadd.s32 s11, v8;
	[tilespmem:v13+s17+$0x0] =	vst.idx.msk $0xffff, v11;
	v14 =	vld [tilespmem:s8+$0xFFFFFF70]  }
0x29e: {  	[tilespmem:v63+s17+$0x0] =	vst.idx.msk $0xffff, v62;
	s11 =	simm.s32 $0x0;
	v13 =	vadd.s32 s24, v8;
	v11 =	vld [tilespmem:s8+$0x70]  }
0x29f: {  	[tilespmem:v61+s17+$0x0] =	vst.idx.msk $0xffff, v17;
	s12 =	simm.s32 $0x81;
	v17 =	vadd.s32 s11, v0  }
0x2a0: {  	s23 =	simm.s32 $0x102;
	[tilespmem:v15+s17+$0x0] =	vst.idx.msk $0xffff, v12;
	v12 =	vadd.s32 s12, v0  }
0x2a1: {  	s24 =	simm.s32 $0x183;
	[tilespmem:v10+s17+$0x0] =	vst.idx.msk $0xffff, v9;
	v9 =	vadd.s32 s23, v0  }
0x2a2: {  	[tilespmem:v16+s17+$0x0] =	vst.idx.msk $0xffff, v14;
	v10 =	vadd.s32 s24, v0  }
0x2a3: {  	[tilespmem:v13+s17+$0x0] =	vst.idx.msk $0xffff, v11  }
0x2a4: {  	s26 =	simm.s32 $0x10;
	v11 =	vld.idx.msk [tilespmem:v17+s17+$0x0], $0xffff  }
0x2a5: {  	s28 =	simm.s32 $0x91;
	v13 =	vadd.s32 s26, v0;
	v12 =	vld.idx.msk [tilespmem:v12+s17+$0x0], $0xffff  }
0x2a6: {  	s29 =	simm.s32 $0x112;
	v15 =	vadd.s32 s28, v0;
	v14 =	vld.idx.msk [tilespmem:v9+s17+$0x0], $0xffff  }
0x2a7: {  	p3 =	por $0x1, $0x1;
	v17 =	vadd.s32 s29, v0;
	v16 =	vld.idx.msk [tilespmem:v10+s17+$0x0], $0xffff  }
.Ltmp25:
0x2a8: {  	s0 =	simm.s32 $0xC280;
	(pc) =	sbr.rel @!p3 .LBB2_32-.Ltmp25, $4  }
0x2a9: {  	[tilespmem:s0+$0xFFFFFF80] =	vst v11  }
0x2aa: {  	s30 =	simm.s32 $0x193;
	v9 =	vld.idx.msk [tilespmem:v13+s17+$0x0], $0xffff;
	[tilespmem:s0+$0xFFFFFFC0] =	vst v12  }
0x2ab: {  	s31 =	simm.s32 $0x20;
	s2 =	simm.s32 $0x3B7;
	p1 =	por $0x0, $0x0;
	v10 =	vld.idx.msk [tilespmem:v15+s17+$0x0], $0xffff;
	[tilespmem:s0+$0x0] =	vst v14  }
0x2ac: {  	p2 =	por $0x0, $0x0;
	s6 =	simm.s32 $0x1B3;
	s23 =	simm.s32 $0xA1;
	v12 =	vadd.s32 s31, v0;
	v15 =	vadd.s32 s30, v0;
	[tilespmem:s0+$0x40] =	vst v16;
	v11 =	vld.idx.msk [tilespmem:v17+s17+$0x0], $0xffff  }
0x2ad: {  	_ = 	snop  }
0x2ae: {  	s3 =	simm.s32 $0x204;
	v13 =	vadd.s32 s23, v0  }
0x2af: {  	s31 =	simm.s32 $0x285;
	v14 =	vadd.s32 s3, v0  }
0x2b0: {  	s8 =	simm.s32 $0x306;
	v16 =	vadd.s32 s31, v0  }
0x2b1: {  	v15 =	vld.idx.msk [tilespmem:v15+s17+$0x0], $0xffff;
	s11 =	simm.s32 $0x387;
	v17 =	vadd.s32 s8, v0;
	[tilespmem:s0+$0xFFFFFF90] =	vst v9  }
0x2b2: {  	s12 =	simm.s32 $0x122;
	v9 =	vadd.s32 s11, v0;
	v12 =	vld.idx.msk [tilespmem:v12+s17+$0x0], $0xffff;
	[tilespmem:s0+$0xFFFFFFD0] =	vst v10  }
0x2b3: {  	s8 =	simm.s32 $0x30;
	v10 =	vld.idx.msk [tilespmem:v13+s17+$0x0], $0xffff;
	v13 =	vadd.s32 s12, v0  }
0x2b4: {  	s23 =	simm.s32 $0x214;
	v18 =	vadd.s32 s8, v0;
	v14 =	vld.idx.msk [tilespmem:v14+s17+$0x0], $0xffff  }
0x2b5: {  	s24 =	simm.s32 $0x295;
	[tilespmem:s0+$0x10] =	vst v11;
	v11 =	vld.idx.msk [tilespmem:v16+s17+$0x0], $0xffff;
	v16 =	vadd.s32 s23, v0  }
0x2b6: {  	s26 =	simm.s32 $0x316;
	v20 =	vadd.s32 s24, v0;
	[tilespmem:s0+$0x50] =	vst v15;
	v19 =	vld.idx.msk [tilespmem:v17+s17+$0x0], $0xffff  }
0x2b7: {  	p3 =	por $0x1, $0x1;
	v22 =	vadd.s32 s26, v0;
	v21 =	vld.idx.msk [tilespmem:v9+s17+$0x0], $0xffff;
	[tilespmem:s0+$0xFFFFFFA0] =	vst v12  }
.Ltmp26:
0x2b8: {  	s8 =	simm.s32 $0xC380;
	[tilespmem:s0+$0xFFFFFFE0] =	vst v10;
	v13 =	vld.idx.msk [tilespmem:v13+s17+$0x0], $0xffff;
	(pc) =	sbr.rel @!p3 .LBB2_34-.Ltmp26, $4  }
0x2b9: {  	s28 =	simm.s32 $0x397;
	[tilespmem:s8+$0xFFFFFF80] =	vst v14;
	v14 =	vld.idx.msk [tilespmem:v18+s17+$0x0], $0xffff  }
0x2ba: {  	s29 =	simm.s32 $0xB1;
	s31 =	simm.s32 $0x224;
	v15 =	vadd.s32 s28, v0;
	[tilespmem:s8+$0xFFFFFFC0] =	vst v11;
	v9 =	vld.idx.msk [tilespmem:v16+s17+$0x0], $0xffff  }
0x2bb: {  	s30 =	simm.s32 $0x1A3;
	s11 =	simm.s32 $0x132;
	v17 =	vadd.s32 s29, v0;
	v12 =	vadd.s32 s31, v0;
	[tilespmem:s8+$0x0] =	vst v19;
	v10 =	vld.idx.msk [tilespmem:v20+s17+$0x0], $0xffff  }
0x2bc: {  	p1 =	por $0x1, $0x1;
	s3 =	simm.s32 $0x5BB;
	s23 =	simm.s32 $0x2A5;
	v18 =	vadd.s32 s30, v0;
	v16 =	vadd.s32 s11, v0;
	v11 =	vld.idx.msk [tilespmem:v22+s17+$0x0], $0xffff;
	[tilespmem:s8+$0x40] =	vst v21  }
0x2bd: {  	_ =	sdelay $0x3  }
0x2be: {  	s11 =	simm.s32 $0x408;
	v19 =	vadd.s32 s23, v0;
	v15 =	vld.idx.msk [tilespmem:v15+s17+$0x0], $0xffff  }
0x2bf: {  	s28 =	simm.s32 $0x489;
	v17 =	vld.idx.msk [tilespmem:v17+s17+$0x0], $0xffff;
	[tilespmem:s0+$0x20] =	vst v13;
	v20 =	vadd.s32 s11, v0  }
0x2c0: {  	s29 =	simm.s32 $0x50A;
	v13 =	vadd.s32 s28, v0;
	[tilespmem:s0+$0xFFFFFFB0] =	vst v14;
	v14 =	vld.idx.msk [tilespmem:v16+s17+$0x0], $0xffff  }
0x2c1: {  	s31 =	simm.s32 $0x326;
	v16 =	vadd.s32 s29, v0;
	[tilespmem:s8+$0xFFFFFF90] =	vst v9;
	v9 =	vld.idx.msk [tilespmem:v18+s17+$0x0], $0xffff  }
0x2c2: {  	s30 =	simm.s32 $0x58B;
	v21 =	vadd.s32 s31, v0;
	v12 =	vld.idx.msk [tilespmem:v12+s17+$0x0], $0xffff;
	[tilespmem:s8+$0xFFFFFFD0] =	vst v10  }
0x2c3: {  	v18 =	vadd.s32 s30, v0;
	v10 =	vld.idx.msk [tilespmem:v19+s17+$0x0], $0xffff  }
0x2c4: {  	s12 =	simm.s32 $0x234;
	[tilespmem:s8+$0x10] =	vst v11;
	v11 =	vadd.s32 s6, v0;
	v20 =	vld.idx.msk [tilespmem:v20+s17+$0x0], $0xffff  }
0x2c5: {  	s23 =	simm.s32 $0x418;
	[tilespmem:s8+$0x50] =	vst v15;
	v15 =	vadd.s32 s12, v0;
	v22 =	vld.idx.msk [tilespmem:v13+s17+$0x0], $0xffff  }
0x2c6: {  	[tilespmem:s0+$0xFFFFFFF0] =	vst v17;
	v17 =	vadd.s32 s23, v0;
	v23 =	vld.idx.msk [tilespmem:v16+s17+$0x0], $0xffff  }
0x2c7: {  	s24 =	simm.s32 $0x499;
	[tilespmem:s0+$0x30] =	vst v14;
	v13 =	vld.idx.msk [tilespmem:v21+s17+$0x0], $0xffff  }
0x2c8: {  	s26 =	simm.s32 $0x51A;
	v24 =	vadd.s32 s24, v0;
	v25 =	vld.idx.msk [tilespmem:v18+s17+$0x0], $0xffff;
	[tilespmem:s0+$0x60] =	vst v9  }
0x2c9: {  	p3 =	por $0x1, $0x1;
	v26 =	vadd.s32 s26, v0;
	s6 =	simm.s32 $0xC480;
	s12 =	simm.s32 $0x59B;
	[tilespmem:s8+$0xFFFFFFA0] =	vst v12;
	v19 =	vld.idx.msk [tilespmem:v11+s17+$0x0], $0xffff  }
.Ltmp27:
0x2ca: {  	s28 =	simm.s32 $0x2B5;
	v14 =	vld.idx.msk [tilespmem:v15+s17+$0x0], $0xffff;
	v15 =	vadd.s32 s12, v0;
	[tilespmem:s6+$0xFFFFFF80] =	vst v20;
	(pc) =	sbr.rel @!p3 .LBB2_36-.Ltmp27, $4  }
0x2cb: {  	s29 =	simm.s32 $0x336;
	[tilespmem:s8+$0xFFFFFFE0] =	vst v10;
	v9 =	vld.idx.msk [tilespmem:v17+s17+$0x0], $0xffff;
	v17 =	vadd.s32 s28, v0  }
0x2cc: {  	s30 =	simm.s32 $0x3A7;
	v16 =	vadd.s32 s29, v0;
	[tilespmem:s6+$0xFFFFFFC0] =	vst v22  }
0x2cd: {  	p2 =	por $0x1, $0x1;
	s31 =	simm.s32 $0x428;
	v18 =	vadd.s32 s30, v0;
	[tilespmem:s6+$0x0] =	vst v23;
	v10 =	vld.idx.msk [tilespmem:v24+s17+$0x0], $0xffff  }
0x2ce: {  	s11 =	simm.s32 $0x8;
	s23 =	simm.s32 $0x4A9;
	v12 =	vadd.s32 s31, v0;
	s12 =	simm.s32 $0x7BF;
	v11 =	vld.idx.msk [tilespmem:v26+s17+$0x0], $0xffff;
	[tilespmem:s6+$0x40] =	vst v25  }
.LBB2_37:
0x2cf: {  	s24 =	sadd.s32 $0xFFFFFE4D, s12;
	s11 =	sadd.s32 $0x4, s11;
	v20 =	vadd.s32 s23, v0;
	v15 =	vld.idx.msk [tilespmem:v15+s17+$0x0], $0xffff;
	[tilespmem:s0+$0x70] =	vst v19;
	s0 =	smov.u32 s8  }
0x2d0: {  	s23 =	sadd.s32 $0xFFFFFECE, s12;
	s8 =	smov.u32 s6;
	v19 =	vadd.s32 s24, v0;
	p3 =	slt.u32 s11, $0x7C;
	v17 =	vld.idx.msk [tilespmem:v17+s17+$0x0], $0xffff;
	[tilespmem:s0+$0x20] =	vst v13  }
0x2d1: {  	v13 =	vadd.s32 s23, v0;
	s23 =	sadd.s32 $0xFFFFFF4F, s12;
	[tilespmem:s0+$0xFFFFFFB0] =	vst v14;
	v14 =	vld.idx.msk [tilespmem:v16+s17+$0x0], $0xffff  }
0x2d2: {  	v16 =	vadd.s32 s23, v0;
	s23 =	sadd.s32 $0xFFFFFFD0, s12;
	[tilespmem:s6+$0xFFFFFF90] =	vst v9;
	v9 =	vld.idx.msk [tilespmem:v18+s17+$0x0], $0xffff  }
0x2d3: {  	v18 =	vadd.s32 s23, v0;
	v12 =	vld.idx.msk [tilespmem:v12+s17+$0x0], $0xffff;
	[tilespmem:s6+$0xFFFFFFD0] =	vst v10  }
0x2d4: {  	s23 =	sadd.s32 $0xFFFFFF6F, s3;
	v10 =	vld.idx.msk [tilespmem:v20+s17+$0x0], $0xffff;
	[tilespmem:s6+$0x10] =	vst v11;
	v11 =	vadd.s32 s2, v0;
	s2 =	smov.u32 s3;
	s3 =	smov.u32 s12  }
0x2d5: {  	v21 =	vadd.s32 s23, v0;
	v20 =	vld.idx.msk [tilespmem:v19+s17+$0x0], $0xffff;
	s24 =	sadd.s32 $0xFFFFFE7D, s2;
	[tilespmem:s6+$0x50] =	vst v15  }
0x2d6: {  	s23 =	sadd.s32 $0xFFFFFE5D, s12;
	v22 =	vld.idx.msk [tilespmem:v13+s17+$0x0], $0xffff;
	v23 =	vadd.s32 s24, v0;
	[tilespmem:s0+$0xFFFFFFF0] =	vst v17  }
0x2d7: {  	v24 =	vadd.s32 s23, v0;
	s23 =	sadd.s32 $0xFFFFFEDE, s12;
	v25 =	vld.idx.msk [tilespmem:v16+s17+$0x0], $0xffff;
	[tilespmem:s0+$0x30] =	vst v14  }
0x2d8: {  	v26 =	vadd.s32 s23, v0;
	s23 =	sadd.s32 $0xFFFFFF5F, s12;
	v27 =	vld.idx.msk [tilespmem:v18+s17+$0x0], $0xffff;
	[tilespmem:s0+$0x60] =	vst v9  }
0x2d9: {  	v28 =	vadd.s32 s23, v0;
	s23 =	sadd.s32 $0xFFFFFFE0, s12;
	[tilespmem:s6+$0xFFFFFFA0] =	vst v12;
	v19 =	vld.idx.msk [tilespmem:v11+s17+$0x0], $0xffff  }
.Ltmp28:
0x2da: {  	v15 =	vadd.s32 s23, v0;
	s23 =	sadd.s32 $0xFFFFFEFE, s2;
	s6 =	sadd.s32 $0x100, s6;
	[tilespmem:s8+$0xFFFFFFE0] =	vst v10;
	v13 =	vld.idx.msk [tilespmem:v21+s17+$0x0], $0xffff;
	(pc) =	sbr.rel @p3 .LBB2_37-.Ltmp28, $4  }
0x2db: {  	v17 =	vadd.s32 s23, v0;
	s23 =	sadd.s32 $0xFFFFFF7F, s2;
	[tilespmem:s6+$0xFFFFFF80] =	vst v20;
	v14 =	vld.idx.msk [tilespmem:v23+s17+$0x0], $0xffff  }
0x2dc: {  	v16 =	vadd.s32 s23, v0;
	s23 =	sadd.s32 $0xFFFFFFF0, s2;
	v9 =	vld.idx.msk [tilespmem:v24+s17+$0x0], $0xffff;
	[tilespmem:s6+$0xFFFFFFC0] =	vst v22  }
0x2dd: {  	s24 =	sadd.s32 $0xFFFFFE6D, s12;
	v18 =	vadd.s32 s23, v0;
	v10 =	vld.idx.msk [tilespmem:v26+s17+$0x0], $0xffff;
	[tilespmem:s6+$0x0] =	vst v25  }
0x2de: {  	s12 =	sadd.s32 $0x204, s12;
	v12 =	vadd.s32 s24, v0;
	s23 =	sadd.s32 $0xFFFFFEEE, s3;
	v11 =	vld.idx.msk [tilespmem:v28+s17+$0x0], $0xffff;
	[tilespmem:s6+$0x40] =	vst v27  }
0x2df: {  	s11 =	smov.u32 s0;
	s0 =	smov.u32 s6;
	s6 =	smov.u32 s2  }
.LBB2_39:
0x2e0: {  	_ =	sdelay $0x3  }
0x2e1: {  	v20 =	vadd.s32 s23, v0;
	v15 =	vld.idx.msk [tilespmem:v15+s17+$0x0], $0xffff;
	[tilespmem:s11+$0x70] =	vst @p2 v19;
	s2 =	smov.u32 @p1 s8;
	s24 =	sadd.s32 $0xFFFFFF6F, s3  }
0x2e2: {  	v17 =	vld.idx.msk @p1 [tilespmem:v17+s17+$0x0], $0xffff;
	s26 =	sadd.s32 $0xFFFFFFF0, s3;
	[tilespmem:s2+$0x20] =	vst @p1 v13;
	v57 =	vadd.s32 s24, v0  }
0x2e3: {  	[tilespmem:s2+$0xFFFFFFB0] =	vst @p1 v14;
	v14 =	vld.idx.msk @p1 [tilespmem:v18+s17+$0x0], $0xffff;
	v58 =	vadd.s32 s26, v0  }
0x2e4: {  	[tilespmem:s0+$0xFFFFFF90] =	vst v9;
	v9 =	vadd.s32 @p1 s6, v0;
	v16 =	vld.idx.msk @p1 [tilespmem:v16+s17+$0x0], $0xffff  }
0x2e5: {  	s28 =	sadd.s32 $0xFFFFFE7D, s3;
	v12 =	vld.idx.msk [tilespmem:v12+s17+$0x0], $0xffff;
	[tilespmem:s0+$0xFFFFFFD0] =	vst v10  }
0x2e6: {  	s29 =	sadd.s32 $0xFFFFFEFE, s3;
	[tilespmem:s0+$0x10] =	vst v11;
	v11 =	vadd.s32 s28, v0;
	v10 =	vld.idx.msk [tilespmem:v20+s17+$0x0], $0xffff  }
0x2e7: {  	s30 =	sadd.s32 $0xFFFFFF7F, s3;
	v59 =	vadd.s32 s29, v0;
	[tilespmem:s0+$0x50] =	vst v15;
	v13 =	vld.idx.msk [tilespmem:v57+s17+$0x0], $0xffff  }
0x2e8: {  	v60 =	vadd.s32 s30, v0;
	[tilespmem:s2+$0x60] =	vst @p1 v14;
	v18 =	vld.idx.msk [tilespmem:v58+s17+$0x0], $0xffff  }
0x2e9: {  	v61 =	vadd.s32 s3, v0;
	[tilespmem:s2+$0xFFFFFFF0] =	vst @p1 v17;
	v9 =	vld.idx.msk @p1 [tilespmem:v9+s17+$0x0], $0xffff  }
0x2ea: {  	[tilespmem:s0+$0xFFFFFFA0] =	vst v12  }
0x2eb: {  	[tilespmem:s0+$0xFFFFFFE0] =	vst v10;
	v10 =	vld.idx.msk [tilespmem:v11+s17+$0x0], $0xffff  }
0x2ec: {  	v11 =	vld.idx.msk [tilespmem:v59+s17+$0x0], $0xffff;
	[tilespmem:s0+$0x20] =	vst v13  }
0x2ed: {  	[tilespmem:s0+$0x60] =	vst v18;
	v62 =	vld.idx.msk [tilespmem:v60+s17+$0x0], $0xffff  }
0x2ee: {  	[tilespmem:s2+$0x30] =	vst @p1 v16;
	s2 =	smov.u32 @p1 s2;
	v9 =	vpsel p1, v9, v0;
	v63 =	vld.idx.msk [tilespmem:v61+s17+$0x0], $0xffff  }
0x2ef: {  	[tilespmem:s2+$0x70] =	vst @p1 v9  }
0x2f0: {  	[tilespmem:s0+$0xFFFFFFB0] =	vst v10  }
0x2f1: {  	[tilespmem:s0+$0xFFFFFFF0] =	vst v11  }
0x2f2: {  	[tilespmem:s0+$0x30] =	vst v62  }
0x2f3: {  	[tilespmem:s0+$0x70] =	vst v63  }
.Ltmp29:
0x2f4: {  	s31 =	simm.s32 $0x5;
	s0 =	rddreg [dreg:$0x6];
	(pc) =	sbr.rel .LBB2_40-.Ltmp29, $4  }
0x2f5: {  	[hbm4b:s0+s4] =	stream.linear.scatter [tilespmem:s18], [sflag:$0x5], $0x2000, $0x38;
	[tilespmem:$0x10200] =	vst v63  }
0x2f6: {  	_ =	swait.ge [sflag:s31], $0x2000  }
0x2f7: {  	[sflag:s31] =	ssyncset.done $0x0  }
0x2f8: {  	[sflag:s31] =	ssyncadd.s32 $0xFFFFE000  }
.LBB2_32:
.Ltmp30:
0x2f9: {  	(pc) =	sbr.rel .LBB2_39-.Ltmp30, $2  }
0x2fa: {  	_ =	sdelay $0x2  }
0x2fb: {  	s3 =	simm.s32 $0x1B3  }
.LBB2_34:
.Ltmp31:
0x2fc: {  	(pc) =	sbr.rel .LBB2_39-.Ltmp31, $2  }
0x2fd: {  	_ =	sdelay $0x2  }
0x2fe: {  	s8 =	simm.s32 $0xC280;
	s0 =	simm.s32 $0xC380;
	s3 =	simm.s32 $0x3B7  }
.LBB2_36:
.Ltmp32:
0x2ff: {  	(pc) =	sbr.rel .LBB2_39-.Ltmp32, $2  }
0x300: {  	_ =	sdelay $0x2  }
0x301: {  	s11 =	simm.s32 $0xC280;
	s0 =	simm.s32 $0xC480;
	s6 =	simm.s32 $0x3B7  }
.LBB2_41:
0x302: {  	_ =	sfence.sel $0x180000  }
0x303: {  	[bflag:$0x0] =	sbarrier.arrive $0xFFFF  }
0x304: {  	_ =	strace $0x90000047  }
0x305: {  	s0 =	stileid.u32;
	[bflag:$0x2] =	sbarrier.arrive $0xFFFF  }
0x306: {  	p0 =	sne.s32 s0, $0x0;
	s0 =	rddreg [dreg:$0x3]  }
0x307: {  	s0 =	sadd.s32 @!p0 $0x100000, s0  }
0x308: {  	[sflag:s0] =	ssyncadd.tile.s32 @!p0 $0x1;
	_ =	shalt  }
.Lfunc_end2:
_tile_overlayer_lowered:
.L_overlay_start_2:
0x309: {  	(tag) =	ssettag $0x2  }
0x30a: {  	s0 =	rddreg [dreg:$0x0];
	s2 =	stileid.u32  }
0x30b: {  	s1 =	rddreg [dreg:$0x1];
	p0 =	sne.s32 s2, $0x0  }
0x30c: {  	s3 =	rddreg [dreg:$0x2];
	[bflag:$0x3] =	sbarrier.arrive $0xFFFF;
	s2 =	simm.s32 @!p0 $0x1C05  }
0x30d: {  	[timem:s3], [sflag:s2] =	dma.local @!p0 [hbm:s0], s1  }
0x30e: {  	s0 =	simm.s32 @!p0 $0x5  }
0x30f: {  	_ =	swait.ge @!p0 [sflag:s0], s1  }
0x310: {  	s1 =	ssub.s32 @!p0 $0x0, s1;
	[sflag:s0] =	ssyncset.done @!p0 $0x0  }
0x311: {  	[sflag:s0] =	ssyncadd.s32 @!p0 s1  }
0x312: {  	[bflag:$0x3] =	sbarrier.arrive $0xFFFF  }
0x313: {  	_ =	shalt  }

// kernel: _embed.7.cloned.1.call-start
scs
__scs_entry_jumppad:
0x0: {  	(pc) =	sbr.rel $0x88, $3  }
0x1: {  	(tag) =	ssettag $0x0;
	lr =	simm.s32 $0x1  }
0x2: {  	[smem:$0x3F9F] =	sst lr;
	_ =	strace $0xD0000000  }
0x3: {  	_ = 	snop  }
0x4: {  	_ = 	snop  }
0x5: {  	_ = 	snop  }
0x6: {  	_ = 	snop  }
0x7: {  	_ = 	snop  }
__scs_overlays_trampoline_lowered:
0x8: {  	[smem:$0x3FAE] =	sst s0  }
0x9: {  	[smem:$0x3FAF] =	sst s1  }
0xa: {  	[smem:$0x3FB0] =	sst s2  }
0xb: {  	[smem:$0x3FB1] =	sst s3  }
0xc: {  	[smem:$0x3FB2] =	sst s4  }
0xd: {  	[smem:$0x3FB3] =	sst s5  }
0xe: {  	[smem:$0x3FB4] =	sst s6  }
0xf: {  	[smem:$0x3FB5] =	sst s7  }
0x10: {  	[smem:$0x3FB6] =	sst s8  }
0x11: {  	[smem:$0x3FB7] =	sst s9;
	s0 =	simm.s32 @!p0 $0x0  }
0x12: {  	s1 =	sld [smem:$0x3F9D];
	s0 =	simm.s32 @p0 $0x1  }
0x13: {  	[smem:$0x3FB8] =	sst s0;
	s0 =	simm.s32 @!p1 $0x0  }
0x14: {  	s2 =	sld [smem:$0x3F9C];
	s0 =	simm.s32 @p1 $0x1  }
0x15: {  	[smem:$0x3FB9] =	sst s0;
	s0 =	simm.s32 @!p2 $0x0  }
0x16: {  	s3 =	sld [smem:$0x3FDB];
	s0 =	simm.s32 @p2 $0x1  }
0x17: {  	s4 =	simm.s32 $0x1BF5;
	[smem:$0x3FBB] =	sst s0  }
0x18: {  	s0 =	sld [smem:$0x3F9E];
	_ =	swait.ge [sflag:s4], $0x0  }
0x19: {  	s7 =	sld [smem:$0x3F9F]  }
0x1a: {  	s8 =	sadd.s32 $0xFFFFE003, lr  }
0x1b: {  	s9 =	sadd.s32 $0xFFFFFEF7, lr;
	s5 =	simm.s32 $0xFFFFFFFF;
	p2 =	slt.u32 s8, $0xFFFFF086  }
0x1c: {  	p1 =	slt.u32 s9, $0xF7A;
	s5 =	simm.s32 @!p2 $0x0  }
0x1d: {  	s5 =	simm.s32 @p1 $0x1;
	p0 =	seq.s32 s7, s2  }
0x1e: {  	s7 =	smul.u32 @!p0 $0xF7A, s2;
	p2 =	seq.s32 @!p0 s5, $0x0  }
0x1f: {  	s9 =	smul.u32 $0xF7A, s1;
	s8 =	simm.s32 @!p0 $0x1BF5;
	p2 =	por !p2, p0  }
0x20: {  	[sflag:s8] =	ssyncset.s32 @!p0 $0xFFFFF086;
	s6 =	sadd.s32 @!p0 s3, s7;
	s7 =	simm.s32 @!p0 $0x108  }
0x21: {  	s3 =	sadd.s32 s3, s9;
	s6 =	sadd.s32 @!p0 $0x88, s6;
	s7 =	simm.s32 @p2 $0x1082  }
0x22: {  	[simem:s7], [sflag:s8] =	dma.local @!p0 [hbm:s6], $0xF7A  }
0x23: {  	s9 =	sor.u32 $0xD0000000, s2;
	s6 =	simm.s32 $0x108;
	_ =	swait.ge @!p0 [sflag:s8], $0x0  }
0x24: {  	s3 =	sadd.s32 $0x88, s3;
	s6 =	simm.s32 @!p1 $0x1082;
	[sflag:s4] =	ssyncset.s32 $0xFFFFF086  }
0x25: {  	[simem:s6], [sflag:s4] =	dma.local [hbm:s3], $0xF7A  }
0x26: {  	[smem:$0x3F9F] =	sst s1;
	(tag) =	ssettag s2;
	_ =	strace s9  }
0x27: {  	s1 =	sld [smem:$0x3FAF]  }
0x28: {  	s2 =	sld [smem:$0x3FB0]  }
0x29: {  	s4 =	sld [smem:$0x3FB2]  }
0x2a: {  	p0 =	seq.s32 s5, $0x0;
	s5 =	sld [smem:$0x3FB3]  }
0x2b: {  	s6 =	sld [smem:$0x3FB4]  }
0x2c: {  	s7 =	sld [smem:$0x3FB5]  }
0x2d: {  	s3 =	simm.s32 $0x108;
	s8 =	sld [smem:$0x3FB6]  }
0x2e: {  	s3 =	simm.s32 @!p0 $0x1082;
	s9 =	sld [smem:$0x3FB7]  }
0x2f: {  	lr =	sadd.s32 s0, s3;
	s0 =	sld [smem:$0x3FAE]  }
0x30: {  	s3 =	sld [smem:$0x3FB1]  }
0x31: {  	[smem:$0x3FBA] =	sst s10  }
0x32: {  	s10 =	sld [smem:$0x3FB8];
	_ =	sdelay $0x3  }
0x33: {  	p0 =	seq.s32 s10, $0x1;
	s10 =	sld [smem:$0x3FBA];
	_ =	sdelay $0x3  }
0x34: {  	[smem:$0x3FBA] =	sst s10  }
0x35: {  	s10 =	sld [smem:$0x3FB9];
	_ =	sdelay $0x3  }
0x36: {  	p1 =	seq.s32 s10, $0x1;
	s10 =	sld [smem:$0x3FBA];
	_ =	sdelay $0x3  }
0x37: {  	[smem:$0x3FBA] =	sst s10  }
0x38: {  	s10 =	sld [smem:$0x3FBB]  }
0x39: {  	_ = 	snop;
	(pc) =	sbr.ind lr, $3  }
0x3a: {  	_ = 	snop  }
0x3b: {  	_ = 	snop  }
0x3c: {  	p2 =	seq.s32 s10, $0x1;
	s10 =	sld [smem:$0x3FBA]  }
0x3d: {  	_ =	shalt  }
0x3e: {  	_ =	shalt  }
0x3f: {  	_ =	shalt  }
0x40: {  	_ =	shalt  }
0x41: {  	_ =	shalt  }
0x42: {  	_ =	shalt  }
0x43: {  	_ =	shalt  }
0x44: {  	_ =	shalt  }
0x45: {  	_ =	shalt  }
0x46: {  	_ =	shalt  }
0x47: {  	_ =	shalt  }
0x48: {  	_ =	shalt  }
0x49: {  	_ =	shalt  }
0x4a: {  	_ =	shalt  }
0x4b: {  	_ =	shalt  }
0x4c: {  	_ =	shalt  }
0x4d: {  	_ =	shalt  }
0x4e: {  	_ =	shalt  }
0x4f: {  	_ =	shalt  }
0x50: {  	_ =	shalt  }
0x51: {  	_ =	shalt  }
0x52: {  	_ =	shalt  }
0x53: {  	_ =	shalt  }
0x54: {  	_ =	shalt  }
0x55: {  	_ =	shalt  }
0x56: {  	_ =	shalt  }
0x57: {  	_ =	shalt  }
0x58: {  	_ =	shalt  }
0x59: {  	_ =	shalt  }
0x5a: {  	_ =	shalt  }
0x5b: {  	_ =	shalt  }
0x5c: {  	_ =	shalt  }
0x5d: {  	_ =	shalt  }
0x5e: {  	_ =	shalt  }
0x5f: {  	_ =	shalt  }
0x60: {  	_ =	shalt  }
0x61: {  	_ =	shalt  }
0x62: {  	_ =	shalt  }
0x63: {  	_ =	shalt  }
0x64: {  	_ =	shalt  }
0x65: {  	_ =	shalt  }
0x66: {  	_ =	shalt  }
0x67: {  	_ =	shalt  }
0x68: {  	_ =	shalt  }
0x69: {  	_ =	shalt  }
0x6a: {  	_ =	shalt  }
0x6b: {  	_ =	shalt  }
0x6c: {  	_ =	shalt  }
0x6d: {  	_ =	shalt  }
0x6e: {  	_ =	shalt  }
0x6f: {  	_ =	shalt  }
0x70: {  	_ =	shalt  }
0x71: {  	_ =	shalt  }
0x72: {  	_ =	shalt  }
0x73: {  	_ =	shalt  }
0x74: {  	_ =	shalt  }
0x75: {  	_ =	shalt  }
0x76: {  	_ =	shalt  }
0x77: {  	_ =	shalt  }
0x78: {  	_ =	shalt  }
0x79: {  	_ =	shalt  }
0x7a: {  	_ =	shalt  }
0x7b: {  	_ =	shalt  }
0x7c: {  	_ =	shalt  }
0x7d: {  	_ =	shalt  }
0x7e: {  	_ =	shalt  }
0x7f: {  	_ =	shalt  }
0x80: {  	_ =	shalt  }
0x81: {  	_ =	shalt  }
0x82: {  	_ =	shalt  }
0x83: {  	_ =	shalt  }
0x84: {  	_ =	shalt  }
0x85: {  	_ =	shalt  }
0x86: {  	_ =	shalt  }
0x87: {  	_ =	shalt  }
.Lfunc_end0:
.L_simem_size_0:
called_computation.1_lowered:
.L_overlay_start_0:
0x88: {  	s2 =	sld [smem:$0x3FD9]  }
0x89: {  	s3 =	sld [smem:$0x3FFE];
	_ =	sdelay $0x1  }
0x8a: {  	s1 =	srdreg.scid  }
0x8b: {  	s0 =	sand.u32 $0x1, s1  }
0x8c: {  	s17 =	sshll.u32 s0, $0xA;
	s2 =	sadd.s32 s3, s2  }
0x8d: {  	s2 =	sadd.s32 s2, s17  }
0x8e: {  	[smem:$0x3FC6] =	sst s2  }
0x8f: {  	_ = 	snop  }
0x90: {  	s2 =	sld [smem:$0x3FD0];
	(tm) =	ssettm $0x1  }
0x91: {  	s18 =	sld [smem:$0x3FFB];
	_ =	sdelay $0x3  }
0x92: {  	_ =	strace s18  }
0x93: {  	s3 =	sld [smem:$0x3FFC];
	_ =	sdelay $0x3  }
0x94: {  	_ =	strace s3  }
0x95: {  	s3 =	sld [smem:$0x3FFD];
	_ =	sdelay $0x3  }
0x96: {  	_ =	strace s3  }
0x97: {  	_ =	strace $0x8FFFFFFF  }
0x98: {  	s19 =	sld [smem:$0x3FDB];
	_ =	sdelay $0x1  }
0x99: {  	s4 =	simm.s32 $_scs_section_size  }
0x9a: {  	s5 =	simm.s32 $_size__tile_overlayer_lowered;
	s6 =	simm.s32 $_tile_overlayer_lowered  }
0x9b: {  	s22 =	simm.s32 $0x1BFF;
	s21 =	sshll.u32 s6, $0x1;
	s3 =	sadd.s32 s4, s19  }
0x9c: {  	s7 =	simm.s32 $0x0;
	s20 =	sshll.u32 s5, $0x1;
	s5 =	sadd.s32 s21, s3  }
0x9d: {  	[timem:s7], [sflag:s22] =	dma.local [hbm:s5], s20  }
0x9e: {  	_ =	swait.ge [sflag:s22], s20  }
0x9f: {  	s4 =	ssub.s32 $0x0, s20;
	[sflag:s22] =	ssyncset.done $0x0  }
0xa0: {  	[sflag:s22] =	ssyncadd.s32 s4;
	_ =	sdelay $0x1  }
0xa1: {  	s23 =	simm.s32 $0x1B8B  }
0xa2: {  	_ =	swait.ge [sflag:s23], $0x1  }
0xa3: {  	[sflag:s23] =	ssyncset.done $0x0  }
0xa4: {  	s25 =	simm.s32 $0x1B8E;
	s24 =	sld [smem:$0x3FFE];
	[sflag:s23] =	ssyncadd.s32 $0xFFFFFFFF  }
0xa5: {  	s26 =	simm.s32 $execute0_lowered;
	[smem:$0x3FD2] =	sst s25  }
0xa6: {  	s5 =	sshll.u32 s26, $0x1;
	_ =	strace $0x80000049;
	[dreg:$0x1] =	wrdreg $0xFFFFFFFF  }
0xa7: {  	s28 =	simm.s32 $_size_execute0_lowered;
	s3 =	sadd.s32 s3, s5;
	[dreg:$0x0] =	wrdreg $0x0  }
0xa8: {  	s5 =	sshll.u32 s28, $0x1;
	[dreg:$0x2] =	wrdreg s3  }
0xa9: {  	[dreg:$0x3] =	wrdreg s5  }
0xaa: {  	[dreg:$0x4] =	wrdreg $0xC0  }
0xab: {  	_ =	task [dreg:s7], $0x5FFFF  }
0xac: {  	[dreg:$0x1] =	wrdreg $0xFFFFFFFF  }
0xad: {  	[dreg:$0x0] =	wrdreg $0x60  }
0xae: {  	[dreg:$0x2] =	wrdreg s24  }
0xaf: {  	[dreg:$0x3] =	wrdreg s2  }
0xb0: {  	[dreg:$0x4] =	wrdreg $0x9  }
0xb1: {  	_ =	task.clear_ibuf [dreg:s7], $0x5FFFF;
	_ =	strace $0x90000049  }
0xb2: {  	s29 =	simm.s32 $0x9;
	_ =	strace $0x8000004B  }
0xb3: {  	_ =	swait.ge [sflag:s29], $0x1  }
0xb4: {  	[sflag:s29] =	ssyncadd.s32 $0xFFFFFFFF  }
0xb5: {  	_ =	strace $0x9000004B  }
0xb6: {  	_ =	sfence  }
0xb7: {  	s30 =	sld [smem:$0x0];
	_ =	sdelay $0x2  }
0xb8: {  	s31 =	sshll.u32 s1, $0xD;
	s1 =	sshrl.u32 s1, $0x2  }
0xb9: {  	s3 =	sand.u32 $0x4000, s31;
	s1 =	sadd.s32 s1, s30  }
0xba: {  	s0 =	sor.u32 s3, s0;
	s1 =	sshll.u32 s1, $0x11  }
0xbb: {  	s0 =	sor.u32 s1, s0  }
0xbc: {  	s0 =	sadd.s32 $0x8F2B, s0  }
0xbd: {  	[sflag:s0] =	ssyncadd.remote.s32 $0x1  }
0xbe: {  	_ =	sfence.sel $0xFFFF  }
0xbf: {  	[dreg:$0x0] =	wrdreg $0xFFFFFFFF;
	(pc) =	sbr.abs _section_cstart, $3  }
0xc0: {  	[dreg:$0x1] =	wrdreg $0xFFFFFFFF  }
0xc1: {  	_ =	task.clear_ibuf [dreg:s7], $0x2FFFF;
	_ =	strace $0x9FFFFFFF  }
0xc2: {  	(tm) =	ssettm $0x7FFFFFFF  }
0xc3: {  	_ =	shalt  }
tec
execute0_lowered:
.L_overlay_start_1:
0x0: {  	(tag) =	ssettag $0x1  }
0x1: {  	s0 =	rddreg [dreg:$0x0]  }
0x2: {  	s5 =	rddreg [dreg:$0x1]  }
0x3: {  	s1 =	srdreg.scid;
	s2 =	stileid.u32;
	s3 =	simm.s32 $0x0  }
0x4: {  	s9 =	simm.s32 $0x80;
	s14 =	simm.s32 $0x1;
	s15 =	simm.s32 $0xA400  }
0x5: {  	s16 =	simm.s32 $0x400;
	s17 =	simm.s32 $0x8000;
	s19 =	simm.s32 $0x2  }
0x6: {  	s20 =	simm.s32 $0x4;
	s1 =	sand.u32 $0x1, s1;
	s2 =	sshll.u32 s2, $0x1  }
0x7: {  	s21 =	simm.s32 $0xC450;
	[smem:$0x7FF] =	sst s3;
	s2 =	sor.u32 s1, s2  }
.Ltmp0:
0x8: {  	s1 =	ssub.s32 $0x2, s1;
	s29 =	sshll.u32 s2, $0x4;
	(pc) =	sbr.rel .LBB2_1-.Ltmp0, $4  }
0x9: {  	v0 =	vlaneseq.u32;
	s4 =	sadd.s32 $0xA00, s0;
	s30 =	sshrl.u32 s1, $0x1;
	s3 =	sadd.s32 s29, s0  }
0xa: {  	s7 =	sadd.s32 $0x8000, s5;
	v1 =	vmul.u32 $0x81, v0;
	v2 =	vor.u32 $0x10, v0;
	s0 =	ssub.s32 s1, s30;
	s31 =	sadd.s32 $0x7A1C00, s3  }
0xb: {  	v3 =	vor.u32 $0x20, v0;
	v4 =	vor.u32 $0x30, v0;
	v5 =	vor.u32 $0x40, v0;
	_ =	strace $0x8000004A;
	s0 =	smax.u32 s0, $0x1;
	[dreg:$0x3] =	wrdreg s31  }
0xc: {  	v6 =	vor.u32 $0x50, v0;
	v7 =	vor.u32 $0x60, v0;
	v8 =	vor.u32 $0x70, v0;
	s6 =	sshll.u32 s2, $0x7;
	s1 =	simm.s32 $0x0;
	[dreg:$0x4] =	wrdreg s0  }
.LBB2_32:
0xd: {  	s0 =	simm.s32 $0x3  }
0xe: {  	_ =	swait.ge [sflag:s0], $0x2000  }
0xf: {  	[sflag:s0] =	ssyncset.done $0x0  }
0x10: {  	[sflag:s0] =	ssyncadd.s32 $0xFFFFE000  }
0x11: {  	_ =	swait.ge [sflag:s20], $0x2000  }
0x12: {  	s1 =	rddreg [dreg:$0x5]  }
0x13: {  	s31 =	rddreg [dreg:$0x4];
	s1 =	sadd.s32 $0x1, s1  }
0x14: {  	p0 =	sne.s32 s1, s31  }
.Ltmp1:
0x15: {  	_ = 	snop;
	(pc) =	sbr.rel @!p0 .LBB2_33-.Ltmp1, $3  }
0x16: {  	_ =	sdelay $0x1  }
0x17: {  	[sflag:s20] =	ssyncset.done $0x0  }
0x18: {  	[sflag:s20] =	ssyncadd.s32 $0xFFFFE000  }
.LBB2_1:
0x19: {  	[dreg:$0x5] =	wrdreg s1;
	s0 =	simm.s32 $0x0  }
0x1a: {  	s28 =	rddreg [dreg:$0x3];
	s2 =	simm.s32 $0x1000;
	s29 =	simm.s32 $0x5  }
0x1b: {  	[tilespmem:s0], [sflag:$0x5] =	stream.strided.gather [hbm4b:s28+s9], $0x6400, s2, s9, $0x38;
	[tilespmem:$0x124A0] =	vst v63  }
0x1c: {  	_ =	swait.ge [sflag:s29], $0x6400  }
0x1d: {  	[sflag:s29] =	ssyncset.done $0x0  }
0x1e: {  	s30 =	simm.s32 $0x6400;
	[sflag:s29] =	ssyncadd.s32 $0xFFFF9C00  }
0x1f: {  	[tilespmem:s30], [sflag:$0x1] =	stream.indirect.gather [hbm4b:s4+s9], $0x40, s0, s9, $0xb8;
	[tilespmem:$0x124A0] =	vst v63  }
0x20: {  	s31 =	simm.s32 $0x8400;
	s25 =	simm.s32 $0x0  }
0x21: {  	[tilespmem:s31], [sflag:$0x2] =	stream.indirect.gather [hbm4b:s4+s9], $0x40, s9, s9, $0xb8;
	[tilespmem:$0x124A0] =	vst v63  }
.LBB2_2:
0x22: {  	_ =	swait.ge [sflag:s14], $0x2000  }
0x23: {  	p0 =	seq.s32 s25, $0x0;
	[sflag:s14] =	ssyncset.done $0x0  }
0x24: {  	s0 =	simm.s32 @!p0 $0x3;
	[sflag:s14] =	ssyncadd.s32 $0xFFFFE000  }
0x25: {  	_ =	swait.ge @!p0 [sflag:s0], $0x2000  }
0x26: {  	[sflag:s0] =	ssyncset.done @!p0 $0x0  }
0x27: {  	s2 =	simm.s32 $0x6480;
	[sflag:s0] =	ssyncadd.s32 @!p0 $0xFFFFE000  }
0x28: {  	v9 =	vld [tilespmem:s2+$0x40]  }
0x29: {  	s30 =	simm.s32 $0x3  }
0x2a: {  	v10 =	vadd.s32 s30, v1  }
0x2b: {  	v11 =	vld [tilespmem:s2+$0xFFFFFF80]  }
0x2c: {  	s31 =	simm.s32 $0x0  }
0x2d: {  	v14 =	vadd.s32 s31, v1;
	v12 =	vld [tilespmem:s2+$0xFFFFFFC0];
	v9 =	vmul.f32 $8.000000000e+00, v9  }
0x2e: {  	s1 =	simm.s32 $0x1;
	v13 =	vld [tilespmem:s2+$0x0]  }
0x2f: {  	v15 =	vadd.s32 s1, v1;
	s1 =	simm.s32 $0x2;
	[tilespmem:v10+s15+$0x0] =	vst.idx.msk $0xffff, v9  }
0x30: {  	v11 =	vmul.f32 $8.000000000e+00, v11;
	v9 =	vadd.s32 s1, v1;
	v10 =	vld [tilespmem:s2+$0x50]  }
0x31: {  	s3 =	simm.s32 $0x813  }
0x32: {  	v16 =	vadd.s32 s3, v1;
	v12 =	vmul.f32 $8.000000000e+00, v12;
	[tilespmem:v14+s15+$0x0] =	vst.idx.msk $0xffff, v11  }
0x33: {  	v13 =	vmul.f32 $8.000000000e+00, v13;
	v11 =	vld [tilespmem:s2+$0xFFFFFF90]  }
0x34: {  	s5 =	simm.s32 $0x810;
	[tilespmem:v15+s15+$0x0] =	vst.idx.msk $0xffff, v12  }
0x35: {  	v12 =	vld [tilespmem:s2+$0xFFFFFFD0];
	[tilespmem:v9+s15+$0x0] =	vst.idx.msk $0xffff, v13;
	v13 =	vadd.s32 s5, v1;
	v9 =	vmul.f32 $8.000000000e+00, v10  }
0x36: {  	s8 =	simm.s32 $0x811;
	s0 =	simm.s32 $0x6580;
	v10 =	vld [tilespmem:s2+$0x10]  }
0x37: {  	s10 =	simm.s32 $0x812;
	v14 =	vadd.s32 s8, v1;
	[tilespmem:v16+s15+$0x0] =	vst.idx.msk $0xffff, v9;
	v9 =	vld [tilespmem:s0+$0x40]  }
0x38: {  	s11 =	simm.s32 $0x7;
	v17 =	vld [tilespmem:s0+$0xFFFFFFC0];
	v15 =	vadd.s32 s10, v1;
	v11 =	vmul.f32 $8.000000000e+00, v11  }
0x39: {  	v18 =	vadd.s32 s11, v1;
	s3 =	simm.s32 $0x5;
	v16 =	vld [tilespmem:s2+$0x60]  }
0x3a: {  	s12 =	simm.s32 $0x1023;
	v19 =	vld [tilespmem:s0+$0x0];
	v12 =	vmul.f32 $8.000000000e+00, v12;
	[tilespmem:v13+s15+$0x0] =	vst.idx.msk $0xffff, v11;
	v13 =	vadd.s32 s3, v1  }
0x3b: {  	v20 =	vadd.s32 s12, v1;
	v11 =	vld [tilespmem:s0+$0xFFFFFF80];
	v10 =	vmul.f32 $8.000000000e+00, v10  }
0x3c: {  	s13 =	simm.s32 $0x6;
	[tilespmem:v14+s15+$0x0] =	vst.idx.msk $0xffff, v12;
	v14 =	vld [tilespmem:s2+$0xFFFFFFA0];
	v9 =	vmul.f32 $8.000000000e+00, v9  }
0x3d: {  	v17 =	vmul.f32 $8.000000000e+00, v17;
	s1 =	simm.s32 $0x4;
	v12 =	vadd.s32 s13, v1;
	[tilespmem:v15+s15+$0x0] =	vst.idx.msk $0xffff, v10;
	v15 =	vld [tilespmem:s2+$0xFFFFFFE0]  }
0x3e: {  	s18 =	simm.s32 $0x1020;
	v10 =	vadd.s32 s1, v1;
	v16 =	vmul.f32 $8.000000000e+00, v16;
	[tilespmem:v18+s15+$0x0] =	vst.idx.msk $0xffff, v9;
	v18 =	vld [tilespmem:s2+$0x20]  }
0x3f: {  	s22 =	simm.s32 $0x1021;
	v9 =	vadd.s32 s18, v1;
	[tilespmem:v13+s15+$0x0] =	vst.idx.msk $0xffff, v17;
	v21 =	vld [tilespmem:s0+$0x50]  }
0x40: {  	s23 =	simm.s32 $0x1022;
	v22 =	vadd.s32 s22, v1;
	v19 =	vmul.f32 $8.000000000e+00, v19;
	[tilespmem:v20+s15+$0x0] =	vst.idx.msk $0xffff, v16;
	v20 =	vld [tilespmem:s0+$0xFFFFFFD0]  }
0x41: {  	s5 =	simm.s32 $0x817;
	v11 =	vmul.f32 $8.000000000e+00, v11;
	v13 =	vadd.s32 s23, v1;
	v16 =	vld [tilespmem:s2+$0x70]  }
0x42: {  	s26 =	simm.s32 $0x815;
	[tilespmem:v12+s15+$0x0] =	vst.idx.msk $0xffff, v19;
	v12 =	vadd.s32 s5, v1;
	v14 =	vmul.f32 $8.000000000e+00, v14  }
0x43: {  	s24 =	simm.s32 $0x1833;
	v24 =	vadd.s32 s26, v1;
	v19 =	vld [tilespmem:s0+$0x10];
	[tilespmem:v10+s15+$0x0] =	vst.idx.msk $0xffff, v11;
	v10 =	vmul.f32 $8.000000000e+00, v15  }
0x44: {  	s28 =	simm.s32 $0x816;
	v15 =	vadd.s32 s24, v1;
	v23 =	vld [tilespmem:s0+$0xFFFFFF90];
	[tilespmem:v9+s15+$0x0] =	vst.idx.msk $0xffff, v14;
	v9 =	vmul.f32 $8.000000000e+00, v18  }
0x45: {  	s29 =	simm.s32 $0x814;
	v17 =	vadd.s32 s28, v1;
	[tilespmem:v22+s15+$0x0] =	vst.idx.msk $0xffff, v10;
	v14 =	vmul.f32 $8.000000000e+00, v21;
	v11 =	vld [tilespmem:s2+$0xFFFFFFB0]  }
0x46: {  	s8 =	simm.s32 $0x1830;
	v10 =	vld [tilespmem:s2+$0xFFFFFFF0];
	v21 =	vmul.f32 $8.000000000e+00, v20;
	[tilespmem:v13+s15+$0x0] =	vst.idx.msk $0xffff, v9;
	v9 =	vmul.f32 $8.000000000e+00, v16;
	v16 =	vadd.s32 s29, v1  }
0x47: {  	s30 =	simm.s32 $0x1831;
	s3 =	simm.s32 $0x6680;
	v13 =	vadd.s32 s8, v1;
	[tilespmem:v12+s15+$0x0] =	vst.idx.msk $0xffff, v14;
	v12 =	vld [tilespmem:s2+$0x30]  }
0x48: {  	s31 =	simm.s32 $0x1832;
	v18 =	vld [tilespmem:s3+$0x40];
	v20 =	vmul.f32 $8.000000000e+00, v19;
	v14 =	vadd.s32 s30, v1;
	[tilespmem:v24+s15+$0x0] =	vst.idx.msk $0xffff, v21  }
0x49: {  	s10 =	simm.s32 $0xB;
	s5 =	simm.s32 $0x8;
	s2 =	simm.s32 $0xC;
	[tilespmem:v15+s15+$0x0] =	vst.idx.msk $0xffff, v9;
	v19 =	vmul.f32 $8.000000000e+00, v23;
	v9 =	vld [tilespmem:s0+$0x60];
	v15 =	vadd.s32 s31, v1  }
.LBB2_3:
0x4a: {  	p1 =	slt.u32 s2, $0x7C;
	v21 =	vld [tilespmem:s3+$0xFFFFFFC0];
	v22 =	vadd.s32 s10, v1;
	[tilespmem:v17+s15+$0x0] =	vst.idx.msk $0xffff, v20;
	s10 =	sadd.s32 $0x1023, s1;
	v11 =	vmul.f32 $8.000000000e+00, v11;
	s8 =	smov.u32 s3  }
0x4b: {  	s11 =	sadd.s32 $0x1, s5;
	v17 =	vld [tilespmem:s3+$0x0];
	[tilespmem:v16+s15+$0x0] =	vst.idx.msk $0xffff, v19;
	v16 =	vadd.s32 s10, v1;
	v10 =	vmul.f32 $8.000000000e+00, v10;
	s10 =	smov.u32 s1;
	s1 =	smov.u32 s5  }
0x4c: {  	v20 =	vadd.s32 s11, v1;
	s5 =	smov.u32 s2;
	v19 =	vld [tilespmem:s3+$0xFFFFFF80];
	s11 =	sadd.s32 $0x2, s1;
	[tilespmem:v13+s15+$0x0] =	vst.idx.msk $0xffff, v11;
	v11 =	vmul.f32 $8.000000000e+00, v12  }
0x4d: {  	v12 =	vadd.s32 s11, v1;
	v13 =	vmul.f32 $8.000000000e+00, v18;
	v18 =	vld [tilespmem:s0+$0xFFFFFFA0];
	[tilespmem:v14+s15+$0x0] =	vst.idx.msk $0xffff, v10  }
0x4e: {  	v10 =	vadd.s32 s1, v1;
	s11 =	sadd.s32 $0x1020, s10;
	v14 =	vld [tilespmem:s0+$0xFFFFFFE0];
	v9 =	vmul.f32 $8.000000000e+00, v9;
	[tilespmem:v15+s15+$0x0] =	vst.idx.msk $0xffff, v11  }
0x4f: {  	v11 =	vmul.f32 $8.000000000e+00, v21;
	[tilespmem:v22+s15+$0x0] =	vst.idx.msk $0xffff, v13;
	v13 =	vadd.s32 s11, v1;
	s11 =	sadd.s32 $0x1021, s10;
	v15 =	vld [tilespmem:s0+$0x20]  }
0x50: {  	v17 =	vmul.f32 $8.000000000e+00, v17;
	v21 =	vld [tilespmem:s3+$0x50];
	v22 =	vadd.s32 s11, v1;
	s11 =	sadd.s32 $0x1022, s10;
	[tilespmem:v16+s15+$0x0] =	vst.idx.msk $0xffff, v9  }
0x51: {  	s12 =	sadd.s32 $0x813, s1;
	v9 =	vmul.f32 $8.000000000e+00, v19;
	[tilespmem:v20+s15+$0x0] =	vst.idx.msk $0xffff, v11;
	v19 =	vadd.s32 s11, v1;
	v20 =	vld [tilespmem:s0+$0x70]  }
0x52: {  	s11 =	sadd.s32 $0x1833, s10;
	v23 =	vld [tilespmem:s3+$0xFFFFFFD0];
	[tilespmem:v12+s15+$0x0] =	vst.idx.msk $0xffff, v17;
	v12 =	vadd.s32 s12, v1;
	v11 =	vmul.f32 $8.000000000e+00, v18  }
0x53: {  	s12 =	sadd.s32 $0x811, s1;
	v24 =	vadd.s32 s11, v1;
	[tilespmem:v10+s15+$0x0] =	vst.idx.msk $0xffff, v9;
	v9 =	vld [tilespmem:s3+$0x10];
	v10 =	vmul.f32 $8.000000000e+00, v14  }
0x54: {  	s11 =	sadd.s32 $0x812, s1;
	v26 =	vadd.s32 s12, v1;
	v25 =	vld [tilespmem:s3+$0xFFFFFF90];
	[tilespmem:v13+s15+$0x0] =	vst.idx.msk $0xffff, v11;
	v13 =	vmul.f32 $8.000000000e+00, v15  }
.Ltmp2:
0x55: {  	s12 =	sadd.s32 $0x810, s1;
	v17 =	vadd.s32 s11, v1;
	v14 =	vmul.f32 $8.000000000e+00, v21;
	v11 =	vld [tilespmem:s0+$0xFFFFFFB0];
	[tilespmem:v22+s15+$0x0] =	vst.idx.msk $0xffff, v10;
	(pc) =	sbr.rel @p1 .LBB2_3-.Ltmp2, $4  }
0x56: {  	s11 =	sadd.s32 $0x1830, s10;
	v16 =	vadd.s32 s12, v1;
	v10 =	vld [tilespmem:s0+$0xFFFFFFF0];
	[tilespmem:v19+s15+$0x0] =	vst.idx.msk $0xffff, v13;
	v15 =	vmul.f32 $8.000000000e+00, v20  }
0x57: {  	s3 =	sadd.s32 $0x100, s3;
	v13 =	vadd.s32 s11, v1;
	s11 =	sadd.s32 $0x1831, s10;
	v21 =	vmul.f32 $8.000000000e+00, v23;
	[tilespmem:v12+s15+$0x0] =	vst.idx.msk $0xffff, v14;
	v12 =	vld [tilespmem:s0+$0x30]  }
0x58: {  	v14 =	vadd.s32 s11, v1;
	s0 =	sadd.s32 $0x1832, s10;
	v18 =	vld [tilespmem:s3+$0x40];
	v20 =	vmul.f32 $8.000000000e+00, v9;
	[tilespmem:v24+s15+$0x0] =	vst.idx.msk $0xffff, v15  }
0x59: {  	s2 =	sadd.s32 $0x4, s2;
	s10 =	sadd.s32 $0x3, s5;
	v15 =	vadd.s32 s0, v1;
	s0 =	smov.u32 s8;
	v19 =	vmul.f32 $8.000000000e+00, v25;
	[tilespmem:v26+s15+$0x0] =	vst.idx.msk $0xffff, v21;
	v9 =	vld [tilespmem:s8+$0x60]  }
0x5a: {  	v21 =	vld [tilespmem:s3+$0xFFFFFF80]  }
0x5b: {  	v22 =	vld [tilespmem:s3+$0xFFFFFFC0];
	v23 =	vadd.s32 s10, v1  }
0x5c: {  	s2 =	sadd.s32 $0x1, s5;
	v24 =	vld [tilespmem:s3+$0x0];
	v25 =	vadd.s32 s5, v1  }
0x5d: {  	s12 =	sadd.s32 $0x2, s5;
	v26 =	vadd.s32 s2, v1  }
0x5e: {  	v27 =	vadd.s32 s12, v1;
	v18 =	vmul.f32 $8.000000000e+00, v18  }
0x5f: {  	[tilespmem:v17+s15+$0x0] =	vst.idx.msk $0xffff, v20;
	v17 =	vmul.f32 $8.000000000e+00, v21  }
0x60: {  	[tilespmem:v23+s15+$0x0] =	vst.idx.msk $0xffff, v18;
	v18 =	vmul.f32 $8.000000000e+00, v22  }
0x61: {  	v20 =	vld [tilespmem:s3+$0x50];
	[tilespmem:v25+s15+$0x0] =	vst.idx.msk $0xffff, v17;
	v17 =	vmul.f32 $8.000000000e+00, v24  }
0x62: {  	s13 =	sadd.s32 $0x813, s5;
	[tilespmem:v26+s15+$0x0] =	vst.idx.msk $0xffff, v18;
	v18 =	vld [tilespmem:s3+$0xFFFFFF90]  }
0x63: {  	v11 =	vmul.f32 $8.000000000e+00, v11;
	s18 =	sadd.s32 $0x810, s5;
	v21 =	vld [tilespmem:s3+$0xFFFFFFD0];
	[tilespmem:v27+s15+$0x0] =	vst.idx.msk $0xffff, v17;
	v17 =	vadd.s32 s13, v1  }
0x64: {  	s8 =	sadd.s32 $0x811, s5;
	[tilespmem:v16+s15+$0x0] =	vst.idx.msk $0xffff, v19;
	v10 =	vmul.f32 $8.000000000e+00, v10;
	v19 =	vadd.s32 s18, v1;
	v16 =	vld [tilespmem:s3+$0x10]  }
0x65: {  	s22 =	sadd.s32 $0x812, s5;
	[tilespmem:v13+s15+$0x0] =	vst.idx.msk $0xffff, v11;
	v11 =	vmul.f32 $8.000000000e+00, v12;
	v12 =	vadd.s32 s8, v1  }
0x66: {  	s23 =	sadd.s32 $0x1023, s1;
	v13 =	vld [tilespmem:s0+$0xFFFFFFA0];
	[tilespmem:v14+s15+$0x0] =	vst.idx.msk $0xffff, v10;
	v10 =	vadd.s32 s22, v1;
	v14 =	vmul.f32 $8.000000000e+00, v20  }
0x67: {  	s24 =	sadd.s32 $0x1020, s1;
	[tilespmem:v15+s15+$0x0] =	vst.idx.msk $0xffff, v11;
	v22 =	vld [tilespmem:s0+$0xFFFFFFE0];
	v20 =	vadd.s32 s23, v1;
	v11 =	vmul.f32 $8.000000000e+00, v18  }
0x68: {  	s26 =	sadd.s32 $0x1021, s1;
	v15 =	vadd.s32 s24, v1;
	v18 =	vld [tilespmem:s0+$0x20];
	v21 =	vmul.f32 $8.000000000e+00, v21;
	[tilespmem:v17+s15+$0x0] =	vst.idx.msk $0xffff, v14  }
0x69: {  	s29 =	sadd.s32 $0x1022, s1;
	v14 =	vadd.s32 s26, v1;
	v16 =	vmul.f32 $8.000000000e+00, v16;
	v17 =	vld [tilespmem:s3+$0x60];
	[tilespmem:v19+s15+$0x0] =	vst.idx.msk $0xffff, v11  }
0x6a: {  	s30 =	sadd.s32 $0x1023, s5;
	v9 =	vmul.f32 $8.000000000e+00, v9;
	v11 =	vadd.s32 s29, v1;
	[tilespmem:v12+s15+$0x0] =	vst.idx.msk $0xffff, v21;
	v12 =	vld [tilespmem:s3+$0xFFFFFFA0]  }
0x6b: {  	s31 =	sadd.s32 $0x1020, s5;
	v13 =	vmul.f32 $8.000000000e+00, v13;
	[tilespmem:v10+s15+$0x0] =	vst.idx.msk $0xffff, v16;
	v10 =	vadd.s32 s30, v1;
	v16 =	vld [tilespmem:s3+$0xFFFFFFE0]  }
0x6c: {  	s8 =	sadd.s32 $0x1021, s5;
	v19 =	vadd.s32 s31, v1;
	[tilespmem:v20+s15+$0x0] =	vst.idx.msk $0xffff, v9;
	v9 =	vmul.f32 $8.000000000e+00, v22;
	v20 =	vld [tilespmem:s3+$0x20]  }
0x6d: {  	s10 =	sadd.s32 $0x1022, s5;
	[tilespmem:v15+s15+$0x0] =	vst.idx.msk $0xffff, v13;
	v15 =	vadd.s32 s8, v1;
	v21 =	vld [tilespmem:s0+$0x70];
	v13 =	vmul.f32 $8.000000000e+00, v18  }
0x6e: {  	s11 =	sadd.s32 $0x1833, s1;
	v18 =	vld [tilespmem:s0+$0xFFFFFFB0];
	[tilespmem:v14+s15+$0x0] =	vst.idx.msk $0xffff, v9;
	v14 =	vadd.s32 s10, v1;
	v9 =	vmul.f32 $8.000000000e+00, v17  }
0x6f: {  	s12 =	sadd.s32 $0x1830, s1;
	v17 =	vadd.s32 s11, v1;
	v22 =	vld [tilespmem:s0+$0xFFFFFFF0];
	[tilespmem:v11+s15+$0x0] =	vst.idx.msk $0xffff, v13;
	v11 =	vmul.f32 $8.000000000e+00, v12  }
0x70: {  	s13 =	sadd.s32 $0x1831, s1;
	v12 =	vadd.s32 s12, v1;
	v13 =	vld [tilespmem:s0+$0x30];
	[tilespmem:v10+s15+$0x0] =	vst.idx.msk $0xffff, v9;
	v9 =	vmul.f32 $8.000000000e+00, v16  }
0x71: {  	s18 =	sadd.s32 $0x1832, s1;
	v10 =	vadd.s32 s13, v1;
	v16 =	vld [tilespmem:s3+$0x70];
	[tilespmem:v19+s15+$0x0] =	vst.idx.msk $0xffff, v11;
	v11 =	vmul.f32 $8.000000000e+00, v20  }
0x72: {  	s22 =	sadd.s32 $0x1833, s5;
	v19 =	vmul.f32 $8.000000000e+00, v21;
	v20 =	vadd.s32 s18, v1;
	v21 =	vld [tilespmem:s3+$0xFFFFFFB0];
	[tilespmem:v15+s15+$0x0] =	vst.idx.msk $0xffff, v9  }
0x73: {  	s23 =	sadd.s32 $0x1830, s5;
	v9 =	vmul.f32 $8.000000000e+00, v18;
	v15 =	vadd.s32 s22, v1;
	v18 =	vld [tilespmem:s3+$0xFFFFFFF0];
	[tilespmem:v14+s15+$0x0] =	vst.idx.msk $0xffff, v11  }
0x74: {  	s24 =	sadd.s32 $0x1831, s5;
	[tilespmem:v17+s15+$0x0] =	vst.idx.msk $0xffff, v19;
	v11 =	vmul.f32 $8.000000000e+00, v22;
	v14 =	vadd.s32 s23, v1;
	v17 =	vld [tilespmem:s3+$0x30]  }
0x75: {  	s26 =	sadd.s32 $0x1832, s5;
	[tilespmem:v12+s15+$0x0] =	vst.idx.msk $0xffff, v9;
	v9 =	vmul.f32 $8.000000000e+00, v13;
	v12 =	vadd.s32 s24, v1  }
0x76: {  	s29 =	simm.s32 $0x81;
	[tilespmem:v10+s15+$0x0] =	vst.idx.msk $0xffff, v11;
	v11 =	vadd.s32 s26, v1;
	v10 =	vmul.f32 $8.000000000e+00, v16  }
0x77: {  	s28 =	simm.s32 $0x0;
	v13 =	vadd.s32 s29, v0;
	[tilespmem:v20+s15+$0x0] =	vst.idx.msk $0xffff, v9;
	v9 =	vmul.f32 $8.000000000e+00, v21  }
0x78: {  	[tilespmem:v15+s15+$0x0] =	vst.idx.msk $0xffff, v10;
	v10 =	vmul.f32 $8.000000000e+00, v18;
	v15 =	vadd.s32 s28, v0  }
0x79: {  	[tilespmem:v14+s15+$0x0] =	vst.idx.msk $0xffff, v9;
	v9 =	vmul.f32 $8.000000000e+00, v17  }
0x7a: {  	[tilespmem:v12+s15+$0x0] =	vst.idx.msk $0xffff, v10  }
0x7b: {  	[tilespmem:v11+s15+$0x0] =	vst.idx.msk $0xffff, v9  }
0x7c: {  	v9 =	vld.idx.msk [tilespmem:v13+s15+$0x0], $0xffff  }
0x7d: {  	v10 =	vadd.s32 s29, v2;
	v11 =	vld.idx.msk [tilespmem:v15+s15+$0x0], $0xffff  }
0x7e: {  	p4 =	por $0x1, $0x1;
	s31 =	simm.s32 $0x0;
	s30 =	simm.s32 $0x80;
	v12 =	vadd.s32 s28, v2  }
.Ltmp3:
0x7f: {  	s1 =	sand.u32 $0x1C00, s31;
	s0 =	sand.u32 $0x380, s30;
	(pc) =	sbr.rel @!p4 .LBB2_5-.Ltmp3, $4  }
0x80: {  	s0 =	sor.u32 s0, s1  }
0x81: {  	v31 =	vadd.s32 s29, v5;
	s26 =	simm.s32 $0xE4E0;
	[tilespmem:s0+$0xE4A0] =	vst v9  }
0x82: {  	p1 =	por $0x0, $0x0;
	v28 =	vadd.s32 s29, v6;
	v24 =	vadd.s32 s29, v7;
	v22 =	vadd.s32 s28, v3;
	[tilespmem:s26+$0xFFFFFFC0] =	vst v11;
	v17 =	vld.idx.msk [tilespmem:v10+s15+$0x0], $0xffff  }
0x83: {  	p2 =	por $0x0, $0x0;
	p3 =	por $0x0, $0x0;
	s1 =	simm.s32 $0x183;
	v14 =	vadd.s32 s29, v3;
	v13 =	vadd.s32 s29, v4;
	v9 =	vadd.s32 s29, v8;
	v18 =	vld.idx.msk [tilespmem:v12+s15+$0x0], $0xffff  }
0x84: {  	_ = 	snop  }
0x85: {  	s30 =	simm.s32 $0x102;
	v10 =	vadd.s32 s1, v0  }
0x86: {  	v11 =	vadd.s32 s30, v0  }
0x87: {  	[tilespmem:s0+$0xE4B0] =	vst v17  }
0x88: {  	[tilespmem:s26+$0xFFFFFFD0] =	vst v18;
	v12 =	vld.idx.msk [tilespmem:v14+s15+$0x0], $0xffff  }
0x89: {  	v14 =	vld.idx.msk [tilespmem:v22+s15+$0x0], $0xffff  }
0x8a: {  	v16 =	vadd.s32 s28, v4;
	v10 =	vld.idx.msk [tilespmem:v10+s15+$0x0], $0xffff  }
0x8b: {  	v17 =	vadd.s32 s1, v2;
	v11 =	vld.idx.msk [tilespmem:v11+s15+$0x0], $0xffff  }
0x8c: {  	s2 =	simm.s32 $0x180;
	s3 =	simm.s32 $0x100;
	p4 =	por $0x1, $0x1;
	v18 =	vadd.s32 s30, v2  }
.Ltmp4:
0x8d: {  	s3 =	sand.u32 $0x1C00, s3;
	s2 =	sand.u32 $0x380, s2;
	[tilespmem:s0+$0xE4C0] =	vst v12;
	(pc) =	sbr.rel @!p4 .LBB2_7-.Ltmp4, $4  }
0x8e: {  	s31 =	sor.u32 s2, s3;
	[tilespmem:s26+$0xFFFFFFE0] =	vst v14;
	v15 =	vld.idx.msk [tilespmem:v13+s15+$0x0], $0xffff  }
0x8f: {  	s18 =	simm.s32 $0xE5E0;
	v30 =	vadd.s32 s1, v5;
	v29 =	vadd.s32 s1, v6;
	v21 =	vadd.s32 s1, v7;
	[tilespmem:s31+$0xE4A0] =	vst v10;
	v16 =	vld.idx.msk [tilespmem:v16+s15+$0x0], $0xffff  }
0x90: {  	v25 =	vadd.s32 s28, v5;
	v22 =	vadd.s32 s30, v3;
	[tilespmem:s18+$0xFFFFFFC0] =	vst v11;
	v17 =	vld.idx.msk [tilespmem:v17+s15+$0x0], $0xffff  }
0x91: {  	p1 =	por $0x1, $0x1;
	v14 =	vadd.s32 s1, v3;
	v13 =	vadd.s32 s1, v4;
	v10 =	vadd.s32 s1, v8;
	s1 =	simm.s32 $0x285;
	v18 =	vld.idx.msk [tilespmem:v18+s15+$0x0], $0xffff  }
0x92: {  	_ =	sdelay $0x2  }
0x93: {  	s10 =	simm.s32 $0x204;
	v11 =	vadd.s32 s1, v0;
	[tilespmem:s0+$0xE4D0] =	vst v15  }
0x94: {  	v12 =	vadd.s32 s10, v0;
	[tilespmem:s26+$0xFFFFFFF0] =	vst v16;
	v15 =	vld.idx.msk [tilespmem:v31+s15+$0x0], $0xffff  }
0x95: {  	[tilespmem:s31+$0xE4B0] =	vst v17;
	v16 =	vld.idx.msk [tilespmem:v25+s15+$0x0], $0xffff  }
0x96: {  	v17 =	vadd.s32 s28, v6;
	[tilespmem:s18+$0xFFFFFFD0] =	vst v18;
	v14 =	vld.idx.msk [tilespmem:v14+s15+$0x0], $0xffff  }
0x97: {  	v18 =	vld.idx.msk [tilespmem:v22+s15+$0x0], $0xffff  }
0x98: {  	v19 =	vadd.s32 s30, v4;
	v11 =	vld.idx.msk [tilespmem:v11+s15+$0x0], $0xffff  }
0x99: {  	v20 =	vadd.s32 s1, v2;
	v12 =	vld.idx.msk [tilespmem:v12+s15+$0x0], $0xffff;
	[tilespmem:s0+$0xE4E0] =	vst v15  }
0x9a: {  	s2 =	simm.s32 $0x280;
	s3 =	simm.s32 $0x200;
	v22 =	vadd.s32 s10, v2;
	[tilespmem:s26+$0x0] =	vst v16;
	v25 =	vld.idx.msk [tilespmem:v28+s15+$0x0], $0xffff  }
0x9b: {  	p4 =	por $0x1, $0x1;
	s3 =	sand.u32 $0x1C00, s3;
	s2 =	sand.u32 $0x380, s2;
	[tilespmem:s31+$0xE4C0] =	vst v14;
	v26 =	vld.idx.msk [tilespmem:v17+s15+$0x0], $0xffff  }
.Ltmp5:
0x9c: {  	s29 =	sor.u32 s2, s3;
	[tilespmem:s18+$0xFFFFFFE0] =	vst v18;
	v15 =	vld.idx.msk [tilespmem:v13+s15+$0x0], $0xffff;
	(pc) =	sbr.rel @!p4 .LBB2_9-.Ltmp5, $4  }
0x9d: {  	v27 =	vadd.s32 s1, v5;
	s3 =	simm.s32 $0xE6E0;
	[tilespmem:s29+$0xE4A0] =	vst v11;
	v16 =	vld.idx.msk [tilespmem:v19+s15+$0x0], $0xffff  }
0x9e: {  	v23 =	vadd.s32 s1, v6;
	v14 =	vadd.s32 s1, v3;
	v13 =	vadd.s32 s1, v4;
	[tilespmem:s3+$0xFFFFFFC0] =	vst v12;
	v17 =	vld.idx.msk [tilespmem:v20+s15+$0x0], $0xffff  }
0x9f: {  	v19 =	vadd.s32 s1, v7;
	v20 =	vadd.s32 s1, v8;
	v12 =	vadd.s32 s28, v7;
	v18 =	vld.idx.msk [tilespmem:v22+s15+$0x0], $0xffff;
	[tilespmem:s0+$0xE4F0] =	vst v25  }
0xa0: {  	p2 =	por $0x1, $0x1;
	s1 =	simm.s32 $0x387;
	v22 =	vadd.s32 s10, v3;
	v25 =	vadd.s32 s30, v5;
	[tilespmem:s26+$0x10] =	vst v26;
	v11 =	vld.idx.msk [tilespmem:v24+s15+$0x0], $0xffff  }
0xa1: {  	_ =	sdelay $0x3  }
0xa2: {  	s8 =	simm.s32 $0x306;
	v24 =	vadd.s32 s1, v0;
	[tilespmem:s31+$0xE4D0] =	vst v15;
	v15 =	vld.idx.msk [tilespmem:v12+s15+$0x0], $0xffff  }
0xa3: {  	v26 =	vadd.s32 s8, v0;
	[tilespmem:s18+$0xFFFFFFF0] =	vst v16;
	v16 =	vld.idx.msk [tilespmem:v30+s15+$0x0], $0xffff  }
0xa4: {  	[tilespmem:s29+$0xE4B0] =	vst v17;
	v17 =	vld.idx.msk [tilespmem:v25+s15+$0x0], $0xffff;
	v25 =	vadd.s32 s28, v8  }
0xa5: {  	[tilespmem:s3+$0xFFFFFFD0] =	vst v18;
	v14 =	vld.idx.msk [tilespmem:v14+s15+$0x0], $0xffff  }
0xa6: {  	v18 =	vld.idx.msk [tilespmem:v22+s15+$0x0], $0xffff;
	v22 =	vadd.s32 s30, v6  }
0xa7: {  	[tilespmem:s0+$0xE500] =	vst v11;
	v24 =	vld.idx.msk [tilespmem:v24+s15+$0x0], $0xffff  }
0xa8: {  	v28 =	vadd.s32 s10, v4;
	[tilespmem:s26+$0x20] =	vst v15;
	v26 =	vld.idx.msk [tilespmem:v26+s15+$0x0], $0xffff  }
0xa9: {  	v30 =	vadd.s32 s1, v2;
	[tilespmem:s31+$0xE4E0] =	vst v16;
	v25 =	vld.idx.msk [tilespmem:v25+s15+$0x0], $0xffff  }
0xaa: {  	s11 =	simm.s32 $0x380;
	s2 =	simm.s32 $0x300;
	[tilespmem:s18+$0x0] =	vst v17;
	v33 =	vld.idx.msk [tilespmem:v29+s15+$0x0], $0xffff  }
0xab: {  	v31 =	vadd.s32 s8, v2;
	s2 =	sand.u32 $0x1C00, s2;
	s5 =	sand.u32 $0x380, s11;
	[tilespmem:s29+$0xE4C0] =	vst v14;
	v35 =	vld.idx.msk [tilespmem:v22+s15+$0x0], $0xffff  }
0xac: {  	p4 =	por $0x1, $0x1;
	s13 =	sor.u32 s5, s2;
	[tilespmem:s3+$0xFFFFFFE0] =	vst v18;
	v15 =	vld.idx.msk [tilespmem:v13+s15+$0x0], $0xffff  }
.Ltmp6:
0xad: {  	s23 =	simm.s32 $0xE7E0;
	v32 =	vadd.s32 s30, v7;
	[tilespmem:s13+$0xE4A0] =	vst v24;
	v16 =	vld.idx.msk [tilespmem:v28+s15+$0x0], $0xffff;
	(pc) =	sbr.rel @!p4 .LBB2_11-.Ltmp6, $4  }
0xae: {  	[tilespmem:s23+$0xFFFFFFC0] =	vst v26;
	v17 =	vld.idx.msk [tilespmem:v30+s15+$0x0], $0xffff  }
0xaf: {  	v34 =	vadd.s32 s1, v7;
	v26 =	vld.idx.msk [tilespmem:v9+s15+$0x0], $0xffff;
	[tilespmem:s26+$0x30] =	vst v25;
	v25 =	vadd.s32 s10, v5  }
0xb0: {  	s12 =	simm.s32 $0x489;
	p3 =	por $0x1, $0x1;
	v29 =	vadd.s32 s1, v6;
	v14 =	vadd.s32 s1, v3;
	v13 =	vadd.s32 s1, v4;
	v18 =	vld.idx.msk [tilespmem:v31+s15+$0x0], $0xffff;
	[tilespmem:s31+$0xE4F0] =	vst v33  }
0xb1: {  	s2 =	simm.s32 $0x6;
	s5 =	smov.u32 s0;
	v22 =	vadd.s32 s8, v3;
	v24 =	vadd.s32 s1, v8;
	v30 =	vadd.s32 s1, v5;
	s1 =	simm.s32 $0xE7E0;
	v33 =	vld.idx.msk [tilespmem:v21+s15+$0x0], $0xffff;
	[tilespmem:s18+$0x10] =	vst v35  }
.LBB2_12:
0xb2: {  	s24 =	sadd.s32 $0xFFFFFF7F, s12;
	v21 =	vadd.s32 s12, v0;
	v28 =	vadd.s32 s12, v2;
	v31 =	vadd.s32 s12, v3;
	s2 =	sadd.s32 $0x2, s2;
	[tilespmem:s29+$0xE4D0] =	vst v15;
	v15 =	vld.idx.msk [tilespmem:v32+s15+$0x0], $0xffff  }
0xb3: {  	v35 =	vadd.s32 s12, v4;
	v32 =	vadd.s32 s24, v0;
	p4 =	slt.u32 s2, $0x3E;
	[tilespmem:s3+$0xFFFFFFF0] =	vst v16;
	v16 =	vld.idx.msk [tilespmem:v27+s15+$0x0], $0xffff;
	v27 =	vmovc v30;
	v30 =	vadd.s32 s12, v5  }
0xb4: {  	v36 =	vadd.s32 s12, v6;
	v37 =	vadd.s32 s12, v7;
	[tilespmem:s13+$0xE4B0] =	vst v17;
	v17 =	vld.idx.msk [tilespmem:v25+s15+$0x0], $0xffff;
	v25 =	vadd.s32 s30, v8;
	s30 =	smov.u32 s10;
	s10 =	smov.u32 s8;
	s8 =	smov.u32 s24  }
0xb5: {  	v38 =	vadd.s32 s12, v8;
	[tilespmem:s23+$0xFFFFFFD0] =	vst v18;
	v18 =	vld.idx.msk [tilespmem:v14+s15+$0x0], $0xffff;
	v14 =	vmov v31  }
0xb6: {  	v31 =	vadd.s32 s30, v6;
	v22 =	vld.idx.msk [tilespmem:v22+s15+$0x0], $0xffff;
	[tilespmem:s5+$0xE510] =	vst v26;
	s5 =	smov.u32 s31;
	s31 =	smov.u32 s29;
	s29 =	smov.u32 s13  }
0xb7: {  	v21 =	vld.idx.msk [tilespmem:v21+s15+$0x0], $0xffff;
	[tilespmem:s5+$0xE500] =	vst v33  }
0xb8: {  	v26 =	vld.idx.msk [tilespmem:v32+s15+$0x0], $0xffff;
	v32 =	vadd.s32 s10, v4;
	[tilespmem:s18+$0x20] =	vst v15  }
0xb9: {  	s11 =	sadd.s32 $0x100, s11;
	[tilespmem:s31+$0xE4E0] =	vst v16;
	v33 =	vld.idx.msk [tilespmem:v25+s15+$0x0], $0xffff  }
0xba: {  	s13 =	sadd.s32 $0xFFFFFF80, s11;
	v25 =	vadd.s32 s8, v2;
	[tilespmem:s3+$0x0] =	vst v17;
	v39 =	vld.idx.msk [tilespmem:v23+s15+$0x0], $0xffff;
	v23 =	vmov v29;
	v29 =	vmov v36  }
0xbb: {  	s24 =	sand.u32 $0x380, s11;
	s13 =	sand.u32 $0x1C00, s13;
	[tilespmem:s29+$0xE4C0] =	vst v18;
	v31 =	vld.idx.msk [tilespmem:v31+s15+$0x0], $0xffff  }
0xbc: {  	s13 =	sor.u32 s24, s13;
	[tilespmem:s23+$0xFFFFFFE0] =	vst v22;
	v15 =	vld.idx.msk [tilespmem:v13+s15+$0x0], $0xffff;
	v13 =	vmov v35  }
.Ltmp7:
0xbd: {  	s23 =	sadd.s32 $0x100, s23;
	[tilespmem:s13+$0xE4A0] =	vst v21;
	v16 =	vld.idx.msk [tilespmem:v32+s15+$0x0], $0xffff;
	v32 =	vadd.s32 s30, v7;
	(pc) =	sbr.rel @p4 .LBB2_12-.Ltmp7, $4  }
0xbe: {  	[tilespmem:s23+$0xFFFFFFC0] =	vst v26;
	v17 =	vld.idx.msk [tilespmem:v28+s15+$0x0], $0xffff  }
0xbf: {  	v18 =	vld.idx.msk [tilespmem:v25+s15+$0x0], $0xffff;
	v25 =	vadd.s32 s10, v5;
	[tilespmem:s18+$0x30] =	vst v33;
	s18 =	smov.u32 s3;
	s3 =	smov.u32 s1;
	s1 =	smov.u32 s23  }
0xc0: {  	[tilespmem:s31+$0xE4F0] =	vst v39;
	v26 =	vld.idx.msk [tilespmem:v10+s15+$0x0], $0xffff;
	v10 =	vmov v20;
	v20 =	vmov v24;
	v24 =	vmov v38  }
0xc1: {  	s12 =	sadd.s32 $0x102, s12;
	v22 =	vadd.s32 s8, v3;
	[tilespmem:s18+$0x10] =	vst v31;
	v33 =	vld.idx.msk [tilespmem:v19+s15+$0x0], $0xffff;
	v19 =	vmov v34;
	v34 =	vmov v37  }
0xc2: {  	s12 =	smov.u32 s29;
	s11 =	smov.u32 s3  }
0xc3: {  	s24 =	smov.u32 s30;
	s2 =	smov.u32 s18;
	v35 =	vmov v10;
	v31 =	vmov v27;
	s29 =	smov.u32 s13  }
0xc4: {  	s30 =	smov.u32 s8;
	s3 =	smov.u32 s23;
	v28 =	vmovc v23;
	s18 =	smov.u32 s1;
	v36 =	vmovc v20;
	v10 =	vmov v24;
	v24 =	vmov v19;
	v21 =	vmov v34  }
.LBB2_14:
0xc5: {  	_ =	sdelay $0x2  }
0xc6: {  	[tilespmem:s3+$0xFFFFFFD0] =	vst v18  }
0xc7: {  	[tilespmem:s29+$0xE4B0] =	vst v17;
	v52 =	vld.idx.msk [tilespmem:v22+s15+$0x0], $0xffff  }
0xc8: {  	v53 =	vadd.s32 s30, v4;
	v14 =	vld.idx.msk [tilespmem:v14+s15+$0x0], $0xffff  }
0xc9: {  	[tilespmem:s11+$0xFFFFFFF0] =	vst @p1 v16  }
0xca: {  	[tilespmem:s12+$0xE4D0] =	vst @p1 v15;
	s1 =	smov.u32 @p1 s10;
	v17 =	vld.idx.msk @p1 [tilespmem:v25+s15+$0x0], $0xffff  }
0xcb: {  	v16 =	vld.idx.msk @p1 [tilespmem:v31+s15+$0x0], $0xffff;
	v18 =	vadd.s32 @p1 s1, v6  }
0xcc: {  	[tilespmem:s3+$0xFFFFFFE0] =	vst v52  }
0xcd: {  	[tilespmem:s29+$0xE4C0] =	vst v14;
	v54 =	vld.idx.msk [tilespmem:v53+s15+$0x0], $0xffff  }
0xce: {  	v55 =	vadd.s32 s30, v5;
	v13 =	vld.idx.msk [tilespmem:v13+s15+$0x0], $0xffff  }
0xcf: {  	s3 =	smov.u32 @p1 s12;
	[tilespmem:s11+$0x0] =	vst @p1 v17  }
0xd0: {  	[tilespmem:s3+$0xE4E0] =	vst @p1 v16;
	v17 =	vld.idx.msk @p1 [tilespmem:v18+s15+$0x0], $0xffff;
	v18 =	vadd.s32 @p1 s1, v7  }
0xd1: {  	v16 =	vld.idx.msk @p1 [tilespmem:v28+s15+$0x0], $0xffff;
	v12 =	vpsel p1, v18, v12  }
0xd2: {  	[tilespmem:s18+$0xFFFFFFF0] =	vst v54  }
0xd3: {  	[tilespmem:s29+$0xE4D0] =	vst v13;
	v56 =	vld.idx.msk [tilespmem:v55+s15+$0x0], $0xffff  }
0xd4: {  	v58 =	vadd.s32 s30, v6;
	s8 =	smov.u32 @p1 s11;
	v57 =	vld.idx.msk [tilespmem:v30+s15+$0x0], $0xffff  }
0xd5: {  	v18 =	vld.idx.msk @p2 [tilespmem:v32+s15+$0x0], $0xffff;
	[tilespmem:s8+$0x10] =	vst @p1 v17  }
0xd6: {  	[tilespmem:s3+$0xE4F0] =	vst @p1 v16;
	v12 =	vld.idx.msk @p1 [tilespmem:v12+s15+$0x0], $0xffff  }
0xd7: {  	v17 =	vld.idx.msk @p1 [tilespmem:v24+s15+$0x0], $0xffff  }
0xd8: {  	s28 =	smov.u32 @p1 s1;
	[tilespmem:s18+$0x0] =	vst v56  }
0xd9: {  	v19 =	vadd.s32 @p1 s28, v8;
	[tilespmem:s29+$0xE4E0] =	vst v57;
	v59 =	vld.idx.msk [tilespmem:v58+s15+$0x0], $0xffff  }
0xda: {  	v61 =	vadd.s32 s30, v7;
	v60 =	vld.idx.msk [tilespmem:v29+s15+$0x0], $0xffff  }
0xdb: {  	s26 =	smov.u32 @p1 s8;
	[tilespmem:s2+$0x20] =	vst @p2 v18;
	v18 =	vmov @p1 v36  }
0xdc: {  	s0 =	smov.u32 @p1 s3;
	v9 =	vpsel p1, v18, v9;
	[tilespmem:s26+$0x20] =	vst @p1 v12;
	v11 =	vpsel p1, v17, v11  }
0xdd: {  	[tilespmem:s0+$0xE500] =	vst @p1 v11  }
0xde: {  	v13 =	vadd.s32 @p2 s24, v8;
	v11 =	vld.idx.msk @p1 [tilespmem:v19+s15+$0x0], $0xffff;
	[tilespmem:s18+$0x10] =	vst v59  }
0xdf: {  	[tilespmem:s29+$0xE4F0] =	vst v60;
	v14 =	vld.idx.msk [tilespmem:v61+s15+$0x0], $0xffff  }
0xe0: {  	v62 =	vadd.s32 s30, v8;
	s1 =	smov.u32 @p2 s31;
	v15 =	vld.idx.msk [tilespmem:v21+s15+$0x0], $0xffff  }
0xe1: {  	[tilespmem:s1+$0xE500] =	vst @p2 v33;
	v9 =	vld.idx.msk @p1 [tilespmem:v9+s15+$0x0], $0xffff  }
0xe2: {  	v18 =	vld.idx.msk @p2 [tilespmem:v35+s15+$0x0], $0xffff  }
0xe3: {  	[tilespmem:s5+$0xE510] =	vst @p3 v26;
	v13 =	vld.idx.msk @p2 [tilespmem:v13+s15+$0x0], $0xffff  }
0xe4: {  	[tilespmem:s18+$0x20] =	vst v14  }
0xe5: {  	[tilespmem:s29+$0xE500] =	vst v15;
	v63 =	vld.idx.msk [tilespmem:v62+s15+$0x0], $0xffff  }
0xe6: {  	s0 =	smov.u32 @p1 s0;
	[tilespmem:s26+$0x30] =	vst @p1 v11;
	v9 =	vpsel p1, v9, v0;
	v10 =	vld.idx.msk [tilespmem:v10+s15+$0x0], $0xffff  }
0xe7: {  	[tilespmem:s0+$0xE510] =	vst @p1 v9;
	p1 =	sne.s32 s25, $0x63  }
.Ltmp8:
0xe8: {  	s1 =	smov.u32 @p2 s1;
	[tilespmem:s2+$0x30] =	vst @p2 v13;
	v13 =	vpsel p2, v18, v0;
	(pc) =	sbr.rel @p1 .LBB2_16-.Ltmp8, $4  }
0xe9: {  	s28 =	sshll.u32 s25, $0x10;
	[tilespmem:s1+$0xE510] =	vst @p2 v13  }
0xea: {  	s30 =	rddreg [dreg:$0x1];
	s26 =	sor.u32 s6, s28;
	[tilespmem:s18+$0x30] =	vst v63  }
0xeb: {  	s31 =	simm.s32 $0xE4A0;
	s0 =	sadd.s32 s30, s26;
	[tilespmem:s29+$0xE510] =	vst v10  }
0xec: {  	[hbm4b:s0+s16] =	stream.strided.scatter [tilespmem:s31], [sflag:$0x3], $0x2000, s17, s16, $0x38;
	[tilespmem:$0x124A0] =	vst v63  }
.Ltmp9:
0xed: {  	(pc) =	sbr.rel .LBB2_17-.Ltmp9, $4  }
0xee: {  	_ = 	snop  }
0xef: {  	_ =	swait.ge [sflag:s19], $0x2000  }
0xf0: {  	[sflag:s19] =	ssyncset.done $0x0  }
0xf1: {  	[sflag:s19] =	ssyncadd.s32 $0xFFFFE000  }
.LBB2_16:
0xf2: {  	s0 =	sshll.u32 s25, $0x8  }
0xf3: {  	s0 =	sand.u32 $0x3FFFFF00, s0  }
.Ltmp10:
0xf4: {  	s1 =	simm.s32 $0x6400;
	s0 =	sadd.s32 $0x100, s0;
	(pc) =	sbr.rel @p0 .LBB2_18-.Ltmp10, $4  }
0xf5: {  	[tilespmem:s1], [sflag:$0x1] =	stream.indirect.gather [hbm4b:s4+s9], $0x40, s0, s9, $0xb8;
	[tilespmem:$0x124A0] =	vst v63  }
0xf6: {  	_ =	swait.ge [sflag:s19], $0x2000  }
0xf7: {  	[sflag:s19] =	ssyncset.done $0x0  }
0xf8: {  	[sflag:s19] =	ssyncadd.s32 $0xFFFFE000  }
.LBB2_17:
0xf9: {  	_ =	swait.ge [sflag:s20], $0x2000  }
0xfa: {  	[sflag:s20] =	ssyncset.done $0x0  }
0xfb: {  	[sflag:s20] =	ssyncadd.s32 $0xFFFFE000  }
.LBB2_18:
0xfc: {  	s2 =	simm.s32 $0x8480  }
0xfd: {  	v9 =	vld [tilespmem:s2+$0x40]  }
0xfe: {  	s0 =	simm.s32 $0x3  }
0xff: {  	v10 =	vadd.s32 s0, v1  }
0x100: {  	v11 =	vld [tilespmem:s2+$0xFFFFFF80]  }
0x101: {  	s30 =	simm.s32 $0x0  }
0x102: {  	v12 =	vld [tilespmem:s2+$0xFFFFFFC0];
	v14 =	vadd.s32 s30, v1;
	v9 =	vmul.f32 $8.000000000e+00, v9  }
0x103: {  	s1 =	simm.s32 $0x1;
	v13 =	vld [tilespmem:s2+$0x0]  }
0x104: {  	s31 =	simm.s32 $0x2;
	v15 =	vadd.s32 s1, v1;
	[tilespmem:v10+s21+$0x0] =	vst.idx.msk $0xffff, v9  }
0x105: {  	v11 =	vmul.f32 $8.000000000e+00, v11;
	v9 =	vadd.s32 s31, v1;
	v10 =	vld [tilespmem:s2+$0x50]  }
0x106: {  	s1 =	simm.s32 $0x813  }
0x107: {  	v16 =	vadd.s32 s1, v1;
	v12 =	vmul.f32 $8.000000000e+00, v12;
	[tilespmem:v14+s21+$0x0] =	vst.idx.msk $0xffff, v11  }
0x108: {  	v13 =	vmul.f32 $8.000000000e+00, v13;
	v11 =	vld [tilespmem:s2+$0xFFFFFF90]  }
0x109: {  	s3 =	simm.s32 $0x810;
	[tilespmem:v15+s21+$0x0] =	vst.idx.msk $0xffff, v12  }
0x10a: {  	v12 =	vld [tilespmem:s2+$0xFFFFFFD0];
	[tilespmem:v9+s21+$0x0] =	vst.idx.msk $0xffff, v13;
	v13 =	vadd.s32 s3, v1;
	v9 =	vmul.f32 $8.000000000e+00, v10  }
0x10b: {  	s5 =	simm.s32 $0x811;
	s0 =	simm.s32 $0x8580;
	v10 =	vld [tilespmem:s2+$0x10]  }
0x10c: {  	s8 =	simm.s32 $0x812;
	v14 =	vadd.s32 s5, v1;
	[tilespmem:v16+s21+$0x0] =	vst.idx.msk $0xffff, v9;
	v9 =	vld [tilespmem:s0+$0x40]  }
0x10d: {  	s10 =	simm.s32 $0x7;
	v17 =	vld [tilespmem:s0+$0xFFFFFFC0];
	v15 =	vadd.s32 s8, v1;
	v11 =	vmul.f32 $8.000000000e+00, v11  }
0x10e: {  	v18 =	vadd.s32 s10, v1;
	s3 =	simm.s32 $0x5;
	v16 =	vld [tilespmem:s2+$0x60]  }
0x10f: {  	s11 =	simm.s32 $0x1023;
	v19 =	vld [tilespmem:s0+$0x0];
	v12 =	vmul.f32 $8.000000000e+00, v12;
	[tilespmem:v13+s21+$0x0] =	vst.idx.msk $0xffff, v11;
	v13 =	vadd.s32 s3, v1  }
0x110: {  	v20 =	vadd.s32 s11, v1;
	v11 =	vld [tilespmem:s0+$0xFFFFFF80];
	v10 =	vmul.f32 $8.000000000e+00, v10  }
0x111: {  	s12 =	simm.s32 $0x6;
	[tilespmem:v14+s21+$0x0] =	vst.idx.msk $0xffff, v12;
	v14 =	vld [tilespmem:s2+$0xFFFFFFA0];
	v9 =	vmul.f32 $8.000000000e+00, v9  }
0x112: {  	s1 =	simm.s32 $0x4;
	v17 =	vmul.f32 $8.000000000e+00, v17;
	v12 =	vadd.s32 s12, v1;
	[tilespmem:v15+s21+$0x0] =	vst.idx.msk $0xffff, v10;
	v15 =	vld [tilespmem:s2+$0xFFFFFFE0]  }
0x113: {  	s13 =	simm.s32 $0x1020;
	v10 =	vadd.s32 s1, v1;
	v16 =	vmul.f32 $8.000000000e+00, v16;
	[tilespmem:v18+s21+$0x0] =	vst.idx.msk $0xffff, v9;
	v18 =	vld [tilespmem:s2+$0x20]  }
0x114: {  	s18 =	simm.s32 $0x1021;
	v9 =	vadd.s32 s13, v1;
	[tilespmem:v13+s21+$0x0] =	vst.idx.msk $0xffff, v17;
	v21 =	vld [tilespmem:s0+$0x50]  }
0x115: {  	s22 =	simm.s32 $0x1022;
	v22 =	vadd.s32 s18, v1;
	v19 =	vmul.f32 $8.000000000e+00, v19;
	[tilespmem:v20+s21+$0x0] =	vst.idx.msk $0xffff, v16;
	v20 =	vld [tilespmem:s0+$0xFFFFFFD0]  }
0x116: {  	s5 =	simm.s32 $0x817;
	v11 =	vmul.f32 $8.000000000e+00, v11;
	v13 =	vadd.s32 s22, v1;
	v16 =	vld [tilespmem:s2+$0x70]  }
0x117: {  	s24 =	simm.s32 $0x815;
	[tilespmem:v12+s21+$0x0] =	vst.idx.msk $0xffff, v19;
	v12 =	vadd.s32 s5, v1;
	v14 =	vmul.f32 $8.000000000e+00, v14  }
0x118: {  	s23 =	simm.s32 $0x1833;
	v24 =	vadd.s32 s24, v1;
	v19 =	vld [tilespmem:s0+$0x10];
	[tilespmem:v10+s21+$0x0] =	vst.idx.msk $0xffff, v11;
	v10 =	vmul.f32 $8.000000000e+00, v15  }
0x119: {  	s28 =	simm.s32 $0x816;
	v15 =	vadd.s32 s23, v1;
	v23 =	vld [tilespmem:s0+$0xFFFFFF90];
	[tilespmem:v9+s21+$0x0] =	vst.idx.msk $0xffff, v14;
	v9 =	vmul.f32 $8.000000000e+00, v18  }
0x11a: {  	s29 =	simm.s32 $0x814;
	v17 =	vadd.s32 s28, v1;
	[tilespmem:v22+s21+$0x0] =	vst.idx.msk $0xffff, v10;
	v14 =	vmul.f32 $8.000000000e+00, v21;
	v11 =	vld [tilespmem:s2+$0xFFFFFFB0]  }
0x11b: {  	s8 =	simm.s32 $0x1830;
	v10 =	vld [tilespmem:s2+$0xFFFFFFF0];
	v21 =	vmul.f32 $8.000000000e+00, v20;
	[tilespmem:v13+s21+$0x0] =	vst.idx.msk $0xffff, v9;
	v9 =	vmul.f32 $8.000000000e+00, v16;
	v16 =	vadd.s32 s29, v1  }
0x11c: {  	s30 =	simm.s32 $0x1831;
	s3 =	simm.s32 $0x8680;
	v13 =	vadd.s32 s8, v1;
	[tilespmem:v12+s21+$0x0] =	vst.idx.msk $0xffff, v14;
	v12 =	vld [tilespmem:s2+$0x30]  }
0x11d: {  	s31 =	simm.s32 $0x1832;
	v18 =	vld [tilespmem:s3+$0x40];
	v20 =	vmul.f32 $8.000000000e+00, v19;
	v14 =	vadd.s32 s30, v1;
	[tilespmem:v24+s21+$0x0] =	vst.idx.msk $0xffff, v21  }
0x11e: {  	s10 =	simm.s32 $0xB;
	s5 =	simm.s32 $0x8;
	s2 =	simm.s32 $0xC;
	[tilespmem:v15+s21+$0x0] =	vst.idx.msk $0xffff, v9;
	v19 =	vmul.f32 $8.000000000e+00, v23;
	v9 =	vld [tilespmem:s0+$0x60];
	v15 =	vadd.s32 s31, v1  }
.LBB2_19:
0x11f: {  	p0 =	slt.u32 s2, $0x7C;
	v21 =	vld [tilespmem:s3+$0xFFFFFFC0];
	v22 =	vadd.s32 s10, v1;
	[tilespmem:v17+s21+$0x0] =	vst.idx.msk $0xffff, v20;
	s10 =	sadd.s32 $0x1023, s1;
	v11 =	vmul.f32 $8.000000000e+00, v11;
	s8 =	smov.u32 s3  }
0x120: {  	s11 =	sadd.s32 $0x1, s5;
	v17 =	vld [tilespmem:s3+$0x0];
	[tilespmem:v16+s21+$0x0] =	vst.idx.msk $0xffff, v19;
	v16 =	vadd.s32 s10, v1;
	v10 =	vmul.f32 $8.000000000e+00, v10;
	s10 =	smov.u32 s1;
	s1 =	smov.u32 s5  }
0x121: {  	v20 =	vadd.s32 s11, v1;
	s5 =	smov.u32 s2;
	v19 =	vld [tilespmem:s3+$0xFFFFFF80];
	s11 =	sadd.s32 $0x2, s1;
	[tilespmem:v13+s21+$0x0] =	vst.idx.msk $0xffff, v11;
	v11 =	vmul.f32 $8.000000000e+00, v12  }
0x122: {  	v12 =	vadd.s32 s11, v1;
	v13 =	vmul.f32 $8.000000000e+00, v18;
	v18 =	vld [tilespmem:s0+$0xFFFFFFA0];
	[tilespmem:v14+s21+$0x0] =	vst.idx.msk $0xffff, v10  }
0x123: {  	v10 =	vadd.s32 s1, v1;
	s11 =	sadd.s32 $0x1020, s10;
	v14 =	vld [tilespmem:s0+$0xFFFFFFE0];
	v9 =	vmul.f32 $8.000000000e+00, v9;
	[tilespmem:v15+s21+$0x0] =	vst.idx.msk $0xffff, v11  }
0x124: {  	v11 =	vmul.f32 $8.000000000e+00, v21;
	[tilespmem:v22+s21+$0x0] =	vst.idx.msk $0xffff, v13;
	v13 =	vadd.s32 s11, v1;
	s11 =	sadd.s32 $0x1021, s10;
	v15 =	vld [tilespmem:s0+$0x20]  }
0x125: {  	v17 =	vmul.f32 $8.000000000e+00, v17;
	v21 =	vld [tilespmem:s3+$0x50];
	v22 =	vadd.s32 s11, v1;
	s11 =	sadd.s32 $0x1022, s10;
	[tilespmem:v16+s21+$0x0] =	vst.idx.msk $0xffff, v9  }
0x126: {  	s12 =	sadd.s32 $0x813, s1;
	v9 =	vmul.f32 $8.000000000e+00, v19;
	[tilespmem:v20+s21+$0x0] =	vst.idx.msk $0xffff, v11;
	v19 =	vadd.s32 s11, v1;
	v20 =	vld [tilespmem:s0+$0x70]  }
0x127: {  	s11 =	sadd.s32 $0x1833, s10;
	v23 =	vld [tilespmem:s3+$0xFFFFFFD0];
	[tilespmem:v12+s21+$0x0] =	vst.idx.msk $0xffff, v17;
	v12 =	vadd.s32 s12, v1;
	v11 =	vmul.f32 $8.000000000e+00, v18  }
0x128: {  	s12 =	sadd.s32 $0x811, s1;
	v24 =	vadd.s32 s11, v1;
	[tilespmem:v10+s21+$0x0] =	vst.idx.msk $0xffff, v9;
	v9 =	vld [tilespmem:s3+$0x10];
	v10 =	vmul.f32 $8.000000000e+00, v14  }
0x129: {  	s11 =	sadd.s32 $0x812, s1;
	v26 =	vadd.s32 s12, v1;
	v25 =	vld [tilespmem:s3+$0xFFFFFF90];
	[tilespmem:v13+s21+$0x0] =	vst.idx.msk $0xffff, v11;
	v13 =	vmul.f32 $8.000000000e+00, v15  }
.Ltmp11:
0x12a: {  	s12 =	sadd.s32 $0x810, s1;
	v17 =	vadd.s32 s11, v1;
	v14 =	vmul.f32 $8.000000000e+00, v21;
	v11 =	vld [tilespmem:s0+$0xFFFFFFB0];
	[tilespmem:v22+s21+$0x0] =	vst.idx.msk $0xffff, v10;
	(pc) =	sbr.rel @p0 .LBB2_19-.Ltmp11, $4  }
0x12b: {  	s11 =	sadd.s32 $0x1830, s10;
	v16 =	vadd.s32 s12, v1;
	v10 =	vld [tilespmem:s0+$0xFFFFFFF0];
	[tilespmem:v19+s21+$0x0] =	vst.idx.msk $0xffff, v13;
	v15 =	vmul.f32 $8.000000000e+00, v20  }
0x12c: {  	s3 =	sadd.s32 $0x100, s3;
	v13 =	vadd.s32 s11, v1;
	s11 =	sadd.s32 $0x1831, s10;
	v21 =	vmul.f32 $8.000000000e+00, v23;
	[tilespmem:v12+s21+$0x0] =	vst.idx.msk $0xffff, v14;
	v12 =	vld [tilespmem:s0+$0x30]  }
0x12d: {  	v14 =	vadd.s32 s11, v1;
	s0 =	sadd.s32 $0x1832, s10;
	v18 =	vld [tilespmem:s3+$0x40];
	v20 =	vmul.f32 $8.000000000e+00, v9;
	[tilespmem:v24+s21+$0x0] =	vst.idx.msk $0xffff, v15  }
0x12e: {  	s2 =	sadd.s32 $0x4, s2;
	s10 =	sadd.s32 $0x3, s5;
	v15 =	vadd.s32 s0, v1;
	s0 =	smov.u32 s8;
	v19 =	vmul.f32 $8.000000000e+00, v25;
	[tilespmem:v26+s21+$0x0] =	vst.idx.msk $0xffff, v21;
	v9 =	vld [tilespmem:s8+$0x60]  }
0x12f: {  	v21 =	vld [tilespmem:s3+$0xFFFFFF80]  }
0x130: {  	v22 =	vld [tilespmem:s3+$0xFFFFFFC0];
	v23 =	vadd.s32 s10, v1  }
0x131: {  	s2 =	sadd.s32 $0x1, s5;
	v24 =	vld [tilespmem:s3+$0x0];
	v25 =	vadd.s32 s5, v1  }
0x132: {  	s24 =	sadd.s32 $0x2, s5;
	v26 =	vadd.s32 s2, v1  }
0x133: {  	v27 =	vadd.s32 s24, v1;
	v18 =	vmul.f32 $8.000000000e+00, v18  }
0x134: {  	[tilespmem:v17+s21+$0x0] =	vst.idx.msk $0xffff, v20;
	v17 =	vmul.f32 $8.000000000e+00, v21  }
0x135: {  	[tilespmem:v23+s21+$0x0] =	vst.idx.msk $0xffff, v18;
	v18 =	vmul.f32 $8.000000000e+00, v22  }
0x136: {  	v20 =	vld [tilespmem:s3+$0x50];
	[tilespmem:v25+s21+$0x0] =	vst.idx.msk $0xffff, v17;
	v17 =	vmul.f32 $8.000000000e+00, v24  }
0x137: {  	s30 =	sadd.s32 $0x813, s5;
	[tilespmem:v26+s21+$0x0] =	vst.idx.msk $0xffff, v18;
	v18 =	vld [tilespmem:s3+$0xFFFFFF90]  }
0x138: {  	v11 =	vmul.f32 $8.000000000e+00, v11;
	s31 =	sadd.s32 $0x810, s5;
	v21 =	vld [tilespmem:s3+$0xFFFFFFD0];
	[tilespmem:v27+s21+$0x0] =	vst.idx.msk $0xffff, v17;
	v17 =	vadd.s32 s30, v1  }
0x139: {  	s8 =	sadd.s32 $0x811, s5;
	[tilespmem:v16+s21+$0x0] =	vst.idx.msk $0xffff, v19;
	v10 =	vmul.f32 $8.000000000e+00, v10;
	v19 =	vadd.s32 s31, v1;
	v16 =	vld [tilespmem:s3+$0x10]  }
0x13a: {  	s10 =	sadd.s32 $0x812, s5;
	[tilespmem:v13+s21+$0x0] =	vst.idx.msk $0xffff, v11;
	v11 =	vmul.f32 $8.000000000e+00, v12;
	v12 =	vadd.s32 s8, v1  }
0x13b: {  	s11 =	sadd.s32 $0x1023, s1;
	v13 =	vld [tilespmem:s0+$0xFFFFFFA0];
	[tilespmem:v14+s21+$0x0] =	vst.idx.msk $0xffff, v10;
	v10 =	vadd.s32 s10, v1;
	v14 =	vmul.f32 $8.000000000e+00, v20  }
0x13c: {  	s12 =	sadd.s32 $0x1020, s1;
	[tilespmem:v15+s21+$0x0] =	vst.idx.msk $0xffff, v11;
	v22 =	vld [tilespmem:s0+$0xFFFFFFE0];
	v20 =	vadd.s32 s11, v1;
	v11 =	vmul.f32 $8.000000000e+00, v18  }
0x13d: {  	s13 =	sadd.s32 $0x1021, s1;
	v15 =	vadd.s32 s12, v1;
	v18 =	vld [tilespmem:s0+$0x20];
	v21 =	vmul.f32 $8.000000000e+00, v21;
	[tilespmem:v17+s21+$0x0] =	vst.idx.msk $0xffff, v14  }
0x13e: {  	s18 =	sadd.s32 $0x1022, s1;
	v14 =	vadd.s32 s13, v1;
	v16 =	vmul.f32 $8.000000000e+00, v16;
	v17 =	vld [tilespmem:s3+$0x60];
	[tilespmem:v19+s21+$0x0] =	vst.idx.msk $0xffff, v11  }
0x13f: {  	s22 =	sadd.s32 $0x1023, s5;
	v9 =	vmul.f32 $8.000000000e+00, v9;
	v11 =	vadd.s32 s18, v1;
	[tilespmem:v12+s21+$0x0] =	vst.idx.msk $0xffff, v21;
	v12 =	vld [tilespmem:s3+$0xFFFFFFA0]  }
0x140: {  	s23 =	sadd.s32 $0x1020, s5;
	v13 =	vmul.f32 $8.000000000e+00, v13;
	[tilespmem:v10+s21+$0x0] =	vst.idx.msk $0xffff, v16;
	v10 =	vadd.s32 s22, v1;
	v16 =	vld [tilespmem:s3+$0xFFFFFFE0]  }
0x141: {  	s24 =	sadd.s32 $0x1021, s5;
	v19 =	vadd.s32 s23, v1;
	[tilespmem:v20+s21+$0x0] =	vst.idx.msk $0xffff, v9;
	v9 =	vmul.f32 $8.000000000e+00, v22;
	v20 =	vld [tilespmem:s3+$0x20]  }
0x142: {  	[tilespmem:v15+s21+$0x0] =	vst.idx.msk $0xffff, v13;
	v15 =	vadd.s32 s24, v1;
	s30 =	sadd.s32 $0x1022, s5;
	v21 =	vld [tilespmem:s0+$0x70];
	v13 =	vmul.f32 $8.000000000e+00, v18  }
0x143: {  	s31 =	sadd.s32 $0x1833, s1;
	v18 =	vld [tilespmem:s0+$0xFFFFFFB0];
	[tilespmem:v14+s21+$0x0] =	vst.idx.msk $0xffff, v9;
	v14 =	vadd.s32 s30, v1;
	v9 =	vmul.f32 $8.000000000e+00, v17  }
0x144: {  	s10 =	sadd.s32 $0x1830, s1;
	v17 =	vadd.s32 s31, v1;
	v22 =	vld [tilespmem:s0+$0xFFFFFFF0];
	[tilespmem:v11+s21+$0x0] =	vst.idx.msk $0xffff, v13;
	v11 =	vmul.f32 $8.000000000e+00, v12  }
0x145: {  	s11 =	sadd.s32 $0x1831, s1;
	v12 =	vadd.s32 s10, v1;
	v13 =	vld [tilespmem:s0+$0x30];
	[tilespmem:v10+s21+$0x0] =	vst.idx.msk $0xffff, v9;
	v9 =	vmul.f32 $8.000000000e+00, v16  }
0x146: {  	s12 =	sadd.s32 $0x1832, s1;
	v10 =	vadd.s32 s11, v1;
	v16 =	vld [tilespmem:s3+$0x70];
	[tilespmem:v19+s21+$0x0] =	vst.idx.msk $0xffff, v11;
	v11 =	vmul.f32 $8.000000000e+00, v20  }
0x147: {  	s13 =	sadd.s32 $0x1833, s5;
	v19 =	vmul.f32 $8.000000000e+00, v21;
	v20 =	vadd.s32 s12, v1;
	v21 =	vld [tilespmem:s3+$0xFFFFFFB0];
	[tilespmem:v15+s21+$0x0] =	vst.idx.msk $0xffff, v9  }
0x148: {  	s18 =	sadd.s32 $0x1830, s5;
	v9 =	vmul.f32 $8.000000000e+00, v18;
	v15 =	vadd.s32 s13, v1;
	v18 =	vld [tilespmem:s3+$0xFFFFFFF0];
	[tilespmem:v14+s21+$0x0] =	vst.idx.msk $0xffff, v11  }
0x149: {  	s22 =	sadd.s32 $0x1831, s5;
	[tilespmem:v17+s21+$0x0] =	vst.idx.msk $0xffff, v19;
	v11 =	vmul.f32 $8.000000000e+00, v22;
	v14 =	vadd.s32 s18, v1;
	v17 =	vld [tilespmem:s3+$0x30]  }
0x14a: {  	s23 =	sadd.s32 $0x1832, s5;
	[tilespmem:v12+s21+$0x0] =	vst.idx.msk $0xffff, v9;
	v9 =	vmul.f32 $8.000000000e+00, v13;
	v12 =	vadd.s32 s22, v1  }
0x14b: {  	s24 =	simm.s32 $0x81;
	[tilespmem:v10+s21+$0x0] =	vst.idx.msk $0xffff, v11;
	v11 =	vadd.s32 s23, v1;
	v10 =	vmul.f32 $8.000000000e+00, v16  }
0x14c: {  	s29 =	simm.s32 $0x0;
	v13 =	vadd.s32 s24, v0;
	[tilespmem:v20+s21+$0x0] =	vst.idx.msk $0xffff, v9;
	v9 =	vmul.f32 $8.000000000e+00, v21  }
0x14d: {  	[tilespmem:v15+s21+$0x0] =	vst.idx.msk $0xffff, v10;
	v10 =	vmul.f32 $8.000000000e+00, v18;
	v15 =	vadd.s32 s29, v0  }
0x14e: {  	[tilespmem:v14+s21+$0x0] =	vst.idx.msk $0xffff, v9;
	v9 =	vmul.f32 $8.000000000e+00, v17  }
0x14f: {  	[tilespmem:v12+s21+$0x0] =	vst.idx.msk $0xffff, v10  }
0x150: {  	[tilespmem:v11+s21+$0x0] =	vst.idx.msk $0xffff, v9  }
0x151: {  	v9 =	vld.idx.msk [tilespmem:v13+s21+$0x0], $0xffff  }
0x152: {  	v10 =	vadd.s32 s24, v2;
	v11 =	vld.idx.msk [tilespmem:v15+s21+$0x0], $0xffff  }
0x153: {  	p3 =	por $0x1, $0x1;
	s30 =	simm.s32 $0x80;
	s31 =	simm.s32 $0x0;
	v12 =	vadd.s32 s29, v2  }
.Ltmp12:
0x154: {  	s1 =	sand.u32 $0x1C00, s31;
	s0 =	sand.u32 $0x380, s30;
	(pc) =	sbr.rel @!p3 .LBB2_21-.Ltmp12, $4  }
0x155: {  	s5 =	sor.u32 s0, s1  }
0x156: {  	s28 =	simm.s32 $0x104E0;
	v31 =	vadd.s32 s24, v5;
	[tilespmem:s5+$0x104A0] =	vst v9  }
0x157: {  	p0 =	por $0x0, $0x0;
	v29 =	vadd.s32 s24, v6;
	v23 =	vadd.s32 s24, v7;
	v22 =	vadd.s32 s29, v3;
	[tilespmem:s28+$0xFFFFFFC0] =	vst v11;
	v16 =	vld.idx.msk [tilespmem:v10+s21+$0x0], $0xffff  }
0x158: {  	p1 =	por $0x0, $0x0;
	p2 =	por $0x0, $0x0;
	s1 =	simm.s32 $0x183;
	v14 =	vadd.s32 s24, v3;
	v13 =	vadd.s32 s24, v4;
	v9 =	vadd.s32 s24, v8;
	v18 =	vld.idx.msk [tilespmem:v12+s21+$0x0], $0xffff  }
0x159: {  	_ = 	snop  }
0x15a: {  	s23 =	simm.s32 $0x102;
	v10 =	vadd.s32 s1, v0  }
0x15b: {  	s11 =	sadd.s32 $0x104A0, s5;
	v11 =	vadd.s32 s23, v0  }
0x15c: {  	[tilespmem:s11+$0x10] =	vst v16  }
0x15d: {  	[tilespmem:s28+$0xFFFFFFD0] =	vst v18;
	v12 =	vld.idx.msk [tilespmem:v14+s21+$0x0], $0xffff  }
0x15e: {  	v14 =	vld.idx.msk [tilespmem:v22+s21+$0x0], $0xffff  }
0x15f: {  	v15 =	vadd.s32 s29, v4;
	v10 =	vld.idx.msk [tilespmem:v10+s21+$0x0], $0xffff  }
0x160: {  	v16 =	vadd.s32 s1, v2;
	v11 =	vld.idx.msk [tilespmem:v11+s21+$0x0], $0xffff  }
0x161: {  	s0 =	simm.s32 $0x180;
	s2 =	simm.s32 $0x100;
	p3 =	por $0x1, $0x1;
	v18 =	vadd.s32 s23, v2  }
.Ltmp13:
0x162: {  	s2 =	sand.u32 $0x1C00, s2;
	s0 =	sand.u32 $0x380, s0;
	[tilespmem:s11+$0x20] =	vst v12;
	(pc) =	sbr.rel @!p3 .LBB2_23-.Ltmp13, $4  }
0x163: {  	s5 =	sor.u32 s0, s2;
	[tilespmem:s28+$0xFFFFFFE0] =	vst v14;
	v17 =	vld.idx.msk [tilespmem:v13+s21+$0x0], $0xffff  }
0x164: {  	v30 =	vadd.s32 s1, v5;
	v28 =	vadd.s32 s1, v6;
	v20 =	vadd.s32 s1, v7;
	s0 =	simm.s32 $0x105E0;
	[tilespmem:s5+$0x104A0] =	vst v10;
	v15 =	vld.idx.msk [tilespmem:v15+s21+$0x0], $0xffff  }
0x165: {  	v25 =	vadd.s32 s29, v5;
	v22 =	vadd.s32 s23, v3;
	[tilespmem:s0+$0xFFFFFFC0] =	vst v11;
	v16 =	vld.idx.msk [tilespmem:v16+s21+$0x0], $0xffff  }
0x166: {  	p0 =	por $0x1, $0x1;
	s2 =	simm.s32 $0x285;
	v14 =	vadd.s32 s1, v3;
	v13 =	vadd.s32 s1, v4;
	v10 =	vadd.s32 s1, v8;
	v18 =	vld.idx.msk [tilespmem:v18+s21+$0x0], $0xffff  }
0x167: {  	_ =	sdelay $0x2  }
0x168: {  	s10 =	simm.s32 $0x204;
	v11 =	vadd.s32 s2, v0;
	[tilespmem:s11+$0x30] =	vst v17  }
0x169: {  	s1 =	sadd.s32 $0x104A0, s5;
	v12 =	vadd.s32 s10, v0;
	[tilespmem:s28+$0xFFFFFFF0] =	vst v15;
	v15 =	vld.idx.msk [tilespmem:v31+s21+$0x0], $0xffff  }
0x16a: {  	[tilespmem:s1+$0x10] =	vst v16;
	v16 =	vld.idx.msk [tilespmem:v25+s21+$0x0], $0xffff  }
0x16b: {  	v17 =	vadd.s32 s29, v6;
	[tilespmem:s0+$0xFFFFFFD0] =	vst v18;
	v14 =	vld.idx.msk [tilespmem:v14+s21+$0x0], $0xffff  }
0x16c: {  	v18 =	vld.idx.msk [tilespmem:v22+s21+$0x0], $0xffff  }
0x16d: {  	v19 =	vadd.s32 s23, v4;
	v11 =	vld.idx.msk [tilespmem:v11+s21+$0x0], $0xffff  }
0x16e: {  	v21 =	vadd.s32 s2, v2;
	v12 =	vld.idx.msk [tilespmem:v12+s21+$0x0], $0xffff;
	[tilespmem:s11+$0x40] =	vst v15  }
0x16f: {  	s3 =	simm.s32 $0x280;
	s31 =	simm.s32 $0x200;
	v22 =	vadd.s32 s10, v2;
	[tilespmem:s28+$0x0] =	vst v16;
	v25 =	vld.idx.msk [tilespmem:v29+s21+$0x0], $0xffff  }
0x170: {  	p3 =	por $0x1, $0x1;
	s5 =	sand.u32 $0x1C00, s31;
	s3 =	sand.u32 $0x380, s3;
	[tilespmem:s1+$0x20] =	vst v14;
	v26 =	vld.idx.msk [tilespmem:v17+s21+$0x0], $0xffff  }
.Ltmp14:
0x171: {  	s5 =	sor.u32 s3, s5;
	[tilespmem:s0+$0xFFFFFFE0] =	vst v18;
	v17 =	vld.idx.msk [tilespmem:v13+s21+$0x0], $0xffff;
	(pc) =	sbr.rel @!p3 .LBB2_25-.Ltmp14, $4  }
0x172: {  	s12 =	simm.s32 $0x106E0;
	v27 =	vadd.s32 s2, v5;
	[tilespmem:s5+$0x104A0] =	vst v11;
	v15 =	vld.idx.msk [tilespmem:v19+s21+$0x0], $0xffff  }
0x173: {  	v24 =	vadd.s32 s2, v6;
	v14 =	vadd.s32 s2, v3;
	v13 =	vadd.s32 s2, v4;
	[tilespmem:s12+$0xFFFFFFC0] =	vst v12;
	v16 =	vld.idx.msk [tilespmem:v21+s21+$0x0], $0xffff  }
0x174: {  	v19 =	vadd.s32 s2, v7;
	v21 =	vadd.s32 s2, v8;
	v12 =	vadd.s32 s29, v7;
	v18 =	vld.idx.msk [tilespmem:v22+s21+$0x0], $0xffff;
	[tilespmem:s11+$0x50] =	vst v25  }
0x175: {  	p1 =	por $0x1, $0x1;
	s3 =	simm.s32 $0x387;
	v22 =	vadd.s32 s10, v3;
	v25 =	vadd.s32 s23, v5;
	[tilespmem:s28+$0x10] =	vst v26;
	v11 =	vld.idx.msk [tilespmem:v23+s21+$0x0], $0xffff  }
0x176: {  	_ =	sdelay $0x3  }
0x177: {  	s30 =	simm.s32 $0x306;
	v23 =	vadd.s32 s3, v0;
	[tilespmem:s1+$0x30] =	vst v17;
	v17 =	vld.idx.msk [tilespmem:v12+s21+$0x0], $0xffff  }
0x178: {  	s31 =	sadd.s32 $0x104A0, s5;
	v26 =	vadd.s32 s30, v0;
	[tilespmem:s0+$0xFFFFFFF0] =	vst v15;
	v15 =	vld.idx.msk [tilespmem:v30+s21+$0x0], $0xffff  }
0x179: {  	[tilespmem:s31+$0x10] =	vst v16;
	v16 =	vld.idx.msk [tilespmem:v25+s21+$0x0], $0xffff;
	v25 =	vadd.s32 s29, v8  }
0x17a: {  	[tilespmem:s12+$0xFFFFFFD0] =	vst v18;
	v14 =	vld.idx.msk [tilespmem:v14+s21+$0x0], $0xffff  }
0x17b: {  	v18 =	vld.idx.msk [tilespmem:v22+s21+$0x0], $0xffff;
	v22 =	vadd.s32 s23, v6  }
0x17c: {  	[tilespmem:s11+$0x60] =	vst v11;
	v23 =	vld.idx.msk [tilespmem:v23+s21+$0x0], $0xffff  }
0x17d: {  	v29 =	vadd.s32 s10, v4;
	[tilespmem:s28+$0x20] =	vst v17;
	v26 =	vld.idx.msk [tilespmem:v26+s21+$0x0], $0xffff  }
0x17e: {  	v30 =	vadd.s32 s3, v2;
	[tilespmem:s1+$0x40] =	vst v15;
	v25 =	vld.idx.msk [tilespmem:v25+s21+$0x0], $0xffff  }
0x17f: {  	s24 =	simm.s32 $0x380;
	s2 =	simm.s32 $0x300;
	[tilespmem:s0+$0x0] =	vst v16;
	v33 =	vld.idx.msk [tilespmem:v28+s21+$0x0], $0xffff  }
0x180: {  	v31 =	vadd.s32 s30, v2;
	s2 =	sand.u32 $0x1C00, s2;
	s22 =	sand.u32 $0x380, s24;
	[tilespmem:s31+$0x20] =	vst v14;
	v35 =	vld.idx.msk [tilespmem:v22+s21+$0x0], $0xffff  }
0x181: {  	p3 =	por $0x1, $0x1;
	s5 =	sor.u32 s22, s2;
	[tilespmem:s12+$0xFFFFFFE0] =	vst v18;
	v17 =	vld.idx.msk [tilespmem:v13+s21+$0x0], $0xffff  }
.Ltmp15:
0x182: {  	s8 =	simm.s32 $0x107E0;
	v32 =	vadd.s32 s23, v7;
	[tilespmem:s5+$0x104A0] =	vst v23;
	v15 =	vld.idx.msk [tilespmem:v29+s21+$0x0], $0xffff;
	(pc) =	sbr.rel @!p3 .LBB2_27-.Ltmp15, $4  }
0x183: {  	[tilespmem:s8+$0xFFFFFFC0] =	vst v26;
	v16 =	vld.idx.msk [tilespmem:v30+s21+$0x0], $0xffff  }
0x184: {  	v34 =	vadd.s32 s3, v7;
	v26 =	vld.idx.msk [tilespmem:v9+s21+$0x0], $0xffff;
	[tilespmem:s28+$0x30] =	vst v25;
	v25 =	vadd.s32 s10, v5  }
0x185: {  	s13 =	simm.s32 $0x489;
	p2 =	por $0x1, $0x1;
	v28 =	vadd.s32 s3, v6;
	v14 =	vadd.s32 s3, v3;
	v13 =	vadd.s32 s3, v4;
	v18 =	vld.idx.msk [tilespmem:v31+s21+$0x0], $0xffff;
	[tilespmem:s1+$0x50] =	vst v33  }
0x186: {  	s18 =	simm.s32 $0x107E0;
	s2 =	simm.s32 $0x6;
	v22 =	vadd.s32 s30, v3;
	v23 =	vadd.s32 s3, v8;
	v30 =	vadd.s32 s3, v5;
	s3 =	smov.u32 s11;
	v33 =	vld.idx.msk [tilespmem:v20+s21+$0x0], $0xffff;
	[tilespmem:s0+$0x10] =	vst v35  }
.LBB2_28:
0x187: {  	s22 =	sadd.s32 $0xFFFFFF7F, s13;
	v20 =	vadd.s32 s13, v0;
	v29 =	vadd.s32 s13, v2;
	v31 =	vadd.s32 s13, v3;
	s2 =	sadd.s32 $0x2, s2;
	[tilespmem:s31+$0x30] =	vst v17;
	v17 =	vld.idx.msk [tilespmem:v32+s21+$0x0], $0xffff  }
0x188: {  	v35 =	vadd.s32 s13, v4;
	s5 =	sadd.s32 $0x104A0, s5;
	v32 =	vadd.s32 s22, v0;
	p3 =	slt.u32 s2, $0x3E;
	[tilespmem:s12+$0xFFFFFFF0] =	vst v15;
	v15 =	vld.idx.msk [tilespmem:v27+s21+$0x0], $0xffff;
	v27 =	vmovc v30;
	v30 =	vadd.s32 s13, v5  }
0x189: {  	v36 =	vadd.s32 s13, v6;
	v37 =	vadd.s32 s13, v7;
	[tilespmem:s5+$0x10] =	vst v16;
	v16 =	vld.idx.msk [tilespmem:v25+s21+$0x0], $0xffff;
	v25 =	vadd.s32 s23, v8;
	s23 =	smov.u32 s10;
	s10 =	smov.u32 s30;
	s30 =	smov.u32 s22  }
0x18a: {  	v38 =	vadd.s32 s13, v8;
	[tilespmem:s8+$0xFFFFFFD0] =	vst v18;
	v18 =	vld.idx.msk [tilespmem:v14+s21+$0x0], $0xffff;
	v14 =	vmov v31  }
0x18b: {  	v31 =	vadd.s32 s23, v6;
	v22 =	vld.idx.msk [tilespmem:v22+s21+$0x0], $0xffff;
	[tilespmem:s3+$0x70] =	vst v26;
	s3 =	smov.u32 s1;
	s1 =	smov.u32 s31;
	s31 =	smov.u32 s5  }
0x18c: {  	v20 =	vld.idx.msk [tilespmem:v20+s21+$0x0], $0xffff;
	[tilespmem:s3+$0x60] =	vst v33  }
0x18d: {  	v26 =	vld.idx.msk [tilespmem:v32+s21+$0x0], $0xffff;
	v32 =	vadd.s32 s10, v4;
	[tilespmem:s0+$0x20] =	vst v17  }
0x18e: {  	s24 =	sadd.s32 $0x100, s24;
	[tilespmem:s1+$0x40] =	vst v15;
	v33 =	vld.idx.msk [tilespmem:v25+s21+$0x0], $0xffff  }
0x18f: {  	s5 =	sadd.s32 $0xFFFFFF80, s24;
	v25 =	vadd.s32 s30, v2;
	[tilespmem:s12+$0x0] =	vst v16;
	v39 =	vld.idx.msk [tilespmem:v24+s21+$0x0], $0xffff;
	v24 =	vmov v28;
	v28 =	vmov v36  }
0x190: {  	s22 =	sand.u32 $0x380, s24;
	s5 =	sand.u32 $0x1C00, s5;
	[tilespmem:s31+$0x20] =	vst v18;
	v31 =	vld.idx.msk [tilespmem:v31+s21+$0x0], $0xffff  }
0x191: {  	s5 =	sor.u32 s22, s5;
	[tilespmem:s8+$0xFFFFFFE0] =	vst v22;
	v17 =	vld.idx.msk [tilespmem:v13+s21+$0x0], $0xffff;
	v13 =	vmov v35  }
.Ltmp16:
0x192: {  	s8 =	sadd.s32 $0x100, s8;
	[tilespmem:s5+$0x104A0] =	vst v20;
	v15 =	vld.idx.msk [tilespmem:v32+s21+$0x0], $0xffff;
	v32 =	vadd.s32 s23, v7;
	(pc) =	sbr.rel @p3 .LBB2_28-.Ltmp16, $4  }
0x193: {  	[tilespmem:s8+$0xFFFFFFC0] =	vst v26;
	v16 =	vld.idx.msk [tilespmem:v29+s21+$0x0], $0xffff  }
0x194: {  	v18 =	vld.idx.msk [tilespmem:v25+s21+$0x0], $0xffff;
	v25 =	vadd.s32 s10, v5;
	[tilespmem:s0+$0x30] =	vst v33;
	s0 =	smov.u32 s12;
	s12 =	smov.u32 s18;
	s18 =	smov.u32 s8  }
0x195: {  	[tilespmem:s1+$0x50] =	vst v39;
	v26 =	vld.idx.msk [tilespmem:v10+s21+$0x0], $0xffff;
	v10 =	vmov v21;
	v21 =	vmov v23;
	v23 =	vmov v38  }
0x196: {  	s13 =	sadd.s32 $0x102, s13;
	v22 =	vadd.s32 s30, v3;
	[tilespmem:s0+$0x10] =	vst v31;
	v33 =	vld.idx.msk [tilespmem:v19+s21+$0x0], $0xffff;
	v19 =	vmov v34;
	v34 =	vmov v37  }
0x197: {  	s24 =	smov.u32 s12;
	s2 =	smov.u32 s23;
	s13 =	smov.u32 s0;
	v35 =	vmov v10;
	v31 =	vmov v27  }
0x198: {  	s23 =	smov.u32 s30;
	s12 =	smov.u32 s8;
	v29 =	vmovc v24;
	s0 =	smov.u32 s18;
	v36 =	vmovc v21;
	v10 =	vmov v23;
	v23 =	vmov v19;
	v20 =	vmov v34  }
.LBB2_30:
0x199: {  	_ =	sdelay $0x2  }
0x19a: {  	s5 =	sadd.s32 $0x104A0, s5;
	[tilespmem:s12+$0xFFFFFFD0] =	vst v18  }
0x19b: {  	[tilespmem:s5+$0x10] =	vst v16;
	v52 =	vld.idx.msk [tilespmem:v22+s21+$0x0], $0xffff  }
0x19c: {  	v53 =	vadd.s32 s23, v4;
	v14 =	vld.idx.msk [tilespmem:v14+s21+$0x0], $0xffff  }
0x19d: {  	[tilespmem:s31+$0x30] =	vst @p0 v17  }
0x19e: {  	[tilespmem:s24+$0xFFFFFFF0] =	vst @p0 v15;
	v15 =	vld.idx.msk @p0 [tilespmem:v31+s21+$0x0], $0xffff  }
0x19f: {  	s8 =	smov.u32 @p0 s10;
	v17 =	vld.idx.msk @p0 [tilespmem:v25+s21+$0x0], $0xffff  }
0x1a0: {  	v18 =	vadd.s32 @p0 s8, v6;
	[tilespmem:s12+$0xFFFFFFE0] =	vst v52  }
0x1a1: {  	[tilespmem:s5+$0x20] =	vst v14;
	v54 =	vld.idx.msk [tilespmem:v53+s21+$0x0], $0xffff  }
0x1a2: {  	v55 =	vadd.s32 s23, v5;
	s10 =	smov.u32 @p0 s31;
	v13 =	vld.idx.msk [tilespmem:v13+s21+$0x0], $0xffff  }
0x1a3: {  	[tilespmem:s10+$0x40] =	vst @p0 v15  }
0x1a4: {  	[tilespmem:s24+$0x0] =	vst @p0 v17;
	v16 =	vld.idx.msk @p0 [tilespmem:v29+s21+$0x0], $0xffff  }
0x1a5: {  	v17 =	vld.idx.msk @p0 [tilespmem:v18+s21+$0x0], $0xffff;
	v18 =	vadd.s32 @p0 s8, v7  }
0x1a6: {  	v12 =	vpsel p0, v18, v12;
	[tilespmem:s0+$0xFFFFFFF0] =	vst v54  }
0x1a7: {  	[tilespmem:s5+$0x30] =	vst v13;
	v56 =	vld.idx.msk [tilespmem:v55+s21+$0x0], $0xffff  }
0x1a8: {  	v58 =	vadd.s32 s23, v6;
	v57 =	vld.idx.msk [tilespmem:v30+s21+$0x0], $0xffff  }
0x1a9: {  	v18 =	vld.idx.msk @p1 [tilespmem:v32+s21+$0x0], $0xffff;
	[tilespmem:s10+$0x50] =	vst @p0 v16;
	v13 =	vadd.s32 @p1 s2, v8;
	s2 =	smov.u32 @p0 s24  }
0x1aa: {  	[tilespmem:s2+$0x10] =	vst @p0 v17;
	v17 =	vld.idx.msk @p0 [tilespmem:v23+s21+$0x0], $0xffff  }
0x1ab: {  	v12 =	vld.idx.msk @p0 [tilespmem:v12+s21+$0x0], $0xffff  }
0x1ac: {  	s29 =	smov.u32 @p0 s8;
	[tilespmem:s0+$0x0] =	vst v56  }
0x1ad: {  	v19 =	vadd.s32 @p0 s29, v8;
	[tilespmem:s5+$0x40] =	vst v57;
	v59 =	vld.idx.msk [tilespmem:v58+s21+$0x0], $0xffff  }
0x1ae: {  	v61 =	vadd.s32 s23, v7;
	[tilespmem:s1+$0x60] =	vst @p1 v33;
	v60 =	vld.idx.msk [tilespmem:v28+s21+$0x0], $0xffff  }
0x1af: {  	s11 =	smov.u32 @p0 s10;
	[tilespmem:s13+$0x20] =	vst @p1 v18;
	v18 =	vmov @p0 v36;
	s28 =	smov.u32 @p0 s2  }
0x1b0: {  	v9 =	vpsel p0, v18, v9;
	v18 =	vld.idx.msk @p1 [tilespmem:v35+s21+$0x0], $0xffff;
	s2 =	smov.u32 @p0 s11;
	v11 =	vpsel p0, v17, v11;
	[tilespmem:s28+$0x20] =	vst @p0 v12  }
0x1b1: {  	v13 =	vld.idx.msk @p1 [tilespmem:v13+s21+$0x0], $0xffff;
	[tilespmem:s2+$0x60] =	vst @p0 v11  }
0x1b2: {  	v11 =	vld.idx.msk @p0 [tilespmem:v19+s21+$0x0], $0xffff;
	[tilespmem:s0+$0x10] =	vst v59  }
0x1b3: {  	[tilespmem:s5+$0x50] =	vst v60;
	v14 =	vld.idx.msk [tilespmem:v61+s21+$0x0], $0xffff  }
0x1b4: {  	v62 =	vadd.s32 s23, v8;
	v15 =	vld.idx.msk [tilespmem:v20+s21+$0x0], $0xffff  }
0x1b5: {  	v9 =	vld.idx.msk @p0 [tilespmem:v9+s21+$0x0], $0xffff  }
0x1b6: {  	s1 =	smov.u32 @p1 s1;
	[tilespmem:s13+$0x30] =	vst @p1 v13;
	v13 =	vpsel p1, v18, v0  }
0x1b7: {  	[tilespmem:s1+$0x70] =	vst @p1 v13  }
0x1b8: {  	[tilespmem:s0+$0x20] =	vst v14  }
0x1b9: {  	[tilespmem:s5+$0x60] =	vst v15;
	v63 =	vld.idx.msk [tilespmem:v62+s21+$0x0], $0xffff  }
0x1ba: {  	s1 =	smov.u32 @p0 s2;
	[tilespmem:s28+$0x30] =	vst @p0 v11;
	v9 =	vpsel p0, v9, v0;
	v10 =	vld.idx.msk [tilespmem:v10+s21+$0x0], $0xffff  }
0x1bb: {  	[tilespmem:s1+$0x70] =	vst @p0 v9;
	p0 =	seq.s32 s25, $0x63  }
.Ltmp17:
0x1bc: {  	_ = 	snop;
	(pc) =	sbr.rel @p0 .LBB2_32-.Ltmp17, $4  }
0x1bd: {  	[tilespmem:s3+$0x70] =	vst @p2 v26  }
0x1be: {  	[tilespmem:s0+$0x30] =	vst v63  }
0x1bf: {  	s30 =	sadd.s32 s26, s7;
	s31 =	simm.s32 $0x104A0;
	[tilespmem:s5+$0x70] =	vst v10  }
0x1c0: {  	[hbm4b:s30+s16] =	stream.strided.scatter [tilespmem:s31], [sflag:$0x4], $0x2000, s17, s16, $0x38;
	[tilespmem:$0x124A0] =	vst v63  }
.Ltmp18:
0x1c1: {  	(pc) =	sbr.rel .LBB2_2-.Ltmp18, $4  }
0x1c2: {  	s0 =	sshll.u32 s25, $0x8  }
0x1c3: {  	s0 =	sand.u32 $0x3FFFFF00, s0  }
0x1c4: {  	s1 =	simm.s32 $0x8400;
	s25 =	sadd.s32 $0x1, s25;
	s0 =	sadd.s32 $0x180, s0  }
0x1c5: {  	[tilespmem:s1], [sflag:$0x2] =	stream.indirect.gather [hbm4b:s4+s9], $0x40, s0, s9, $0xb8;
	[tilespmem:$0x124A0] =	vst v63  }
.LBB2_5:
.Ltmp19:
0x1c6: {  	(pc) =	sbr.rel .LBB2_14-.Ltmp19, $3  }
0x1c7: {  	_ =	sdelay $0x1  }
0x1c8: {  	s29 =	smov.u32 s0  }
0x1c9: {  	v10 =	vmovc v9;
	v30 =	vmov v31;
	s30 =	simm.s32 $0x0;
	s3 =	simm.s32 $0xE4E0;
	v29 =	vmov v28;
	s18 =	simm.s32 $0xE4E0;
	v21 =	vmov v24  }
.LBB2_21:
.Ltmp20:
0x1ca: {  	(pc) =	sbr.rel .LBB2_30-.Ltmp20, $2  }
0x1cb: {  	_ =	sdelay $0x2  }
0x1cc: {  	v10 =	vmovc v9;
	v30 =	vmov v31;
	s23 =	simm.s32 $0x0;
	s12 =	simm.s32 $0x104E0;
	v28 =	vmov v29;
	s0 =	simm.s32 $0x104E0;
	v20 =	vmov v23  }
.LBB2_7:
.Ltmp21:
0x1cd: {  	(pc) =	sbr.rel .LBB2_14-.Ltmp21, $3  }
0x1ce: {  	_ =	sdelay $0x1  }
0x1cf: {  	s12 =	smov.u32 s0;
	s29 =	smov.u32 s31  }
0x1d0: {  	v36 =	vmov v9;
	s11 =	simm.s32 $0xE4E0;
	s10 =	simm.s32 $0x0;
	s3 =	simm.s32 $0xE5E0  }
.LBB2_23:
.Ltmp22:
0x1d1: {  	(pc) =	sbr.rel .LBB2_30-.Ltmp22, $3  }
0x1d2: {  	_ =	sdelay $0x1  }
0x1d3: {  	s31 =	smov.u32 s11  }
0x1d4: {  	v36 =	vmov v9;
	s24 =	simm.s32 $0x104E0;
	s10 =	simm.s32 $0x0;
	s12 =	simm.s32 $0x105E0  }
.LBB2_9:
.Ltmp23:
0x1d5: {  	_ = 	snop;
	(pc) =	sbr.rel .LBB2_14-.Ltmp23, $4  }
0x1d6: {  	_ = 	snop  }
0x1d7: {  	s12 =	smov.u32 s31;
	s11 =	simm.s32 $0xE5E0;
	v31 =	vmov v30  }
0x1d8: {  	s24 =	simm.s32 $0x0;
	s10 =	simm.s32 $0x102;
	v28 =	vmovc v29;
	v36 =	vmovc v10;
	v24 =	vmov v21;
	v32 =	vmov v12;
	v30 =	vmov v27;
	s30 =	simm.s32 $0x204  }
0x1d9: {  	s31 =	smov.u32 s0;
	s2 =	simm.s32 $0xE4E0;
	v29 =	vmovc v23;
	s18 =	simm.s32 $0xE6E0;
	v35 =	vmovc v9;
	v10 =	vmov v20;
	v21 =	vmov v19;
	v33 =	vmov v11  }
.LBB2_25:
.Ltmp24:
0x1da: {  	_ = 	snop;
	(pc) =	sbr.rel .LBB2_30-.Ltmp24, $4  }
0x1db: {  	_ = 	snop  }
0x1dc: {  	s31 =	smov.u32 s1;
	s24 =	simm.s32 $0x105E0;
	v31 =	vmov v30  }
0x1dd: {  	s2 =	simm.s32 $0x0;
	s10 =	simm.s32 $0x102;
	v29 =	vmovc v28;
	v36 =	vmovc v10;
	v23 =	vmov v20;
	v32 =	vmov v12;
	v30 =	vmov v27;
	s23 =	simm.s32 $0x204  }
0x1de: {  	s1 =	smov.u32 s11;
	s13 =	simm.s32 $0x104E0;
	v28 =	vmovc v24;
	s0 =	simm.s32 $0x106E0;
	v35 =	vmovc v9;
	v10 =	vmov v21;
	v20 =	vmov v19;
	v33 =	vmov v11  }
.LBB2_11:
.Ltmp25:
0x1df: {  	(pc) =	sbr.rel .LBB2_14-.Ltmp25, $4  }
0x1e0: {  	_ = 	snop  }
0x1e1: {  	s12 =	smov.u32 s29;
	s11 =	simm.s32 $0xE6E0;
	s24 =	simm.s32 $0x102  }
0x1e2: {  	s30 =	simm.s32 $0x306;
	v35 =	vmov v10;
	v31 =	vmov v27;
	s29 =	smov.u32 s13;
	s3 =	simm.s32 $0xE7E0  }
0x1e3: {  	s5 =	smov.u32 s0;
	s2 =	simm.s32 $0xE5E0;
	v28 =	vmovc v23;
	s18 =	simm.s32 $0xE7E0;
	v36 =	vmovc v20;
	v10 =	vmov v24;
	v24 =	vmov v19;
	v21 =	vmov v34  }
.LBB2_27:
.Ltmp26:
0x1e4: {  	(pc) =	sbr.rel .LBB2_30-.Ltmp26, $4  }
0x1e5: {  	_ = 	snop  }
0x1e6: {  	s24 =	simm.s32 $0x106E0  }
0x1e7: {  	s2 =	simm.s32 $0x102;
	s23 =	simm.s32 $0x306;
	v35 =	vmov v10;
	v31 =	vmov v27;
	s12 =	simm.s32 $0x107E0  }
0x1e8: {  	s3 =	smov.u32 s11;
	s13 =	simm.s32 $0x105E0;
	v29 =	vmovc v24;
	s0 =	simm.s32 $0x107E0;
	v36 =	vmovc v21;
	v10 =	vmov v23;
	v23 =	vmov v19;
	v20 =	vmov v34  }
.LBB2_33:
0x1e9: {  	_ =	sfence.sel $0x180000  }
0x1ea: {  	[bflag:$0x0] =	sbarrier.arrive $0xFFFF  }
0x1eb: {  	_ =	strace $0x9000004A  }
0x1ec: {  	s0 =	stileid.u32;
	[bflag:$0x2] =	sbarrier.arrive $0xFFFF  }
0x1ed: {  	p0 =	sne.s32 s0, $0x0;
	s0 =	rddreg [dreg:$0x2]  }
0x1ee: {  	s0 =	sadd.s32 @!p0 $0x100000, s0  }
0x1ef: {  	[sflag:s0] =	ssyncadd.tile.s32 @!p0 $0x1;
	_ =	shalt  }
.Lfunc_end2:
_tile_overlayer_lowered:
.L_overlay_start_2:
0x1f0: {  	(tag) =	ssettag $0x2  }
0x1f1: {  	s0 =	rddreg [dreg:$0x0];
	s2 =	stileid.u32  }
0x1f2: {  	s1 =	rddreg [dreg:$0x1];
	p0 =	sne.s32 s2, $0x0  }
0x1f3: {  	s3 =	rddreg [dreg:$0x2];
	[bflag:$0x3] =	sbarrier.arrive $0xFFFF;
	s2 =	simm.s32 @!p0 $0x1C05  }
0x1f4: {  	[timem:s3], [sflag:s2] =	dma.local @!p0 [hbm:s0], s1  }
0x1f5: {  	s0 =	simm.s32 @!p0 $0x5  }
0x1f6: {  	_ =	swait.ge @!p0 [sflag:s0], s1  }
0x1f7: {  	s1 =	ssub.s32 @!p0 $0x0, s1;
	[sflag:s0] =	ssyncset.done @!p0 $0x0  }
0x1f8: {  	[sflag:s0] =	ssyncadd.s32 @!p0 s1  }
0x1f9: {  	[bflag:$0x3] =	sbarrier.arrive $0xFFFF  }
0x1fa: {  	_ =	shalt  }

</sc_bundles>
